<compile_context>
chip_gen: v7x
topology: tpu7x:2x2x1
jax: 0.10.2.dev20260603
libtpu: 0.0.44.dev20260713+nightly
codegen_flags: <defaults>
</compile_context>

<pallas_src>
import functools

import jax
import jax.numpy as jnp
from jax import lax
from jax.experimental import pallas as pl
from jax.experimental.pallas import tpu as pltpu
from jax.experimental.pallas import tpu_sc as plsc

L = 16
NBITS = 8
NBUCK = 1 << NBITS
DMASK = NBUCK - 1
NPASS = 4
TOPBIT = -2147483648


def _wid():
    return lax.axis_index("s") * 2 + lax.axis_index("c")


def _sort_rows_body(n, rpw, x_hbm, vals_hbm, idx_hbm,
                    xb0, xb1, xb2, ka0, pa0, ka1, pa1,
                    kb0, pb0, kb1, pb1, pout, hist,
                    sem_in, sem_v, sem_i):
    nv = n // L
    n2 = 2 * n
    hoff = NPASS * NBUCK
    w = _wid()
    iota = lax.iota(jnp.int32, L)
    xbufs = (xb0, xb1, xb2)
    npair = rpw // 2
    base0 = w * rpw * n

    pltpu.async_copy(x_hbm.at[pl.ds(base0, n2)], xb0, sem_in)

    def do_pair(q, xbuf, nxt):
        off = base0 + q * n2
        pltpu.make_async_copy(x_hbm.at[pl.ds(off, n2)], xbuf, sem_in).wait()

        @pl.when(q >= 2)
        def _():
            pltpu.make_async_copy(
                nxt, vals_hbm.at[pl.ds(off - 2 * n2, n2)], sem_v).wait()

        @pl.when(q + 1 < npair)
        def _():
            pltpu.async_copy(x_hbm.at[pl.ds(off + n2, n2)], nxt, sem_in)

        def zero_body(i, _):
            hist[pl.ds(i * L, L)] = jnp.zeros((L,), jnp.int32)
            return 0

        lax.fori_loop(0, 2 * NPASS * NBUCK // L, zero_body, 0)

        def pfetch(i, roff):
            bits = lax.bitcast_convert_type(xbuf[pl.ds(roff + i * L, L)], jnp.int32)
            xm = lax.shift_right_arithmetic(bits, 31) | TOPBIT
            return bits ^ xm

        def pcommit(i, k, kref, pref, ho):
            s = pl.ds(i * L, L)
            kref[s] = k
            pref[s] = iota + i * L
            for pss in range(NPASS):
                d = (lax.shift_right_logical(k, pss * NBITS) & DMASK) + (pss * NBUCK + ho)
                occ, last = plsc.scan_count(d)
                plsc.addupdate_scatter(hist, [d], occ, mask=last)

        def prep_body(i, st):
            ka, kb = st
            kan = pfetch(i + 1, 0)
            kbn = pfetch(i + 1, n)
            pcommit(i, ka, ka0, pa0, 0)
            pcommit(i, kb, kb0, pb0, hoff)
            return (kan, kbn)

        ka, kb = lax.fori_loop(0, nv - 1, prep_body, (pfetch(0, 0), pfetch(0, n)))
        pcommit(nv - 1, ka, ka0, pa0, 0)
        pcommit(nv - 1, kb, kb0, pb0, hoff)

        def scan_body(i, carry):
            s = pl.ds(i * L, L)
            v = hist[s]
            cs = plsc.cumsum(v)
            hist[s] = cs - v + carry
            new = carry + jnp.sum(v)
            return jnp.where((i + 1) % (NBUCK // L) == 0, 0, new)

        lax.fori_loop(0, 2 * NPASS * NBUCK // L, scan_body, jnp.int32(0))

        abufs = [(ka0, pa0, ka1, pa1), (ka1, pa1, ka0, pa0),
                 (ka0, pa0, ka1, pa1), (ka1, pa1, ka0, pa0)]
        bbufs = [(kb0, pb0, kb1, pb1), (kb1, pb1, kb0, pb0),
                 (kb0, pb0, kb1, pb1), (kb1, pb1, kb0, pb0)]
        for pss in range(NPASS):
            last_pass = pss == NPASS - 1
            if last_pass:
                @pl.when(q >= 1)
                def _():
                    pltpu.make_async_copy(
                        pout, idx_hbm.at[pl.ds(off - n2, n2)], sem_i).wait()

            def make_pipe(bufs, ho, roff):
                ksrc, psrc, kdst, pdst = bufs[pss]

                def fetch(i):
                    s = pl.ds(i * L, L)
                    k = ksrc[s]
                    p = psrc[s]
                    d = (lax.shift_right_logical(k, pss * NBITS) & DMASK) + (pss * NBUCK + ho)
                    occ, last = plsc.scan_count(d)
                    return k, p, d, occ, last

                def commit(st):
                    k, p, d, occ, last = st
                    base = plsc.load_gather(hist, [d])
                    o = base + occ - 1
                    if last_pass:
                        xm = ~lax.shift_right_arithmetic(k, 31) | TOPBIT
                        f = lax.bitcast_convert_type(k ^ xm, jnp.float32)
                        plsc.store_scatter(xbuf, [o + roff], f)
                        plsc.store_scatter(pout, [o + roff], p)
                    else:
                        plsc.store_scatter(kdst, [o], k)
                        plsc.store_scatter(pdst, [o], p)
                    plsc.addupdate_scatter(hist, [d], occ, mask=last)

                return fetch, commit

            fa, ca = make_pipe(abufs, 0, 0)
            fb, cb = make_pipe(bbufs, hoff, n)

            def scat_body(i, st):
                sta, stb = st
                na = fa(i + 1)
                nb = fb(i + 1)
                ca(sta)
                cb(stb)
                return (na, nb)

            sta, stb = lax.fori_loop(0, nv - 1, scat_body, (fa(0), fb(0)))
            ca(sta)
            cb(stb)

        pltpu.async_copy(xbuf, vals_hbm.at[pl.ds(off, n2)], sem_v)
        pltpu.async_copy(pout, idx_hbm.at[pl.ds(off, n2)], sem_i)

    def tri_body(jj, _):
        q0 = 3 * jj
        do_pair(q0, xbufs[0], xbufs[1])
        do_pair(q0 + 1, xbufs[1], xbufs[2])
        do_pair(q0 + 2, xbufs[2], xbufs[0])
        return 0

    lax.fori_loop(0, npair // 3, tri_body, 0)
    endoff = base0 + npair * n2
    pltpu.make_async_copy(xbufs[1], vals_hbm.at[pl.ds(endoff - 2 * n2, n2)], sem_v).wait()
    pltpu.make_async_copy(xbufs[2], vals_hbm.at[pl.ds(endoff - n2, n2)], sem_v).wait()
    pltpu.make_async_copy(pout, idx_hbm.at[pl.ds(endoff - n2, n2)], sem_i).wait()


def _mix_rows_body(n, rpw, nch, lam_hbm, pm_hbm, vals_hbm, idx_hbm, out_hbm,
                   lbuf, pbuf, va0, va1, vb0, vb1, ib0, ib1, ob0, ob1,
                   sem_in, sem_out):
    nv = n // L
    w = _wid()
    b = w // 2
    half = (w % 2) * rpw
    iota = lax.iota(jnp.int32, L)
    vas, vbs, ibs, obs = (va0, va1), (vb0, vb1), (ib0, ib1), (ob0, ob1)

    pltpu.sync_copy(lam_hbm, lbuf)
    pltpu.sync_copy(pm_hbm, pbuf)
    lam = jnp.sum(jnp.where(iota == b, lbuf[...], 0.0))
    pb = jnp.sum(jnp.where(iota == b, pbuf[...], 0))
    lamv = jnp.full((L,), lam, jnp.float32)
    one_m = jnp.full((L,), 1.0, jnp.float32) - lamv
    row0 = w * rpw
    prow0 = pb * nch + half

    def start_in(j, va, vb, ib):
        pltpu.async_copy(vals_hbm.at[pl.ds((row0 + j) * n, n)], va, sem_in)
        pltpu.async_copy(vals_hbm.at[pl.ds((prow0 + j) * n, n)], vb, sem_in)
        pltpu.async_copy(idx_hbm.at[pl.ds((row0 + j) * n, n)], ib, sem_in)

    def wait_in(j, va, vb, ib):
        pltpu.make_async_copy(vals_hbm.at[pl.ds((row0 + j) * n, n)], va, sem_in).wait()
        pltpu.make_async_copy(vals_hbm.at[pl.ds((prow0 + j) * n, n)], vb, sem_in).wait()
        pltpu.make_async_copy(idx_hbm.at[pl.ds((row0 + j) * n, n)], ib, sem_in).wait()

    start_in(0, vas[0], vbs[0], ibs[0])

    def do_row(j, cur, prefetch_ok):
        va, vb, ib, ob = vas[cur], vbs[cur], ibs[cur], obs[cur]
        nva, nvb, nib = vas[1 - cur], vbs[1 - cur], ibs[1 - cur]
        wait_in(j, va, vb, ib)

        @pl.when(prefetch_ok)
        def _():
            start_in(j + 1, nva, nvb, nib)

        @pl.when(j >= 2)
        def _():
            pltpu.make_async_copy(ob, out_hbm.at[pl.ds((row0 + j - 2) * n, n)], sem_out).wait()

        def mfetch(i):
            s = pl.ds(i * L, L)
            return va[s], vb[s], ib[s]

        def mcommit(st):
            a, bb, ii = st
            plsc.store_scatter(ob, [ii], lamv * a + one_m * bb)

        def mix_body(i, st):
            nst = mfetch(i + 1)
            mcommit(st)
            return nst

        st = lax.fori_loop(0, nv - 1, mix_body, mfetch(0))
        mcommit(st)
        pltpu.async_copy(ob, out_hbm.at[pl.ds((row0 + j) * n, n)], sem_out)

    def pair_body(jj, _):
        j0 = 2 * jj
        do_row(j0, 0, j0 + 1 < rpw)
        do_row(j0 + 1, 1, j0 + 2 < rpw)
        return 0

    lax.fori_loop(0, rpw // 2, pair_body, 0)
    pltpu.make_async_copy(obs[rpw % 2], out_hbm.at[pl.ds((row0 + rpw - 2) * n, n)], sem_out).wait()
    pltpu.make_async_copy(obs[1 - rpw % 2], out_hbm.at[pl.ds((row0 + rpw - 1) * n, n)], sem_out).wait()


@jax.jit
def kernel(x, lmda, perm):
    bv, cv, hv, wv = x.shape
    n = hv * wv
    r = bv * cv
    nw = 32
    rpw = r // nw
    assert r % nw == 0 and n % (2 * L) == 0 and rpw % 6 == 0

    xv = x.reshape(r * n)
    lam = lmda.reshape(bv).astype(jnp.float32)
    pm = perm.astype(jnp.int32)

    mesh = plsc.VectorSubcoreMesh(core_axis_name="c", subcore_axis_name="s")

    sort_call = pl.kernel(
        functools.partial(_sort_rows_body, n, rpw),
        out_type=[
            jax.ShapeDtypeStruct((r * n,), jnp.float32),
            jax.ShapeDtypeStruct((r * n,), jnp.int32),
        ],
        mesh=mesh,
        scratch_types=[
            pltpu.VMEM((2 * n,), jnp.float32),
            pltpu.VMEM((2 * n,), jnp.float32),
            pltpu.VMEM((2 * n,), jnp.float32),
            pltpu.VMEM((n,), jnp.int32),
            pltpu.VMEM((n,), jnp.int32),
            pltpu.VMEM((n,), jnp.int32),
            pltpu.VMEM((n,), jnp.int32),
            pltpu.VMEM((n,), jnp.int32),
            pltpu.VMEM((n,), jnp.int32),
            pltpu.VMEM((n,), jnp.int32),
            pltpu.VMEM((n,), jnp.int32),
            pltpu.VMEM((2 * n,), jnp.int32),
            pltpu.VMEM((2 * NPASS * NBUCK,), jnp.int32),
            pltpu.SemaphoreType.DMA,
            pltpu.SemaphoreType.DMA,
            pltpu.SemaphoreType.DMA,
        ],
        compiler_params=pltpu.CompilerParams(needs_layout_passes=False),
    )
    vals, idxs = sort_call(xv)

    mix_call = pl.kernel(
        functools.partial(_mix_rows_body, n, rpw, cv),
        out_type=jax.ShapeDtypeStruct((r * n,), jnp.float32),
        mesh=mesh,
        scratch_types=[
            pltpu.VMEM((bv,), jnp.float32),
            pltpu.VMEM((bv,), jnp.int32),
            pltpu.VMEM((n,), jnp.float32),
            pltpu.VMEM((n,), jnp.float32),
            pltpu.VMEM((n,), jnp.float32),
            pltpu.VMEM((n,), jnp.float32),
            pltpu.VMEM((n,), jnp.int32),
            pltpu.VMEM((n,), jnp.int32),
            pltpu.VMEM((n,), jnp.float32),
            pltpu.VMEM((n,), jnp.float32),
            pltpu.SemaphoreType.DMA,
            pltpu.SemaphoreType.DMA,
        ],
        compiler_params=pltpu.CompilerParams(needs_layout_passes=False),
    )
    out = mix_call(lam, pm, vals, idxs)
    return out.reshape(bv, cv, hv, wv)

# --- scband reference (transcript-rebuilt; emitter-appended) ---
"""Pipeline reference for scband-efdmix-42339787604252 (READ-ONLY COPY).

The authoritative reference and input builder live on the scoring server;
editing this copy changes nothing except your own understanding.
"""

import jax, jax.numpy as jnp
import numpy as np

B, C, H, W = 16, 192, 56, 56
ALPHA = 0.1


def setup_inputs(seed: int = 0) -> dict:
    key = jax.random.key(seed)
    kx, kl, kp = jax.random.split(key, 3)
    x = jax.random.normal(kx, (B, C, H, W), dtype=jnp.float32)
    # Beta(alpha, alpha) sample per batch element (lmda in torch code)
    lmda = jax.random.beta(kl, ALPHA, ALPHA, (B, 1, 1)).astype(jnp.float32)
    # random batch permutation (mix='random' branch)
    perm = jax.random.permutation(kp, B)
    return {"x": x, "lmda": lmda, "perm": perm}


def reference(x, lmda, perm):
    Bv, Cv, Hv, Wv = x.shape
    x_view = x.reshape(Bv, Cv, -1)
    # torch.sort -> (values, indices)
    index_x = jnp.argsort(x_view, axis=-1)
    value_x = jnp.take_along_axis(x_view, index_x, axis=-1)
    # inverse permutation of the sort
    inverse_index = jnp.argsort(index_x, axis=-1)
    # exact feature distribution matching: place permuted sample's sorted
    # values back at this sample's rank positions
    x_view_copy = jnp.take_along_axis(value_x[perm], inverse_index, axis=-1) * (1.0 - lmda)
    new_x = x_view + (x_view_copy - jax.lax.stop_gradient(x_view) * (1.0 - lmda))
    return new_x.reshape(Bv, Cv, Hv, Wv)

if __name__ == "__main__":
    import jax
    _d = setup_inputs()
    print(jax.jit(kernel)(*tuple(_d.values())))

</pallas_src>

<mosaic_0001>
#map = affine_map<(d0, d1) -> (0)>
module attributes {stable_mosaic.version = 14 : i64} {
  func.func @_sort_rows_body(%arg0: i32, %arg1: i32, %arg2: memref<9633792xf32, #tpu.memory_space<hbm>>, %arg3: memref<9633792xf32, #tpu.memory_space<hbm>>, %arg4: memref<9633792xi32, #tpu.memory_space<hbm>>, %arg5: memref<6272xf32, #tpu.memory_space<vmem>>, %arg6: memref<6272xf32, #tpu.memory_space<vmem>>, %arg7: memref<6272xf32, #tpu.memory_space<vmem>>, %arg8: memref<3136xi32, #tpu.memory_space<vmem>>, %arg9: memref<3136xi32, #tpu.memory_space<vmem>>, %arg10: memref<3136xi32, #tpu.memory_space<vmem>>, %arg11: memref<3136xi32, #tpu.memory_space<vmem>>, %arg12: memref<3136xi32, #tpu.memory_space<vmem>>, %arg13: memref<3136xi32, #tpu.memory_space<vmem>>, %arg14: memref<3136xi32, #tpu.memory_space<vmem>>, %arg15: memref<3136xi32, #tpu.memory_space<vmem>>, %arg16: memref<6272xi32, #tpu.memory_space<vmem>>, %arg17: memref<2048xi32, #tpu.memory_space<vmem>>, %arg18: memref<!tpu.dma_semaphore, #tpu.memory_space<semaphore_mem>>, %arg19: memref<!tpu.dma_semaphore, #tpu.memory_space<semaphore_mem>>, %arg20: memref<!tpu.dma_semaphore, #tpu.memory_space<semaphore_mem>>) attributes {dimension_semantics = [#tpu.dimension_semantics<core_parallel>, #tpu.dimension_semantics<subcore_parallel>], iteration_bounds = array<i64: 2, 16>, scalar_prefetch = 0 : i64, scratch_operands = 16 : i64, tpu.core_type = #tpu.core_type<sc_vector_subcore>, window_params = [{transform_indices = #map}, {transform_indices = #map}, {transform_indices = #map}]} {
    %mul3A = arith.constant 2 : i32
    %mul3A_0 = arith.muli %arg1, %mul3A : i32
    %add3A = arith.addi %mul3A_0, %arg0 : i32
    %iota3A = tpu.iota {dimensions = array<i32: 0>} : vector<16xi32>
    %mul3A_1 = arith.constant 96 : i32
    %mul3A_2 = arith.muli %add3A, %mul3A_1 : i32
    %mul3A_3 = arith.constant 3136 : i32
    %mul3A_4 = arith.muli %mul3A_2, %mul3A_3 : i32
    %dma_start3A = tpu.memref_slice %arg2[%mul3A_4] : memref<9633792xf32, #tpu.memory_space<hbm>> -> memref<6272xf32, #tpu.memory_space<hbm>>
    %dma_start3A_5 = tpu.memref_slice %arg2[%mul3A_4] : memref<9633792xf32, #tpu.memory_space<hbm>> -> memref<6272xf32, #tpu.memory_space<hbm>>
    tpu.enqueue_dma source(%dma_start3A_5 : memref<6272xf32, #tpu.memory_space<hbm>>) target(%arg5 : memref<6272xf32, #tpu.memory_space<vmem>>) target_semaphore(%arg18 : memref<!tpu.dma_semaphore, #tpu.memory_space<semaphore_mem>>)
    %scan3A = arith.constant 0 : i32
    %scan3A_6 = arith.constant 0 : i32
    %scan3A_7 = arith.constant 16 : i32
    %scan3A_8 = arith.addi %scan3A_6, %scan3A_7 : i32
    %scan3A_9 = arith.constant 1 : i32
    %scan3A_10 = scf.for %scan3A_24 = %scan3A_6 to %scan3A_8 step %scan3A_9 iter_args(%scan3A_25 = %scan3A) -> (i32)  : i32 {
      %mul3A_26 = arith.constant 3 : i32
      %mul3A_27 = arith.muli %mul3A_26, %scan3A_24 : i32
      %mul3A_28 = arith.constant 6272 : i32
      %mul3A_29 = arith.muli %mul3A_27, %mul3A_28 : i32
      %add3A_30 = arith.addi %mul3A_4, %mul3A_29 : i32
      %dma_wait3A_31 = tpu.memref_slice %arg2[%add3A_30] : memref<9633792xf32, #tpu.memory_space<hbm>> -> memref<6272xf32, #tpu.memory_space<hbm>>
      %dma_wait3A_32 = tpu.memref_slice %arg2[%add3A_30] : memref<9633792xf32, #tpu.memory_space<hbm>> -> memref<6272xf32, #tpu.memory_space<hbm>>
      tpu.wait_dma2 semaphore(%arg18 : memref<!tpu.dma_semaphore, #tpu.memory_space<semaphore_mem>>) src(%dma_wait3A_32 : memref<6272xf32, #tpu.memory_space<hbm>>) dst(%arg5 : memref<6272xf32, #tpu.memory_space<vmem>>)
      %ge3A = arith.constant 2 : i32
      %ge3A_33 = arith.cmpi sge, %mul3A_27, %ge3A : i32
      %convert_element_type3A = arith.extui %ge3A_33 : i1 to i32
      %cond3A = arith.constant 0 : i32
      %cond3A_34 = arith.cmpi ne, %convert_element_type3A, %cond3A : i32
      scf.if %cond3A_34 {
        %sub3A_1265 = arith.constant 12544 : i32
        %sub3A_1266 = arith.subi %add3A_30, %sub3A_1265 : i32
        %dma_wait3A_1267 = tpu.memref_slice %arg3[%sub3A_1266] : memref<9633792xf32, #tpu.memory_space<hbm>> -> memref<6272xf32, #tpu.memory_space<hbm>>
        %dma_wait3A_1268 = tpu.memref_slice %arg3[%sub3A_1266] : memref<9633792xf32, #tpu.memory_space<hbm>> -> memref<6272xf32, #tpu.memory_space<hbm>>
        tpu.wait_dma2 semaphore(%arg19 : memref<!tpu.dma_semaphore, #tpu.memory_space<semaphore_mem>>) src(%arg6 : memref<6272xf32, #tpu.memory_space<vmem>>) dst(%dma_wait3A_1268 : memref<6272xf32, #tpu.memory_space<hbm>>)
      } else {
      }
      %add3A_35 = arith.constant 1 : i32
      %add3A_36 = arith.addi %mul3A_27, %add3A_35 : i32
      %lt3A = arith.constant 48 : i32
      %lt3A_37 = arith.cmpi slt, %add3A_36, %lt3A : i32
      %convert_element_type3A_38 = arith.extui %lt3A_37 : i1 to i32
      %cond3A_39 = arith.constant 0 : i32
      %cond3A_40 = arith.cmpi ne, %convert_element_type3A_38, %cond3A_39 : i32
      scf.if %cond3A_40 {
        %add3A_1265 = arith.constant 6272 : i32
        %add3A_1266 = arith.addi %add3A_30, %add3A_1265 : i32
        %dma_start3A_1267 = tpu.memref_slice %arg2[%add3A_1266] : memref<9633792xf32, #tpu.memory_space<hbm>> -> memref<6272xf32, #tpu.memory_space<hbm>>
        %dma_start3A_1268 = tpu.memref_slice %arg2[%add3A_1266] : memref<9633792xf32, #tpu.memory_space<hbm>> -> memref<6272xf32, #tpu.memory_space<hbm>>
        tpu.enqueue_dma source(%dma_start3A_1268 : memref<6272xf32, #tpu.memory_space<hbm>>) target(%arg6 : memref<6272xf32, #tpu.memory_space<vmem>>) target_semaphore(%arg18 : memref<!tpu.dma_semaphore, #tpu.memory_space<semaphore_mem>>)
      } else {
      }
      %scan3A_41 = arith.constant 0 : i32
      %scan3A_42 = arith.constant 0 : i32
      %scan3A_43 = arith.constant 128 : i32
      %scan3A_44 = arith.addi %scan3A_42, %scan3A_43 : i32
      %scan3A_45 = arith.constant 1 : i32
      %scan3A_46 = scf.for %scan3A_1265 = %scan3A_42 to %scan3A_44 step %scan3A_45 iter_args(%scan3A_1266 = %scan3A_41) -> (i32)  : i32 {
        %broadcast_in_dim3A_1267 = arith.constant 0 : i32
        %broadcast_in_dim3A_1268 = vector.broadcast %broadcast_in_dim3A_1267 : i32 to vector<16xi32>
        %mul3A_1269 = arith.constant 16 : i32
        %mul3A_1270 = arith.muli %scan3A_1265, %mul3A_1269 : i32
        %swap3A_1271 = arith.index_cast %mul3A_1270 : i32 to index
        %swap3A_1272 = tpu.vector_load %arg17[%swap3A_1271] {strides = array<i32>} : memref<2048xi32, #tpu.memory_space<vmem>>, vector<16xi32>,
        tpu.vector_store %arg17[%swap3A_1271], %broadcast_in_dim3A_1268 {strides = array<i32>} : memref<2048xi32, #tpu.memory_space<vmem>>, vector<16xi32>,
        %scan3A_1273 = arith.constant 0 : i32
        scf.yield %scan3A_1273 : i32
      }
      %scan3A_47 = arith.constant 128 : i32
      %get3A = arith.constant 0 : index
      %get3A_48 = tpu.vector_load %arg5[%get3A] {strides = array<i32>} : memref<6272xf32, #tpu.memory_space<vmem>>, vector<16xf32>,
      %bitcast_convert_type3A = tpu.bitcast %get3A_48 : vector<16xf32> -> vector<16xi32>
      %shift_right_arithmetic3A = arith.constant 31 : i32
      %shift_right_arithmetic3A_49 = vector.broadcast %shift_right_arithmetic3A : i32 to vector<16xi32>
      %shift_right_arithmetic3A_50 = arith.shrsi %bitcast_convert_type3A, %shift_right_arithmetic3A_49 : vector<16xi32>
      %or3A = arith.constant -2147483648 : i32
      %or3A_51 = vector.broadcast %or3A : i32 to vector<16xi32>
      %or3A_52 = arith.ori %shift_right_arithmetic3A_50, %or3A_51 : vector<16xi32>
      %xor3A = arith.xori %bitcast_convert_type3A, %or3A_52 : vector<16xi32>
      %get3A_53 = arith.constant 3136 : index
      %get3A_54 = tpu.vector_load %arg5[%get3A_53] {strides = array<i32>} : memref<6272xf32, #tpu.memory_space<vmem>>, vector<16xf32>,
      %bitcast_convert_type3A_55 = tpu.bitcast %get3A_54 : vector<16xf32> -> vector<16xi32>
      %shift_right_arithmetic3A_56 = arith.constant 31 : i32
      %shift_right_arithmetic3A_57 = vector.broadcast %shift_right_arithmetic3A_56 : i32 to vector<16xi32>
      %shift_right_arithmetic3A_58 = arith.shrsi %bitcast_convert_type3A_55, %shift_right_arithmetic3A_57 : vector<16xi32>
      %or3A_59 = arith.constant -2147483648 : i32
      %or3A_60 = vector.broadcast %or3A_59 : i32 to vector<16xi32>
      %or3A_61 = arith.ori %shift_right_arithmetic3A_58, %or3A_60 : vector<16xi32>
      %xor3A_62 = arith.xori %bitcast_convert_type3A_55, %or3A_61 : vector<16xi32>
      %scan3A_63 = arith.constant 0 : i32
      %scan3A_64 = arith.constant 195 : i32
      %scan3A_65 = arith.addi %scan3A_63, %scan3A_64 : i32
      %scan3A_66 = arith.constant 1 : i32
      %scan3A_67:2 = scf.for %scan3A_1265 = %scan3A_63 to %scan3A_65 step %scan3A_66 iter_args(%scan3A_1266 = %xor3A, %scan3A_1267 = %xor3A_62) -> (vector<16xi32>, vector<16xi32>)  : i32 {
        %add3A_1268 = arith.constant 1 : i32
        %add3A_1269 = arith.addi %scan3A_1265, %add3A_1268 : i32
        %mul3A_1270 = arith.constant 16 : i32
        %mul3A_1271 = arith.muli %add3A_1269, %mul3A_1270 : i32
        %add3A_1272 = arith.constant 0 : i32
        %add3A_1273 = arith.addi %add3A_1272, %mul3A_1271 : i32
        %get3A_1274 = arith.index_cast %add3A_1273 : i32 to index
        %get3A_1275 = tpu.vector_load %arg5[%get3A_1274] {strides = array<i32>} : memref<6272xf32, #tpu.memory_space<vmem>>, vector<16xf32>,
        %bitcast_convert_type3A_1276 = tpu.bitcast %get3A_1275 : vector<16xf32> -> vector<16xi32>
        %shift_right_arithmetic3A_1277 = arith.constant 31 : i32
        %shift_right_arithmetic3A_1278 = vector.broadcast %shift_right_arithmetic3A_1277 : i32 to vector<16xi32>
        %shift_right_arithmetic3A_1279 = arith.shrsi %bitcast_convert_type3A_1276, %shift_right_arithmetic3A_1278 : vector<16xi32>
        %or3A_1280 = arith.constant -2147483648 : i32
        %or3A_1281 = vector.broadcast %or3A_1280 : i32 to vector<16xi32>
        %or3A_1282 = arith.ori %shift_right_arithmetic3A_1279, %or3A_1281 : vector<16xi32>
        %xor3A_1283 = arith.xori %bitcast_convert_type3A_1276, %or3A_1282 : vector<16xi32>
        %add3A_1284 = arith.constant 1 : i32
        %add3A_1285 = arith.addi %scan3A_1265, %add3A_1284 : i32
        %mul3A_1286 = arith.constant 16 : i32
        %mul3A_1287 = arith.muli %add3A_1285, %mul3A_1286 : i32
        %add3A_1288 = arith.constant 3136 : i32
        %add3A_1289 = arith.addi %add3A_1288, %mul3A_1287 : i32
        %get3A_1290 = arith.index_cast %add3A_1289 : i32 to index
        %get3A_1291 = tpu.vector_load %arg5[%get3A_1290] {strides = array<i32>} : memref<6272xf32, #tpu.memory_space<vmem>>, vector<16xf32>,
        %bitcast_convert_type3A_1292 = tpu.bitcast %get3A_1291 : vector<16xf32> -> vector<16xi32>
        %shift_right_arithmetic3A_1293 = arith.constant 31 : i32
        %shift_right_arithmetic3A_1294 = vector.broadcast %shift_right_arithmetic3A_1293 : i32 to vector<16xi32>
        %shift_right_arithmetic3A_1295 = arith.shrsi %bitcast_convert_type3A_1292, %shift_right_arithmetic3A_1294 : vector<16xi32>
        %or3A_1296 = arith.constant -2147483648 : i32
        %or3A_1297 = vector.broadcast %or3A_1296 : i32 to vector<16xi32>
        %or3A_1298 = arith.ori %shift_right_arithmetic3A_1295, %or3A_1297 : vector<16xi32>
        %xor3A_1299 = arith.xori %bitcast_convert_type3A_1292, %or3A_1298 : vector<16xi32>
        %mul3A_1300 = arith.constant 16 : i32
        %mul3A_1301 = arith.muli %scan3A_1265, %mul3A_1300 : i32
        %swap3A_1302 = arith.index_cast %mul3A_1301 : i32 to index
        %swap3A_1303 = tpu.vector_load %arg8[%swap3A_1302] {strides = array<i32>} : memref<3136xi32, #tpu.memory_space<vmem>>, vector<16xi32>,
        tpu.vector_store %arg8[%swap3A_1302], %scan3A_1266 {strides = array<i32>} : memref<3136xi32, #tpu.memory_space<vmem>>, vector<16xi32>,
        %mul3A_1304 = arith.constant 16 : i32
        %mul3A_1305 = arith.muli %scan3A_1265, %mul3A_1304 : i32
        %add3A_1306 = vector.broadcast %mul3A_1305 : i32 to vector<16xi32>
        %add3A_1307 = arith.addi %iota3A, %add3A_1306 : vector<16xi32>
        %swap3A_1308 = arith.index_cast %mul3A_1301 : i32 to index
        %swap3A_1309 = tpu.vector_load %arg9[%swap3A_1308] {strides = array<i32>} : memref<3136xi32, #tpu.memory_space<vmem>>, vector<16xi32>,
        tpu.vector_store %arg9[%swap3A_1308], %add3A_1307 {strides = array<i32>} : memref<3136xi32, #tpu.memory_space<vmem>>, vector<16xi32>,
        %shift_right_logical3A_1310 = arith.constant 0 : i32
        %shift_right_logical3A_1311 = vector.broadcast %shift_right_logical3A_1310 : i32 to vector<16xi32>
        %shift_right_logical3A_1312 = arith.shrui %scan3A_1266, %shift_right_logical3A_1311 : vector<16xi32>
        %and3A_1313 = arith.constant 255 : i32
        %and3A_1314 = vector.broadcast %and3A_1313 : i32 to vector<16xi32>
        %and3A_1315 = arith.andi %shift_right_logical3A_1312, %and3A_1314 : vector<16xi32>
        %add3A_1316 = arith.constant 0 : i32
        %add3A_1317 = vector.broadcast %add3A_1316 : i32 to vector<16xi32>
        %add3A_1318 = arith.addi %and3A_1315, %add3A_1317 : vector<16xi32>
        %broadcast_in_dim3A_1319 = arith.constant true
        %broadcast_in_dim3A_1320 = vector.broadcast %broadcast_in_dim3A_1319 : i1 to vector<16xi1>
        %unique3A_1321, %unique3A_1322 = tpu.scan_count mask(%broadcast_in_dim3A_1320 : vector<16xi1>) value(%add3A_1318 : vector<16xi32>) : vector<16xi1>, vector<16xi32>
        tpu.vector_store_idx %arg17[%add3A_1318], %unique3A_1322 masked %unique3A_1321 {add = true} : memref<2048xi32, #tpu.memory_space<vmem>>[vector<16xi32>], vector<16xi32>, vector<16xi1>
        %shift_right_logical3A_1323 = arith.constant 8 : i32
        %shift_right_logical3A_1324 = vector.broadcast %shift_right_logical3A_1323 : i32 to vector<16xi32>
        %shift_right_logical3A_1325 = arith.shrui %scan3A_1266, %shift_right_logical3A_1324 : vector<16xi32>
        %and3A_1326 = arith.constant 255 : i32
        %and3A_1327 = vector.broadcast %and3A_1326 : i32 to vector<16xi32>
        %and3A_1328 = arith.andi %shift_right_logical3A_1325, %and3A_1327 : vector<16xi32>
        %add3A_1329 = arith.constant 256 : i32
        %add3A_1330 = vector.broadcast %add3A_1329 : i32 to vector<16xi32>
        %add3A_1331 = arith.addi %and3A_1328, %add3A_1330 : vector<16xi32>
        %broadcast_in_dim3A_1332 = arith.constant true
        %broadcast_in_dim3A_1333 = vector.broadcast %broadcast_in_dim3A_1332 : i1 to vector<16xi1>
        %unique3A_1334, %unique3A_1335 = tpu.scan_count mask(%broadcast_in_dim3A_1333 : vector<16xi1>) value(%add3A_1331 : vector<16xi32>) : vector<16xi1>, vector<16xi32>
        tpu.vector_store_idx %arg17[%add3A_1331], %unique3A_1335 masked %unique3A_1334 {add = true} : memref<2048xi32, #tpu.memory_space<vmem>>[vector<16xi32>], vector<16xi32>, vector<16xi1>
        %shift_right_logical3A_1336 = arith.constant 16 : i32
        %shift_right_logical3A_1337 = vector.broadcast %shift_right_logical3A_1336 : i32 to vector<16xi32>
        %shift_right_logical3A_1338 = arith.shrui %scan3A_1266, %shift_right_logical3A_1337 : vector<16xi32>
        %and3A_1339 = arith.constant 255 : i32
        %and3A_1340 = vector.broadcast %and3A_1339 : i32 to vector<16xi32>
        %and3A_1341 = arith.andi %shift_right_logical3A_1338, %and3A_1340 : vector<16xi32>
        %add3A_1342 = arith.constant 512 : i32
        %add3A_1343 = vector.broadcast %add3A_1342 : i32 to vector<16xi32>
        %add3A_1344 = arith.addi %and3A_1341, %add3A_1343 : vector<16xi32>
        %broadcast_in_dim3A_1345 = arith.constant true
        %broadcast_in_dim3A_1346 = vector.broadcast %broadcast_in_dim3A_1345 : i1 to vector<16xi1>
        %unique3A_1347, %unique3A_1348 = tpu.scan_count mask(%broadcast_in_dim3A_1346 : vector<16xi1>) value(%add3A_1344 : vector<16xi32>) : vector<16xi1>, vector<16xi32>
        tpu.vector_store_idx %arg17[%add3A_1344], %unique3A_1348 masked %unique3A_1347 {add = true} : memref<2048xi32, #tpu.memory_space<vmem>>[vector<16xi32>], vector<16xi32>, vector<16xi1>
        %shift_right_logical3A_1349 = arith.constant 24 : i32
        %shift_right_logical3A_1350 = vector.broadcast %shift_right_logical3A_1349 : i32 to vector<16xi32>
        %shift_right_logical3A_1351 = arith.shrui %scan3A_1266, %shift_right_logical3A_1350 : vector<16xi32>
        %and3A_1352 = arith.constant 255 : i32
        %and3A_1353 = vector.broadcast %and3A_1352 : i32 to vector<16xi32>
        %and3A_1354 = arith.andi %shift_right_logical3A_1351, %and3A_1353 : vector<16xi32>
        %add3A_1355 = arith.constant 768 : i32
        %add3A_1356 = vector.broadcast %add3A_1355 : i32 to vector<16xi32>
        %add3A_1357 = arith.addi %and3A_1354, %add3A_1356 : vector<16xi32>
        %broadcast_in_dim3A_1358 = arith.constant true
        %broadcast_in_dim3A_1359 = vector.broadcast %broadcast_in_dim3A_1358 : i1 to vector<16xi1>
        %unique3A_1360, %unique3A_1361 = tpu.scan_count mask(%broadcast_in_dim3A_1359 : vector<16xi1>) value(%add3A_1357 : vector<16xi32>) : vector<16xi1>, vector<16xi32>
        tpu.vector_store_idx %arg17[%add3A_1357], %unique3A_1361 masked %unique3A_1360 {add = true} : memref<2048xi32, #tpu.memory_space<vmem>>[vector<16xi32>], vector<16xi32>, vector<16xi1>
        %mul3A_1362 = arith.constant 16 : i32
        %mul3A_1363 = arith.muli %scan3A_1265, %mul3A_1362 : i32
        %swap3A_1364 = arith.index_cast %mul3A_1363 : i32 to index
        %swap3A_1365 = tpu.vector_load %arg12[%swap3A_1364] {strides = array<i32>} : memref<3136xi32, #tpu.memory_space<vmem>>, vector<16xi32>,
        tpu.vector_store %arg12[%swap3A_1364], %scan3A_1267 {strides = array<i32>} : memref<3136xi32, #tpu.memory_space<vmem>>, vector<16xi32>,
        %mul3A_1366 = arith.constant 16 : i32
        %mul3A_1367 = arith.muli %scan3A_1265, %mul3A_1366 : i32
        %add3A_1368 = vector.broadcast %mul3A_1367 : i32 to vector<16xi32>
        %add3A_1369 = arith.addi %iota3A, %add3A_1368 : vector<16xi32>
        %swap3A_1370 = arith.index_cast %mul3A_1363 : i32 to index
        %swap3A_1371 = tpu.vector_load %arg13[%swap3A_1370] {strides = array<i32>} : memref<3136xi32, #tpu.memory_space<vmem>>, vector<16xi32>,
        tpu.vector_store %arg13[%swap3A_1370], %add3A_1369 {strides = array<i32>} : memref<3136xi32, #tpu.memory_space<vmem>>, vector<16xi32>,
        %shift_right_logical3A_1372 = arith.constant 0 : i32
        %shift_right_logical3A_1373 = vector.broadcast %shift_right_logical3A_1372 : i32 to vector<16xi32>
        %shift_right_logical3A_1374 = arith.shrui %scan3A_1267, %shift_right_logical3A_1373 : vector<16xi32>
        %and3A_1375 = arith.constant 255 : i32
        %and3A_1376 = vector.broadcast %and3A_1375 : i32 to vector<16xi32>
        %and3A_1377 = arith.andi %shift_right_logical3A_1374, %and3A_1376 : vector<16xi32>
        %add3A_1378 = arith.constant 1024 : i32
        %add3A_1379 = vector.broadcast %add3A_1378 : i32 to vector<16xi32>
        %add3A_1380 = arith.addi %and3A_1377, %add3A_1379 : vector<16xi32>
        %broadcast_in_dim3A_1381 = arith.constant true
        %broadcast_in_dim3A_1382 = vector.broadcast %broadcast_in_dim3A_1381 : i1 to vector<16xi1>
        %unique3A_1383, %unique3A_1384 = tpu.scan_count mask(%broadcast_in_dim3A_1382 : vector<16xi1>) value(%add3A_1380 : vector<16xi32>) : vector<16xi1>, vector<16xi32>
        tpu.vector_store_idx %arg17[%add3A_1380], %unique3A_1384 masked %unique3A_1383 {add = true} : memref<2048xi32, #tpu.memory_space<vmem>>[vector<16xi32>], vector<16xi32>, vector<16xi1>
        %shift_right_logical3A_1385 = arith.constant 8 : i32
        %shift_right_logical3A_1386 = vector.broadcast %shift_right_logical3A_1385 : i32 to vector<16xi32>
        %shift_right_logical3A_1387 = arith.shrui %scan3A_1267, %shift_right_logical3A_1386 : vector<16xi32>
        %and3A_1388 = arith.constant 255 : i32
        %and3A_1389 = vector.broadcast %and3A_1388 : i32 to vector<16xi32>
        %and3A_1390 = arith.andi %shift_right_logical3A_1387, %and3A_1389 : vector<16xi32>
        %add3A_1391 = arith.constant 1280 : i32
        %add3A_1392 = vector.broadcast %add3A_1391 : i32 to vector<16xi32>
        %add3A_1393 = arith.addi %and3A_1390, %add3A_1392 : vector<16xi32>
        %broadcast_in_dim3A_1394 = arith.constant true
        %broadcast_in_dim3A_1395 = vector.broadcast %broadcast_in_dim3A_1394 : i1 to vector<16xi1>
        %unique3A_1396, %unique3A_1397 = tpu.scan_count mask(%broadcast_in_dim3A_1395 : vector<16xi1>) value(%add3A_1393 : vector<16xi32>) : vector<16xi1>, vector<16xi32>
        tpu.vector_store_idx %arg17[%add3A_1393], %unique3A_1397 masked %unique3A_1396 {add = true} : memref<2048xi32, #tpu.memory_space<vmem>>[vector<16xi32>], vector<16xi32>, vector<16xi1>
        %shift_right_logical3A_1398 = arith.constant 16 : i32
        %shift_right_logical3A_1399 = vector.broadcast %shift_right_logical3A_1398 : i32 to vector<16xi32>
        %shift_right_logical3A_1400 = arith.shrui %scan3A_1267, %shift_right_logical3A_1399 : vector<16xi32>
        %and3A_1401 = arith.constant 255 : i32
        %and3A_1402 = vector.broadcast %and3A_1401 : i32 to vector<16xi32>
        %and3A_1403 = arith.andi %shift_right_logical3A_1400, %and3A_1402 : vector<16xi32>
        %add3A_1404 = arith.constant 1536 : i32
        %add3A_1405 = vector.broadcast %add3A_1404 : i32 to vector<16xi32>
        %add3A_1406 = arith.addi %and3A_1403, %add3A_1405 : vector<16xi32>
        %broadcast_in_dim3A_1407 = arith.constant true
        %broadcast_in_dim3A_1408 = vector.broadcast %broadcast_in_dim3A_1407 : i1 to vector<16xi1>
        %unique3A_1409, %unique3A_1410 = tpu.scan_count mask(%broadcast_in_dim3A_1408 : vector<16xi1>) value(%add3A_1406 : vector<16xi32>) : vector<16xi1>, vector<16xi32>
        tpu.vector_store_idx %arg17[%add3A_1406], %unique3A_1410 masked %unique3A_1409 {add = true} : memref<2048xi32, #tpu.memory_space<vmem>>[vector<16xi32>], vector<16xi32>, vector<16xi1>
        %shift_right_logical3A_1411 = arith.constant 24 : i32
        %shift_right_logical3A_1412 = vector.broadcast %shift_right_logical3A_1411 : i32 to vector<16xi32>
        %shift_right_logical3A_1413 = arith.shrui %scan3A_1267, %shift_right_logical3A_1412 : vector<16xi32>
        %and3A_1414 = arith.constant 255 : i32
        %and3A_1415 = vector.broadcast %and3A_1414 : i32 to vector<16xi32>
        %and3A_1416 = arith.andi %shift_right_logical3A_1413, %and3A_1415 : vector<16xi32>
        %add3A_1417 = arith.constant 1792 : i32
        %add3A_1418 = vector.broadcast %add3A_1417 : i32 to vector<16xi32>
        %add3A_1419 = arith.addi %and3A_1416, %add3A_1418 : vector<16xi32>
        %broadcast_in_dim3A_1420 = arith.constant true
        %broadcast_in_dim3A_1421 = vector.broadcast %broadcast_in_dim3A_1420 : i1 to vector<16xi1>
        %unique3A_1422, %unique3A_1423 = tpu.scan_count mask(%broadcast_in_dim3A_1421 : vector<16xi1>) value(%add3A_1419 : vector<16xi32>) : vector<16xi1>, vector<16xi32>
        tpu.vector_store_idx %arg17[%add3A_1419], %unique3A_1423 masked %unique3A_1422 {add = true} : memref<2048xi32, #tpu.memory_space<vmem>>[vector<16xi32>], vector<16xi32>, vector<16xi1>
        scf.yield %xor3A_1283, %xor3A_1299 : vector<16xi32>, vector<16xi32>
      }
      %scan3A_68 = arith.constant 195 : i32
      %swap3A = arith.constant 3120 : index
      %swap3A_69 = tpu.vector_load %arg8[%swap3A] {strides = array<i32>} : memref<3136xi32, #tpu.memory_space<vmem>>, vector<16xi32>,
      tpu.vector_store %arg8[%swap3A], %scan3A_67#0 {strides = array<i32>} : memref<3136xi32, #tpu.memory_space<vmem>>, vector<16xi32>,
      %add3A_70 = arith.constant 3120 : i32
      %add3A_71 = vector.broadcast %add3A_70 : i32 to vector<16xi32>
      %add3A_72 = arith.addi %iota3A, %add3A_71 : vector<16xi32>
      %swap3A_73 = arith.constant 3120 : index
      %swap3A_74 = tpu.vector_load %arg9[%swap3A_73] {strides = array<i32>} : memref<3136xi32, #tpu.memory_space<vmem>>, vector<16xi32>,
      tpu.vector_store %arg9[%swap3A_73], %add3A_72 {strides = array<i32>} : memref<3136xi32, #tpu.memory_space<vmem>>, vector<16xi32>,
      %shift_right_logical3A = arith.constant 0 : i32
      %shift_right_logical3A_75 = vector.broadcast %shift_right_logical3A : i32 to vector<16xi32>
      %shift_right_logical3A_76 = arith.shrui %scan3A_67#0, %shift_right_logical3A_75 : vector<16xi32>
      %and3A = arith.constant 255 : i32
      %and3A_77 = vector.broadcast %and3A : i32 to vector<16xi32>
      %and3A_78 = arith.andi %shift_right_logical3A_76, %and3A_77 : vector<16xi32>
      %add3A_79 = arith.constant 0 : i32
      %add3A_80 = vector.broadcast %add3A_79 : i32 to vector<16xi32>
      %add3A_81 = arith.addi %and3A_78, %add3A_80 : vector<16xi32>
      %broadcast_in_dim3A = arith.constant true
      %broadcast_in_dim3A_82 = vector.broadcast %broadcast_in_dim3A : i1 to vector<16xi1>
      %unique3A, %unique3A_83 = tpu.scan_count mask(%broadcast_in_dim3A_82 : vector<16xi1>) value(%add3A_81 : vector<16xi32>) : vector<16xi1>, vector<16xi32>
      tpu.vector_store_idx %arg17[%add3A_81], %unique3A_83 masked %unique3A {add = true} : memref<2048xi32, #tpu.memory_space<vmem>>[vector<16xi32>], vector<16xi32>, vector<16xi1>
      %shift_right_logical3A_84 = arith.constant 8 : i32
      %shift_right_logical3A_85 = vector.broadcast %shift_right_logical3A_84 : i32 to vector<16xi32>
      %shift_right_logical3A_86 = arith.shrui %scan3A_67#0, %shift_right_logical3A_85 : vector<16xi32>
      %and3A_87 = arith.constant 255 : i32
      %and3A_88 = vector.broadcast %and3A_87 : i32 to vector<16xi32>
      %and3A_89 = arith.andi %shift_right_logical3A_86, %and3A_88 : vector<16xi32>
      %add3A_90 = arith.constant 256 : i32
      %add3A_91 = vector.broadcast %add3A_90 : i32 to vector<16xi32>
      %add3A_92 = arith.addi %and3A_89, %add3A_91 : vector<16xi32>
      %broadcast_in_dim3A_93 = arith.constant true
      %broadcast_in_dim3A_94 = vector.broadcast %broadcast_in_dim3A_93 : i1 to vector<16xi1>
      %unique3A_95, %unique3A_96 = tpu.scan_count mask(%broadcast_in_dim3A_94 : vector<16xi1>) value(%add3A_92 : vector<16xi32>) : vector<16xi1>, vector<16xi32>
      tpu.vector_store_idx %arg17[%add3A_92], %unique3A_96 masked %unique3A_95 {add = true} : memref<2048xi32, #tpu.memory_space<vmem>>[vector<16xi32>], vector<16xi32>, vector<16xi1>
      %shift_right_logical3A_97 = arith.constant 16 : i32
      %shift_right_logical3A_98 = vector.broadcast %shift_right_logical3A_97 : i32 to vector<16xi32>
      %shift_right_logical3A_99 = arith.shrui %scan3A_67#0, %shift_right_logical3A_98 : vector<16xi32>
      %and3A_100 = arith.constant 255 : i32
      %and3A_101 = vector.broadcast %and3A_100 : i32 to vector<16xi32>
      %and3A_102 = arith.andi %shift_right_logical3A_99, %and3A_101 : vector<16xi32>
      %add3A_103 = arith.constant 512 : i32
      %add3A_104 = vector.broadcast %add3A_103 : i32 to vector<16xi32>
      %add3A_105 = arith.addi %and3A_102, %add3A_104 : vector<16xi32>
      %broadcast_in_dim3A_106 = arith.constant true
      %broadcast_in_dim3A_107 = vector.broadcast %broadcast_in_dim3A_106 : i1 to vector<16xi1>
      %unique3A_108, %unique3A_109 = tpu.scan_count mask(%broadcast_in_dim3A_107 : vector<16xi1>) value(%add3A_105 : vector<16xi32>) : vector<16xi1>, vector<16xi32>
      tpu.vector_store_idx %arg17[%add3A_105], %unique3A_109 masked %unique3A_108 {add = true} : memref<2048xi32, #tpu.memory_space<vmem>>[vector<16xi32>], vector<16xi32>, vector<16xi1>
      %shift_right_logical3A_110 = arith.constant 24 : i32
      %shift_right_logical3A_111 = vector.broadcast %shift_right_logical3A_110 : i32 to vector<16xi32>
      %shift_right_logical3A_112 = arith.shrui %scan3A_67#0, %shift_right_logical3A_111 : vector<16xi32>
      %and3A_113 = arith.constant 255 : i32
      %and3A_114 = vector.broadcast %and3A_113 : i32 to vector<16xi32>
      %and3A_115 = arith.andi %shift_right_logical3A_112, %and3A_114 : vector<16xi32>
      %add3A_116 = arith.constant 768 : i32
      %add3A_117 = vector.broadcast %add3A_116 : i32 to vector<16xi32>
      %add3A_118 = arith.addi %and3A_115, %add3A_117 : vector<16xi32>
      %broadcast_in_dim3A_119 = arith.constant true
      %broadcast_in_dim3A_120 = vector.broadcast %broadcast_in_dim3A_119 : i1 to vector<16xi1>
      %unique3A_121, %unique3A_122 = tpu.scan_count mask(%broadcast_in_dim3A_120 : vector<16xi1>) value(%add3A_118 : vector<16xi32>) : vector<16xi1>, vector<16xi32>
      tpu.vector_store_idx %arg17[%add3A_118], %unique3A_122 masked %unique3A_121 {add = true} : memref<2048xi32, #tpu.memory_space<vmem>>[vector<16xi32>], vector<16xi32>, vector<16xi1>
      %swap3A_123 = arith.constant 3120 : index
      %swap3A_124 = tpu.vector_load %arg12[%swap3A_123] {strides = array<i32>} : memref<3136xi32, #tpu.memory_space<vmem>>, vector<16xi32>,
      tpu.vector_store %arg12[%swap3A_123], %scan3A_67#1 {strides = array<i32>} : memref<3136xi32, #tpu.memory_space<vmem>>, vector<16xi32>,
      %add3A_125 = arith.constant 3120 : i32
      %add3A_126 = vector.broadcast %add3A_125 : i32 to vector<16xi32>
      %add3A_127 = arith.addi %iota3A, %add3A_126 : vector<16xi32>
      %swap3A_128 = arith.constant 3120 : index
      %swap3A_129 = tpu.vector_load %arg13[%swap3A_128] {strides = array<i32>} : memref<3136xi32, #tpu.memory_space<vmem>>, vector<16xi32>,
      tpu.vector_store %arg13[%swap3A_128], %add3A_127 {strides = array<i32>} : memref<3136xi32, #tpu.memory_space<vmem>>, vector<16xi32>,
      %shift_right_logical3A_130 = arith.constant 0 : i32
      %shift_right_logical3A_131 = vector.broadcast %shift_right_logical3A_130 : i32 to vector<16xi32>
      %shift_right_logical3A_132 = arith.shrui %scan3A_67#1, %shift_right_logical3A_131 : vector<16xi32>
      %and3A_133 = arith.constant 255 : i32
      %and3A_134 = vector.broadcast %and3A_133 : i32 to vector<16xi32>
      %and3A_135 = arith.andi %shift_right_logical3A_132, %and3A_134 : vector<16xi32>
      %add3A_136 = arith.constant 1024 : i32
      %add3A_137 = vector.broadcast %add3A_136 : i32 to vector<16xi32>
      %add3A_138 = arith.addi %and3A_135, %add3A_137 : vector<16xi32>
      %broadcast_in_dim3A_139 = arith.constant true
      %broadcast_in_dim3A_140 = vector.broadcast %broadcast_in_dim3A_139 : i1 to vector<16xi1>
      %unique3A_141, %unique3A_142 = tpu.scan_count mask(%broadcast_in_dim3A_140 : vector<16xi1>) value(%add3A_138 : vector<16xi32>) : vector<16xi1>, vector<16xi32>
      tpu.vector_store_idx %arg17[%add3A_138], %unique3A_142 masked %unique3A_141 {add = true} : memref<2048xi32, #tpu.memory_space<vmem>>[vector<16xi32>], vector<16xi32>, vector<16xi1>
      %shift_right_logical3A_143 = arith.constant 8 : i32
      %shift_right_logical3A_144 = vector.broadcast %shift_right_logical3A_143 : i32 to vector<16xi32>
      %shift_right_logical3A_145 = arith.shrui %scan3A_67#1, %shift_right_logical3A_144 : vector<16xi32>
      %and3A_146 = arith.constant 255 : i32
      %and3A_147 = vector.broadcast %and3A_146 : i32 to vector<16xi32>
      %and3A_148 = arith.andi %shift_right_logical3A_145, %and3A_147 : vector<16xi32>
      %add3A_149 = arith.constant 1280 : i32
      %add3A_150 = vector.broadcast %add3A_149 : i32 to vector<16xi32>
      %add3A_151 = arith.addi %and3A_148, %add3A_150 : vector<16xi32>
      %broadcast_in_dim3A_152 = arith.constant true
      %broadcast_in_dim3A_153 = vector.broadcast %broadcast_in_dim3A_152 : i1 to vector<16xi1>
      %unique3A_154, %unique3A_155 = tpu.scan_count mask(%broadcast_in_dim3A_153 : vector<16xi1>) value(%add3A_151 : vector<16xi32>) : vector<16xi1>, vector<16xi32>
      tpu.vector_store_idx %arg17[%add3A_151], %unique3A_155 masked %unique3A_154 {add = true} : memref<2048xi32, #tpu.memory_space<vmem>>[vector<16xi32>], vector<16xi32>, vector<16xi1>
      %shift_right_logical3A_156 = arith.constant 16 : i32
      %shift_right_logical3A_157 = vector.broadcast %shift_right_logical3A_156 : i32 to vector<16xi32>
      %shift_right_logical3A_158 = arith.shrui %scan3A_67#1, %shift_right_logical3A_157 : vector<16xi32>
      %and3A_159 = arith.constant 255 : i32
      %and3A_160 = vector.broadcast %and3A_159 : i32 to vector<16xi32>
      %and3A_161 = arith.andi %shift_right_logical3A_158, %and3A_160 : vector<16xi32>
      %add3A_162 = arith.constant 1536 : i32
      %add3A_163 = vector.broadcast %add3A_162 : i32 to vector<16xi32>
      %add3A_164 = arith.addi %and3A_161, %add3A_163 : vector<16xi32>
      %broadcast_in_dim3A_165 = arith.constant true
      %broadcast_in_dim3A_166 = vector.broadcast %broadcast_in_dim3A_165 : i1 to vector<16xi1>
      %unique3A_167, %unique3A_168 = tpu.scan_count mask(%broadcast_in_dim3A_166 : vector<16xi1>) value(%add3A_164 : vector<16xi32>) : vector<16xi1>, vector<16xi32>
      tpu.vector_store_idx %arg17[%add3A_164], %unique3A_168 masked %unique3A_167 {add = true} : memref<2048xi32, #tpu.memory_space<vmem>>[vector<16xi32>], vector<16xi32>, vector<16xi1>
      %shift_right_logical3A_169 = arith.constant 24 : i32
      %shift_right_logical3A_170 = vector.broadcast %shift_right_logical3A_169 : i32 to vector<16xi32>
      %shift_right_logical3A_171 = arith.shrui %scan3A_67#1, %shift_right_logical3A_170 : vector<16xi32>
      %and3A_172 = arith.constant 255 : i32
      %and3A_173 = vector.broadcast %and3A_172 : i32 to vector<16xi32>
      %and3A_174 = arith.andi %shift_right_logical3A_171, %and3A_173 : vector<16xi32>
      %add3A_175 = arith.constant 1792 : i32
      %add3A_176 = vector.broadcast %add3A_175 : i32 to vector<16xi32>
      %add3A_177 = arith.addi %and3A_174, %add3A_176 : vector<16xi32>
      %broadcast_in_dim3A_178 = arith.constant true
      %broadcast_in_dim3A_179 = vector.broadcast %broadcast_in_dim3A_178 : i1 to vector<16xi1>
      %unique3A_180, %unique3A_181 = tpu.scan_count mask(%broadcast_in_dim3A_179 : vector<16xi1>) value(%add3A_177 : vector<16xi32>) : vector<16xi1>, vector<16xi32>
      tpu.vector_store_idx %arg17[%add3A_177], %unique3A_181 masked %unique3A_180 {add = true} : memref<2048xi32, #tpu.memory_space<vmem>>[vector<16xi32>], vector<16xi32>, vector<16xi1>
      %scan3A_182 = arith.constant 0 : i32
      %scan3A_183 = arith.constant 0 : i32
      %scan3A_184 = arith.constant 128 : i32
      %scan3A_185 = arith.addi %scan3A_183, %scan3A_184 : i32
      %scan3A_186 = arith.constant 1 : i32
      %scan3A_187 = scf.for %scan3A_1265 = %scan3A_183 to %scan3A_185 step %scan3A_186 iter_args(%scan3A_1266 = %scan3A_182) -> (i32)  : i32 {
        %mul3A_1267 = arith.constant 16 : i32
        %mul3A_1268 = arith.muli %scan3A_1265, %mul3A_1267 : i32
        %get3A_1269 = arith.index_cast %mul3A_1268 : i32 to index
        %get3A_1270 = tpu.vector_load %arg17[%get3A_1269] {strides = array<i32>} : memref<2048xi32, #tpu.memory_space<vmem>>, vector<16xi32>,
        %broadcast_in_dim3A_1271 = arith.constant true
        %broadcast_in_dim3A_1272 = vector.broadcast %broadcast_in_dim3A_1271 : i1 to vector<16xi1>
        %masked_cumsum3A = tpu.scan <sum>, %get3A_1270 masked %broadcast_in_dim3A_1272 : vector<16xi32>, vector<16xi1> -> vector<16xi32>
        %sub3A_1273 = arith.subi %masked_cumsum3A, %get3A_1270 : vector<16xi32>
        %add3A_1274 = vector.broadcast %scan3A_1266 : i32 to vector<16xi32>
        %add3A_1275 = arith.addi %sub3A_1273, %add3A_1274 : vector<16xi32>
        %swap3A_1276 = arith.index_cast %mul3A_1268 : i32 to index
        %swap3A_1277 = tpu.vector_load %arg17[%swap3A_1276] {strides = array<i32>} : memref<2048xi32, #tpu.memory_space<vmem>>, vector<16xi32>,
        tpu.vector_store %arg17[%swap3A_1276], %add3A_1275 {strides = array<i32>} : memref<2048xi32, #tpu.memory_space<vmem>>, vector<16xi32>,
        %reduce_sum3A = arith.constant true
        %reduce_sum3A_1278 = vector.broadcast %reduce_sum3A : i1 to vector<16xi1>
        %reduce_sum3A_1279 = tpu.scan <sum>, %get3A_1270 masked %reduce_sum3A_1278 : vector<16xi32>, vector<16xi1> -> vector<16xi32>
        %reduce_sum3A_1280 = vector.extract %reduce_sum3A_1279[15] : i32 from vector<16xi32>
        %add3A_1281 = arith.addi %scan3A_1266, %reduce_sum3A_1280 : i32
        %add3A_1282 = arith.constant 1 : i32
        %add3A_1283 = arith.addi %scan3A_1265, %add3A_1282 : i32
        %jit3A = arith.constant 16 : i32
        %eq3A = arith.constant 0 : i32
        %eq3A_1284 = arith.cmpi eq, %jit3A, %eq3A : i32
        %jit3A_1285 = arith.constant 1 : i32
        %select_n3A = arith.select %eq3A_1284, %jit3A_1285, %jit3A : i32
        %rem3A = arith.remsi %add3A_1283, %select_n3A : i32
        %ne3A = arith.constant 0 : i32
        %ne3A_1286 = arith.cmpi ne, %rem3A, %ne3A : i32
        %lt3A_1287 = arith.constant 0 : i32
        %lt3A_1288 = arith.cmpi slt, %rem3A, %lt3A_1287 : i32
        %lt3A_1289 = arith.constant 0 : i32
        %lt3A_1290 = arith.cmpi slt, %select_n3A, %lt3A_1289 : i32
        %ne3A_1291 = arith.xori %lt3A_1288, %lt3A_1290 : i1
        %and3A_1292 = arith.andi %ne3A_1291, %ne3A_1286 : i1
        %add3A_1293 = arith.addi %rem3A, %select_n3A : i32
        %select_n3A_1294 = arith.select %and3A_1292, %add3A_1293, %rem3A : i32
        %eq3A_1295 = arith.constant 0 : i32
        %eq3A_1296 = arith.cmpi eq, %select_n3A_1294, %eq3A_1295 : i32
        %jit3A_1297 = arith.constant 0 : i32
        %select_n3A_1298 = arith.select %eq3A_1296, %jit3A_1297, %add3A_1281 : i32
        scf.yield %select_n3A_1298 : i32
      }
      %scan3A_188 = arith.constant 128 : i32
      %get3A_189 = arith.constant 0 : index
      %get3A_190 = tpu.vector_load %arg8[%get3A_189] {strides = array<i32>} : memref<3136xi32, #tpu.memory_space<vmem>>, vector<16xi32>,
      %get3A_191 = arith.constant 0 : index
      %get3A_192 = tpu.vector_load %arg9[%get3A_191] {strides = array<i32>} : memref<3136xi32, #tpu.memory_space<vmem>>, vector<16xi32>,
      %shift_right_logical3A_193 = arith.constant 0 : i32
      %shift_right_logical3A_194 = vector.broadcast %shift_right_logical3A_193 : i32 to vector<16xi32>
      %shift_right_logical3A_195 = arith.shrui %get3A_190, %shift_right_logical3A_194 : vector<16xi32>
      %and3A_196 = arith.constant 255 : i32
      %and3A_197 = vector.broadcast %and3A_196 : i32 to vector<16xi32>
      %and3A_198 = arith.andi %shift_right_logical3A_195, %and3A_197 : vector<16xi32>
      %add3A_199 = arith.constant 0 : i32
      %add3A_200 = vector.broadcast %add3A_199 : i32 to vector<16xi32>
      %add3A_201 = arith.addi %and3A_198, %add3A_200 : vector<16xi32>
      %broadcast_in_dim3A_202 = arith.constant true
      %broadcast_in_dim3A_203 = vector.broadcast %broadcast_in_dim3A_202 : i1 to vector<16xi1>
      %unique3A_204, %unique3A_205 = tpu.scan_count mask(%broadcast_in_dim3A_203 : vector<16xi1>) value(%add3A_201 : vector<16xi32>) : vector<16xi1>, vector<16xi32>
      %get3A_206 = arith.constant 0 : index
      %get3A_207 = tpu.vector_load %arg12[%get3A_206] {strides = array<i32>} : memref<3136xi32, #tpu.memory_space<vmem>>, vector<16xi32>,
      %get3A_208 = arith.constant 0 : index
      %get3A_209 = tpu.vector_load %arg13[%get3A_208] {strides = array<i32>} : memref<3136xi32, #tpu.memory_space<vmem>>, vector<16xi32>,
      %shift_right_logical3A_210 = arith.constant 0 : i32
      %shift_right_logical3A_211 = vector.broadcast %shift_right_logical3A_210 : i32 to vector<16xi32>
      %shift_right_logical3A_212 = arith.shrui %get3A_207, %shift_right_logical3A_211 : vector<16xi32>
      %and3A_213 = arith.constant 255 : i32
      %and3A_214 = vector.broadcast %and3A_213 : i32 to vector<16xi32>
      %and3A_215 = arith.andi %shift_right_logical3A_212, %and3A_214 : vector<16xi32>
      %add3A_216 = arith.constant 1024 : i32
      %add3A_217 = vector.broadcast %add3A_216 : i32 to vector<16xi32>
      %add3A_218 = arith.addi %and3A_215, %add3A_217 : vector<16xi32>
      %broadcast_in_dim3A_219 = arith.constant true
      %broadcast_in_dim3A_220 = vector.broadcast %broadcast_in_dim3A_219 : i1 to vector<16xi1>
      %unique3A_221, %unique3A_222 = tpu.scan_count mask(%broadcast_in_dim3A_220 : vector<16xi1>) value(%add3A_218 : vector<16xi32>) : vector<16xi1>, vector<16xi32>
      %scan3A_223 = arith.constant 0 : i32
      %scan3A_224 = arith.constant 195 : i32
      %scan3A_225 = arith.addi %scan3A_223, %scan3A_224 : i32
      %scan3A_226 = arith.constant 1 : i32
      %scan3A_227:10 = scf.for %scan3A_1265 = %scan3A_223 to %scan3A_225 step %scan3A_226 iter_args(%scan3A_1266 = %get3A_190, %scan3A_1267 = %get3A_192, %scan3A_1268 = %add3A_201, %scan3A_1269 = %unique3A_205, %scan3A_1270 = %unique3A_204, %scan3A_1271 = %get3A_207, %scan3A_1272 = %get3A_209, %scan3A_1273 = %add3A_218, %scan3A_1274 = %unique3A_222, %scan3A_1275 = %unique3A_221) -> (vector<16xi32>, vector<16xi32>, vector<16xi32>, vector<16xi32>, vector<16xi1>, vector<16xi32>, vector<16xi32>, vector<16xi32>, vector<16xi32>, vector<16xi1>)  : i32 {
        %add3A_1276 = arith.constant 1 : i32
        %add3A_1277 = arith.addi %scan3A_1265, %add3A_1276 : i32
        %mul3A_1278 = arith.constant 16 : i32
        %mul3A_1279 = arith.muli %add3A_1277, %mul3A_1278 : i32
        %get3A_1280 = arith.index_cast %mul3A_1279 : i32 to index
        %get3A_1281 = tpu.vector_load %arg8[%get3A_1280] {strides = array<i32>} : memref<3136xi32, #tpu.memory_space<vmem>>, vector<16xi32>,
        %get3A_1282 = arith.index_cast %mul3A_1279 : i32 to index
        %get3A_1283 = tpu.vector_load %arg9[%get3A_1282] {strides = array<i32>} : memref<3136xi32, #tpu.memory_space<vmem>>, vector<16xi32>,
        %shift_right_logical3A_1284 = arith.constant 0 : i32
        %shift_right_logical3A_1285 = vector.broadcast %shift_right_logical3A_1284 : i32 to vector<16xi32>
        %shift_right_logical3A_1286 = arith.shrui %get3A_1281, %shift_right_logical3A_1285 : vector<16xi32>
        %and3A_1287 = arith.constant 255 : i32
        %and3A_1288 = vector.broadcast %and3A_1287 : i32 to vector<16xi32>
        %and3A_1289 = arith.andi %shift_right_logical3A_1286, %and3A_1288 : vector<16xi32>
        %add3A_1290 = arith.constant 0 : i32
        %add3A_1291 = vector.broadcast %add3A_1290 : i32 to vector<16xi32>
        %add3A_1292 = arith.addi %and3A_1289, %add3A_1291 : vector<16xi32>
        %broadcast_in_dim3A_1293 = arith.constant true
        %broadcast_in_dim3A_1294 = vector.broadcast %broadcast_in_dim3A_1293 : i1 to vector<16xi1>
        %unique3A_1295, %unique3A_1296 = tpu.scan_count mask(%broadcast_in_dim3A_1294 : vector<16xi1>) value(%add3A_1292 : vector<16xi32>) : vector<16xi1>, vector<16xi32>
        %add3A_1297 = arith.constant 1 : i32
        %add3A_1298 = arith.addi %scan3A_1265, %add3A_1297 : i32
        %mul3A_1299 = arith.constant 16 : i32
        %mul3A_1300 = arith.muli %add3A_1298, %mul3A_1299 : i32
        %get3A_1301 = arith.index_cast %mul3A_1300 : i32 to index
        %get3A_1302 = tpu.vector_load %arg12[%get3A_1301] {strides = array<i32>} : memref<3136xi32, #tpu.memory_space<vmem>>, vector<16xi32>,
        %get3A_1303 = arith.index_cast %mul3A_1300 : i32 to index
        %get3A_1304 = tpu.vector_load %arg13[%get3A_1303] {strides = array<i32>} : memref<3136xi32, #tpu.memory_space<vmem>>, vector<16xi32>,
        %shift_right_logical3A_1305 = arith.constant 0 : i32
        %shift_right_logical3A_1306 = vector.broadcast %shift_right_logical3A_1305 : i32 to vector<16xi32>
        %shift_right_logical3A_1307 = arith.shrui %get3A_1302, %shift_right_logical3A_1306 : vector<16xi32>
        %and3A_1308 = arith.constant 255 : i32
        %and3A_1309 = vector.broadcast %and3A_1308 : i32 to vector<16xi32>
        %and3A_1310 = arith.andi %shift_right_logical3A_1307, %and3A_1309 : vector<16xi32>
        %add3A_1311 = arith.constant 1024 : i32
        %add3A_1312 = vector.broadcast %add3A_1311 : i32 to vector<16xi32>
        %add3A_1313 = arith.addi %and3A_1310, %add3A_1312 : vector<16xi32>
        %broadcast_in_dim3A_1314 = arith.constant true
        %broadcast_in_dim3A_1315 = vector.broadcast %broadcast_in_dim3A_1314 : i1 to vector<16xi1>
        %unique3A_1316, %unique3A_1317 = tpu.scan_count mask(%broadcast_in_dim3A_1315 : vector<16xi1>) value(%add3A_1313 : vector<16xi32>) : vector<16xi1>, vector<16xi32>
        %gather3A_1318 = tpu.vector_load_idx %arg17[%scan3A_1268] : memref<2048xi32, #tpu.memory_space<vmem>>[vector<16xi32>], vector<16xi32>,
        %add3A_1319 = arith.addi %gather3A_1318, %scan3A_1269 : vector<16xi32>
        %sub3A_1320 = arith.constant 1 : i32
        %sub3A_1321 = vector.broadcast %sub3A_1320 : i32 to vector<16xi32>
        %sub3A_1322 = arith.subi %add3A_1319, %sub3A_1321 : vector<16xi32>
        tpu.vector_store_idx %arg10[%sub3A_1322], %scan3A_1266 : memref<3136xi32, #tpu.memory_space<vmem>>[vector<16xi32>], vector<16xi32>,
        tpu.vector_store_idx %arg11[%sub3A_1322], %scan3A_1267 : memref<3136xi32, #tpu.memory_space<vmem>>[vector<16xi32>], vector<16xi32>,
        tpu.vector_store_idx %arg17[%scan3A_1268], %scan3A_1269 masked %scan3A_1270 {add = true} : memref<2048xi32, #tpu.memory_space<vmem>>[vector<16xi32>], vector<16xi32>, vector<16xi1>
        %gather3A_1323 = tpu.vector_load_idx %arg17[%scan3A_1273] : memref<2048xi32, #tpu.memory_space<vmem>>[vector<16xi32>], vector<16xi32>,
        %add3A_1324 = arith.addi %gather3A_1323, %scan3A_1274 : vector<16xi32>
        %sub3A_1325 = arith.constant 1 : i32
        %sub3A_1326 = vector.broadcast %sub3A_1325 : i32 to vector<16xi32>
        %sub3A_1327 = arith.subi %add3A_1324, %sub3A_1326 : vector<16xi32>
        tpu.vector_store_idx %arg14[%sub3A_1327], %scan3A_1271 : memref<3136xi32, #tpu.memory_space<vmem>>[vector<16xi32>], vector<16xi32>,
        tpu.vector_store_idx %arg15[%sub3A_1327], %scan3A_1272 : memref<3136xi32, #tpu.memory_space<vmem>>[vector<16xi32>], vector<16xi32>,
        tpu.vector_store_idx %arg17[%scan3A_1273], %scan3A_1274 masked %scan3A_1275 {add = true} : memref<2048xi32, #tpu.memory_space<vmem>>[vector<16xi32>], vector<16xi32>, vector<16xi1>
        scf.yield %get3A_1281, %get3A_1283, %add3A_1292, %unique3A_1296, %unique3A_1295, %get3A_1302, %get3A_1304, %add3A_1313, %unique3A_1317, %unique3A_1316 : vector<16xi32>, vector<16xi32>, vector<16xi32>, vector<16xi32>, vector<16xi1>, vector<16xi32>, vector<16xi32>, vector<16xi32>, vector<16xi32>, vector<16xi1>
      }
      %scan3A_228 = arith.constant 195 : i32
      %gather3A = tpu.vector_load_idx %arg17[%scan3A_227#2] : memref<2048xi32, #tpu.memory_space<vmem>>[vector<16xi32>], vector<16xi32>,
      %add3A_229 = arith.addi %gather3A, %scan3A_227#3 : vector<16xi32>
      %sub3A_230 = arith.constant 1 : i32
      %sub3A_231 = vector.broadcast %sub3A_230 : i32 to vector<16xi32>
      %sub3A_232 = arith.subi %add3A_229, %sub3A_231 : vector<16xi32>
      tpu.vector_store_idx %arg10[%sub3A_232], %scan3A_227#0 : memref<3136xi32, #tpu.memory_space<vmem>>[vector<16xi32>], vector<16xi32>,
      tpu.vector_store_idx %arg11[%sub3A_232], %scan3A_227#1 : memref<3136xi32, #tpu.memory_space<vmem>>[vector<16xi32>], vector<16xi32>,
      tpu.vector_store_idx %arg17[%scan3A_227#2], %scan3A_227#3 masked %scan3A_227#4 {add = true} : memref<2048xi32, #tpu.memory_space<vmem>>[vector<16xi32>], vector<16xi32>, vector<16xi1>
      %gather3A_233 = tpu.vector_load_idx %arg17[%scan3A_227#7] : memref<2048xi32, #tpu.memory_space<vmem>>[vector<16xi32>], vector<16xi32>,
      %add3A_234 = arith.addi %gather3A_233, %scan3A_227#8 : vector<16xi32>
      %sub3A_235 = arith.constant 1 : i32
      %sub3A_236 = vector.broadcast %sub3A_235 : i32 to vector<16xi32>
      %sub3A_237 = arith.subi %add3A_234, %sub3A_236 : vector<16xi32>
      tpu.vector_store_idx %arg14[%sub3A_237], %scan3A_227#5 : memref<3136xi32, #tpu.memory_space<vmem>>[vector<16xi32>], vector<16xi32>,
      tpu.vector_store_idx %arg15[%sub3A_237], %scan3A_227#6 : memref<3136xi32, #tpu.memory_space<vmem>>[vector<16xi32>], vector<16xi32>,
      tpu.vector_store_idx %arg17[%scan3A_227#7], %scan3A_227#8 masked %scan3A_227#9 {add = true} : memref<2048xi32, #tpu.memory_space<vmem>>[vector<16xi32>], vector<16xi32>, vector<16xi1>
      %get3A_238 = arith.constant 0 : index
      %get3A_239 = tpu.vector_load %arg10[%get3A_238] {strides = array<i32>} : memref<3136xi32, #tpu.memory_space<vmem>>, vector<16xi32>,
      %get3A_240 = arith.constant 0 : index
      %get3A_241 = tpu.vector_load %arg11[%get3A_240] {strides = array<i32>} : memref<3136xi32, #tpu.memory_space<vmem>>, vector<16xi32>,
      %shift_right_logical3A_242 = arith.constant 8 : i32
      %shift_right_logical3A_243 = vector.broadcast %shift_right_logical3A_242 : i32 to vector<16xi32>
      %shift_right_logical3A_244 = arith.shrui %get3A_239, %shift_right_logical3A_243 : vector<16xi32>
      %and3A_245 = arith.constant 255 : i32
      %and3A_246 = vector.broadcast %and3A_245 : i32 to vector<16xi32>
      %and3A_247 = arith.andi %shift_right_logical3A_244, %and3A_246 : vector<16xi32>
      %add3A_248 = arith.constant 256 : i32
      %add3A_249 = vector.broadcast %add3A_248 : i32 to vector<16xi32>
      %add3A_250 = arith.addi %and3A_247, %add3A_249 : vector<16xi32>
      %broadcast_in_dim3A_251 = arith.constant true
      %broadcast_in_dim3A_252 = vector.broadcast %broadcast_in_dim3A_251 : i1 to vector<16xi1>
      %unique3A_253, %unique3A_254 = tpu.scan_count mask(%broadcast_in_dim3A_252 : vector<16xi1>) value(%add3A_250 : vector<16xi32>) : vector<16xi1>, vector<16xi32>
      %get3A_255 = arith.constant 0 : index
      %get3A_256 = tpu.vector_load %arg14[%get3A_255] {strides = array<i32>} : memref<3136xi32, #tpu.memory_space<vmem>>, vector<16xi32>,
      %get3A_257 = arith.constant 0 : index
      %get3A_258 = tpu.vector_load %arg15[%get3A_257] {strides = array<i32>} : memref<3136xi32, #tpu.memory_space<vmem>>, vector<16xi32>,
      %shift_right_logical3A_259 = arith.constant 8 : i32
      %shift_right_logical3A_260 = vector.broadcast %shift_right_logical3A_259 : i32 to vector<16xi32>
      %shift_right_logical3A_261 = arith.shrui %get3A_256, %shift_right_logical3A_260 : vector<16xi32>
      %and3A_262 = arith.constant 255 : i32
      %and3A_263 = vector.broadcast %and3A_262 : i32 to vector<16xi32>
      %and3A_264 = arith.andi %shift_right_logical3A_261, %and3A_263 : vector<16xi32>
      %add3A_265 = arith.constant 1280 : i32
      %add3A_266 = vector.broadcast %add3A_265 : i32 to vector<16xi32>
      %add3A_267 = arith.addi %and3A_264, %add3A_266 : vector<16xi32>
      %broadcast_in_dim3A_268 = arith.constant true
      %broadcast_in_dim3A_269 = vector.broadcast %broadcast_in_dim3A_268 : i1 to vector<16xi1>
      %unique3A_270, %unique3A_271 = tpu.scan_count mask(%broadcast_in_dim3A_269 : vector<16xi1>) value(%add3A_267 : vector<16xi32>) : vector<16xi1>, vector<16xi32>
      %scan3A_272 = arith.constant 0 : i32
      %scan3A_273 = arith.constant 195 : i32
      %scan3A_274 = arith.addi %scan3A_272, %scan3A_273 : i32
      %scan3A_275 = arith.constant 1 : i32
      %scan3A_276:10 = scf.for %scan3A_1265 = %scan3A_272 to %scan3A_274 step %scan3A_275 iter_args(%scan3A_1266 = %get3A_239, %scan3A_1267 = %get3A_241, %scan3A_1268 = %add3A_250, %scan3A_1269 = %unique3A_254, %scan3A_1270 = %unique3A_253, %scan3A_1271 = %get3A_256, %scan3A_1272 = %get3A_258, %scan3A_1273 = %add3A_267, %scan3A_1274 = %unique3A_271, %scan3A_1275 = %unique3A_270) -> (vector<16xi32>, vector<16xi32>, vector<16xi32>, vector<16xi32>, vector<16xi1>, vector<16xi32>, vector<16xi32>, vector<16xi32>, vector<16xi32>, vector<16xi1>)  : i32 {
        %add3A_1276 = arith.constant 1 : i32
        %add3A_1277 = arith.addi %scan3A_1265, %add3A_1276 : i32
        %mul3A_1278 = arith.constant 16 : i32
        %mul3A_1279 = arith.muli %add3A_1277, %mul3A_1278 : i32
        %get3A_1280 = arith.index_cast %mul3A_1279 : i32 to index
        %get3A_1281 = tpu.vector_load %arg10[%get3A_1280] {strides = array<i32>} : memref<3136xi32, #tpu.memory_space<vmem>>, vector<16xi32>,
        %get3A_1282 = arith.index_cast %mul3A_1279 : i32 to index
        %get3A_1283 = tpu.vector_load %arg11[%get3A_1282] {strides = array<i32>} : memref<3136xi32, #tpu.memory_space<vmem>>, vector<16xi32>,
        %shift_right_logical3A_1284 = arith.constant 8 : i32
        %shift_right_logical3A_1285 = vector.broadcast %shift_right_logical3A_1284 : i32 to vector<16xi32>
        %shift_right_logical3A_1286 = arith.shrui %get3A_1281, %shift_right_logical3A_1285 : vector<16xi32>
        %and3A_1287 = arith.constant 255 : i32
        %and3A_1288 = vector.broadcast %and3A_1287 : i32 to vector<16xi32>
        %and3A_1289 = arith.andi %shift_right_logical3A_1286, %and3A_1288 : vector<16xi32>
        %add3A_1290 = arith.constant 256 : i32
        %add3A_1291 = vector.broadcast %add3A_1290 : i32 to vector<16xi32>
        %add3A_1292 = arith.addi %and3A_1289, %add3A_1291 : vector<16xi32>
        %broadcast_in_dim3A_1293 = arith.constant true
        %broadcast_in_dim3A_1294 = vector.broadcast %broadcast_in_dim3A_1293 : i1 to vector<16xi1>
        %unique3A_1295, %unique3A_1296 = tpu.scan_count mask(%broadcast_in_dim3A_1294 : vector<16xi1>) value(%add3A_1292 : vector<16xi32>) : vector<16xi1>, vector<16xi32>
        %add3A_1297 = arith.constant 1 : i32
        %add3A_1298 = arith.addi %scan3A_1265, %add3A_1297 : i32
        %mul3A_1299 = arith.constant 16 : i32
        %mul3A_1300 = arith.muli %add3A_1298, %mul3A_1299 : i32
        %get3A_1301 = arith.index_cast %mul3A_1300 : i32 to index
        %get3A_1302 = tpu.vector_load %arg14[%get3A_1301] {strides = array<i32>} : memref<3136xi32, #tpu.memory_space<vmem>>, vector<16xi32>,
        %get3A_1303 = arith.index_cast %mul3A_1300 : i32 to index
        %get3A_1304 = tpu.vector_load %arg15[%get3A_1303] {strides = array<i32>} : memref<3136xi32, #tpu.memory_space<vmem>>, vector<16xi32>,
        %shift_right_logical3A_1305 = arith.constant 8 : i32
        %shift_right_logical3A_1306 = vector.broadcast %shift_right_logical3A_1305 : i32 to vector<16xi32>
        %shift_right_logical3A_1307 = arith.shrui %get3A_1302, %shift_right_logical3A_1306 : vector<16xi32>
        %and3A_1308 = arith.constant 255 : i32
        %and3A_1309 = vector.broadcast %and3A_1308 : i32 to vector<16xi32>
        %and3A_1310 = arith.andi %shift_right_logical3A_1307, %and3A_1309 : vector<16xi32>
        %add3A_1311 = arith.constant 1280 : i32
        %add3A_1312 = vector.broadcast %add3A_1311 : i32 to vector<16xi32>
        %add3A_1313 = arith.addi %and3A_1310, %add3A_1312 : vector<16xi32>
        %broadcast_in_dim3A_1314 = arith.constant true
        %broadcast_in_dim3A_1315 = vector.broadcast %broadcast_in_dim3A_1314 : i1 to vector<16xi1>
        %unique3A_1316, %unique3A_1317 = tpu.scan_count mask(%broadcast_in_dim3A_1315 : vector<16xi1>) value(%add3A_1313 : vector<16xi32>) : vector<16xi1>, vector<16xi32>
        %gather3A_1318 = tpu.vector_load_idx %arg17[%scan3A_1268] : memref<2048xi32, #tpu.memory_space<vmem>>[vector<16xi32>], vector<16xi32>,
        %add3A_1319 = arith.addi %gather3A_1318, %scan3A_1269 : vector<16xi32>
        %sub3A_1320 = arith.constant 1 : i32
        %sub3A_1321 = vector.broadcast %sub3A_1320 : i32 to vector<16xi32>
        %sub3A_1322 = arith.subi %add3A_1319, %sub3A_1321 : vector<16xi32>
        tpu.vector_store_idx %arg8[%sub3A_1322], %scan3A_1266 : memref<3136xi32, #tpu.memory_space<vmem>>[vector<16xi32>], vector<16xi32>,
        tpu.vector_store_idx %arg9[%sub3A_1322], %scan3A_1267 : memref<3136xi32, #tpu.memory_space<vmem>>[vector<16xi32>], vector<16xi32>,
        tpu.vector_store_idx %arg17[%scan3A_1268], %scan3A_1269 masked %scan3A_1270 {add = true} : memref<2048xi32, #tpu.memory_space<vmem>>[vector<16xi32>], vector<16xi32>, vector<16xi1>
        %gather3A_1323 = tpu.vector_load_idx %arg17[%scan3A_1273] : memref<2048xi32, #tpu.memory_space<vmem>>[vector<16xi32>], vector<16xi32>,
        %add3A_1324 = arith.addi %gather3A_1323, %scan3A_1274 : vector<16xi32>
        %sub3A_1325 = arith.constant 1 : i32
        %sub3A_1326 = vector.broadcast %sub3A_1325 : i32 to vector<16xi32>
        %sub3A_1327 = arith.subi %add3A_1324, %sub3A_1326 : vector<16xi32>
        tpu.vector_store_idx %arg12[%sub3A_1327], %scan3A_1271 : memref<3136xi32, #tpu.memory_space<vmem>>[vector<16xi32>], vector<16xi32>,
        tpu.vector_store_idx %arg13[%sub3A_1327], %scan3A_1272 : memref<3136xi32, #tpu.memory_space<vmem>>[vector<16xi32>], vector<16xi32>,
        tpu.vector_store_idx %arg17[%scan3A_1273], %scan3A_1274 masked %scan3A_1275 {add = true} : memref<2048xi32, #tpu.memory_space<vmem>>[vector<16xi32>], vector<16xi32>, vector<16xi1>
        scf.yield %get3A_1281, %get3A_1283, %add3A_1292, %unique3A_1296, %unique3A_1295, %get3A_1302, %get3A_1304, %add3A_1313, %unique3A_1317, %unique3A_1316 : vector<16xi32>, vector<16xi32>, vector<16xi32>, vector<16xi32>, vector<16xi1>, vector<16xi32>, vector<16xi32>, vector<16xi32>, vector<16xi32>, vector<16xi1>
      }
      %scan3A_277 = arith.constant 195 : i32
      %gather3A_278 = tpu.vector_load_idx %arg17[%scan3A_276#2] : memref<2048xi32, #tpu.memory_space<vmem>>[vector<16xi32>], vector<16xi32>,
      %add3A_279 = arith.addi %gather3A_278, %scan3A_276#3 : vector<16xi32>
      %sub3A_280 = arith.constant 1 : i32
      %sub3A_281 = vector.broadcast %sub3A_280 : i32 to vector<16xi32>
      %sub3A_282 = arith.subi %add3A_279, %sub3A_281 : vector<16xi32>
      tpu.vector_store_idx %arg8[%sub3A_282], %scan3A_276#0 : memref<3136xi32, #tpu.memory_space<vmem>>[vector<16xi32>], vector<16xi32>,
      tpu.vector_store_idx %arg9[%sub3A_282], %scan3A_276#1 : memref<3136xi32, #tpu.memory_space<vmem>>[vector<16xi32>], vector<16xi32>,
      tpu.vector_store_idx %arg17[%scan3A_276#2], %scan3A_276#3 masked %scan3A_276#4 {add = true} : memref<2048xi32, #tpu.memory_space<vmem>>[vector<16xi32>], vector<16xi32>, vector<16xi1>
      %gather3A_283 = tpu.vector_load_idx %arg17[%scan3A_276#7] : memref<2048xi32, #tpu.memory_space<vmem>>[vector<16xi32>], vector<16xi32>,
      %add3A_284 = arith.addi %gather3A_283, %scan3A_276#8 : vector<16xi32>
      %sub3A_285 = arith.constant 1 : i32
      %sub3A_286 = vector.broadcast %sub3A_285 : i32 to vector<16xi32>
      %sub3A_287 = arith.subi %add3A_284, %sub3A_286 : vector<16xi32>
      tpu.vector_store_idx %arg12[%sub3A_287], %scan3A_276#5 : memref<3136xi32, #tpu.memory_space<vmem>>[vector<16xi32>], vector<16xi32>,
      tpu.vector_store_idx %arg13[%sub3A_287], %scan3A_276#6 : memref<3136xi32, #tpu.memory_space<vmem>>[vector<16xi32>], vector<16xi32>,
      tpu.vector_store_idx %arg17[%scan3A_276#7], %scan3A_276#8 masked %scan3A_276#9 {add = true} : memref<2048xi32, #tpu.memory_space<vmem>>[vector<16xi32>], vector<16xi32>, vector<16xi1>
      %get3A_288 = arith.constant 0 : index
      %get3A_289 = tpu.vector_load %arg8[%get3A_288] {strides = array<i32>} : memref<3136xi32, #tpu.memory_space<vmem>>, vector<16xi32>,
      %get3A_290 = arith.constant 0 : index
      %get3A_291 = tpu.vector_load %arg9[%get3A_290] {strides = array<i32>} : memref<3136xi32, #tpu.memory_space<vmem>>, vector<16xi32>,
      %shift_right_logical3A_292 = arith.constant 16 : i32
      %shift_right_logical3A_293 = vector.broadcast %shift_right_logical3A_292 : i32 to vector<16xi32>
      %shift_right_logical3A_294 = arith.shrui %get3A_289, %shift_right_logical3A_293 : vector<16xi32>
      %and3A_295 = arith.constant 255 : i32
      %and3A_296 = vector.broadcast %and3A_295 : i32 to vector<16xi32>
      %and3A_297 = arith.andi %shift_right_logical3A_294, %and3A_296 : vector<16xi32>
      %add3A_298 = arith.constant 512 : i32
      %add3A_299 = vector.broadcast %add3A_298 : i32 to vector<16xi32>
      %add3A_300 = arith.addi %and3A_297, %add3A_299 : vector<16xi32>
      %broadcast_in_dim3A_301 = arith.constant true
      %broadcast_in_dim3A_302 = vector.broadcast %broadcast_in_dim3A_301 : i1 to vector<16xi1>
      %unique3A_303, %unique3A_304 = tpu.scan_count mask(%broadcast_in_dim3A_302 : vector<16xi1>) value(%add3A_300 : vector<16xi32>) : vector<16xi1>, vector<16xi32>
      %get3A_305 = arith.constant 0 : index
      %get3A_306 = tpu.vector_load %arg12[%get3A_305] {strides = array<i32>} : memref<3136xi32, #tpu.memory_space<vmem>>, vector<16xi32>,
      %get3A_307 = arith.constant 0 : index
      %get3A_308 = tpu.vector_load %arg13[%get3A_307] {strides = array<i32>} : memref<3136xi32, #tpu.memory_space<vmem>>, vector<16xi32>,
      %shift_right_logical3A_309 = arith.constant 16 : i32
      %shift_right_logical3A_310 = vector.broadcast %shift_right_logical3A_309 : i32 to vector<16xi32>
      %shift_right_logical3A_311 = arith.shrui %get3A_306, %shift_right_logical3A_310 : vector<16xi32>
      %and3A_312 = arith.constant 255 : i32
      %and3A_313 = vector.broadcast %and3A_312 : i32 to vector<16xi32>
      %and3A_314 = arith.andi %shift_right_logical3A_311, %and3A_313 : vector<16xi32>
      %add3A_315 = arith.constant 1536 : i32
      %add3A_316 = vector.broadcast %add3A_315 : i32 to vector<16xi32>
      %add3A_317 = arith.addi %and3A_314, %add3A_316 : vector<16xi32>
      %broadcast_in_dim3A_318 = arith.constant true
      %broadcast_in_dim3A_319 = vector.broadcast %broadcast_in_dim3A_318 : i1 to vector<16xi1>
      %unique3A_320, %unique3A_321 = tpu.scan_count mask(%broadcast_in_dim3A_319 : vector<16xi1>) value(%add3A_317 : vector<16xi32>) : vector<16xi1>, vector<16xi32>
      %scan3A_322 = arith.constant 0 : i32
      %scan3A_323 = arith.constant 195 : i32
      %scan3A_324 = arith.addi %scan3A_322, %scan3A_323 : i32
      %scan3A_325 = arith.constant 1 : i32
      %scan3A_326:10 = scf.for %scan3A_1265 = %scan3A_322 to %scan3A_324 step %scan3A_325 iter_args(%scan3A_1266 = %get3A_289, %scan3A_1267 = %get3A_291, %scan3A_1268 = %add3A_300, %scan3A_1269 = %unique3A_304, %scan3A_1270 = %unique3A_303, %scan3A_1271 = %get3A_306, %scan3A_1272 = %get3A_308, %scan3A_1273 = %add3A_317, %scan3A_1274 = %unique3A_321, %scan3A_1275 = %unique3A_320) -> (vector<16xi32>, vector<16xi32>, vector<16xi32>, vector<16xi32>, vector<16xi1>, vector<16xi32>, vector<16xi32>, vector<16xi32>, vector<16xi32>, vector<16xi1>)  : i32 {
        %add3A_1276 = arith.constant 1 : i32
        %add3A_1277 = arith.addi %scan3A_1265, %add3A_1276 : i32
        %mul3A_1278 = arith.constant 16 : i32
        %mul3A_1279 = arith.muli %add3A_1277, %mul3A_1278 : i32
        %get3A_1280 = arith.index_cast %mul3A_1279 : i32 to index
        %get3A_1281 = tpu.vector_load %arg8[%get3A_1280] {strides = array<i32>} : memref<3136xi32, #tpu.memory_space<vmem>>, vector<16xi32>,
        %get3A_1282 = arith.index_cast %mul3A_1279 : i32 to index
        %get3A_1283 = tpu.vector_load %arg9[%get3A_1282] {strides = array<i32>} : memref<3136xi32, #tpu.memory_space<vmem>>, vector<16xi32>,
        %shift_right_logical3A_1284 = arith.constant 16 : i32
        %shift_right_logical3A_1285 = vector.broadcast %shift_right_logical3A_1284 : i32 to vector<16xi32>
        %shift_right_logical3A_1286 = arith.shrui %get3A_1281, %shift_right_logical3A_1285 : vector<16xi32>
        %and3A_1287 = arith.constant 255 : i32
        %and3A_1288 = vector.broadcast %and3A_1287 : i32 to vector<16xi32>
        %and3A_1289 = arith.andi %shift_right_logical3A_1286, %and3A_1288 : vector<16xi32>
        %add3A_1290 = arith.constant 512 : i32
        %add3A_1291 = vector.broadcast %add3A_1290 : i32 to vector<16xi32>
        %add3A_1292 = arith.addi %and3A_1289, %add3A_1291 : vector<16xi32>
        %broadcast_in_dim3A_1293 = arith.constant true
        %broadcast_in_dim3A_1294 = vector.broadcast %broadcast_in_dim3A_1293 : i1 to vector<16xi1>
        %unique3A_1295, %unique3A_1296 = tpu.scan_count mask(%broadcast_in_dim3A_1294 : vector<16xi1>) value(%add3A_1292 : vector<16xi32>) : vector<16xi1>, vector<16xi32>
        %add3A_1297 = arith.constant 1 : i32
        %add3A_1298 = arith.addi %scan3A_1265, %add3A_1297 : i32
        %mul3A_1299 = arith.constant 16 : i32
        %mul3A_1300 = arith.muli %add3A_1298, %mul3A_1299 : i32
        %get3A_1301 = arith.index_cast %mul3A_1300 : i32 to index
        %get3A_1302 = tpu.vector_load %arg12[%get3A_1301] {strides = array<i32>} : memref<3136xi32, #tpu.memory_space<vmem>>, vector<16xi32>,
        %get3A_1303 = arith.index_cast %mul3A_1300 : i32 to index
        %get3A_1304 = tpu.vector_load %arg13[%get3A_1303] {strides = array<i32>} : memref<3136xi32, #tpu.memory_space<vmem>>, vector<16xi32>,
        %shift_right_logical3A_1305 = arith.constant 16 : i32
        %shift_right_logical3A_1306 = vector.broadcast %shift_right_logical3A_1305 : i32 to vector<16xi32>
        %shift_right_logical3A_1307 = arith.shrui %get3A_1302, %shift_right_logical3A_1306 : vector<16xi32>
        %and3A_1308 = arith.constant 255 : i32
        %and3A_1309 = vector.broadcast %and3A_1308 : i32 to vector<16xi32>
        %and3A_1310 = arith.andi %shift_right_logical3A_1307, %and3A_1309 : vector<16xi32>
        %add3A_1311 = arith.constant 1536 : i32
        %add3A_1312 = vector.broadcast %add3A_1311 : i32 to vector<16xi32>
        %add3A_1313 = arith.addi %and3A_1310, %add3A_1312 : vector<16xi32>
        %broadcast_in_dim3A_1314 = arith.constant true
        %broadcast_in_dim3A_1315 = vector.broadcast %broadcast_in_dim3A_1314 : i1 to vector<16xi1>
        %unique3A_1316, %unique3A_1317 = tpu.scan_count mask(%broadcast_in_dim3A_1315 : vector<16xi1>) value(%add3A_1313 : vector<16xi32>) : vector<16xi1>, vector<16xi32>
        %gather3A_1318 = tpu.vector_load_idx %arg17[%scan3A_1268] : memref<2048xi32, #tpu.memory_space<vmem>>[vector<16xi32>], vector<16xi32>,
        %add3A_1319 = arith.addi %gather3A_1318, %scan3A_1269 : vector<16xi32>
        %sub3A_1320 = arith.constant 1 : i32
        %sub3A_1321 = vector.broadcast %sub3A_1320 : i32 to vector<16xi32>
        %sub3A_1322 = arith.subi %add3A_1319, %sub3A_1321 : vector<16xi32>
        tpu.vector_store_idx %arg10[%sub3A_1322], %scan3A_1266 : memref<3136xi32, #tpu.memory_space<vmem>>[vector<16xi32>], vector<16xi32>,
        tpu.vector_store_idx %arg11[%sub3A_1322], %scan3A_1267 : memref<3136xi32, #tpu.memory_space<vmem>>[vector<16xi32>], vector<16xi32>,
        tpu.vector_store_idx %arg17[%scan3A_1268], %scan3A_1269 masked %scan3A_1270 {add = true} : memref<2048xi32, #tpu.memory_space<vmem>>[vector<16xi32>], vector<16xi32>, vector<16xi1>
        %gather3A_1323 = tpu.vector_load_idx %arg17[%scan3A_1273] : memref<2048xi32, #tpu.memory_space<vmem>>[vector<16xi32>], vector<16xi32>,
        %add3A_1324 = arith.addi %gather3A_1323, %scan3A_1274 : vector<16xi32>
        %sub3A_1325 = arith.constant 1 : i32
        %sub3A_1326 = vector.broadcast %sub3A_1325 : i32 to vector<16xi32>
        %sub3A_1327 = arith.subi %add3A_1324, %sub3A_1326 : vector<16xi32>
        tpu.vector_store_idx %arg14[%sub3A_1327], %scan3A_1271 : memref<3136xi32, #tpu.memory_space<vmem>>[vector<16xi32>], vector<16xi32>,
        tpu.vector_store_idx %arg15[%sub3A_1327], %scan3A_1272 : memref<3136xi32, #tpu.memory_space<vmem>>[vector<16xi32>], vector<16xi32>,
        tpu.vector_store_idx %arg17[%scan3A_1273], %scan3A_1274 masked %scan3A_1275 {add = true} : memref<2048xi32, #tpu.memory_space<vmem>>[vector<16xi32>], vector<16xi32>, vector<16xi1>
        scf.yield %get3A_1281, %get3A_1283, %add3A_1292, %unique3A_1296, %unique3A_1295, %get3A_1302, %get3A_1304, %add3A_1313, %unique3A_1317, %unique3A_1316 : vector<16xi32>, vector<16xi32>, vector<16xi32>, vector<16xi32>, vector<16xi1>, vector<16xi32>, vector<16xi32>, vector<16xi32>, vector<16xi32>, vector<16xi1>
      }
      %scan3A_327 = arith.constant 195 : i32
      %gather3A_328 = tpu.vector_load_idx %arg17[%scan3A_326#2] : memref<2048xi32, #tpu.memory_space<vmem>>[vector<16xi32>], vector<16xi32>,
      %add3A_329 = arith.addi %gather3A_328, %scan3A_326#3 : vector<16xi32>
      %sub3A_330 = arith.constant 1 : i32
      %sub3A_331 = vector.broadcast %sub3A_330 : i32 to vector<16xi32>
      %sub3A_332 = arith.subi %add3A_329, %sub3A_331 : vector<16xi32>
      tpu.vector_store_idx %arg10[%sub3A_332], %scan3A_326#0 : memref<3136xi32, #tpu.memory_space<vmem>>[vector<16xi32>], vector<16xi32>,
      tpu.vector_store_idx %arg11[%sub3A_332], %scan3A_326#1 : memref<3136xi32, #tpu.memory_space<vmem>>[vector<16xi32>], vector<16xi32>,
      tpu.vector_store_idx %arg17[%scan3A_326#2], %scan3A_326#3 masked %scan3A_326#4 {add = true} : memref<2048xi32, #tpu.memory_space<vmem>>[vector<16xi32>], vector<16xi32>, vector<16xi1>
      %gather3A_333 = tpu.vector_load_idx %arg17[%scan3A_326#7] : memref<2048xi32, #tpu.memory_space<vmem>>[vector<16xi32>], vector<16xi32>,
      %add3A_334 = arith.addi %gather3A_333, %scan3A_326#8 : vector<16xi32>
      %sub3A_335 = arith.constant 1 : i32
      %sub3A_336 = vector.broadcast %sub3A_335 : i32 to vector<16xi32>
      %sub3A_337 = arith.subi %add3A_334, %sub3A_336 : vector<16xi32>
      tpu.vector_store_idx %arg14[%sub3A_337], %scan3A_326#5 : memref<3136xi32, #tpu.memory_space<vmem>>[vector<16xi32>], vector<16xi32>,
      tpu.vector_store_idx %arg15[%sub3A_337], %scan3A_326#6 : memref<3136xi32, #tpu.memory_space<vmem>>[vector<16xi32>], vector<16xi32>,
      tpu.vector_store_idx %arg17[%scan3A_326#7], %scan3A_326#8 masked %scan3A_326#9 {add = true} : memref<2048xi32, #tpu.memory_space<vmem>>[vector<16xi32>], vector<16xi32>, vector<16xi1>
      %ge3A_338 = arith.constant 1 : i32
      %ge3A_339 = arith.cmpi sge, %mul3A_27, %ge3A_338 : i32
      %convert_element_type3A_340 = arith.extui %ge3A_339 : i1 to i32
      %cond3A_341 = arith.constant 0 : i32
      %cond3A_342 = arith.cmpi ne, %convert_element_type3A_340, %cond3A_341 : i32
      scf.if %cond3A_342 {
        %sub3A_1265 = arith.constant 6272 : i32
        %sub3A_1266 = arith.subi %add3A_30, %sub3A_1265 : i32
        %dma_wait3A_1267 = tpu.memref_slice %arg4[%sub3A_1266] : memref<9633792xi32, #tpu.memory_space<hbm>> -> memref<6272xi32, #tpu.memory_space<hbm>>
        %dma_wait3A_1268 = tpu.memref_slice %arg4[%sub3A_1266] : memref<9633792xi32, #tpu.memory_space<hbm>> -> memref<6272xi32, #tpu.memory_space<hbm>>
        tpu.wait_dma2 semaphore(%arg20 : memref<!tpu.dma_semaphore, #tpu.memory_space<semaphore_mem>>) src(%arg16 : memref<6272xi32, #tpu.memory_space<vmem>>) dst(%dma_wait3A_1268 : memref<6272xi32, #tpu.memory_space<hbm>>)
      } else {
      }
      %get3A_343 = arith.constant 0 : index
      %get3A_344 = tpu.vector_load %arg10[%get3A_343] {strides = array<i32>} : memref<3136xi32, #tpu.memory_space<vmem>>, vector<16xi32>,
      %get3A_345 = arith.constant 0 : index
      %get3A_346 = tpu.vector_load %arg11[%get3A_345] {strides = array<i32>} : memref<3136xi32, #tpu.memory_space<vmem>>, vector<16xi32>,
      %shift_right_logical3A_347 = arith.constant 24 : i32
      %shift_right_logical3A_348 = vector.broadcast %shift_right_logical3A_347 : i32 to vector<16xi32>
      %shift_right_logical3A_349 = arith.shrui %get3A_344, %shift_right_logical3A_348 : vector<16xi32>
      %and3A_350 = arith.constant 255 : i32
      %and3A_351 = vector.broadcast %and3A_350 : i32 to vector<16xi32>
      %and3A_352 = arith.andi %shift_right_logical3A_349, %and3A_351 : vector<16xi32>
      %add3A_353 = arith.constant 768 : i32
      %add3A_354 = vector.broadcast %add3A_353 : i32 to vector<16xi32>
      %add3A_355 = arith.addi %and3A_352, %add3A_354 : vector<16xi32>
      %broadcast_in_dim3A_356 = arith.constant true
      %broadcast_in_dim3A_357 = vector.broadcast %broadcast_in_dim3A_356 : i1 to vector<16xi1>
      %unique3A_358, %unique3A_359 = tpu.scan_count mask(%broadcast_in_dim3A_357 : vector<16xi1>) value(%add3A_355 : vector<16xi32>) : vector<16xi1>, vector<16xi32>
      %get3A_360 = arith.constant 0 : index
      %get3A_361 = tpu.vector_load %arg14[%get3A_360] {strides = array<i32>} : memref<3136xi32, #tpu.memory_space<vmem>>, vector<16xi32>,
      %get3A_362 = arith.constant 0 : index
      %get3A_363 = tpu.vector_load %arg15[%get3A_362] {strides = array<i32>} : memref<3136xi32, #tpu.memory_space<vmem>>, vector<16xi32>,
      %shift_right_logical3A_364 = arith.constant 24 : i32
      %shift_right_logical3A_365 = vector.broadcast %shift_right_logical3A_364 : i32 to vector<16xi32>
      %shift_right_logical3A_366 = arith.shrui %get3A_361, %shift_right_logical3A_365 : vector<16xi32>
      %and3A_367 = arith.constant 255 : i32
      %and3A_368 = vector.broadcast %and3A_367 : i32 to vector<16xi32>
      %and3A_369 = arith.andi %shift_right_logical3A_366, %and3A_368 : vector<16xi32>
      %add3A_370 = arith.constant 1792 : i32
      %add3A_371 = vector.broadcast %add3A_370 : i32 to vector<16xi32>
      %add3A_372 = arith.addi %and3A_369, %add3A_371 : vector<16xi32>
      %broadcast_in_dim3A_373 = arith.constant true
      %broadcast_in_dim3A_374 = vector.broadcast %broadcast_in_dim3A_373 : i1 to vector<16xi1>
      %unique3A_375, %unique3A_376 = tpu.scan_count mask(%broadcast_in_dim3A_374 : vector<16xi1>) value(%add3A_372 : vector<16xi32>) : vector<16xi1>, vector<16xi32>
      %scan3A_377 = arith.constant 0 : i32
      %scan3A_378 = arith.constant 195 : i32
      %scan3A_379 = arith.addi %scan3A_377, %scan3A_378 : i32
      %scan3A_380 = arith.constant 1 : i32
      %scan3A_381:10 = scf.for %scan3A_1265 = %scan3A_377 to %scan3A_379 step %scan3A_380 iter_args(%scan3A_1266 = %get3A_344, %scan3A_1267 = %get3A_346, %scan3A_1268 = %add3A_355, %scan3A_1269 = %unique3A_359, %scan3A_1270 = %unique3A_358, %scan3A_1271 = %get3A_361, %scan3A_1272 = %get3A_363, %scan3A_1273 = %add3A_372, %scan3A_1274 = %unique3A_376, %scan3A_1275 = %unique3A_375) -> (vector<16xi32>, vector<16xi32>, vector<16xi32>, vector<16xi32>, vector<16xi1>, vector<16xi32>, vector<16xi32>, vector<16xi32>, vector<16xi32>, vector<16xi1>)  : i32 {
        %add3A_1276 = arith.constant 1 : i32
        %add3A_1277 = arith.addi %scan3A_1265, %add3A_1276 : i32
        %mul3A_1278 = arith.constant 16 : i32
        %mul3A_1279 = arith.muli %add3A_1277, %mul3A_1278 : i32
        %get3A_1280 = arith.index_cast %mul3A_1279 : i32 to index
        %get3A_1281 = tpu.vector_load %arg10[%get3A_1280] {strides = array<i32>} : memref<3136xi32, #tpu.memory_space<vmem>>, vector<16xi32>,
        %get3A_1282 = arith.index_cast %mul3A_1279 : i32 to index
        %get3A_1283 = tpu.vector_load %arg11[%get3A_1282] {strides = array<i32>} : memref<3136xi32, #tpu.memory_space<vmem>>, vector<16xi32>,
        %shift_right_logical3A_1284 = arith.constant 24 : i32
        %shift_right_logical3A_1285 = vector.broadcast %shift_right_logical3A_1284 : i32 to vector<16xi32>
        %shift_right_logical3A_1286 = arith.shrui %get3A_1281, %shift_right_logical3A_1285 : vector<16xi32>
        %and3A_1287 = arith.constant 255 : i32
        %and3A_1288 = vector.broadcast %and3A_1287 : i32 to vector<16xi32>
        %and3A_1289 = arith.andi %shift_right_logical3A_1286, %and3A_1288 : vector<16xi32>
        %add3A_1290 = arith.constant 768 : i32
        %add3A_1291 = vector.broadcast %add3A_1290 : i32 to vector<16xi32>
        %add3A_1292 = arith.addi %and3A_1289, %add3A_1291 : vector<16xi32>
        %broadcast_in_dim3A_1293 = arith.constant true
        %broadcast_in_dim3A_1294 = vector.broadcast %broadcast_in_dim3A_1293 : i1 to vector<16xi1>
        %unique3A_1295, %unique3A_1296 = tpu.scan_count mask(%broadcast_in_dim3A_1294 : vector<16xi1>) value(%add3A_1292 : vector<16xi32>) : vector<16xi1>, vector<16xi32>
        %add3A_1297 = arith.constant 1 : i32
        %add3A_1298 = arith.addi %scan3A_1265, %add3A_1297 : i32
        %mul3A_1299 = arith.constant 16 : i32
        %mul3A_1300 = arith.muli %add3A_1298, %mul3A_1299 : i32
        %get3A_1301 = arith.index_cast %mul3A_1300 : i32 to index
        %get3A_1302 = tpu.vector_load %arg14[%get3A_1301] {strides = array<i32>} : memref<3136xi32, #tpu.memory_space<vmem>>, vector<16xi32>,
        %get3A_1303 = arith.index_cast %mul3A_1300 : i32 to index
        %get3A_1304 = tpu.vector_load %arg15[%get3A_1303] {strides = array<i32>} : memref<3136xi32, #tpu.memory_space<vmem>>, vector<16xi32>,
        %shift_right_logical3A_1305 = arith.constant 24 : i32
        %shift_right_logical3A_1306 = vector.broadcast %shift_right_logical3A_1305 : i32 to vector<16xi32>
        %shift_right_logical3A_1307 = arith.shrui %get3A_1302, %shift_right_logical3A_1306 : vector<16xi32>
        %and3A_1308 = arith.constant 255 : i32
        %and3A_1309 = vector.broadcast %and3A_1308 : i32 to vector<16xi32>
        %and3A_1310 = arith.andi %shift_right_logical3A_1307, %and3A_1309 : vector<16xi32>
        %add3A_1311 = arith.constant 1792 : i32
        %add3A_1312 = vector.broadcast %add3A_1311 : i32 to vector<16xi32>
        %add3A_1313 = arith.addi %and3A_1310, %add3A_1312 : vector<16xi32>
        %broadcast_in_dim3A_1314 = arith.constant true
        %broadcast_in_dim3A_1315 = vector.broadcast %broadcast_in_dim3A_1314 : i1 to vector<16xi1>
        %unique3A_1316, %unique3A_1317 = tpu.scan_count mask(%broadcast_in_dim3A_1315 : vector<16xi1>) value(%add3A_1313 : vector<16xi32>) : vector<16xi1>, vector<16xi32>
        %gather3A_1318 = tpu.vector_load_idx %arg17[%scan3A_1268] : memref<2048xi32, #tpu.memory_space<vmem>>[vector<16xi32>], vector<16xi32>,
        %add3A_1319 = arith.addi %gather3A_1318, %scan3A_1269 : vector<16xi32>
        %sub3A_1320 = arith.constant 1 : i32
        %sub3A_1321 = vector.broadcast %sub3A_1320 : i32 to vector<16xi32>
        %sub3A_1322 = arith.subi %add3A_1319, %sub3A_1321 : vector<16xi32>
        %shift_right_arithmetic3A_1323 = arith.constant 31 : i32
        %shift_right_arithmetic3A_1324 = vector.broadcast %shift_right_arithmetic3A_1323 : i32 to vector<16xi32>
        %shift_right_arithmetic3A_1325 = arith.shrsi %scan3A_1266, %shift_right_arithmetic3A_1324 : vector<16xi32>
        %not3A_1326 = arith.constant dense<-1> : vector<16xi32>
        %not3A_1327 = arith.xori %shift_right_arithmetic3A_1325, %not3A_1326 : vector<16xi32>
        %or3A_1328 = arith.constant -2147483648 : i32
        %or3A_1329 = vector.broadcast %or3A_1328 : i32 to vector<16xi32>
        %or3A_1330 = arith.ori %not3A_1327, %or3A_1329 : vector<16xi32>
        %xor3A_1331 = arith.xori %scan3A_1266, %or3A_1330 : vector<16xi32>
        %bitcast_convert_type3A_1332 = tpu.bitcast %xor3A_1331 : vector<16xi32> -> vector<16xf32>
        %add3A_1333 = arith.constant 0 : i32
        %add3A_1334 = vector.broadcast %add3A_1333 : i32 to vector<16xi32>
        %add3A_1335 = arith.addi %sub3A_1322, %add3A_1334 : vector<16xi32>
        tpu.vector_store_idx %arg5[%add3A_1335], %bitcast_convert_type3A_1332 : memref<6272xf32, #tpu.memory_space<vmem>>[vector<16xi32>], vector<16xf32>,
        %add3A_1336 = arith.constant 0 : i32
        %add3A_1337 = vector.broadcast %add3A_1336 : i32 to vector<16xi32>
        %add3A_1338 = arith.addi %sub3A_1322, %add3A_1337 : vector<16xi32>
        tpu.vector_store_idx %arg16[%add3A_1338], %scan3A_1267 : memref<6272xi32, #tpu.memory_space<vmem>>[vector<16xi32>], vector<16xi32>,
        tpu.vector_store_idx %arg17[%scan3A_1268], %scan3A_1269 masked %scan3A_1270 {add = true} : memref<2048xi32, #tpu.memory_space<vmem>>[vector<16xi32>], vector<16xi32>, vector<16xi1>
        %gather3A_1339 = tpu.vector_load_idx %arg17[%scan3A_1273] : memref<2048xi32, #tpu.memory_space<vmem>>[vector<16xi32>], vector<16xi32>,
        %add3A_1340 = arith.addi %gather3A_1339, %scan3A_1274 : vector<16xi32>
        %sub3A_1341 = arith.constant 1 : i32
        %sub3A_1342 = vector.broadcast %sub3A_1341 : i32 to vector<16xi32>
        %sub3A_1343 = arith.subi %add3A_1340, %sub3A_1342 : vector<16xi32>
        %shift_right_arithmetic3A_1344 = arith.constant 31 : i32
        %shift_right_arithmetic3A_1345 = vector.broadcast %shift_right_arithmetic3A_1344 : i32 to vector<16xi32>
        %shift_right_arithmetic3A_1346 = arith.shrsi %scan3A_1271, %shift_right_arithmetic3A_1345 : vector<16xi32>
        %not3A_1347 = arith.constant dense<-1> : vector<16xi32>
        %not3A_1348 = arith.xori %shift_right_arithmetic3A_1346, %not3A_1347 : vector<16xi32>
        %or3A_1349 = arith.constant -2147483648 : i32
        %or3A_1350 = vector.broadcast %or3A_1349 : i32 to vector<16xi32>
        %or3A_1351 = arith.ori %not3A_1348, %or3A_1350 : vector<16xi32>
        %xor3A_1352 = arith.xori %scan3A_1271, %or3A_1351 : vector<16xi32>
        %bitcast_convert_type3A_1353 = tpu.bitcast %xor3A_1352 : vector<16xi32> -> vector<16xf32>
        %add3A_1354 = arith.constant 3136 : i32
        %add3A_1355 = vector.broadcast %add3A_1354 : i32 to vector<16xi32>
        %add3A_1356 = arith.addi %sub3A_1343, %add3A_1355 : vector<16xi32>
        tpu.vector_store_idx %arg5[%add3A_1356], %bitcast_convert_type3A_1353 : memref<6272xf32, #tpu.memory_space<vmem>>[vector<16xi32>], vector<16xf32>,
        %add3A_1357 = arith.constant 3136 : i32
        %add3A_1358 = vector.broadcast %add3A_1357 : i32 to vector<16xi32>
        %add3A_1359 = arith.addi %sub3A_1343, %add3A_1358 : vector<16xi32>
        tpu.vector_store_idx %arg16[%add3A_1359], %scan3A_1272 : memref<6272xi32, #tpu.memory_space<vmem>>[vector<16xi32>], vector<16xi32>,
        tpu.vector_store_idx %arg17[%scan3A_1273], %scan3A_1274 masked %scan3A_1275 {add = true} : memref<2048xi32, #tpu.memory_space<vmem>>[vector<16xi32>], vector<16xi32>, vector<16xi1>
        scf.yield %get3A_1281, %get3A_1283, %add3A_1292, %unique3A_1296, %unique3A_1295, %get3A_1302, %get3A_1304, %add3A_1313, %unique3A_1317, %unique3A_1316 : vector<16xi32>, vector<16xi32>, vector<16xi32>, vector<16xi32>, vector<16xi1>, vector<16xi32>, vector<16xi32>, vector<16xi32>, vector<16xi32>, vector<16xi1>
      }
      %scan3A_382 = arith.constant 195 : i32
      %gather3A_383 = tpu.vector_load_idx %arg17[%scan3A_381#2] : memref<2048xi32, #tpu.memory_space<vmem>>[vector<16xi32>], vector<16xi32>,
      %add3A_384 = arith.addi %gather3A_383, %scan3A_381#3 : vector<16xi32>
      %sub3A_385 = arith.constant 1 : i32
      %sub3A_386 = vector.broadcast %sub3A_385 : i32 to vector<16xi32>
      %sub3A_387 = arith.subi %add3A_384, %sub3A_386 : vector<16xi32>
      %shift_right_arithmetic3A_388 = arith.constant 31 : i32
      %shift_right_arithmetic3A_389 = vector.broadcast %shift_right_arithmetic3A_388 : i32 to vector<16xi32>
      %shift_right_arithmetic3A_390 = arith.shrsi %scan3A_381#0, %shift_right_arithmetic3A_389 : vector<16xi32>
      %not3A = arith.constant dense<-1> : vector<16xi32>
      %not3A_391 = arith.xori %shift_right_arithmetic3A_390, %not3A : vector<16xi32>
      %or3A_392 = arith.constant -2147483648 : i32
      %or3A_393 = vector.broadcast %or3A_392 : i32 to vector<16xi32>
      %or3A_394 = arith.ori %not3A_391, %or3A_393 : vector<16xi32>
      %xor3A_395 = arith.xori %scan3A_381#0, %or3A_394 : vector<16xi32>
      %bitcast_convert_type3A_396 = tpu.bitcast %xor3A_395 : vector<16xi32> -> vector<16xf32>
      %add3A_397 = arith.constant 0 : i32
      %add3A_398 = vector.broadcast %add3A_397 : i32 to vector<16xi32>
      %add3A_399 = arith.addi %sub3A_387, %add3A_398 : vector<16xi32>
      tpu.vector_store_idx %arg5[%add3A_399], %bitcast_convert_type3A_396 : memref<6272xf32, #tpu.memory_space<vmem>>[vector<16xi32>], vector<16xf32>,
      %add3A_400 = arith.constant 0 : i32
      %add3A_401 = vector.broadcast %add3A_400 : i32 to vector<16xi32>
      %add3A_402 = arith.addi %sub3A_387, %add3A_401 : vector<16xi32>
      tpu.vector_store_idx %arg16[%add3A_402], %scan3A_381#1 : memref<6272xi32, #tpu.memory_space<vmem>>[vector<16xi32>], vector<16xi32>,
      tpu.vector_store_idx %arg17[%scan3A_381#2], %scan3A_381#3 masked %scan3A_381#4 {add = true} : memref<2048xi32, #tpu.memory_space<vmem>>[vector<16xi32>], vector<16xi32>, vector<16xi1>
      %gather3A_403 = tpu.vector_load_idx %arg17[%scan3A_381#7] : memref<2048xi32, #tpu.memory_space<vmem>>[vector<16xi32>], vector<16xi32>,
      %add3A_404 = arith.addi %gather3A_403, %scan3A_381#8 : vector<16xi32>
      %sub3A_405 = arith.constant 1 : i32
      %sub3A_406 = vector.broadcast %sub3A_405 : i32 to vector<16xi32>
      %sub3A_407 = arith.subi %add3A_404, %sub3A_406 : vector<16xi32>
      %shift_right_arithmetic3A_408 = arith.constant 31 : i32
      %shift_right_arithmetic3A_409 = vector.broadcast %shift_right_arithmetic3A_408 : i32 to vector<16xi32>
      %shift_right_arithmetic3A_410 = arith.shrsi %scan3A_381#5, %shift_right_arithmetic3A_409 : vector<16xi32>
      %not3A_411 = arith.constant dense<-1> : vector<16xi32>
      %not3A_412 = arith.xori %shift_right_arithmetic3A_410, %not3A_411 : vector<16xi32>
      %or3A_413 = arith.constant -2147483648 : i32
      %or3A_414 = vector.broadcast %or3A_413 : i32 to vector<16xi32>
      %or3A_415 = arith.ori %not3A_412, %or3A_414 : vector<16xi32>
      %xor3A_416 = arith.xori %scan3A_381#5, %or3A_415 : vector<16xi32>
      %bitcast_convert_type3A_417 = tpu.bitcast %xor3A_416 : vector<16xi32> -> vector<16xf32>
      %add3A_418 = arith.constant 3136 : i32
      %add3A_419 = vector.broadcast %add3A_418 : i32 to vector<16xi32>
      %add3A_420 = arith.addi %sub3A_407, %add3A_419 : vector<16xi32>
      tpu.vector_store_idx %arg5[%add3A_420], %bitcast_convert_type3A_417 : memref<6272xf32, #tpu.memory_space<vmem>>[vector<16xi32>], vector<16xf32>,
      %add3A_421 = arith.constant 3136 : i32
      %add3A_422 = vector.broadcast %add3A_421 : i32 to vector<16xi32>
      %add3A_423 = arith.addi %sub3A_407, %add3A_422 : vector<16xi32>
      tpu.vector_store_idx %arg16[%add3A_423], %scan3A_381#6 : memref<6272xi32, #tpu.memory_space<vmem>>[vector<16xi32>], vector<16xi32>,
      tpu.vector_store_idx %arg17[%scan3A_381#7], %scan3A_381#8 masked %scan3A_381#9 {add = true} : memref<2048xi32, #tpu.memory_space<vmem>>[vector<16xi32>], vector<16xi32>, vector<16xi1>
      %dma_start3A_424 = tpu.memref_slice %arg3[%add3A_30] : memref<9633792xf32, #tpu.memory_space<hbm>> -> memref<6272xf32, #tpu.memory_space<hbm>>
      %dma_start3A_425 = tpu.memref_slice %arg3[%add3A_30] : memref<9633792xf32, #tpu.memory_space<hbm>> -> memref<6272xf32, #tpu.memory_space<hbm>>
      tpu.enqueue_dma source(%arg5 : memref<6272xf32, #tpu.memory_space<vmem>>) target(%dma_start3A_425 : memref<6272xf32, #tpu.memory_space<hbm>>) target_semaphore(%arg19 : memref<!tpu.dma_semaphore, #tpu.memory_space<semaphore_mem>>)
      %dma_start3A_426 = tpu.memref_slice %arg4[%add3A_30] : memref<9633792xi32, #tpu.memory_space<hbm>> -> memref<6272xi32, #tpu.memory_space<hbm>>
      %dma_start3A_427 = tpu.memref_slice %arg4[%add3A_30] : memref<9633792xi32, #tpu.memory_space<hbm>> -> memref<6272xi32, #tpu.memory_space<hbm>>
      tpu.enqueue_dma source(%arg16 : memref<6272xi32, #tpu.memory_space<vmem>>) target(%dma_start3A_427 : memref<6272xi32, #tpu.memory_space<hbm>>) target_semaphore(%arg20 : memref<!tpu.dma_semaphore, #tpu.memory_space<semaphore_mem>>)
      %add3A_428 = arith.constant 1 : i32
      %add3A_429 = arith.addi %mul3A_27, %add3A_428 : i32
      %mul3A_430 = arith.constant 6272 : i32
      %mul3A_431 = arith.muli %add3A_429, %mul3A_430 : i32
      %add3A_432 = arith.addi %mul3A_4, %mul3A_431 : i32
      %dma_wait3A_433 = tpu.memref_slice %arg2[%add3A_432] : memref<9633792xf32, #tpu.memory_space<hbm>> -> memref<6272xf32, #tpu.memory_space<hbm>>
      %dma_wait3A_434 = tpu.memref_slice %arg2[%add3A_432] : memref<9633792xf32, #tpu.memory_space<hbm>> -> memref<6272xf32, #tpu.memory_space<hbm>>
      tpu.wait_dma2 semaphore(%arg18 : memref<!tpu.dma_semaphore, #tpu.memory_space<semaphore_mem>>) src(%dma_wait3A_434 : memref<6272xf32, #tpu.memory_space<hbm>>) dst(%arg6 : memref<6272xf32, #tpu.memory_space<vmem>>)
      %ge3A_435 = arith.constant 2 : i32
      %ge3A_436 = arith.cmpi sge, %add3A_429, %ge3A_435 : i32
      %convert_element_type3A_437 = arith.extui %ge3A_436 : i1 to i32
      %cond3A_438 = arith.constant 0 : i32
      %cond3A_439 = arith.cmpi ne, %convert_element_type3A_437, %cond3A_438 : i32
      scf.if %cond3A_439 {
        %sub3A_1265 = arith.constant 12544 : i32
        %sub3A_1266 = arith.subi %add3A_432, %sub3A_1265 : i32
        %dma_wait3A_1267 = tpu.memref_slice %arg3[%sub3A_1266] : memref<9633792xf32, #tpu.memory_space<hbm>> -> memref<6272xf32, #tpu.memory_space<hbm>>
        %dma_wait3A_1268 = tpu.memref_slice %arg3[%sub3A_1266] : memref<9633792xf32, #tpu.memory_space<hbm>> -> memref<6272xf32, #tpu.memory_space<hbm>>
        tpu.wait_dma2 semaphore(%arg19 : memref<!tpu.dma_semaphore, #tpu.memory_space<semaphore_mem>>) src(%arg7 : memref<6272xf32, #tpu.memory_space<vmem>>) dst(%dma_wait3A_1268 : memref<6272xf32, #tpu.memory_space<hbm>>)
      } else {
      }
      %add3A_440 = arith.constant 1 : i32
      %add3A_441 = arith.addi %add3A_429, %add3A_440 : i32
      %lt3A_442 = arith.constant 48 : i32
      %lt3A_443 = arith.cmpi slt, %add3A_441, %lt3A_442 : i32
      %convert_element_type3A_444 = arith.extui %lt3A_443 : i1 to i32
      %cond3A_445 = arith.constant 0 : i32
      %cond3A_446 = arith.cmpi ne, %convert_element_type3A_444, %cond3A_445 : i32
      scf.if %cond3A_446 {
        %add3A_1265 = arith.constant 6272 : i32
        %add3A_1266 = arith.addi %add3A_432, %add3A_1265 : i32
        %dma_start3A_1267 = tpu.memref_slice %arg2[%add3A_1266] : memref<9633792xf32, #tpu.memory_space<hbm>> -> memref<6272xf32, #tpu.memory_space<hbm>>
        %dma_start3A_1268 = tpu.memref_slice %arg2[%add3A_1266] : memref<9633792xf32, #tpu.memory_space<hbm>> -> memref<6272xf32, #tpu.memory_space<hbm>>
        tpu.enqueue_dma source(%dma_start3A_1268 : memref<6272xf32, #tpu.memory_space<hbm>>) target(%arg7 : memref<6272xf32, #tpu.memory_space<vmem>>) target_semaphore(%arg18 : memref<!tpu.dma_semaphore, #tpu.memory_space<semaphore_mem>>)
      } else {
      }
      %scan3A_447 = arith.constant 0 : i32
      %scan3A_448 = arith.constant 0 : i32
      %scan3A_449 = arith.constant 128 : i32
      %scan3A_450 = arith.addi %scan3A_448, %scan3A_449 : i32
      %scan3A_451 = arith.constant 1 : i32
      %scan3A_452 = scf.for %scan3A_1265 = %scan3A_448 to %scan3A_450 step %scan3A_451 iter_args(%scan3A_1266 = %scan3A_447) -> (i32)  : i32 {
        %broadcast_in_dim3A_1267 = arith.constant 0 : i32
        %broadcast_in_dim3A_1268 = vector.broadcast %broadcast_in_dim3A_1267 : i32 to vector<16xi32>
        %mul3A_1269 = arith.constant 16 : i32
        %mul3A_1270 = arith.muli %scan3A_1265, %mul3A_1269 : i32
        %swap3A_1271 = arith.index_cast %mul3A_1270 : i32 to index
        %swap3A_1272 = tpu.vector_load %arg17[%swap3A_1271] {strides = array<i32>} : memref<2048xi32, #tpu.memory_space<vmem>>, vector<16xi32>,
        tpu.vector_store %arg17[%swap3A_1271], %broadcast_in_dim3A_1268 {strides = array<i32>} : memref<2048xi32, #tpu.memory_space<vmem>>, vector<16xi32>,
        %scan3A_1273 = arith.constant 0 : i32
        scf.yield %scan3A_1273 : i32
      }
      %scan3A_453 = arith.constant 128 : i32
      %get3A_454 = arith.constant 0 : index
      %get3A_455 = tpu.vector_load %arg6[%get3A_454] {strides = array<i32>} : memref<6272xf32, #tpu.memory_space<vmem>>, vector<16xf32>,
      %bitcast_convert_type3A_456 = tpu.bitcast %get3A_455 : vector<16xf32> -> vector<16xi32>
      %shift_right_arithmetic3A_457 = arith.constant 31 : i32
      %shift_right_arithmetic3A_458 = vector.broadcast %shift_right_arithmetic3A_457 : i32 to vector<16xi32>
      %shift_right_arithmetic3A_459 = arith.shrsi %bitcast_convert_type3A_456, %shift_right_arithmetic3A_458 : vector<16xi32>
      %or3A_460 = arith.constant -2147483648 : i32
      %or3A_461 = vector.broadcast %or3A_460 : i32 to vector<16xi32>
      %or3A_462 = arith.ori %shift_right_arithmetic3A_459, %or3A_461 : vector<16xi32>
      %xor3A_463 = arith.xori %bitcast_convert_type3A_456, %or3A_462 : vector<16xi32>
      %get3A_464 = arith.constant 3136 : index
      %get3A_465 = tpu.vector_load %arg6[%get3A_464] {strides = array<i32>} : memref<6272xf32, #tpu.memory_space<vmem>>, vector<16xf32>,
      %bitcast_convert_type3A_466 = tpu.bitcast %get3A_465 : vector<16xf32> -> vector<16xi32>
      %shift_right_arithmetic3A_467 = arith.constant 31 : i32
      %shift_right_arithmetic3A_468 = vector.broadcast %shift_right_arithmetic3A_467 : i32 to vector<16xi32>
      %shift_right_arithmetic3A_469 = arith.shrsi %bitcast_convert_type3A_466, %shift_right_arithmetic3A_468 : vector<16xi32>
      %or3A_470 = arith.constant -2147483648 : i32
      %or3A_471 = vector.broadcast %or3A_470 : i32 to vector<16xi32>
      %or3A_472 = arith.ori %shift_right_arithmetic3A_469, %or3A_471 : vector<16xi32>
      %xor3A_473 = arith.xori %bitcast_convert_type3A_466, %or3A_472 : vector<16xi32>
      %scan3A_474 = arith.constant 0 : i32
      %scan3A_475 = arith.constant 195 : i32
      %scan3A_476 = arith.addi %scan3A_474, %scan3A_475 : i32
      %scan3A_477 = arith.constant 1 : i32
      %scan3A_478:2 = scf.for %scan3A_1265 = %scan3A_474 to %scan3A_476 step %scan3A_477 iter_args(%scan3A_1266 = %xor3A_463, %scan3A_1267 = %xor3A_473) -> (vector<16xi32>, vector<16xi32>)  : i32 {
        %add3A_1268 = arith.constant 1 : i32
        %add3A_1269 = arith.addi %scan3A_1265, %add3A_1268 : i32
        %mul3A_1270 = arith.constant 16 : i32
        %mul3A_1271 = arith.muli %add3A_1269, %mul3A_1270 : i32
        %add3A_1272 = arith.constant 0 : i32
        %add3A_1273 = arith.addi %add3A_1272, %mul3A_1271 : i32
        %get3A_1274 = arith.index_cast %add3A_1273 : i32 to index
        %get3A_1275 = tpu.vector_load %arg6[%get3A_1274] {strides = array<i32>} : memref<6272xf32, #tpu.memory_space<vmem>>, vector<16xf32>,
        %bitcast_convert_type3A_1276 = tpu.bitcast %get3A_1275 : vector<16xf32> -> vector<16xi32>
        %shift_right_arithmetic3A_1277 = arith.constant 31 : i32
        %shift_right_arithmetic3A_1278 = vector.broadcast %shift_right_arithmetic3A_1277 : i32 to vector<16xi32>
        %shift_right_arithmetic3A_1279 = arith.shrsi %bitcast_convert_type3A_1276, %shift_right_arithmetic3A_1278 : vector<16xi32>
        %or3A_1280 = arith.constant -2147483648 : i32
        %or3A_1281 = vector.broadcast %or3A_1280 : i32 to vector<16xi32>
        %or3A_1282 = arith.ori %shift_right_arithmetic3A_1279, %or3A_1281 : vector<16xi32>
        %xor3A_1283 = arith.xori %bitcast_convert_type3A_1276, %or3A_1282 : vector<16xi32>
        %add3A_1284 = arith.constant 1 : i32
        %add3A_1285 = arith.addi %scan3A_1265, %add3A_1284 : i32
        %mul3A_1286 = arith.constant 16 : i32
        %mul3A_1287 = arith.muli %add3A_1285, %mul3A_1286 : i32
        %add3A_1288 = arith.constant 3136 : i32
        %add3A_1289 = arith.addi %add3A_1288, %mul3A_1287 : i32
        %get3A_1290 = arith.index_cast %add3A_1289 : i32 to index
        %get3A_1291 = tpu.vector_load %arg6[%get3A_1290] {strides = array<i32>} : memref<6272xf32, #tpu.memory_space<vmem>>, vector<16xf32>,
        %bitcast_convert_type3A_1292 = tpu.bitcast %get3A_1291 : vector<16xf32> -> vector<16xi32>
        %shift_right_arithmetic3A_1293 = arith.constant 31 : i32
        %shift_right_arithmetic3A_1294 = vector.broadcast %shift_right_arithmetic3A_1293 : i32 to vector<16xi32>
        %shift_right_arithmetic3A_1295 = arith.shrsi %bitcast_convert_type3A_1292, %shift_right_arithmetic3A_1294 : vector<16xi32>
        %or3A_1296 = arith.constant -2147483648 : i32
        %or3A_1297 = vector.broadcast %or3A_1296 : i32 to vector<16xi32>
        %or3A_1298 = arith.ori %shift_right_arithmetic3A_1295, %or3A_1297 : vector<16xi32>
        %xor3A_1299 = arith.xori %bitcast_convert_type3A_1292, %or3A_1298 : vector<16xi32>
        %mul3A_1300 = arith.constant 16 : i32
        %mul3A_1301 = arith.muli %scan3A_1265, %mul3A_1300 : i32
        %swap3A_1302 = arith.index_cast %mul3A_1301 : i32 to index
        %swap3A_1303 = tpu.vector_load %arg8[%swap3A_1302] {strides = array<i32>} : memref<3136xi32, #tpu.memory_space<vmem>>, vector<16xi32>,
        tpu.vector_store %arg8[%swap3A_1302], %scan3A_1266 {strides = array<i32>} : memref<3136xi32, #tpu.memory_space<vmem>>, vector<16xi32>,
        %mul3A_1304 = arith.constant 16 : i32
        %mul3A_1305 = arith.muli %scan3A_1265, %mul3A_1304 : i32
        %add3A_1306 = vector.broadcast %mul3A_1305 : i32 to vector<16xi32>
        %add3A_1307 = arith.addi %iota3A, %add3A_1306 : vector<16xi32>
        %swap3A_1308 = arith.index_cast %mul3A_1301 : i32 to index
        %swap3A_1309 = tpu.vector_load %arg9[%swap3A_1308] {strides = array<i32>} : memref<3136xi32, #tpu.memory_space<vmem>>, vector<16xi32>,
        tpu.vector_store %arg9[%swap3A_1308], %add3A_1307 {strides = array<i32>} : memref<3136xi32, #tpu.memory_space<vmem>>, vector<16xi32>,
        %shift_right_logical3A_1310 = arith.constant 0 : i32
        %shift_right_logical3A_1311 = vector.broadcast %shift_right_logical3A_1310 : i32 to vector<16xi32>
        %shift_right_logical3A_1312 = arith.shrui %scan3A_1266, %shift_right_logical3A_1311 : vector<16xi32>
        %and3A_1313 = arith.constant 255 : i32
        %and3A_1314 = vector.broadcast %and3A_1313 : i32 to vector<16xi32>
        %and3A_1315 = arith.andi %shift_right_logical3A_1312, %and3A_1314 : vector<16xi32>
        %add3A_1316 = arith.constant 0 : i32
        %add3A_1317 = vector.broadcast %add3A_1316 : i32 to vector<16xi32>
        %add3A_1318 = arith.addi %and3A_1315, %add3A_1317 : vector<16xi32>
        %broadcast_in_dim3A_1319 = arith.constant true
        %broadcast_in_dim3A_1320 = vector.broadcast %broadcast_in_dim3A_1319 : i1 to vector<16xi1>
        %unique3A_1321, %unique3A_1322 = tpu.scan_count mask(%broadcast_in_dim3A_1320 : vector<16xi1>) value(%add3A_1318 : vector<16xi32>) : vector<16xi1>, vector<16xi32>
        tpu.vector_store_idx %arg17[%add3A_1318], %unique3A_1322 masked %unique3A_1321 {add = true} : memref<2048xi32, #tpu.memory_space<vmem>>[vector<16xi32>], vector<16xi32>, vector<16xi1>
        %shift_right_logical3A_1323 = arith.constant 8 : i32
        %shift_right_logical3A_1324 = vector.broadcast %shift_right_logical3A_1323 : i32 to vector<16xi32>
        %shift_right_logical3A_1325 = arith.shrui %scan3A_1266, %shift_right_logical3A_1324 : vector<16xi32>
        %and3A_1326 = arith.constant 255 : i32
        %and3A_1327 = vector.broadcast %and3A_1326 : i32 to vector<16xi32>
        %and3A_1328 = arith.andi %shift_right_logical3A_1325, %and3A_1327 : vector<16xi32>
        %add3A_1329 = arith.constant 256 : i32
        %add3A_1330 = vector.broadcast %add3A_1329 : i32 to vector<16xi32>
        %add3A_1331 = arith.addi %and3A_1328, %add3A_1330 : vector<16xi32>
        %broadcast_in_dim3A_1332 = arith.constant true
        %broadcast_in_dim3A_1333 = vector.broadcast %broadcast_in_dim3A_1332 : i1 to vector<16xi1>
        %unique3A_1334, %unique3A_1335 = tpu.scan_count mask(%broadcast_in_dim3A_1333 : vector<16xi1>) value(%add3A_1331 : vector<16xi32>) : vector<16xi1>, vector<16xi32>
        tpu.vector_store_idx %arg17[%add3A_1331], %unique3A_1335 masked %unique3A_1334 {add = true} : memref<2048xi32, #tpu.memory_space<vmem>>[vector<16xi32>], vector<16xi32>, vector<16xi1>
        %shift_right_logical3A_1336 = arith.constant 16 : i32
        %shift_right_logical3A_1337 = vector.broadcast %shift_right_logical3A_1336 : i32 to vector<16xi32>
        %shift_right_logical3A_1338 = arith.shrui %scan3A_1266, %shift_right_logical3A_1337 : vector<16xi32>
        %and3A_1339 = arith.constant 255 : i32
        %and3A_1340 = vector.broadcast %and3A_1339 : i32 to vector<16xi32>
        %and3A_1341 = arith.andi %shift_right_logical3A_1338, %and3A_1340 : vector<16xi32>
        %add3A_1342 = arith.constant 512 : i32
        %add3A_1343 = vector.broadcast %add3A_1342 : i32 to vector<16xi32>
        %add3A_1344 = arith.addi %and3A_1341, %add3A_1343 : vector<16xi32>
        %broadcast_in_dim3A_1345 = arith.constant true
        %broadcast_in_dim3A_1346 = vector.broadcast %broadcast_in_dim3A_1345 : i1 to vector<16xi1>
        %unique3A_1347, %unique3A_1348 = tpu.scan_count mask(%broadcast_in_dim3A_1346 : vector<16xi1>) value(%add3A_1344 : vector<16xi32>) : vector<16xi1>, vector<16xi32>
        tpu.vector_store_idx %arg17[%add3A_1344], %unique3A_1348 masked %unique3A_1347 {add = true} : memref<2048xi32, #tpu.memory_space<vmem>>[vector<16xi32>], vector<16xi32>, vector<16xi1>
        %shift_right_logical3A_1349 = arith.constant 24 : i32
        %shift_right_logical3A_1350 = vector.broadcast %shift_right_logical3A_1349 : i32 to vector<16xi32>
        %shift_right_logical3A_1351 = arith.shrui %scan3A_1266, %shift_right_logical3A_1350 : vector<16xi32>
        %and3A_1352 = arith.constant 255 : i32
        %and3A_1353 = vector.broadcast %and3A_1352 : i32 to vector<16xi32>
        %and3A_1354 = arith.andi %shift_right_logical3A_1351, %and3A_1353 : vector<16xi32>
        %add3A_1355 = arith.constant 768 : i32
        %add3A_1356 = vector.broadcast %add3A_1355 : i32 to vector<16xi32>
        %add3A_1357 = arith.addi %and3A_1354, %add3A_1356 : vector<16xi32>
        %broadcast_in_dim3A_1358 = arith.constant true
        %broadcast_in_dim3A_1359 = vector.broadcast %broadcast_in_dim3A_1358 : i1 to vector<16xi1>
        %unique3A_1360, %unique3A_1361 = tpu.scan_count mask(%broadcast_in_dim3A_1359 : vector<16xi1>) value(%add3A_1357 : vector<16xi32>) : vector<16xi1>, vector<16xi32>
        tpu.vector_store_idx %arg17[%add3A_1357], %unique3A_1361 masked %unique3A_1360 {add = true} : memref<2048xi32, #tpu.memory_space<vmem>>[vector<16xi32>], vector<16xi32>, vector<16xi1>
        %mul3A_1362 = arith.constant 16 : i32
        %mul3A_1363 = arith.muli %scan3A_1265, %mul3A_1362 : i32
        %swap3A_1364 = arith.index_cast %mul3A_1363 : i32 to index
        %swap3A_1365 = tpu.vector_load %arg12[%swap3A_1364] {strides = array<i32>} : memref<3136xi32, #tpu.memory_space<vmem>>, vector<16xi32>,
        tpu.vector_store %arg12[%swap3A_1364], %scan3A_1267 {strides = array<i32>} : memref<3136xi32, #tpu.memory_space<vmem>>, vector<16xi32>,
        %mul3A_1366 = arith.constant 16 : i32
        %mul3A_1367 = arith.muli %scan3A_1265, %mul3A_1366 : i32
        %add3A_1368 = vector.broadcast %mul3A_1367 : i32 to vector<16xi32>
        %add3A_1369 = arith.addi %iota3A, %add3A_1368 : vector<16xi32>
        %swap3A_1370 = arith.index_cast %mul3A_1363 : i32 to index
        %swap3A_1371 = tpu.vector_load %arg13[%swap3A_1370] {strides = array<i32>} : memref<3136xi32, #tpu.memory_space<vmem>>, vector<16xi32>,
        tpu.vector_store %arg13[%swap3A_1370], %add3A_1369 {strides = array<i32>} : memref<3136xi32, #tpu.memory_space<vmem>>, vector<16xi32>,
        %shift_right_logical3A_1372 = arith.constant 0 : i32
        %shift_right_logical3A_1373 = vector.broadcast %shift_right_logical3A_1372 : i32 to vector<16xi32>
        %shift_right_logical3A_1374 = arith.shrui %scan3A_1267, %shift_right_logical3A_1373 : vector<16xi32>
        %and3A_1375 = arith.constant 255 : i32
        %and3A_1376 = vector.broadcast %and3A_1375 : i32 to vector<16xi32>
        %and3A_1377 = arith.andi %shift_right_logical3A_1374, %and3A_1376 : vector<16xi32>
        %add3A_1378 = arith.constant 1024 : i32
        %add3A_1379 = vector.broadcast %add3A_1378 : i32 to vector<16xi32>
        %add3A_1380 = arith.addi %and3A_1377, %add3A_1379 : vector<16xi32>
        %broadcast_in_dim3A_1381 = arith.constant true
        %broadcast_in_dim3A_1382 = vector.broadcast %broadcast_in_dim3A_1381 : i1 to vector<16xi1>
        %unique3A_1383, %unique3A_1384 = tpu.scan_count mask(%broadcast_in_dim3A_1382 : vector<16xi1>) value(%add3A_1380 : vector<16xi32>) : vector<16xi1>, vector<16xi32>
        tpu.vector_store_idx %arg17[%add3A_1380], %unique3A_1384 masked %unique3A_1383 {add = true} : memref<2048xi32, #tpu.memory_space<vmem>>[vector<16xi32>], vector<16xi32>, vector<16xi1>
        %shift_right_logical3A_1385 = arith.constant 8 : i32
        %shift_right_logical3A_1386 = vector.broadcast %shift_right_logical3A_1385 : i32 to vector<16xi32>
        %shift_right_logical3A_1387 = arith.shrui %scan3A_1267, %shift_right_logical3A_1386 : vector<16xi32>
        %and3A_1388 = arith.constant 255 : i32
        %and3A_1389 = vector.broadcast %and3A_1388 : i32 to vector<16xi32>
        %and3A_1390 = arith.andi %shift_right_logical3A_1387, %and3A_1389 : vector<16xi32>
        %add3A_1391 = arith.constant 1280 : i32
        %add3A_1392 = vector.broadcast %add3A_1391 : i32 to vector<16xi32>
        %add3A_1393 = arith.addi %and3A_1390, %add3A_1392 : vector<16xi32>
        %broadcast_in_dim3A_1394 = arith.constant true
        %broadcast_in_dim3A_1395 = vector.broadcast %broadcast_in_dim3A_1394 : i1 to vector<16xi1>
        %unique3A_1396, %unique3A_1397 = tpu.scan_count mask(%broadcast_in_dim3A_1395 : vector<16xi1>) value(%add3A_1393 : vector<16xi32>) : vector<16xi1>, vector<16xi32>
        tpu.vector_store_idx %arg17[%add3A_1393], %unique3A_1397 masked %unique3A_1396 {add = true} : memref<2048xi32, #tpu.memory_space<vmem>>[vector<16xi32>], vector<16xi32>, vector<16xi1>
        %shift_right_logical3A_1398 = arith.constant 16 : i32
        %shift_right_logical3A_1399 = vector.broadcast %shift_right_logical3A_1398 : i32 to vector<16xi32>
        %shift_right_logical3A_1400 = arith.shrui %scan3A_1267, %shift_right_logical3A_1399 : vector<16xi32>
        %and3A_1401 = arith.constant 255 : i32
        %and3A_1402 = vector.broadcast %and3A_1401 : i32 to vector<16xi32>
        %and3A_1403 = arith.andi %shift_right_logical3A_1400, %and3A_1402 : vector<16xi32>
        %add3A_1404 = arith.constant 1536 : i32
        %add3A_1405 = vector.broadcast %add3A_1404 : i32 to vector<16xi32>
        %add3A_1406 = arith.addi %and3A_1403, %add3A_1405 : vector<16xi32>
        %broadcast_in_dim3A_1407 = arith.constant true
        %broadcast_in_dim3A_1408 = vector.broadcast %broadcast_in_dim3A_1407 : i1 to vector<16xi1>
        %unique3A_1409, %unique3A_1410 = tpu.scan_count mask(%broadcast_in_dim3A_1408 : vector<16xi1>) value(%add3A_1406 : vector<16xi32>) : vector<16xi1>, vector<16xi32>
        tpu.vector_store_idx %arg17[%add3A_1406], %unique3A_1410 masked %unique3A_1409 {add = true} : memref<2048xi32, #tpu.memory_space<vmem>>[vector<16xi32>], vector<16xi32>, vector<16xi1>
        %shift_right_logical3A_1411 = arith.constant 24 : i32
        %shift_right_logical3A_1412 = vector.broadcast %shift_right_logical3A_1411 : i32 to vector<16xi32>
        %shift_right_logical3A_1413 = arith.shrui %scan3A_1267, %shift_right_logical3A_1412 : vector<16xi32>
        %and3A_1414 = arith.constant 255 : i32
        %and3A_1415 = vector.broadcast %and3A_1414 : i32 to vector<16xi32>
        %and3A_1416 = arith.andi %shift_right_logical3A_1413, %and3A_1415 : vector<16xi32>
        %add3A_1417 = arith.constant 1792 : i32
        %add3A_1418 = vector.broadcast %add3A_1417 : i32 to vector<16xi32>
        %add3A_1419 = arith.addi %and3A_1416, %add3A_1418 : vector<16xi32>
        %broadcast_in_dim3A_1420 = arith.constant true
        %broadcast_in_dim3A_1421 = vector.broadcast %broadcast_in_dim3A_1420 : i1 to vector<16xi1>
        %unique3A_1422, %unique3A_1423 = tpu.scan_count mask(%broadcast_in_dim3A_1421 : vector<16xi1>) value(%add3A_1419 : vector<16xi32>) : vector<16xi1>, vector<16xi32>
        tpu.vector_store_idx %arg17[%add3A_1419], %unique3A_1423 masked %unique3A_1422 {add = true} : memref<2048xi32, #tpu.memory_space<vmem>>[vector<16xi32>], vector<16xi32>, vector<16xi1>
        scf.yield %xor3A_1283, %xor3A_1299 : vector<16xi32>, vector<16xi32>
      }
      %scan3A_479 = arith.constant 195 : i32
      %swap3A_480 = arith.constant 3120 : index
      %swap3A_481 = tpu.vector_load %arg8[%swap3A_480] {strides = array<i32>} : memref<3136xi32, #tpu.memory_space<vmem>>, vector<16xi32>,
      tpu.vector_store %arg8[%swap3A_480], %scan3A_478#0 {strides = array<i32>} : memref<3136xi32, #tpu.memory_space<vmem>>, vector<16xi32>,
      %add3A_482 = arith.constant 3120 : i32
      %add3A_483 = vector.broadcast %add3A_482 : i32 to vector<16xi32>
      %add3A_484 = arith.addi %iota3A, %add3A_483 : vector<16xi32>
      %swap3A_485 = arith.constant 3120 : index
      %swap3A_486 = tpu.vector_load %arg9[%swap3A_485] {strides = array<i32>} : memref<3136xi32, #tpu.memory_space<vmem>>, vector<16xi32>,
      tpu.vector_store %arg9[%swap3A_485], %add3A_484 {strides = array<i32>} : memref<3136xi32, #tpu.memory_space<vmem>>, vector<16xi32>,
      %shift_right_logical3A_487 = arith.constant 0 : i32
      %shift_right_logical3A_488 = vector.broadcast %shift_right_logical3A_487 : i32 to vector<16xi32>
      %shift_right_logical3A_489 = arith.shrui %scan3A_478#0, %shift_right_logical3A_488 : vector<16xi32>
      %and3A_490 = arith.constant 255 : i32
      %and3A_491 = vector.broadcast %and3A_490 : i32 to vector<16xi32>
      %and3A_492 = arith.andi %shift_right_logical3A_489, %and3A_491 : vector<16xi32>
      %add3A_493 = arith.constant 0 : i32
      %add3A_494 = vector.broadcast %add3A_493 : i32 to vector<16xi32>
      %add3A_495 = arith.addi %and3A_492, %add3A_494 : vector<16xi32>
      %broadcast_in_dim3A_496 = arith.constant true
      %broadcast_in_dim3A_497 = vector.broadcast %broadcast_in_dim3A_496 : i1 to vector<16xi1>
      %unique3A_498, %unique3A_499 = tpu.scan_count mask(%broadcast_in_dim3A_497 : vector<16xi1>) value(%add3A_495 : vector<16xi32>) : vector<16xi1>, vector<16xi32>
      tpu.vector_store_idx %arg17[%add3A_495], %unique3A_499 masked %unique3A_498 {add = true} : memref<2048xi32, #tpu.memory_space<vmem>>[vector<16xi32>], vector<16xi32>, vector<16xi1>
      %shift_right_logical3A_500 = arith.constant 8 : i32
      %shift_right_logical3A_501 = vector.broadcast %shift_right_logical3A_500 : i32 to vector<16xi32>
      %shift_right_logical3A_502 = arith.shrui %scan3A_478#0, %shift_right_logical3A_501 : vector<16xi32>
      %and3A_503 = arith.constant 255 : i32
      %and3A_504 = vector.broadcast %and3A_503 : i32 to vector<16xi32>
      %and3A_505 = arith.andi %shift_right_logical3A_502, %and3A_504 : vector<16xi32>
      %add3A_506 = arith.constant 256 : i32
      %add3A_507 = vector.broadcast %add3A_506 : i32 to vector<16xi32>
      %add3A_508 = arith.addi %and3A_505, %add3A_507 : vector<16xi32>
      %broadcast_in_dim3A_509 = arith.constant true
      %broadcast_in_dim3A_510 = vector.broadcast %broadcast_in_dim3A_509 : i1 to vector<16xi1>
      %unique3A_511, %unique3A_512 = tpu.scan_count mask(%broadcast_in_dim3A_510 : vector<16xi1>) value(%add3A_508 : vector<16xi32>) : vector<16xi1>, vector<16xi32>
      tpu.vector_store_idx %arg17[%add3A_508], %unique3A_512 masked %unique3A_511 {add = true} : memref<2048xi32, #tpu.memory_space<vmem>>[vector<16xi32>], vector<16xi32>, vector<16xi1>
      %shift_right_logical3A_513 = arith.constant 16 : i32
      %shift_right_logical3A_514 = vector.broadcast %shift_right_logical3A_513 : i32 to vector<16xi32>
      %shift_right_logical3A_515 = arith.shrui %scan3A_478#0, %shift_right_logical3A_514 : vector<16xi32>
      %and3A_516 = arith.constant 255 : i32
      %and3A_517 = vector.broadcast %and3A_516 : i32 to vector<16xi32>
      %and3A_518 = arith.andi %shift_right_logical3A_515, %and3A_517 : vector<16xi32>
      %add3A_519 = arith.constant 512 : i32
      %add3A_520 = vector.broadcast %add3A_519 : i32 to vector<16xi32>
      %add3A_521 = arith.addi %and3A_518, %add3A_520 : vector<16xi32>
      %broadcast_in_dim3A_522 = arith.constant true
      %broadcast_in_dim3A_523 = vector.broadcast %broadcast_in_dim3A_522 : i1 to vector<16xi1>
      %unique3A_524, %unique3A_525 = tpu.scan_count mask(%broadcast_in_dim3A_523 : vector<16xi1>) value(%add3A_521 : vector<16xi32>) : vector<16xi1>, vector<16xi32>
      tpu.vector_store_idx %arg17[%add3A_521], %unique3A_525 masked %unique3A_524 {add = true} : memref<2048xi32, #tpu.memory_space<vmem>>[vector<16xi32>], vector<16xi32>, vector<16xi1>
      %shift_right_logical3A_526 = arith.constant 24 : i32
      %shift_right_logical3A_527 = vector.broadcast %shift_right_logical3A_526 : i32 to vector<16xi32>
      %shift_right_logical3A_528 = arith.shrui %scan3A_478#0, %shift_right_logical3A_527 : vector<16xi32>
      %and3A_529 = arith.constant 255 : i32
      %and3A_530 = vector.broadcast %and3A_529 : i32 to vector<16xi32>
      %and3A_531 = arith.andi %shift_right_logical3A_528, %and3A_530 : vector<16xi32>
      %add3A_532 = arith.constant 768 : i32
      %add3A_533 = vector.broadcast %add3A_532 : i32 to vector<16xi32>
      %add3A_534 = arith.addi %and3A_531, %add3A_533 : vector<16xi32>
      %broadcast_in_dim3A_535 = arith.constant true
      %broadcast_in_dim3A_536 = vector.broadcast %broadcast_in_dim3A_535 : i1 to vector<16xi1>
      %unique3A_537, %unique3A_538 = tpu.scan_count mask(%broadcast_in_dim3A_536 : vector<16xi1>) value(%add3A_534 : vector<16xi32>) : vector<16xi1>, vector<16xi32>
      tpu.vector_store_idx %arg17[%add3A_534], %unique3A_538 masked %unique3A_537 {add = true} : memref<2048xi32, #tpu.memory_space<vmem>>[vector<16xi32>], vector<16xi32>, vector<16xi1>
      %swap3A_539 = arith.constant 3120 : index
      %swap3A_540 = tpu.vector_load %arg12[%swap3A_539] {strides = array<i32>} : memref<3136xi32, #tpu.memory_space<vmem>>, vector<16xi32>,
      tpu.vector_store %arg12[%swap3A_539], %scan3A_478#1 {strides = array<i32>} : memref<3136xi32, #tpu.memory_space<vmem>>, vector<16xi32>,
      %add3A_541 = arith.constant 3120 : i32
      %add3A_542 = vector.broadcast %add3A_541 : i32 to vector<16xi32>
      %add3A_543 = arith.addi %iota3A, %add3A_542 : vector<16xi32>
      %swap3A_544 = arith.constant 3120 : index
      %swap3A_545 = tpu.vector_load %arg13[%swap3A_544] {strides = array<i32>} : memref<3136xi32, #tpu.memory_space<vmem>>, vector<16xi32>,
      tpu.vector_store %arg13[%swap3A_544], %add3A_543 {strides = array<i32>} : memref<3136xi32, #tpu.memory_space<vmem>>, vector<16xi32>,
      %shift_right_logical3A_546 = arith.constant 0 : i32
      %shift_right_logical3A_547 = vector.broadcast %shift_right_logical3A_546 : i32 to vector<16xi32>
      %shift_right_logical3A_548 = arith.shrui %scan3A_478#1, %shift_right_logical3A_547 : vector<16xi32>
      %and3A_549 = arith.constant 255 : i32
      %and3A_550 = vector.broadcast %and3A_549 : i32 to vector<16xi32>
      %and3A_551 = arith.andi %shift_right_logical3A_548, %and3A_550 : vector<16xi32>
      %add3A_552 = arith.constant 1024 : i32
      %add3A_553 = vector.broadcast %add3A_552 : i32 to vector<16xi32>
      %add3A_554 = arith.addi %and3A_551, %add3A_553 : vector<16xi32>
      %broadcast_in_dim3A_555 = arith.constant true
      %broadcast_in_dim3A_556 = vector.broadcast %broadcast_in_dim3A_555 : i1 to vector<16xi1>
      %unique3A_557, %unique3A_558 = tpu.scan_count mask(%broadcast_in_dim3A_556 : vector<16xi1>) value(%add3A_554 : vector<16xi32>) : vector<16xi1>, vector<16xi32>
      tpu.vector_store_idx %arg17[%add3A_554], %unique3A_558 masked %unique3A_557 {add = true} : memref<2048xi32, #tpu.memory_space<vmem>>[vector<16xi32>], vector<16xi32>, vector<16xi1>
      %shift_right_logical3A_559 = arith.constant 8 : i32
      %shift_right_logical3A_560 = vector.broadcast %shift_right_logical3A_559 : i32 to vector<16xi32>
      %shift_right_logical3A_561 = arith.shrui %scan3A_478#1, %shift_right_logical3A_560 : vector<16xi32>
      %and3A_562 = arith.constant 255 : i32
      %and3A_563 = vector.broadcast %and3A_562 : i32 to vector<16xi32>
      %and3A_564 = arith.andi %shift_right_logical3A_561, %and3A_563 : vector<16xi32>
      %add3A_565 = arith.constant 1280 : i32
      %add3A_566 = vector.broadcast %add3A_565 : i32 to vector<16xi32>
      %add3A_567 = arith.addi %and3A_564, %add3A_566 : vector<16xi32>
      %broadcast_in_dim3A_568 = arith.constant true
      %broadcast_in_dim3A_569 = vector.broadcast %broadcast_in_dim3A_568 : i1 to vector<16xi1>
      %unique3A_570, %unique3A_571 = tpu.scan_count mask(%broadcast_in_dim3A_569 : vector<16xi1>) value(%add3A_567 : vector<16xi32>) : vector<16xi1>, vector<16xi32>
      tpu.vector_store_idx %arg17[%add3A_567], %unique3A_571 masked %unique3A_570 {add = true} : memref<2048xi32, #tpu.memory_space<vmem>>[vector<16xi32>], vector<16xi32>, vector<16xi1>
      %shift_right_logical3A_572 = arith.constant 16 : i32
      %shift_right_logical3A_573 = vector.broadcast %shift_right_logical3A_572 : i32 to vector<16xi32>
      %shift_right_logical3A_574 = arith.shrui %scan3A_478#1, %shift_right_logical3A_573 : vector<16xi32>
      %and3A_575 = arith.constant 255 : i32
      %and3A_576 = vector.broadcast %and3A_575 : i32 to vector<16xi32>
      %and3A_577 = arith.andi %shift_right_logical3A_574, %and3A_576 : vector<16xi32>
      %add3A_578 = arith.constant 1536 : i32
      %add3A_579 = vector.broadcast %add3A_578 : i32 to vector<16xi32>
      %add3A_580 = arith.addi %and3A_577, %add3A_579 : vector<16xi32>
      %broadcast_in_dim3A_581 = arith.constant true
      %broadcast_in_dim3A_582 = vector.broadcast %broadcast_in_dim3A_581 : i1 to vector<16xi1>
      %unique3A_583, %unique3A_584 = tpu.scan_count mask(%broadcast_in_dim3A_582 : vector<16xi1>) value(%add3A_580 : vector<16xi32>) : vector<16xi1>, vector<16xi32>
      tpu.vector_store_idx %arg17[%add3A_580], %unique3A_584 masked %unique3A_583 {add = true} : memref<2048xi32, #tpu.memory_space<vmem>>[vector<16xi32>], vector<16xi32>, vector<16xi1>
      %shift_right_logical3A_585 = arith.constant 24 : i32
      %shift_right_logical3A_586 = vector.broadcast %shift_right_logical3A_585 : i32 to vector<16xi32>
      %shift_right_logical3A_587 = arith.shrui %scan3A_478#1, %shift_right_logical3A_586 : vector<16xi32>
      %and3A_588 = arith.constant 255 : i32
      %and3A_589 = vector.broadcast %and3A_588 : i32 to vector<16xi32>
      %and3A_590 = arith.andi %shift_right_logical3A_587, %and3A_589 : vector<16xi32>
      %add3A_591 = arith.constant 1792 : i32
      %add3A_592 = vector.broadcast %add3A_591 : i32 to vector<16xi32>
      %add3A_593 = arith.addi %and3A_590, %add3A_592 : vector<16xi32>
      %broadcast_in_dim3A_594 = arith.constant true
      %broadcast_in_dim3A_595 = vector.broadcast %broadcast_in_dim3A_594 : i1 to vector<16xi1>
      %unique3A_596, %unique3A_597 = tpu.scan_count mask(%broadcast_in_dim3A_595 : vector<16xi1>) value(%add3A_593 : vector<16xi32>) : vector<16xi1>, vector<16xi32>
      tpu.vector_store_idx %arg17[%add3A_593], %unique3A_597 masked %unique3A_596 {add = true} : memref<2048xi32, #tpu.memory_space<vmem>>[vector<16xi32>], vector<16xi32>, vector<16xi1>
      %scan3A_598 = arith.constant 0 : i32
      %scan3A_599 = arith.constant 0 : i32
      %scan3A_600 = arith.constant 128 : i32
      %scan3A_601 = arith.addi %scan3A_599, %scan3A_600 : i32
      %scan3A_602 = arith.constant 1 : i32
      %scan3A_603 = scf.for %scan3A_1265 = %scan3A_599 to %scan3A_601 step %scan3A_602 iter_args(%scan3A_1266 = %scan3A_598) -> (i32)  : i32 {
        %mul3A_1267 = arith.constant 16 : i32
        %mul3A_1268 = arith.muli %scan3A_1265, %mul3A_1267 : i32
        %get3A_1269 = arith.index_cast %mul3A_1268 : i32 to index
        %get3A_1270 = tpu.vector_load %arg17[%get3A_1269] {strides = array<i32>} : memref<2048xi32, #tpu.memory_space<vmem>>, vector<16xi32>,
        %broadcast_in_dim3A_1271 = arith.constant true
        %broadcast_in_dim3A_1272 = vector.broadcast %broadcast_in_dim3A_1271 : i1 to vector<16xi1>
        %masked_cumsum3A = tpu.scan <sum>, %get3A_1270 masked %broadcast_in_dim3A_1272 : vector<16xi32>, vector<16xi1> -> vector<16xi32>
        %sub3A_1273 = arith.subi %masked_cumsum3A, %get3A_1270 : vector<16xi32>
        %add3A_1274 = vector.broadcast %scan3A_1266 : i32 to vector<16xi32>
        %add3A_1275 = arith.addi %sub3A_1273, %add3A_1274 : vector<16xi32>
        %swap3A_1276 = arith.index_cast %mul3A_1268 : i32 to index
        %swap3A_1277 = tpu.vector_load %arg17[%swap3A_1276] {strides = array<i32>} : memref<2048xi32, #tpu.memory_space<vmem>>, vector<16xi32>,
        tpu.vector_store %arg17[%swap3A_1276], %add3A_1275 {strides = array<i32>} : memref<2048xi32, #tpu.memory_space<vmem>>, vector<16xi32>,
        %reduce_sum3A = arith.constant true
        %reduce_sum3A_1278 = vector.broadcast %reduce_sum3A : i1 to vector<16xi1>
        %reduce_sum3A_1279 = tpu.scan <sum>, %get3A_1270 masked %reduce_sum3A_1278 : vector<16xi32>, vector<16xi1> -> vector<16xi32>
        %reduce_sum3A_1280 = vector.extract %reduce_sum3A_1279[15] : i32 from vector<16xi32>
        %add3A_1281 = arith.addi %scan3A_1266, %reduce_sum3A_1280 : i32
        %add3A_1282 = arith.constant 1 : i32
        %add3A_1283 = arith.addi %scan3A_1265, %add3A_1282 : i32
        %jit3A = arith.constant 16 : i32
        %eq3A = arith.constant 0 : i32
        %eq3A_1284 = arith.cmpi eq, %jit3A, %eq3A : i32
        %jit3A_1285 = arith.constant 1 : i32
        %select_n3A = arith.select %eq3A_1284, %jit3A_1285, %jit3A : i32
        %rem3A = arith.remsi %add3A_1283, %select_n3A : i32
        %ne3A = arith.constant 0 : i32
        %ne3A_1286 = arith.cmpi ne, %rem3A, %ne3A : i32
        %lt3A_1287 = arith.constant 0 : i32
        %lt3A_1288 = arith.cmpi slt, %rem3A, %lt3A_1287 : i32
        %lt3A_1289 = arith.constant 0 : i32
        %lt3A_1290 = arith.cmpi slt, %select_n3A, %lt3A_1289 : i32
        %ne3A_1291 = arith.xori %lt3A_1288, %lt3A_1290 : i1
        %and3A_1292 = arith.andi %ne3A_1291, %ne3A_1286 : i1
        %add3A_1293 = arith.addi %rem3A, %select_n3A : i32
        %select_n3A_1294 = arith.select %and3A_1292, %add3A_1293, %rem3A : i32
        %eq3A_1295 = arith.constant 0 : i32
        %eq3A_1296 = arith.cmpi eq, %select_n3A_1294, %eq3A_1295 : i32
        %jit3A_1297 = arith.constant 0 : i32
        %select_n3A_1298 = arith.select %eq3A_1296, %jit3A_1297, %add3A_1281 : i32
        scf.yield %select_n3A_1298 : i32
      }
      %scan3A_604 = arith.constant 128 : i32
      %get3A_605 = arith.constant 0 : index
      %get3A_606 = tpu.vector_load %arg8[%get3A_605] {strides = array<i32>} : memref<3136xi32, #tpu.memory_space<vmem>>, vector<16xi32>,
      %get3A_607 = arith.constant 0 : index
      %get3A_608 = tpu.vector_load %arg9[%get3A_607] {strides = array<i32>} : memref<3136xi32, #tpu.memory_space<vmem>>, vector<16xi32>,
      %shift_right_logical3A_609 = arith.constant 0 : i32
      %shift_right_logical3A_610 = vector.broadcast %shift_right_logical3A_609 : i32 to vector<16xi32>
      %shift_right_logical3A_611 = arith.shrui %get3A_606, %shift_right_logical3A_610 : vector<16xi32>
      %and3A_612 = arith.constant 255 : i32
      %and3A_613 = vector.broadcast %and3A_612 : i32 to vector<16xi32>
      %and3A_614 = arith.andi %shift_right_logical3A_611, %and3A_613 : vector<16xi32>
      %add3A_615 = arith.constant 0 : i32
      %add3A_616 = vector.broadcast %add3A_615 : i32 to vector<16xi32>
      %add3A_617 = arith.addi %and3A_614, %add3A_616 : vector<16xi32>
      %broadcast_in_dim3A_618 = arith.constant true
      %broadcast_in_dim3A_619 = vector.broadcast %broadcast_in_dim3A_618 : i1 to vector<16xi1>
      %unique3A_620, %unique3A_621 = tpu.scan_count mask(%broadcast_in_dim3A_619 : vector<16xi1>) value(%add3A_617 : vector<16xi32>) : vector<16xi1>, vector<16xi32>
      %get3A_622 = arith.constant 0 : index
      %get3A_623 = tpu.vector_load %arg12[%get3A_622] {strides = array<i32>} : memref<3136xi32, #tpu.memory_space<vmem>>, vector<16xi32>,
      %get3A_624 = arith.constant 0 : index
      %get3A_625 = tpu.vector_load %arg13[%get3A_624] {strides = array<i32>} : memref<3136xi32, #tpu.memory_space<vmem>>, vector<16xi32>,
      %shift_right_logical3A_626 = arith.constant 0 : i32
      %shift_right_logical3A_627 = vector.broadcast %shift_right_logical3A_626 : i32 to vector<16xi32>
      %shift_right_logical3A_628 = arith.shrui %get3A_623, %shift_right_logical3A_627 : vector<16xi32>
      %and3A_629 = arith.constant 255 : i32
      %and3A_630 = vector.broadcast %and3A_629 : i32 to vector<16xi32>
      %and3A_631 = arith.andi %shift_right_logical3A_628, %and3A_630 : vector<16xi32>
      %add3A_632 = arith.constant 1024 : i32
      %add3A_633 = vector.broadcast %add3A_632 : i32 to vector<16xi32>
      %add3A_634 = arith.addi %and3A_631, %add3A_633 : vector<16xi32>
      %broadcast_in_dim3A_635 = arith.constant true
      %broadcast_in_dim3A_636 = vector.broadcast %broadcast_in_dim3A_635 : i1 to vector<16xi1>
      %unique3A_637, %unique3A_638 = tpu.scan_count mask(%broadcast_in_dim3A_636 : vector<16xi1>) value(%add3A_634 : vector<16xi32>) : vector<16xi1>, vector<16xi32>
      %scan3A_639 = arith.constant 0 : i32
      %scan3A_640 = arith.constant 195 : i32
      %scan3A_641 = arith.addi %scan3A_639, %scan3A_640 : i32
      %scan3A_642 = arith.constant 1 : i32
      %scan3A_643:10 = scf.for %scan3A_1265 = %scan3A_639 to %scan3A_641 step %scan3A_642 iter_args(%scan3A_1266 = %get3A_606, %scan3A_1267 = %get3A_608, %scan3A_1268 = %add3A_617, %scan3A_1269 = %unique3A_621, %scan3A_1270 = %unique3A_620, %scan3A_1271 = %get3A_623, %scan3A_1272 = %get3A_625, %scan3A_1273 = %add3A_634, %scan3A_1274 = %unique3A_638, %scan3A_1275 = %unique3A_637) -> (vector<16xi32>, vector<16xi32>, vector<16xi32>, vector<16xi32>, vector<16xi1>, vector<16xi32>, vector<16xi32>, vector<16xi32>, vector<16xi32>, vector<16xi1>)  : i32 {
        %add3A_1276 = arith.constant 1 : i32
        %add3A_1277 = arith.addi %scan3A_1265, %add3A_1276 : i32
        %mul3A_1278 = arith.constant 16 : i32
        %mul3A_1279 = arith.muli %add3A_1277, %mul3A_1278 : i32
        %get3A_1280 = arith.index_cast %mul3A_1279 : i32 to index
        %get3A_1281 = tpu.vector_load %arg8[%get3A_1280] {strides = array<i32>} : memref<3136xi32, #tpu.memory_space<vmem>>, vector<16xi32>,
        %get3A_1282 = arith.index_cast %mul3A_1279 : i32 to index
        %get3A_1283 = tpu.vector_load %arg9[%get3A_1282] {strides = array<i32>} : memref<3136xi32, #tpu.memory_space<vmem>>, vector<16xi32>,
        %shift_right_logical3A_1284 = arith.constant 0 : i32
        %shift_right_logical3A_1285 = vector.broadcast %shift_right_logical3A_1284 : i32 to vector<16xi32>
        %shift_right_logical3A_1286 = arith.shrui %get3A_1281, %shift_right_logical3A_1285 : vector<16xi32>
        %and3A_1287 = arith.constant 255 : i32
        %and3A_1288 = vector.broadcast %and3A_1287 : i32 to vector<16xi32>
        %and3A_1289 = arith.andi %shift_right_logical3A_1286, %and3A_1288 : vector<16xi32>
        %add3A_1290 = arith.constant 0 : i32
        %add3A_1291 = vector.broadcast %add3A_1290 : i32 to vector<16xi32>
        %add3A_1292 = arith.addi %and3A_1289, %add3A_1291 : vector<16xi32>
        %broadcast_in_dim3A_1293 = arith.constant true
        %broadcast_in_dim3A_1294 = vector.broadcast %broadcast_in_dim3A_1293 : i1 to vector<16xi1>
        %unique3A_1295, %unique3A_1296 = tpu.scan_count mask(%broadcast_in_dim3A_1294 : vector<16xi1>) value(%add3A_1292 : vector<16xi32>) : vector<16xi1>, vector<16xi32>
        %add3A_1297 = arith.constant 1 : i32
        %add3A_1298 = arith.addi %scan3A_1265, %add3A_1297 : i32
        %mul3A_1299 = arith.constant 16 : i32
        %mul3A_1300 = arith.muli %add3A_1298, %mul3A_1299 : i32
        %get3A_1301 = arith.index_cast %mul3A_1300 : i32 to index
        %get3A_1302 = tpu.vector_load %arg12[%get3A_1301] {strides = array<i32>} : memref<3136xi32, #tpu.memory_space<vmem>>, vector<16xi32>,
        %get3A_1303 = arith.index_cast %mul3A_1300 : i32 to index
        %get3A_1304 = tpu.vector_load %arg13[%get3A_1303] {strides = array<i32>} : memref<3136xi32, #tpu.memory_space<vmem>>, vector<16xi32>,
        %shift_right_logical3A_1305 = arith.constant 0 : i32
        %shift_right_logical3A_1306 = vector.broadcast %shift_right_logical3A_1305 : i32 to vector<16xi32>
        %shift_right_logical3A_1307 = arith.shrui %get3A_1302, %shift_right_logical3A_1306 : vector<16xi32>
        %and3A_1308 = arith.constant 255 : i32
        %and3A_1309 = vector.broadcast %and3A_1308 : i32 to vector<16xi32>
        %and3A_1310 = arith.andi %shift_right_logical3A_1307, %and3A_1309 : vector<16xi32>
        %add3A_1311 = arith.constant 1024 : i32
        %add3A_1312 = vector.broadcast %add3A_1311 : i32 to vector<16xi32>
        %add3A_1313 = arith.addi %and3A_1310, %add3A_1312 : vector<16xi32>
        %broadcast_in_dim3A_1314 = arith.constant true
        %broadcast_in_dim3A_1315 = vector.broadcast %broadcast_in_dim3A_1314 : i1 to vector<16xi1>
        %unique3A_1316, %unique3A_1317 = tpu.scan_count mask(%broadcast_in_dim3A_1315 : vector<16xi1>) value(%add3A_1313 : vector<16xi32>) : vector<16xi1>, vector<16xi32>
        %gather3A_1318 = tpu.vector_load_idx %arg17[%scan3A_1268] : memref<2048xi32, #tpu.memory_space<vmem>>[vector<16xi32>], vector<16xi32>,
        %add3A_1319 = arith.addi %gather3A_1318, %scan3A_1269 : vector<16xi32>
        %sub3A_1320 = arith.constant 1 : i32
        %sub3A_1321 = vector.broadcast %sub3A_1320 : i32 to vector<16xi32>
        %sub3A_1322 = arith.subi %add3A_1319, %sub3A_1321 : vector<16xi32>
        tpu.vector_store_idx %arg10[%sub3A_1322], %scan3A_1266 : memref<3136xi32, #tpu.memory_space<vmem>>[vector<16xi32>], vector<16xi32>,
        tpu.vector_store_idx %arg11[%sub3A_1322], %scan3A_1267 : memref<3136xi32, #tpu.memory_space<vmem>>[vector<16xi32>], vector<16xi32>,
        tpu.vector_store_idx %arg17[%scan3A_1268], %scan3A_1269 masked %scan3A_1270 {add = true} : memref<2048xi32, #tpu.memory_space<vmem>>[vector<16xi32>], vector<16xi32>, vector<16xi1>
        %gather3A_1323 = tpu.vector_load_idx %arg17[%scan3A_1273] : memref<2048xi32, #tpu.memory_space<vmem>>[vector<16xi32>], vector<16xi32>,
        %add3A_1324 = arith.addi %gather3A_1323, %scan3A_1274 : vector<16xi32>
        %sub3A_1325 = arith.constant 1 : i32
        %sub3A_1326 = vector.broadcast %sub3A_1325 : i32 to vector<16xi32>
        %sub3A_1327 = arith.subi %add3A_1324, %sub3A_1326 : vector<16xi32>
        tpu.vector_store_idx %arg14[%sub3A_1327], %scan3A_1271 : memref<3136xi32, #tpu.memory_space<vmem>>[vector<16xi32>], vector<16xi32>,
        tpu.vector_store_idx %arg15[%sub3A_1327], %scan3A_1272 : memref<3136xi32, #tpu.memory_space<vmem>>[vector<16xi32>], vector<16xi32>,
        tpu.vector_store_idx %arg17[%scan3A_1273], %scan3A_1274 masked %scan3A_1275 {add = true} : memref<2048xi32, #tpu.memory_space<vmem>>[vector<16xi32>], vector<16xi32>, vector<16xi1>
        scf.yield %get3A_1281, %get3A_1283, %add3A_1292, %unique3A_1296, %unique3A_1295, %get3A_1302, %get3A_1304, %add3A_1313, %unique3A_1317, %unique3A_1316 : vector<16xi32>, vector<16xi32>, vector<16xi32>, vector<16xi32>, vector<16xi1>, vector<16xi32>, vector<16xi32>, vector<16xi32>, vector<16xi32>, vector<16xi1>
      }
      %scan3A_644 = arith.constant 195 : i32
      %gather3A_645 = tpu.vector_load_idx %arg17[%scan3A_643#2] : memref<2048xi32, #tpu.memory_space<vmem>>[vector<16xi32>], vector<16xi32>,
      %add3A_646 = arith.addi %gather3A_645, %scan3A_643#3 : vector<16xi32>
      %sub3A_647 = arith.constant 1 : i32
      %sub3A_648 = vector.broadcast %sub3A_647 : i32 to vector<16xi32>
      %sub3A_649 = arith.subi %add3A_646, %sub3A_648 : vector<16xi32>
      tpu.vector_store_idx %arg10[%sub3A_649], %scan3A_643#0 : memref<3136xi32, #tpu.memory_space<vmem>>[vector<16xi32>], vector<16xi32>,
      tpu.vector_store_idx %arg11[%sub3A_649], %scan3A_643#1 : memref<3136xi32, #tpu.memory_space<vmem>>[vector<16xi32>], vector<16xi32>,
      tpu.vector_store_idx %arg17[%scan3A_643#2], %scan3A_643#3 masked %scan3A_643#4 {add = true} : memref<2048xi32, #tpu.memory_space<vmem>>[vector<16xi32>], vector<16xi32>, vector<16xi1>
      %gather3A_650 = tpu.vector_load_idx %arg17[%scan3A_643#7] : memref<2048xi32, #tpu.memory_space<vmem>>[vector<16xi32>], vector<16xi32>,
      %add3A_651 = arith.addi %gather3A_650, %scan3A_643#8 : vector<16xi32>
      %sub3A_652 = arith.constant 1 : i32
      %sub3A_653 = vector.broadcast %sub3A_652 : i32 to vector<16xi32>
      %sub3A_654 = arith.subi %add3A_651, %sub3A_653 : vector<16xi32>
      tpu.vector_store_idx %arg14[%sub3A_654], %scan3A_643#5 : memref<3136xi32, #tpu.memory_space<vmem>>[vector<16xi32>], vector<16xi32>,
      tpu.vector_store_idx %arg15[%sub3A_654], %scan3A_643#6 : memref<3136xi32, #tpu.memory_space<vmem>>[vector<16xi32>], vector<16xi32>,
      tpu.vector_store_idx %arg17[%scan3A_643#7], %scan3A_643#8 masked %scan3A_643#9 {add = true} : memref<2048xi32, #tpu.memory_space<vmem>>[vector<16xi32>], vector<16xi32>, vector<16xi1>
      %get3A_655 = arith.constant 0 : index
      %get3A_656 = tpu.vector_load %arg10[%get3A_655] {strides = array<i32>} : memref<3136xi32, #tpu.memory_space<vmem>>, vector<16xi32>,
      %get3A_657 = arith.constant 0 : index
      %get3A_658 = tpu.vector_load %arg11[%get3A_657] {strides = array<i32>} : memref<3136xi32, #tpu.memory_space<vmem>>, vector<16xi32>,
      %shift_right_logical3A_659 = arith.constant 8 : i32
      %shift_right_logical3A_660 = vector.broadcast %shift_right_logical3A_659 : i32 to vector<16xi32>
      %shift_right_logical3A_661 = arith.shrui %get3A_656, %shift_right_logical3A_660 : vector<16xi32>
      %and3A_662 = arith.constant 255 : i32
      %and3A_663 = vector.broadcast %and3A_662 : i32 to vector<16xi32>
      %and3A_664 = arith.andi %shift_right_logical3A_661, %and3A_663 : vector<16xi32>
      %add3A_665 = arith.constant 256 : i32
      %add3A_666 = vector.broadcast %add3A_665 : i32 to vector<16xi32>
      %add3A_667 = arith.addi %and3A_664, %add3A_666 : vector<16xi32>
      %broadcast_in_dim3A_668 = arith.constant true
      %broadcast_in_dim3A_669 = vector.broadcast %broadcast_in_dim3A_668 : i1 to vector<16xi1>
      %unique3A_670, %unique3A_671 = tpu.scan_count mask(%broadcast_in_dim3A_669 : vector<16xi1>) value(%add3A_667 : vector<16xi32>) : vector<16xi1>, vector<16xi32>
      %get3A_672 = arith.constant 0 : index
      %get3A_673 = tpu.vector_load %arg14[%get3A_672] {strides = array<i32>} : memref<3136xi32, #tpu.memory_space<vmem>>, vector<16xi32>,
      %get3A_674 = arith.constant 0 : index
      %get3A_675 = tpu.vector_load %arg15[%get3A_674] {strides = array<i32>} : memref<3136xi32, #tpu.memory_space<vmem>>, vector<16xi32>,
      %shift_right_logical3A_676 = arith.constant 8 : i32
      %shift_right_logical3A_677 = vector.broadcast %shift_right_logical3A_676 : i32 to vector<16xi32>
      %shift_right_logical3A_678 = arith.shrui %get3A_673, %shift_right_logical3A_677 : vector<16xi32>
      %and3A_679 = arith.constant 255 : i32
      %and3A_680 = vector.broadcast %and3A_679 : i32 to vector<16xi32>
      %and3A_681 = arith.andi %shift_right_logical3A_678, %and3A_680 : vector<16xi32>
      %add3A_682 = arith.constant 1280 : i32
      %add3A_683 = vector.broadcast %add3A_682 : i32 to vector<16xi32>
      %add3A_684 = arith.addi %and3A_681, %add3A_683 : vector<16xi32>
      %broadcast_in_dim3A_685 = arith.constant true
      %broadcast_in_dim3A_686 = vector.broadcast %broadcast_in_dim3A_685 : i1 to vector<16xi1>
      %unique3A_687, %unique3A_688 = tpu.scan_count mask(%broadcast_in_dim3A_686 : vector<16xi1>) value(%add3A_684 : vector<16xi32>) : vector<16xi1>, vector<16xi32>
      %scan3A_689 = arith.constant 0 : i32
      %scan3A_690 = arith.constant 195 : i32
      %scan3A_691 = arith.addi %scan3A_689, %scan3A_690 : i32
      %scan3A_692 = arith.constant 1 : i32
      %scan3A_693:10 = scf.for %scan3A_1265 = %scan3A_689 to %scan3A_691 step %scan3A_692 iter_args(%scan3A_1266 = %get3A_656, %scan3A_1267 = %get3A_658, %scan3A_1268 = %add3A_667, %scan3A_1269 = %unique3A_671, %scan3A_1270 = %unique3A_670, %scan3A_1271 = %get3A_673, %scan3A_1272 = %get3A_675, %scan3A_1273 = %add3A_684, %scan3A_1274 = %unique3A_688, %scan3A_1275 = %unique3A_687) -> (vector<16xi32>, vector<16xi32>, vector<16xi32>, vector<16xi32>, vector<16xi1>, vector<16xi32>, vector<16xi32>, vector<16xi32>, vector<16xi32>, vector<16xi1>)  : i32 {
        %add3A_1276 = arith.constant 1 : i32
        %add3A_1277 = arith.addi %scan3A_1265, %add3A_1276 : i32
        %mul3A_1278 = arith.constant 16 : i32
        %mul3A_1279 = arith.muli %add3A_1277, %mul3A_1278 : i32
        %get3A_1280 = arith.index_cast %mul3A_1279 : i32 to index
        %get3A_1281 = tpu.vector_load %arg10[%get3A_1280] {strides = array<i32>} : memref<3136xi32, #tpu.memory_space<vmem>>, vector<16xi32>,
        %get3A_1282 = arith.index_cast %mul3A_1279 : i32 to index
        %get3A_1283 = tpu.vector_load %arg11[%get3A_1282] {strides = array<i32>} : memref<3136xi32, #tpu.memory_space<vmem>>, vector<16xi32>,
        %shift_right_logical3A_1284 = arith.constant 8 : i32
        %shift_right_logical3A_1285 = vector.broadcast %shift_right_logical3A_1284 : i32 to vector<16xi32>
        %shift_right_logical3A_1286 = arith.shrui %get3A_1281, %shift_right_logical3A_1285 : vector<16xi32>
        %and3A_1287 = arith.constant 255 : i32
        %and3A_1288 = vector.broadcast %and3A_1287 : i32 to vector<16xi32>
        %and3A_1289 = arith.andi %shift_right_logical3A_1286, %and3A_1288 : vector<16xi32>
        %add3A_1290 = arith.constant 256 : i32
        %add3A_1291 = vector.broadcast %add3A_1290 : i32 to vector<16xi32>
        %add3A_1292 = arith.addi %and3A_1289, %add3A_1291 : vector<16xi32>
        %broadcast_in_dim3A_1293 = arith.constant true
        %broadcast_in_dim3A_1294 = vector.broadcast %broadcast_in_dim3A_1293 : i1 to vector<16xi1>
        %unique3A_1295, %unique3A_1296 = tpu.scan_count mask(%broadcast_in_dim3A_1294 : vector<16xi1>) value(%add3A_1292 : vector<16xi32>) : vector<16xi1>, vector<16xi32>
        %add3A_1297 = arith.constant 1 : i32
        %add3A_1298 = arith.addi %scan3A_1265, %add3A_1297 : i32
        %mul3A_1299 = arith.constant 16 : i32
        %mul3A_1300 = arith.muli %add3A_1298, %mul3A_1299 : i32
        %get3A_1301 = arith.index_cast %mul3A_1300 : i32 to index
        %get3A_1302 = tpu.vector_load %arg14[%get3A_1301] {strides = array<i32>} : memref<3136xi32, #tpu.memory_space<vmem>>, vector<16xi32>,
        %get3A_1303 = arith.index_cast %mul3A_1300 : i32 to index
        %get3A_1304 = tpu.vector_load %arg15[%get3A_1303] {strides = array<i32>} : memref<3136xi32, #tpu.memory_space<vmem>>, vector<16xi32>,
        %shift_right_logical3A_1305 = arith.constant 8 : i32
        %shift_right_logical3A_1306 = vector.broadcast %shift_right_logical3A_1305 : i32 to vector<16xi32>
        %shift_right_logical3A_1307 = arith.shrui %get3A_1302, %shift_right_logical3A_1306 : vector<16xi32>
        %and3A_1308 = arith.constant 255 : i32
        %and3A_1309 = vector.broadcast %and3A_1308 : i32 to vector<16xi32>
        %and3A_1310 = arith.andi %shift_right_logical3A_1307, %and3A_1309 : vector<16xi32>
        %add3A_1311 = arith.constant 1280 : i32
        %add3A_1312 = vector.broadcast %add3A_1311 : i32 to vector<16xi32>
        %add3A_1313 = arith.addi %and3A_1310, %add3A_1312 : vector<16xi32>
        %broadcast_in_dim3A_1314 = arith.constant true
        %broadcast_in_dim3A_1315 = vector.broadcast %broadcast_in_dim3A_1314 : i1 to vector<16xi1>
        %unique3A_1316, %unique3A_1317 = tpu.scan_count mask(%broadcast_in_dim3A_1315 : vector<16xi1>) value(%add3A_1313 : vector<16xi32>) : vector<16xi1>, vector<16xi32>
        %gather3A_1318 = tpu.vector_load_idx %arg17[%scan3A_1268] : memref<2048xi32, #tpu.memory_space<vmem>>[vector<16xi32>], vector<16xi32>,
        %add3A_1319 = arith.addi %gather3A_1318, %scan3A_1269 : vector<16xi32>
        %sub3A_1320 = arith.constant 1 : i32
        %sub3A_1321 = vector.broadcast %sub3A_1320 : i32 to vector<16xi32>
        %sub3A_1322 = arith.subi %add3A_1319, %sub3A_1321 : vector<16xi32>
        tpu.vector_store_idx %arg8[%sub3A_1322], %scan3A_1266 : memref<3136xi32, #tpu.memory_space<vmem>>[vector<16xi32>], vector<16xi32>,
        tpu.vector_store_idx %arg9[%sub3A_1322], %scan3A_1267 : memref<3136xi32, #tpu.memory_space<vmem>>[vector<16xi32>], vector<16xi32>,
        tpu.vector_store_idx %arg17[%scan3A_1268], %scan3A_1269 masked %scan3A_1270 {add = true} : memref<2048xi32, #tpu.memory_space<vmem>>[vector<16xi32>], vector<16xi32>, vector<16xi1>
        %gather3A_1323 = tpu.vector_load_idx %arg17[%scan3A_1273] : memref<2048xi32, #tpu.memory_space<vmem>>[vector<16xi32>], vector<16xi32>,
        %add3A_1324 = arith.addi %gather3A_1323, %scan3A_1274 : vector<16xi32>
        %sub3A_1325 = arith.constant 1 : i32
        %sub3A_1326 = vector.broadcast %sub3A_1325 : i32 to vector<16xi32>
        %sub3A_1327 = arith.subi %add3A_1324, %sub3A_1326 : vector<16xi32>
        tpu.vector_store_idx %arg12[%sub3A_1327], %scan3A_1271 : memref<3136xi32, #tpu.memory_space<vmem>>[vector<16xi32>], vector<16xi32>,
        tpu.vector_store_idx %arg13[%sub3A_1327], %scan3A_1272 : memref<3136xi32, #tpu.memory_space<vmem>>[vector<16xi32>], vector<16xi32>,
        tpu.vector_store_idx %arg17[%scan3A_1273], %scan3A_1274 masked %scan3A_1275 {add = true} : memref<2048xi32, #tpu.memory_space<vmem>>[vector<16xi32>], vector<16xi32>, vector<16xi1>
        scf.yield %get3A_1281, %get3A_1283, %add3A_1292, %unique3A_1296, %unique3A_1295, %get3A_1302, %get3A_1304, %add3A_1313, %unique3A_1317, %unique3A_1316 : vector<16xi32>, vector<16xi32>, vector<16xi32>, vector<16xi32>, vector<16xi1>, vector<16xi32>, vector<16xi32>, vector<16xi32>, vector<16xi32>, vector<16xi1>
      }
      %scan3A_694 = arith.constant 195 : i32
      %gather3A_695 = tpu.vector_load_idx %arg17[%scan3A_693#2] : memref<2048xi32, #tpu.memory_space<vmem>>[vector<16xi32>], vector<16xi32>,
      %add3A_696 = arith.addi %gather3A_695, %scan3A_693#3 : vector<16xi32>
      %sub3A_697 = arith.constant 1 : i32
      %sub3A_698 = vector.broadcast %sub3A_697 : i32 to vector<16xi32>
      %sub3A_699 = arith.subi %add3A_696, %sub3A_698 : vector<16xi32>
      tpu.vector_store_idx %arg8[%sub3A_699], %scan3A_693#0 : memref<3136xi32, #tpu.memory_space<vmem>>[vector<16xi32>], vector<16xi32>,
      tpu.vector_store_idx %arg9[%sub3A_699], %scan3A_693#1 : memref<3136xi32, #tpu.memory_space<vmem>>[vector<16xi32>], vector<16xi32>,
      tpu.vector_store_idx %arg17[%scan3A_693#2], %scan3A_693#3 masked %scan3A_693#4 {add = true} : memref<2048xi32, #tpu.memory_space<vmem>>[vector<16xi32>], vector<16xi32>, vector<16xi1>
      %gather3A_700 = tpu.vector_load_idx %arg17[%scan3A_693#7] : memref<2048xi32, #tpu.memory_space<vmem>>[vector<16xi32>], vector<16xi32>,
      %add3A_701 = arith.addi %gather3A_700, %scan3A_693#8 : vector<16xi32>
      %sub3A_702 = arith.constant 1 : i32
      %sub3A_703 = vector.broadcast %sub3A_702 : i32 to vector<16xi32>
      %sub3A_704 = arith.subi %add3A_701, %sub3A_703 : vector<16xi32>
      tpu.vector_store_idx %arg12[%sub3A_704], %scan3A_693#5 : memref<3136xi32, #tpu.memory_space<vmem>>[vector<16xi32>], vector<16xi32>,
      tpu.vector_store_idx %arg13[%sub3A_704], %scan3A_693#6 : memref<3136xi32, #tpu.memory_space<vmem>>[vector<16xi32>], vector<16xi32>,
      tpu.vector_store_idx %arg17[%scan3A_693#7], %scan3A_693#8 masked %scan3A_693#9 {add = true} : memref<2048xi32, #tpu.memory_space<vmem>>[vector<16xi32>], vector<16xi32>, vector<16xi1>
      %get3A_705 = arith.constant 0 : index
      %get3A_706 = tpu.vector_load %arg8[%get3A_705] {strides = array<i32>} : memref<3136xi32, #tpu.memory_space<vmem>>, vector<16xi32>,
      %get3A_707 = arith.constant 0 : index
      %get3A_708 = tpu.vector_load %arg9[%get3A_707] {strides = array<i32>} : memref<3136xi32, #tpu.memory_space<vmem>>, vector<16xi32>,
      %shift_right_logical3A_709 = arith.constant 16 : i32
      %shift_right_logical3A_710 = vector.broadcast %shift_right_logical3A_709 : i32 to vector<16xi32>
      %shift_right_logical3A_711 = arith.shrui %get3A_706, %shift_right_logical3A_710 : vector<16xi32>
      %and3A_712 = arith.constant 255 : i32
      %and3A_713 = vector.broadcast %and3A_712 : i32 to vector<16xi32>
      %and3A_714 = arith.andi %shift_right_logical3A_711, %and3A_713 : vector<16xi32>
      %add3A_715 = arith.constant 512 : i32
      %add3A_716 = vector.broadcast %add3A_715 : i32 to vector<16xi32>
      %add3A_717 = arith.addi %and3A_714, %add3A_716 : vector<16xi32>
      %broadcast_in_dim3A_718 = arith.constant true
      %broadcast_in_dim3A_719 = vector.broadcast %broadcast_in_dim3A_718 : i1 to vector<16xi1>
      %unique3A_720, %unique3A_721 = tpu.scan_count mask(%broadcast_in_dim3A_719 : vector<16xi1>) value(%add3A_717 : vector<16xi32>) : vector<16xi1>, vector<16xi32>
      %get3A_722 = arith.constant 0 : index
      %get3A_723 = tpu.vector_load %arg12[%get3A_722] {strides = array<i32>} : memref<3136xi32, #tpu.memory_space<vmem>>, vector<16xi32>,
      %get3A_724 = arith.constant 0 : index
      %get3A_725 = tpu.vector_load %arg13[%get3A_724] {strides = array<i32>} : memref<3136xi32, #tpu.memory_space<vmem>>, vector<16xi32>,
      %shift_right_logical3A_726 = arith.constant 16 : i32
      %shift_right_logical3A_727 = vector.broadcast %shift_right_logical3A_726 : i32 to vector<16xi32>
      %shift_right_logical3A_728 = arith.shrui %get3A_723, %shift_right_logical3A_727 : vector<16xi32>
      %and3A_729 = arith.constant 255 : i32
      %and3A_730 = vector.broadcast %and3A_729 : i32 to vector<16xi32>
      %and3A_731 = arith.andi %shift_right_logical3A_728, %and3A_730 : vector<16xi32>
      %add3A_732 = arith.constant 1536 : i32
      %add3A_733 = vector.broadcast %add3A_732 : i32 to vector<16xi32>
      %add3A_734 = arith.addi %and3A_731, %add3A_733 : vector<16xi32>
      %broadcast_in_dim3A_735 = arith.constant true
      %broadcast_in_dim3A_736 = vector.broadcast %broadcast_in_dim3A_735 : i1 to vector<16xi1>
      %unique3A_737, %unique3A_738 = tpu.scan_count mask(%broadcast_in_dim3A_736 : vector<16xi1>) value(%add3A_734 : vector<16xi32>) : vector<16xi1>, vector<16xi32>
      %scan3A_739 = arith.constant 0 : i32
      %scan3A_740 = arith.constant 195 : i32
      %scan3A_741 = arith.addi %scan3A_739, %scan3A_740 : i32
      %scan3A_742 = arith.constant 1 : i32
      %scan3A_743:10 = scf.for %scan3A_1265 = %scan3A_739 to %scan3A_741 step %scan3A_742 iter_args(%scan3A_1266 = %get3A_706, %scan3A_1267 = %get3A_708, %scan3A_1268 = %add3A_717, %scan3A_1269 = %unique3A_721, %scan3A_1270 = %unique3A_720, %scan3A_1271 = %get3A_723, %scan3A_1272 = %get3A_725, %scan3A_1273 = %add3A_734, %scan3A_1274 = %unique3A_738, %scan3A_1275 = %unique3A_737) -> (vector<16xi32>, vector<16xi32>, vector<16xi32>, vector<16xi32>, vector<16xi1>, vector<16xi32>, vector<16xi32>, vector<16xi32>, vector<16xi32>, vector<16xi1>)  : i32 {
        %add3A_1276 = arith.constant 1 : i32
        %add3A_1277 = arith.addi %scan3A_1265, %add3A_1276 : i32
        %mul3A_1278 = arith.constant 16 : i32
        %mul3A_1279 = arith.muli %add3A_1277, %mul3A_1278 : i32
        %get3A_1280 = arith.index_cast %mul3A_1279 : i32 to index
        %get3A_1281 = tpu.vector_load %arg8[%get3A_1280] {strides = array<i32>} : memref<3136xi32, #tpu.memory_space<vmem>>, vector<16xi32>,
        %get3A_1282 = arith.index_cast %mul3A_1279 : i32 to index
        %get3A_1283 = tpu.vector_load %arg9[%get3A_1282] {strides = array<i32>} : memref<3136xi32, #tpu.memory_space<vmem>>, vector<16xi32>,
        %shift_right_logical3A_1284 = arith.constant 16 : i32
        %shift_right_logical3A_1285 = vector.broadcast %shift_right_logical3A_1284 : i32 to vector<16xi32>
        %shift_right_logical3A_1286 = arith.shrui %get3A_1281, %shift_right_logical3A_1285 : vector<16xi32>
        %and3A_1287 = arith.constant 255 : i32
        %and3A_1288 = vector.broadcast %and3A_1287 : i32 to vector<16xi32>
        %and3A_1289 = arith.andi %shift_right_logical3A_1286, %and3A_1288 : vector<16xi32>
        %add3A_1290 = arith.constant 512 : i32
        %add3A_1291 = vector.broadcast %add3A_1290 : i32 to vector<16xi32>
        %add3A_1292 = arith.addi %and3A_1289, %add3A_1291 : vector<16xi32>
        %broadcast_in_dim3A_1293 = arith.constant true
        %broadcast_in_dim3A_1294 = vector.broadcast %broadcast_in_dim3A_1293 : i1 to vector<16xi1>
        %unique3A_1295, %unique3A_1296 = tpu.scan_count mask(%broadcast_in_dim3A_1294 : vector<16xi1>) value(%add3A_1292 : vector<16xi32>) : vector<16xi1>, vector<16xi32>
        %add3A_1297 = arith.constant 1 : i32
        %add3A_1298 = arith.addi %scan3A_1265, %add3A_1297 : i32
        %mul3A_1299 = arith.constant 16 : i32
        %mul3A_1300 = arith.muli %add3A_1298, %mul3A_1299 : i32
        %get3A_1301 = arith.index_cast %mul3A_1300 : i32 to index
        %get3A_1302 = tpu.vector_load %arg12[%get3A_1301] {strides = array<i32>} : memref<3136xi32, #tpu.memory_space<vmem>>, vector<16xi32>,
        %get3A_1303 = arith.index_cast %mul3A_1300 : i32 to index
        %get3A_1304 = tpu.vector_load %arg13[%get3A_1303] {strides = array<i32>} : memref<3136xi32, #tpu.memory_space<vmem>>, vector<16xi32>,
        %shift_right_logical3A_1305 = arith.constant 16 : i32
        %shift_right_logical3A_1306 = vector.broadcast %shift_right_logical3A_1305 : i32 to vector<16xi32>
        %shift_right_logical3A_1307 = arith.shrui %get3A_1302, %shift_right_logical3A_1306 : vector<16xi32>
        %and3A_1308 = arith.constant 255 : i32
        %and3A_1309 = vector.broadcast %and3A_1308 : i32 to vector<16xi32>
        %and3A_1310 = arith.andi %shift_right_logical3A_1307, %and3A_1309 : vector<16xi32>
        %add3A_1311 = arith.constant 1536 : i32
        %add3A_1312 = vector.broadcast %add3A_1311 : i32 to vector<16xi32>
        %add3A_1313 = arith.addi %and3A_1310, %add3A_1312 : vector<16xi32>
        %broadcast_in_dim3A_1314 = arith.constant true
        %broadcast_in_dim3A_1315 = vector.broadcast %broadcast_in_dim3A_1314 : i1 to vector<16xi1>
        %unique3A_1316, %unique3A_1317 = tpu.scan_count mask(%broadcast_in_dim3A_1315 : vector<16xi1>) value(%add3A_1313 : vector<16xi32>) : vector<16xi1>, vector<16xi32>
        %gather3A_1318 = tpu.vector_load_idx %arg17[%scan3A_1268] : memref<2048xi32, #tpu.memory_space<vmem>>[vector<16xi32>], vector<16xi32>,
        %add3A_1319 = arith.addi %gather3A_1318, %scan3A_1269 : vector<16xi32>
        %sub3A_1320 = arith.constant 1 : i32
        %sub3A_1321 = vector.broadcast %sub3A_1320 : i32 to vector<16xi32>
        %sub3A_1322 = arith.subi %add3A_1319, %sub3A_1321 : vector<16xi32>
        tpu.vector_store_idx %arg10[%sub3A_1322], %scan3A_1266 : memref<3136xi32, #tpu.memory_space<vmem>>[vector<16xi32>], vector<16xi32>,
        tpu.vector_store_idx %arg11[%sub3A_1322], %scan3A_1267 : memref<3136xi32, #tpu.memory_space<vmem>>[vector<16xi32>], vector<16xi32>,
        tpu.vector_store_idx %arg17[%scan3A_1268], %scan3A_1269 masked %scan3A_1270 {add = true} : memref<2048xi32, #tpu.memory_space<vmem>>[vector<16xi32>], vector<16xi32>, vector<16xi1>
        %gather3A_1323 = tpu.vector_load_idx %arg17[%scan3A_1273] : memref<2048xi32, #tpu.memory_space<vmem>>[vector<16xi32>], vector<16xi32>,
        %add3A_1324 = arith.addi %gather3A_1323, %scan3A_1274 : vector<16xi32>
        %sub3A_1325 = arith.constant 1 : i32
        %sub3A_1326 = vector.broadcast %sub3A_1325 : i32 to vector<16xi32>
        %sub3A_1327 = arith.subi %add3A_1324, %sub3A_1326 : vector<16xi32>
        tpu.vector_store_idx %arg14[%sub3A_1327], %scan3A_1271 : memref<3136xi32, #tpu.memory_space<vmem>>[vector<16xi32>], vector<16xi32>,
        tpu.vector_store_idx %arg15[%sub3A_1327], %scan3A_1272 : memref<3136xi32, #tpu.memory_space<vmem>>[vector<16xi32>], vector<16xi32>,
        tpu.vector_store_idx %arg17[%scan3A_1273], %scan3A_1274 masked %scan3A_1275 {add = true} : memref<2048xi32, #tpu.memory_space<vmem>>[vector<16xi32>], vector<16xi32>, vector<16xi1>
        scf.yield %get3A_1281, %get3A_1283, %add3A_1292, %unique3A_1296, %unique3A_1295, %get3A_1302, %get3A_1304, %add3A_1313, %unique3A_1317, %unique3A_1316 : vector<16xi32>, vector<16xi32>, vector<16xi32>, vector<16xi32>, vector<16xi1>, vector<16xi32>, vector<16xi32>, vector<16xi32>, vector<16xi32>, vector<16xi1>
      }
      %scan3A_744 = arith.constant 195 : i32
      %gather3A_745 = tpu.vector_load_idx %arg17[%scan3A_743#2] : memref<2048xi32, #tpu.memory_space<vmem>>[vector<16xi32>], vector<16xi32>,
      %add3A_746 = arith.addi %gather3A_745, %scan3A_743#3 : vector<16xi32>
      %sub3A_747 = arith.constant 1 : i32
      %sub3A_748 = vector.broadcast %sub3A_747 : i32 to vector<16xi32>
      %sub3A_749 = arith.subi %add3A_746, %sub3A_748 : vector<16xi32>
      tpu.vector_store_idx %arg10[%sub3A_749], %scan3A_743#0 : memref<3136xi32, #tpu.memory_space<vmem>>[vector<16xi32>], vector<16xi32>,
      tpu.vector_store_idx %arg11[%sub3A_749], %scan3A_743#1 : memref<3136xi32, #tpu.memory_space<vmem>>[vector<16xi32>], vector<16xi32>,
      tpu.vector_store_idx %arg17[%scan3A_743#2], %scan3A_743#3 masked %scan3A_743#4 {add = true} : memref<2048xi32, #tpu.memory_space<vmem>>[vector<16xi32>], vector<16xi32>, vector<16xi1>
      %gather3A_750 = tpu.vector_load_idx %arg17[%scan3A_743#7] : memref<2048xi32, #tpu.memory_space<vmem>>[vector<16xi32>], vector<16xi32>,
      %add3A_751 = arith.addi %gather3A_750, %scan3A_743#8 : vector<16xi32>
      %sub3A_752 = arith.constant 1 : i32
      %sub3A_753 = vector.broadcast %sub3A_752 : i32 to vector<16xi32>
      %sub3A_754 = arith.subi %add3A_751, %sub3A_753 : vector<16xi32>
      tpu.vector_store_idx %arg14[%sub3A_754], %scan3A_743#5 : memref<3136xi32, #tpu.memory_space<vmem>>[vector<16xi32>], vector<16xi32>,
      tpu.vector_store_idx %arg15[%sub3A_754], %scan3A_743#6 : memref<3136xi32, #tpu.memory_space<vmem>>[vector<16xi32>], vector<16xi32>,
      tpu.vector_store_idx %arg17[%scan3A_743#7], %scan3A_743#8 masked %scan3A_743#9 {add = true} : memref<2048xi32, #tpu.memory_space<vmem>>[vector<16xi32>], vector<16xi32>, vector<16xi1>
      %ge3A_755 = arith.constant 1 : i32
      %ge3A_756 = arith.cmpi sge, %add3A_429, %ge3A_755 : i32
      %convert_element_type3A_757 = arith.extui %ge3A_756 : i1 to i32
      %cond3A_758 = arith.constant 0 : i32
      %cond3A_759 = arith.cmpi ne, %convert_element_type3A_757, %cond3A_758 : i32
      scf.if %cond3A_759 {
        %sub3A_1265 = arith.constant 6272 : i32
        %sub3A_1266 = arith.subi %add3A_432, %sub3A_1265 : i32
        %dma_wait3A_1267 = tpu.memref_slice %arg4[%sub3A_1266] : memref<9633792xi32, #tpu.memory_space<hbm>> -> memref<6272xi32, #tpu.memory_space<hbm>>
        %dma_wait3A_1268 = tpu.memref_slice %arg4[%sub3A_1266] : memref<9633792xi32, #tpu.memory_space<hbm>> -> memref<6272xi32, #tpu.memory_space<hbm>>
        tpu.wait_dma2 semaphore(%arg20 : memref<!tpu.dma_semaphore, #tpu.memory_space<semaphore_mem>>) src(%arg16 : memref<6272xi32, #tpu.memory_space<vmem>>) dst(%dma_wait3A_1268 : memref<6272xi32, #tpu.memory_space<hbm>>)
      } else {
      }
      %get3A_760 = arith.constant 0 : index
      %get3A_761 = tpu.vector_load %arg10[%get3A_760] {strides = array<i32>} : memref<3136xi32, #tpu.memory_space<vmem>>, vector<16xi32>,
      %get3A_762 = arith.constant 0 : index
      %get3A_763 = tpu.vector_load %arg11[%get3A_762] {strides = array<i32>} : memref<3136xi32, #tpu.memory_space<vmem>>, vector<16xi32>,
      %shift_right_logical3A_764 = arith.constant 24 : i32
      %shift_right_logical3A_765 = vector.broadcast %shift_right_logical3A_764 : i32 to vector<16xi32>
      %shift_right_logical3A_766 = arith.shrui %get3A_761, %shift_right_logical3A_765 : vector<16xi32>
      %and3A_767 = arith.constant 255 : i32
      %and3A_768 = vector.broadcast %and3A_767 : i32 to vector<16xi32>
      %and3A_769 = arith.andi %shift_right_logical3A_766, %and3A_768 : vector<16xi32>
      %add3A_770 = arith.constant 768 : i32
      %add3A_771 = vector.broadcast %add3A_770 : i32 to vector<16xi32>
      %add3A_772 = arith.addi %and3A_769, %add3A_771 : vector<16xi32>
      %broadcast_in_dim3A_773 = arith.constant true
      %broadcast_in_dim3A_774 = vector.broadcast %broadcast_in_dim3A_773 : i1 to vector<16xi1>
      %unique3A_775, %unique3A_776 = tpu.scan_count mask(%broadcast_in_dim3A_774 : vector<16xi1>) value(%add3A_772 : vector<16xi32>) : vector<16xi1>, vector<16xi32>
      %get3A_777 = arith.constant 0 : index
      %get3A_778 = tpu.vector_load %arg14[%get3A_777] {strides = array<i32>} : memref<3136xi32, #tpu.memory_space<vmem>>, vector<16xi32>,
      %get3A_779 = arith.constant 0 : index
      %get3A_780 = tpu.vector_load %arg15[%get3A_779] {strides = array<i32>} : memref<3136xi32, #tpu.memory_space<vmem>>, vector<16xi32>,
      %shift_right_logical3A_781 = arith.constant 24 : i32
      %shift_right_logical3A_782 = vector.broadcast %shift_right_logical3A_781 : i32 to vector<16xi32>
      %shift_right_logical3A_783 = arith.shrui %get3A_778, %shift_right_logical3A_782 : vector<16xi32>
      %and3A_784 = arith.constant 255 : i32
      %and3A_785 = vector.broadcast %and3A_784 : i32 to vector<16xi32>
      %and3A_786 = arith.andi %shift_right_logical3A_783, %and3A_785 : vector<16xi32>
      %add3A_787 = arith.constant 1792 : i32
      %add3A_788 = vector.broadcast %add3A_787 : i32 to vector<16xi32>
      %add3A_789 = arith.addi %and3A_786, %add3A_788 : vector<16xi32>
      %broadcast_in_dim3A_790 = arith.constant true
      %broadcast_in_dim3A_791 = vector.broadcast %broadcast_in_dim3A_790 : i1 to vector<16xi1>
      %unique3A_792, %unique3A_793 = tpu.scan_count mask(%broadcast_in_dim3A_791 : vector<16xi1>) value(%add3A_789 : vector<16xi32>) : vector<16xi1>, vector<16xi32>
      %scan3A_794 = arith.constant 0 : i32
      %scan3A_795 = arith.constant 195 : i32
      %scan3A_796 = arith.addi %scan3A_794, %scan3A_795 : i32
      %scan3A_797 = arith.constant 1 : i32
      %scan3A_798:10 = scf.for %scan3A_1265 = %scan3A_794 to %scan3A_796 step %scan3A_797 iter_args(%scan3A_1266 = %get3A_761, %scan3A_1267 = %get3A_763, %scan3A_1268 = %add3A_772, %scan3A_1269 = %unique3A_776, %scan3A_1270 = %unique3A_775, %scan3A_1271 = %get3A_778, %scan3A_1272 = %get3A_780, %scan3A_1273 = %add3A_789, %scan3A_1274 = %unique3A_793, %scan3A_1275 = %unique3A_792) -> (vector<16xi32>, vector<16xi32>, vector<16xi32>, vector<16xi32>, vector<16xi1>, vector<16xi32>, vector<16xi32>, vector<16xi32>, vector<16xi32>, vector<16xi1>)  : i32 {
        %add3A_1276 = arith.constant 1 : i32
        %add3A_1277 = arith.addi %scan3A_1265, %add3A_1276 : i32
        %mul3A_1278 = arith.constant 16 : i32
        %mul3A_1279 = arith.muli %add3A_1277, %mul3A_1278 : i32
        %get3A_1280 = arith.index_cast %mul3A_1279 : i32 to index
        %get3A_1281 = tpu.vector_load %arg10[%get3A_1280] {strides = array<i32>} : memref<3136xi32, #tpu.memory_space<vmem>>, vector<16xi32>,
        %get3A_1282 = arith.index_cast %mul3A_1279 : i32 to index
        %get3A_1283 = tpu.vector_load %arg11[%get3A_1282] {strides = array<i32>} : memref<3136xi32, #tpu.memory_space<vmem>>, vector<16xi32>,
        %shift_right_logical3A_1284 = arith.constant 24 : i32
        %shift_right_logical3A_1285 = vector.broadcast %shift_right_logical3A_1284 : i32 to vector<16xi32>
        %shift_right_logical3A_1286 = arith.shrui %get3A_1281, %shift_right_logical3A_1285 : vector<16xi32>
        %and3A_1287 = arith.constant 255 : i32
        %and3A_1288 = vector.broadcast %and3A_1287 : i32 to vector<16xi32>
        %and3A_1289 = arith.andi %shift_right_logical3A_1286, %and3A_1288 : vector<16xi32>
        %add3A_1290 = arith.constant 768 : i32
        %add3A_1291 = vector.broadcast %add3A_1290 : i32 to vector<16xi32>
        %add3A_1292 = arith.addi %and3A_1289, %add3A_1291 : vector<16xi32>
        %broadcast_in_dim3A_1293 = arith.constant true
        %broadcast_in_dim3A_1294 = vector.broadcast %broadcast_in_dim3A_1293 : i1 to vector<16xi1>
        %unique3A_1295, %unique3A_1296 = tpu.scan_count mask(%broadcast_in_dim3A_1294 : vector<16xi1>) value(%add3A_1292 : vector<16xi32>) : vector<16xi1>, vector<16xi32>
        %add3A_1297 = arith.constant 1 : i32
        %add3A_1298 = arith.addi %scan3A_1265, %add3A_1297 : i32
        %mul3A_1299 = arith.constant 16 : i32
        %mul3A_1300 = arith.muli %add3A_1298, %mul3A_1299 : i32
        %get3A_1301 = arith.index_cast %mul3A_1300 : i32 to index
        %get3A_1302 = tpu.vector_load %arg14[%get3A_1301] {strides = array<i32>} : memref<3136xi32, #tpu.memory_space<vmem>>, vector<16xi32>,
        %get3A_1303 = arith.index_cast %mul3A_1300 : i32 to index
        %get3A_1304 = tpu.vector_load %arg15[%get3A_1303] {strides = array<i32>} : memref<3136xi32, #tpu.memory_space<vmem>>, vector<16xi32>,
        %shift_right_logical3A_1305 = arith.constant 24 : i32
        %shift_right_logical3A_1306 = vector.broadcast %shift_right_logical3A_1305 : i32 to vector<16xi32>
        %shift_right_logical3A_1307 = arith.shrui %get3A_1302, %shift_right_logical3A_1306 : vector<16xi32>
        %and3A_1308 = arith.constant 255 : i32
        %and3A_1309 = vector.broadcast %and3A_1308 : i32 to vector<16xi32>
        %and3A_1310 = arith.andi %shift_right_logical3A_1307, %and3A_1309 : vector<16xi32>
        %add3A_1311 = arith.constant 1792 : i32
        %add3A_1312 = vector.broadcast %add3A_1311 : i32 to vector<16xi32>
        %add3A_1313 = arith.addi %and3A_1310, %add3A_1312 : vector<16xi32>
        %broadcast_in_dim3A_1314 = arith.constant true
        %broadcast_in_dim3A_1315 = vector.broadcast %broadcast_in_dim3A_1314 : i1 to vector<16xi1>
        %unique3A_1316, %unique3A_1317 = tpu.scan_count mask(%broadcast_in_dim3A_1315 : vector<16xi1>) value(%add3A_1313 : vector<16xi32>) : vector<16xi1>, vector<16xi32>
        %gather3A_1318 = tpu.vector_load_idx %arg17[%scan3A_1268] : memref<2048xi32, #tpu.memory_space<vmem>>[vector<16xi32>], vector<16xi32>,
        %add3A_1319 = arith.addi %gather3A_1318, %scan3A_1269 : vector<16xi32>
        %sub3A_1320 = arith.constant 1 : i32
        %sub3A_1321 = vector.broadcast %sub3A_1320 : i32 to vector<16xi32>
        %sub3A_1322 = arith.subi %add3A_1319, %sub3A_1321 : vector<16xi32>
        %shift_right_arithmetic3A_1323 = arith.constant 31 : i32
        %shift_right_arithmetic3A_1324 = vector.broadcast %shift_right_arithmetic3A_1323 : i32 to vector<16xi32>
        %shift_right_arithmetic3A_1325 = arith.shrsi %scan3A_1266, %shift_right_arithmetic3A_1324 : vector<16xi32>
        %not3A_1326 = arith.constant dense<-1> : vector<16xi32>
        %not3A_1327 = arith.xori %shift_right_arithmetic3A_1325, %not3A_1326 : vector<16xi32>
        %or3A_1328 = arith.constant -2147483648 : i32
        %or3A_1329 = vector.broadcast %or3A_1328 : i32 to vector<16xi32>
        %or3A_1330 = arith.ori %not3A_1327, %or3A_1329 : vector<16xi32>
        %xor3A_1331 = arith.xori %scan3A_1266, %or3A_1330 : vector<16xi32>
        %bitcast_convert_type3A_1332 = tpu.bitcast %xor3A_1331 : vector<16xi32> -> vector<16xf32>
        %add3A_1333 = arith.constant 0 : i32
        %add3A_1334 = vector.broadcast %add3A_1333 : i32 to vector<16xi32>
        %add3A_1335 = arith.addi %sub3A_1322, %add3A_1334 : vector<16xi32>
        tpu.vector_store_idx %arg6[%add3A_1335], %bitcast_convert_type3A_1332 : memref<6272xf32, #tpu.memory_space<vmem>>[vector<16xi32>], vector<16xf32>,
        %add3A_1336 = arith.constant 0 : i32
        %add3A_1337 = vector.broadcast %add3A_1336 : i32 to vector<16xi32>
        %add3A_1338 = arith.addi %sub3A_1322, %add3A_1337 : vector<16xi32>
        tpu.vector_store_idx %arg16[%add3A_1338], %scan3A_1267 : memref<6272xi32, #tpu.memory_space<vmem>>[vector<16xi32>], vector<16xi32>,
        tpu.vector_store_idx %arg17[%scan3A_1268], %scan3A_1269 masked %scan3A_1270 {add = true} : memref<2048xi32, #tpu.memory_space<vmem>>[vector<16xi32>], vector<16xi32>, vector<16xi1>
        %gather3A_1339 = tpu.vector_load_idx %arg17[%scan3A_1273] : memref<2048xi32, #tpu.memory_space<vmem>>[vector<16xi32>], vector<16xi32>,
        %add3A_1340 = arith.addi %gather3A_1339, %scan3A_1274 : vector<16xi32>
        %sub3A_1341 = arith.constant 1 : i32
        %sub3A_1342 = vector.broadcast %sub3A_1341 : i32 to vector<16xi32>
        %sub3A_1343 = arith.subi %add3A_1340, %sub3A_1342 : vector<16xi32>
        %shift_right_arithmetic3A_1344 = arith.constant 31 : i32
        %shift_right_arithmetic3A_1345 = vector.broadcast %shift_right_arithmetic3A_1344 : i32 to vector<16xi32>
        %shift_right_arithmetic3A_1346 = arith.shrsi %scan3A_1271, %shift_right_arithmetic3A_1345 : vector<16xi32>
        %not3A_1347 = arith.constant dense<-1> : vector<16xi32>
        %not3A_1348 = arith.xori %shift_right_arithmetic3A_1346, %not3A_1347 : vector<16xi32>
        %or3A_1349 = arith.constant -2147483648 : i32
        %or3A_1350 = vector.broadcast %or3A_1349 : i32 to vector<16xi32>
        %or3A_1351 = arith.ori %not3A_1348, %or3A_1350 : vector<16xi32>
        %xor3A_1352 = arith.xori %scan3A_1271, %or3A_1351 : vector<16xi32>
        %bitcast_convert_type3A_1353 = tpu.bitcast %xor3A_1352 : vector<16xi32> -> vector<16xf32>
        %add3A_1354 = arith.constant 3136 : i32
        %add3A_1355 = vector.broadcast %add3A_1354 : i32 to vector<16xi32>
        %add3A_1356 = arith.addi %sub3A_1343, %add3A_1355 : vector<16xi32>
        tpu.vector_store_idx %arg6[%add3A_1356], %bitcast_convert_type3A_1353 : memref<6272xf32, #tpu.memory_space<vmem>>[vector<16xi32>], vector<16xf32>,
        %add3A_1357 = arith.constant 3136 : i32
        %add3A_1358 = vector.broadcast %add3A_1357 : i32 to vector<16xi32>
        %add3A_1359 = arith.addi %sub3A_1343, %add3A_1358 : vector<16xi32>
        tpu.vector_store_idx %arg16[%add3A_1359], %scan3A_1272 : memref<6272xi32, #tpu.memory_space<vmem>>[vector<16xi32>], vector<16xi32>,
        tpu.vector_store_idx %arg17[%scan3A_1273], %scan3A_1274 masked %scan3A_1275 {add = true} : memref<2048xi32, #tpu.memory_space<vmem>>[vector<16xi32>], vector<16xi32>, vector<16xi1>
        scf.yield %get3A_1281, %get3A_1283, %add3A_1292, %unique3A_1296, %unique3A_1295, %get3A_1302, %get3A_1304, %add3A_1313, %unique3A_1317, %unique3A_1316 : vector<16xi32>, vector<16xi32>, vector<16xi32>, vector<16xi32>, vector<16xi1>, vector<16xi32>, vector<16xi32>, vector<16xi32>, vector<16xi32>, vector<16xi1>
      }
      %scan3A_799 = arith.constant 195 : i32
      %gather3A_800 = tpu.vector_load_idx %arg17[%scan3A_798#2] : memref<2048xi32, #tpu.memory_space<vmem>>[vector<16xi32>], vector<16xi32>,
      %add3A_801 = arith.addi %gather3A_800, %scan3A_798#3 : vector<16xi32>
      %sub3A_802 = arith.constant 1 : i32
      %sub3A_803 = vector.broadcast %sub3A_802 : i32 to vector<16xi32>
      %sub3A_804 = arith.subi %add3A_801, %sub3A_803 : vector<16xi32>
      %shift_right_arithmetic3A_805 = arith.constant 31 : i32
      %shift_right_arithmetic3A_806 = vector.broadcast %shift_right_arithmetic3A_805 : i32 to vector<16xi32>
      %shift_right_arithmetic3A_807 = arith.shrsi %scan3A_798#0, %shift_right_arithmetic3A_806 : vector<16xi32>
      %not3A_808 = arith.constant dense<-1> : vector<16xi32>
      %not3A_809 = arith.xori %shift_right_arithmetic3A_807, %not3A_808 : vector<16xi32>
      %or3A_810 = arith.constant -2147483648 : i32
      %or3A_811 = vector.broadcast %or3A_810 : i32 to vector<16xi32>
      %or3A_812 = arith.ori %not3A_809, %or3A_811 : vector<16xi32>
      %xor3A_813 = arith.xori %scan3A_798#0, %or3A_812 : vector<16xi32>
      %bitcast_convert_type3A_814 = tpu.bitcast %xor3A_813 : vector<16xi32> -> vector<16xf32>
      %add3A_815 = arith.constant 0 : i32
      %add3A_816 = vector.broadcast %add3A_815 : i32 to vector<16xi32>
      %add3A_817 = arith.addi %sub3A_804, %add3A_816 : vector<16xi32>
      tpu.vector_store_idx %arg6[%add3A_817], %bitcast_convert_type3A_814 : memref<6272xf32, #tpu.memory_space<vmem>>[vector<16xi32>], vector<16xf32>,
      %add3A_818 = arith.constant 0 : i32
      %add3A_819 = vector.broadcast %add3A_818 : i32 to vector<16xi32>
      %add3A_820 = arith.addi %sub3A_804, %add3A_819 : vector<16xi32>
      tpu.vector_store_idx %arg16[%add3A_820], %scan3A_798#1 : memref<6272xi32, #tpu.memory_space<vmem>>[vector<16xi32>], vector<16xi32>,
      tpu.vector_store_idx %arg17[%scan3A_798#2], %scan3A_798#3 masked %scan3A_798#4 {add = true} : memref<2048xi32, #tpu.memory_space<vmem>>[vector<16xi32>], vector<16xi32>, vector<16xi1>
      %gather3A_821 = tpu.vector_load_idx %arg17[%scan3A_798#7] : memref<2048xi32, #tpu.memory_space<vmem>>[vector<16xi32>], vector<16xi32>,
      %add3A_822 = arith.addi %gather3A_821, %scan3A_798#8 : vector<16xi32>
      %sub3A_823 = arith.constant 1 : i32
      %sub3A_824 = vector.broadcast %sub3A_823 : i32 to vector<16xi32>
      %sub3A_825 = arith.subi %add3A_822, %sub3A_824 : vector<16xi32>
      %shift_right_arithmetic3A_826 = arith.constant 31 : i32
      %shift_right_arithmetic3A_827 = vector.broadcast %shift_right_arithmetic3A_826 : i32 to vector<16xi32>
      %shift_right_arithmetic3A_828 = arith.shrsi %scan3A_798#5, %shift_right_arithmetic3A_827 : vector<16xi32>
      %not3A_829 = arith.constant dense<-1> : vector<16xi32>
      %not3A_830 = arith.xori %shift_right_arithmetic3A_828, %not3A_829 : vector<16xi32>
      %or3A_831 = arith.constant -2147483648 : i32
      %or3A_832 = vector.broadcast %or3A_831 : i32 to vector<16xi32>
      %or3A_833 = arith.ori %not3A_830, %or3A_832 : vector<16xi32>
      %xor3A_834 = arith.xori %scan3A_798#5, %or3A_833 : vector<16xi32>
      %bitcast_convert_type3A_835 = tpu.bitcast %xor3A_834 : vector<16xi32> -> vector<16xf32>
      %add3A_836 = arith.constant 3136 : i32
      %add3A_837 = vector.broadcast %add3A_836 : i32 to vector<16xi32>
      %add3A_838 = arith.addi %sub3A_825, %add3A_837 : vector<16xi32>
      tpu.vector_store_idx %arg6[%add3A_838], %bitcast_convert_type3A_835 : memref<6272xf32, #tpu.memory_space<vmem>>[vector<16xi32>], vector<16xf32>,
      %add3A_839 = arith.constant 3136 : i32
      %add3A_840 = vector.broadcast %add3A_839 : i32 to vector<16xi32>
      %add3A_841 = arith.addi %sub3A_825, %add3A_840 : vector<16xi32>
      tpu.vector_store_idx %arg16[%add3A_841], %scan3A_798#6 : memref<6272xi32, #tpu.memory_space<vmem>>[vector<16xi32>], vector<16xi32>,
      tpu.vector_store_idx %arg17[%scan3A_798#7], %scan3A_798#8 masked %scan3A_798#9 {add = true} : memref<2048xi32, #tpu.memory_space<vmem>>[vector<16xi32>], vector<16xi32>, vector<16xi1>
      %dma_start3A_842 = tpu.memref_slice %arg3[%add3A_432] : memref<9633792xf32, #tpu.memory_space<hbm>> -> memref<6272xf32, #tpu.memory_space<hbm>>
      %dma_start3A_843 = tpu.memref_slice %arg3[%add3A_432] : memref<9633792xf32, #tpu.memory_space<hbm>> -> memref<6272xf32, #tpu.memory_space<hbm>>
      tpu.enqueue_dma source(%arg6 : memref<6272xf32, #tpu.memory_space<vmem>>) target(%dma_start3A_843 : memref<6272xf32, #tpu.memory_space<hbm>>) target_semaphore(%arg19 : memref<!tpu.dma_semaphore, #tpu.memory_space<semaphore_mem>>)
      %dma_start3A_844 = tpu.memref_slice %arg4[%add3A_432] : memref<9633792xi32, #tpu.memory_space<hbm>> -> memref<6272xi32, #tpu.memory_space<hbm>>
      %dma_start3A_845 = tpu.memref_slice %arg4[%add3A_432] : memref<9633792xi32, #tpu.memory_space<hbm>> -> memref<6272xi32, #tpu.memory_space<hbm>>
      tpu.enqueue_dma source(%arg16 : memref<6272xi32, #tpu.memory_space<vmem>>) target(%dma_start3A_845 : memref<6272xi32, #tpu.memory_space<hbm>>) target_semaphore(%arg20 : memref<!tpu.dma_semaphore, #tpu.memory_space<semaphore_mem>>)
      %add3A_846 = arith.constant 2 : i32
      %add3A_847 = arith.addi %mul3A_27, %add3A_846 : i32
      %mul3A_848 = arith.constant 6272 : i32
      %mul3A_849 = arith.muli %add3A_847, %mul3A_848 : i32
      %add3A_850 = arith.addi %mul3A_4, %mul3A_849 : i32
      %dma_wait3A_851 = tpu.memref_slice %arg2[%add3A_850] : memref<9633792xf32, #tpu.memory_space<hbm>> -> memref<6272xf32, #tpu.memory_space<hbm>>
      %dma_wait3A_852 = tpu.memref_slice %arg2[%add3A_850] : memref<9633792xf32, #tpu.memory_space<hbm>> -> memref<6272xf32, #tpu.memory_space<hbm>>
      tpu.wait_dma2 semaphore(%arg18 : memref<!tpu.dma_semaphore, #tpu.memory_space<semaphore_mem>>) src(%dma_wait3A_852 : memref<6272xf32, #tpu.memory_space<hbm>>) dst(%arg7 : memref<6272xf32, #tpu.memory_space<vmem>>)
      %ge3A_853 = arith.constant 2 : i32
      %ge3A_854 = arith.cmpi sge, %add3A_847, %ge3A_853 : i32
      %convert_element_type3A_855 = arith.extui %ge3A_854 : i1 to i32
      %cond3A_856 = arith.constant 0 : i32
      %cond3A_857 = arith.cmpi ne, %convert_element_type3A_855, %cond3A_856 : i32
      scf.if %cond3A_857 {
        %sub3A_1265 = arith.constant 12544 : i32
        %sub3A_1266 = arith.subi %add3A_850, %sub3A_1265 : i32
        %dma_wait3A_1267 = tpu.memref_slice %arg3[%sub3A_1266] : memref<9633792xf32, #tpu.memory_space<hbm>> -> memref<6272xf32, #tpu.memory_space<hbm>>
        %dma_wait3A_1268 = tpu.memref_slice %arg3[%sub3A_1266] : memref<9633792xf32, #tpu.memory_space<hbm>> -> memref<6272xf32, #tpu.memory_space<hbm>>
        tpu.wait_dma2 semaphore(%arg19 : memref<!tpu.dma_semaphore, #tpu.memory_space<semaphore_mem>>) src(%arg5 : memref<6272xf32, #tpu.memory_space<vmem>>) dst(%dma_wait3A_1268 : memref<6272xf32, #tpu.memory_space<hbm>>)
      } else {
      }
      %add3A_858 = arith.constant 1 : i32
      %add3A_859 = arith.addi %add3A_847, %add3A_858 : i32
      %lt3A_860 = arith.constant 48 : i32
      %lt3A_861 = arith.cmpi slt, %add3A_859, %lt3A_860 : i32
      %convert_element_type3A_862 = arith.extui %lt3A_861 : i1 to i32
      %cond3A_863 = arith.constant 0 : i32
      %cond3A_864 = arith.cmpi ne, %convert_element_type3A_862, %cond3A_863 : i32
      scf.if %cond3A_864 {
        %add3A_1265 = arith.constant 6272 : i32
        %add3A_1266 = arith.addi %add3A_850, %add3A_1265 : i32
        %dma_start3A_1267 = tpu.memref_slice %arg2[%add3A_1266] : memref<9633792xf32, #tpu.memory_space<hbm>> -> memref<6272xf32, #tpu.memory_space<hbm>>
        %dma_start3A_1268 = tpu.memref_slice %arg2[%add3A_1266] : memref<9633792xf32, #tpu.memory_space<hbm>> -> memref<6272xf32, #tpu.memory_space<hbm>>
        tpu.enqueue_dma source(%dma_start3A_1268 : memref<6272xf32, #tpu.memory_space<hbm>>) target(%arg5 : memref<6272xf32, #tpu.memory_space<vmem>>) target_semaphore(%arg18 : memref<!tpu.dma_semaphore, #tpu.memory_space<semaphore_mem>>)
      } else {
      }
      %scan3A_865 = arith.constant 0 : i32
      %scan3A_866 = arith.constant 0 : i32
      %scan3A_867 = arith.constant 128 : i32
      %scan3A_868 = arith.addi %scan3A_866, %scan3A_867 : i32
      %scan3A_869 = arith.constant 1 : i32
      %scan3A_870 = scf.for %scan3A_1265 = %scan3A_866 to %scan3A_868 step %scan3A_869 iter_args(%scan3A_1266 = %scan3A_865) -> (i32)  : i32 {
        %broadcast_in_dim3A_1267 = arith.constant 0 : i32
        %broadcast_in_dim3A_1268 = vector.broadcast %broadcast_in_dim3A_1267 : i32 to vector<16xi32>
        %mul3A_1269 = arith.constant 16 : i32
        %mul3A_1270 = arith.muli %scan3A_1265, %mul3A_1269 : i32
        %swap3A_1271 = arith.index_cast %mul3A_1270 : i32 to index
        %swap3A_1272 = tpu.vector_load %arg17[%swap3A_1271] {strides = array<i32>} : memref<2048xi32, #tpu.memory_space<vmem>>, vector<16xi32>,
        tpu.vector_store %arg17[%swap3A_1271], %broadcast_in_dim3A_1268 {strides = array<i32>} : memref<2048xi32, #tpu.memory_space<vmem>>, vector<16xi32>,
        %scan3A_1273 = arith.constant 0 : i32
        scf.yield %scan3A_1273 : i32
      }
      %scan3A_871 = arith.constant 128 : i32
      %get3A_872 = arith.constant 0 : index
      %get3A_873 = tpu.vector_load %arg7[%get3A_872] {strides = array<i32>} : memref<6272xf32, #tpu.memory_space<vmem>>, vector<16xf32>,
      %bitcast_convert_type3A_874 = tpu.bitcast %get3A_873 : vector<16xf32> -> vector<16xi32>
      %shift_right_arithmetic3A_875 = arith.constant 31 : i32
      %shift_right_arithmetic3A_876 = vector.broadcast %shift_right_arithmetic3A_875 : i32 to vector<16xi32>
      %shift_right_arithmetic3A_877 = arith.shrsi %bitcast_convert_type3A_874, %shift_right_arithmetic3A_876 : vector<16xi32>
      %or3A_878 = arith.constant -2147483648 : i32
      %or3A_879 = vector.broadcast %or3A_878 : i32 to vector<16xi32>
      %or3A_880 = arith.ori %shift_right_arithmetic3A_877, %or3A_879 : vector<16xi32>
      %xor3A_881 = arith.xori %bitcast_convert_type3A_874, %or3A_880 : vector<16xi32>
      %get3A_882 = arith.constant 3136 : index
      %get3A_883 = tpu.vector_load %arg7[%get3A_882] {strides = array<i32>} : memref<6272xf32, #tpu.memory_space<vmem>>, vector<16xf32>,
      %bitcast_convert_type3A_884 = tpu.bitcast %get3A_883 : vector<16xf32> -> vector<16xi32>
      %shift_right_arithmetic3A_885 = arith.constant 31 : i32
      %shift_right_arithmetic3A_886 = vector.broadcast %shift_right_arithmetic3A_885 : i32 to vector<16xi32>
      %shift_right_arithmetic3A_887 = arith.shrsi %bitcast_convert_type3A_884, %shift_right_arithmetic3A_886 : vector<16xi32>
      %or3A_888 = arith.constant -2147483648 : i32
      %or3A_889 = vector.broadcast %or3A_888 : i32 to vector<16xi32>
      %or3A_890 = arith.ori %shift_right_arithmetic3A_887, %or3A_889 : vector<16xi32>
      %xor3A_891 = arith.xori %bitcast_convert_type3A_884, %or3A_890 : vector<16xi32>
      %scan3A_892 = arith.constant 0 : i32
      %scan3A_893 = arith.constant 195 : i32
      %scan3A_894 = arith.addi %scan3A_892, %scan3A_893 : i32
      %scan3A_895 = arith.constant 1 : i32
      %scan3A_896:2 = scf.for %scan3A_1265 = %scan3A_892 to %scan3A_894 step %scan3A_895 iter_args(%scan3A_1266 = %xor3A_881, %scan3A_1267 = %xor3A_891) -> (vector<16xi32>, vector<16xi32>)  : i32 {
        %add3A_1268 = arith.constant 1 : i32
        %add3A_1269 = arith.addi %scan3A_1265, %add3A_1268 : i32
        %mul3A_1270 = arith.constant 16 : i32
        %mul3A_1271 = arith.muli %add3A_1269, %mul3A_1270 : i32
        %add3A_1272 = arith.constant 0 : i32
        %add3A_1273 = arith.addi %add3A_1272, %mul3A_1271 : i32
        %get3A_1274 = arith.index_cast %add3A_1273 : i32 to index
        %get3A_1275 = tpu.vector_load %arg7[%get3A_1274] {strides = array<i32>} : memref<6272xf32, #tpu.memory_space<vmem>>, vector<16xf32>,
        %bitcast_convert_type3A_1276 = tpu.bitcast %get3A_1275 : vector<16xf32> -> vector<16xi32>
        %shift_right_arithmetic3A_1277 = arith.constant 31 : i32
        %shift_right_arithmetic3A_1278 = vector.broadcast %shift_right_arithmetic3A_1277 : i32 to vector<16xi32>
        %shift_right_arithmetic3A_1279 = arith.shrsi %bitcast_convert_type3A_1276, %shift_right_arithmetic3A_1278 : vector<16xi32>
        %or3A_1280 = arith.constant -2147483648 : i32
        %or3A_1281 = vector.broadcast %or3A_1280 : i32 to vector<16xi32>
        %or3A_1282 = arith.ori %shift_right_arithmetic3A_1279, %or3A_1281 : vector<16xi32>
        %xor3A_1283 = arith.xori %bitcast_convert_type3A_1276, %or3A_1282 : vector<16xi32>
        %add3A_1284 = arith.constant 1 : i32
        %add3A_1285 = arith.addi %scan3A_1265, %add3A_1284 : i32
        %mul3A_1286 = arith.constant 16 : i32
        %mul3A_1287 = arith.muli %add3A_1285, %mul3A_1286 : i32
        %add3A_1288 = arith.constant 3136 : i32
        %add3A_1289 = arith.addi %add3A_1288, %mul3A_1287 : i32
        %get3A_1290 = arith.index_cast %add3A_1289 : i32 to index
        %get3A_1291 = tpu.vector_load %arg7[%get3A_1290] {strides = array<i32>} : memref<6272xf32, #tpu.memory_space<vmem>>, vector<16xf32>,
        %bitcast_convert_type3A_1292 = tpu.bitcast %get3A_1291 : vector<16xf32> -> vector<16xi32>
        %shift_right_arithmetic3A_1293 = arith.constant 31 : i32
        %shift_right_arithmetic3A_1294 = vector.broadcast %shift_right_arithmetic3A_1293 : i32 to vector<16xi32>
        %shift_right_arithmetic3A_1295 = arith.shrsi %bitcast_convert_type3A_1292, %shift_right_arithmetic3A_1294 : vector<16xi32>
        %or3A_1296 = arith.constant -2147483648 : i32
        %or3A_1297 = vector.broadcast %or3A_1296 : i32 to vector<16xi32>
        %or3A_1298 = arith.ori %shift_right_arithmetic3A_1295, %or3A_1297 : vector<16xi32>
        %xor3A_1299 = arith.xori %bitcast_convert_type3A_1292, %or3A_1298 : vector<16xi32>
        %mul3A_1300 = arith.constant 16 : i32
        %mul3A_1301 = arith.muli %scan3A_1265, %mul3A_1300 : i32
        %swap3A_1302 = arith.index_cast %mul3A_1301 : i32 to index
        %swap3A_1303 = tpu.vector_load %arg8[%swap3A_1302] {strides = array<i32>} : memref<3136xi32, #tpu.memory_space<vmem>>, vector<16xi32>,
        tpu.vector_store %arg8[%swap3A_1302], %scan3A_1266 {strides = array<i32>} : memref<3136xi32, #tpu.memory_space<vmem>>, vector<16xi32>,
        %mul3A_1304 = arith.constant 16 : i32
        %mul3A_1305 = arith.muli %scan3A_1265, %mul3A_1304 : i32
        %add3A_1306 = vector.broadcast %mul3A_1305 : i32 to vector<16xi32>
        %add3A_1307 = arith.addi %iota3A, %add3A_1306 : vector<16xi32>
        %swap3A_1308 = arith.index_cast %mul3A_1301 : i32 to index
        %swap3A_1309 = tpu.vector_load %arg9[%swap3A_1308] {strides = array<i32>} : memref<3136xi32, #tpu.memory_space<vmem>>, vector<16xi32>,
        tpu.vector_store %arg9[%swap3A_1308], %add3A_1307 {strides = array<i32>} : memref<3136xi32, #tpu.memory_space<vmem>>, vector<16xi32>,
        %shift_right_logical3A_1310 = arith.constant 0 : i32
        %shift_right_logical3A_1311 = vector.broadcast %shift_right_logical3A_1310 : i32 to vector<16xi32>
        %shift_right_logical3A_1312 = arith.shrui %scan3A_1266, %shift_right_logical3A_1311 : vector<16xi32>
        %and3A_1313 = arith.constant 255 : i32
        %and3A_1314 = vector.broadcast %and3A_1313 : i32 to vector<16xi32>
        %and3A_1315 = arith.andi %shift_right_logical3A_1312, %and3A_1314 : vector<16xi32>
        %add3A_1316 = arith.constant 0 : i32
        %add3A_1317 = vector.broadcast %add3A_1316 : i32 to vector<16xi32>
        %add3A_1318 = arith.addi %and3A_1315, %add3A_1317 : vector<16xi32>
        %broadcast_in_dim3A_1319 = arith.constant true
        %broadcast_in_dim3A_1320 = vector.broadcast %broadcast_in_dim3A_1319 : i1 to vector<16xi1>
        %unique3A_1321, %unique3A_1322 = tpu.scan_count mask(%broadcast_in_dim3A_1320 : vector<16xi1>) value(%add3A_1318 : vector<16xi32>) : vector<16xi1>, vector<16xi32>
        tpu.vector_store_idx %arg17[%add3A_1318], %unique3A_1322 masked %unique3A_1321 {add = true} : memref<2048xi32, #tpu.memory_space<vmem>>[vector<16xi32>], vector<16xi32>, vector<16xi1>
        %shift_right_logical3A_1323 = arith.constant 8 : i32
        %shift_right_logical3A_1324 = vector.broadcast %shift_right_logical3A_1323 : i32 to vector<16xi32>
        %shift_right_logical3A_1325 = arith.shrui %scan3A_1266, %shift_right_logical3A_1324 : vector<16xi32>
        %and3A_1326 = arith.constant 255 : i32
        %and3A_1327 = vector.broadcast %and3A_1326 : i32 to vector<16xi32>
        %and3A_1328 = arith.andi %shift_right_logical3A_1325, %and3A_1327 : vector<16xi32>
        %add3A_1329 = arith.constant 256 : i32
        %add3A_1330 = vector.broadcast %add3A_1329 : i32 to vector<16xi32>
        %add3A_1331 = arith.addi %and3A_1328, %add3A_1330 : vector<16xi32>
        %broadcast_in_dim3A_1332 = arith.constant true
        %broadcast_in_dim3A_1333 = vector.broadcast %broadcast_in_dim3A_1332 : i1 to vector<16xi1>
        %unique3A_1334, %unique3A_1335 = tpu.scan_count mask(%broadcast_in_dim3A_1333 : vector<16xi1>) value(%add3A_1331 : vector<16xi32>) : vector<16xi1>, vector<16xi32>
        tpu.vector_store_idx %arg17[%add3A_1331], %unique3A_1335 masked %unique3A_1334 {add = true} : memref<2048xi32, #tpu.memory_space<vmem>>[vector<16xi32>], vector<16xi32>, vector<16xi1>
        %shift_right_logical3A_1336 = arith.constant 16 : i32
        %shift_right_logical3A_1337 = vector.broadcast %shift_right_logical3A_1336 : i32 to vector<16xi32>
        %shift_right_logical3A_1338 = arith.shrui %scan3A_1266, %shift_right_logical3A_1337 : vector<16xi32>
        %and3A_1339 = arith.constant 255 : i32
        %and3A_1340 = vector.broadcast %and3A_1339 : i32 to vector<16xi32>
        %and3A_1341 = arith.andi %shift_right_logical3A_1338, %and3A_1340 : vector<16xi32>
        %add3A_1342 = arith.constant 512 : i32
        %add3A_1343 = vector.broadcast %add3A_1342 : i32 to vector<16xi32>
        %add3A_1344 = arith.addi %and3A_1341, %add3A_1343 : vector<16xi32>
        %broadcast_in_dim3A_1345 = arith.constant true
        %broadcast_in_dim3A_1346 = vector.broadcast %broadcast_in_dim3A_1345 : i1 to vector<16xi1>
        %unique3A_1347, %unique3A_1348 = tpu.scan_count mask(%broadcast_in_dim3A_1346 : vector<16xi1>) value(%add3A_1344 : vector<16xi32>) : vector<16xi1>, vector<16xi32>
        tpu.vector_store_idx %arg17[%add3A_1344], %unique3A_1348 masked %unique3A_1347 {add = true} : memref<2048xi32, #tpu.memory_space<vmem>>[vector<16xi32>], vector<16xi32>, vector<16xi1>
        %shift_right_logical3A_1349 = arith.constant 24 : i32
        %shift_right_logical3A_1350 = vector.broadcast %shift_right_logical3A_1349 : i32 to vector<16xi32>
        %shift_right_logical3A_1351 = arith.shrui %scan3A_1266, %shift_right_logical3A_1350 : vector<16xi32>
        %and3A_1352 = arith.constant 255 : i32
        %and3A_1353 = vector.broadcast %and3A_1352 : i32 to vector<16xi32>
        %and3A_1354 = arith.andi %shift_right_logical3A_1351, %and3A_1353 : vector<16xi32>
        %add3A_1355 = arith.constant 768 : i32
        %add3A_1356 = vector.broadcast %add3A_1355 : i32 to vector<16xi32>
        %add3A_1357 = arith.addi %and3A_1354, %add3A_1356 : vector<16xi32>
        %broadcast_in_dim3A_1358 = arith.constant true
        %broadcast_in_dim3A_1359 = vector.broadcast %broadcast_in_dim3A_1358 : i1 to vector<16xi1>
        %unique3A_1360, %unique3A_1361 = tpu.scan_count mask(%broadcast_in_dim3A_1359 : vector<16xi1>) value(%add3A_1357 : vector<16xi32>) : vector<16xi1>, vector<16xi32>
        tpu.vector_store_idx %arg17[%add3A_1357], %unique3A_1361 masked %unique3A_1360 {add = true} : memref<2048xi32, #tpu.memory_space<vmem>>[vector<16xi32>], vector<16xi32>, vector<16xi1>
        %mul3A_1362 = arith.constant 16 : i32
        %mul3A_1363 = arith.muli %scan3A_1265, %mul3A_1362 : i32
        %swap3A_1364 = arith.index_cast %mul3A_1363 : i32 to index
        %swap3A_1365 = tpu.vector_load %arg12[%swap3A_1364] {strides = array<i32>} : memref<3136xi32, #tpu.memory_space<vmem>>, vector<16xi32>,
        tpu.vector_store %arg12[%swap3A_1364], %scan3A_1267 {strides = array<i32>} : memref<3136xi32, #tpu.memory_space<vmem>>, vector<16xi32>,
        %mul3A_1366 = arith.constant 16 : i32
        %mul3A_1367 = arith.muli %scan3A_1265, %mul3A_1366 : i32
        %add3A_1368 = vector.broadcast %mul3A_1367 : i32 to vector<16xi32>
        %add3A_1369 = arith.addi %iota3A, %add3A_1368 : vector<16xi32>
        %swap3A_1370 = arith.index_cast %mul3A_1363 : i32 to index
        %swap3A_1371 = tpu.vector_load %arg13[%swap3A_1370] {strides = array<i32>} : memref<3136xi32, #tpu.memory_space<vmem>>, vector<16xi32>,
        tpu.vector_store %arg13[%swap3A_1370], %add3A_1369 {strides = array<i32>} : memref<3136xi32, #tpu.memory_space<vmem>>, vector<16xi32>,
        %shift_right_logical3A_1372 = arith.constant 0 : i32
        %shift_right_logical3A_1373 = vector.broadcast %shift_right_logical3A_1372 : i32 to vector<16xi32>
        %shift_right_logical3A_1374 = arith.shrui %scan3A_1267, %shift_right_logical3A_1373 : vector<16xi32>
        %and3A_1375 = arith.constant 255 : i32
        %and3A_1376 = vector.broadcast %and3A_1375 : i32 to vector<16xi32>
        %and3A_1377 = arith.andi %shift_right_logical3A_1374, %and3A_1376 : vector<16xi32>
        %add3A_1378 = arith.constant 1024 : i32
        %add3A_1379 = vector.broadcast %add3A_1378 : i32 to vector<16xi32>
        %add3A_1380 = arith.addi %and3A_1377, %add3A_1379 : vector<16xi32>
        %broadcast_in_dim3A_1381 = arith.constant true
        %broadcast_in_dim3A_1382 = vector.broadcast %broadcast_in_dim3A_1381 : i1 to vector<16xi1>
        %unique3A_1383, %unique3A_1384 = tpu.scan_count mask(%broadcast_in_dim3A_1382 : vector<16xi1>) value(%add3A_1380 : vector<16xi32>) : vector<16xi1>, vector<16xi32>
        tpu.vector_store_idx %arg17[%add3A_1380], %unique3A_1384 masked %unique3A_1383 {add = true} : memref<2048xi32, #tpu.memory_space<vmem>>[vector<16xi32>], vector<16xi32>, vector<16xi1>
        %shift_right_logical3A_1385 = arith.constant 8 : i32
        %shift_right_logical3A_1386 = vector.broadcast %shift_right_logical3A_1385 : i32 to vector<16xi32>
        %shift_right_logical3A_1387 = arith.shrui %scan3A_1267, %shift_right_logical3A_1386 : vector<16xi32>
        %and3A_1388 = arith.constant 255 : i32
        %and3A_1389 = vector.broadcast %and3A_1388 : i32 to vector<16xi32>
        %and3A_1390 = arith.andi %shift_right_logical3A_1387, %and3A_1389 : vector<16xi32>
        %add3A_1391 = arith.constant 1280 : i32
        %add3A_1392 = vector.broadcast %add3A_1391 : i32 to vector<16xi32>
        %add3A_1393 = arith.addi %and3A_1390, %add3A_1392 : vector<16xi32>
        %broadcast_in_dim3A_1394 = arith.constant true
        %broadcast_in_dim3A_1395 = vector.broadcast %broadcast_in_dim3A_1394 : i1 to vector<16xi1>
        %unique3A_1396, %unique3A_1397 = tpu.scan_count mask(%broadcast_in_dim3A_1395 : vector<16xi1>) value(%add3A_1393 : vector<16xi32>) : vector<16xi1>, vector<16xi32>
        tpu.vector_store_idx %arg17[%add3A_1393], %unique3A_1397 masked %unique3A_1396 {add = true} : memref<2048xi32, #tpu.memory_space<vmem>>[vector<16xi32>], vector<16xi32>, vector<16xi1>
        %shift_right_logical3A_1398 = arith.constant 16 : i32
        %shift_right_logical3A_1399 = vector.broadcast %shift_right_logical3A_1398 : i32 to vector<16xi32>
        %shift_right_logical3A_1400 = arith.shrui %scan3A_1267, %shift_right_logical3A_1399 : vector<16xi32>
        %and3A_1401 = arith.constant 255 : i32
        %and3A_1402 = vector.broadcast %and3A_1401 : i32 to vector<16xi32>
        %and3A_1403 = arith.andi %shift_right_logical3A_1400, %and3A_1402 : vector<16xi32>
        %add3A_1404 = arith.constant 1536 : i32
        %add3A_1405 = vector.broadcast %add3A_1404 : i32 to vector<16xi32>
        %add3A_1406 = arith.addi %and3A_1403, %add3A_1405 : vector<16xi32>
        %broadcast_in_dim3A_1407 = arith.constant true
        %broadcast_in_dim3A_1408 = vector.broadcast %broadcast_in_dim3A_1407 : i1 to vector<16xi1>
        %unique3A_1409, %unique3A_1410 = tpu.scan_count mask(%broadcast_in_dim3A_1408 : vector<16xi1>) value(%add3A_1406 : vector<16xi32>) : vector<16xi1>, vector<16xi32>
        tpu.vector_store_idx %arg17[%add3A_1406], %unique3A_1410 masked %unique3A_1409 {add = true} : memref<2048xi32, #tpu.memory_space<vmem>>[vector<16xi32>], vector<16xi32>, vector<16xi1>
        %shift_right_logical3A_1411 = arith.constant 24 : i32
        %shift_right_logical3A_1412 = vector.broadcast %shift_right_logical3A_1411 : i32 to vector<16xi32>
        %shift_right_logical3A_1413 = arith.shrui %scan3A_1267, %shift_right_logical3A_1412 : vector<16xi32>
        %and3A_1414 = arith.constant 255 : i32
        %and3A_1415 = vector.broadcast %and3A_1414 : i32 to vector<16xi32>
        %and3A_1416 = arith.andi %shift_right_logical3A_1413, %and3A_1415 : vector<16xi32>
        %add3A_1417 = arith.constant 1792 : i32
        %add3A_1418 = vector.broadcast %add3A_1417 : i32 to vector<16xi32>
        %add3A_1419 = arith.addi %and3A_1416, %add3A_1418 : vector<16xi32>
        %broadcast_in_dim3A_1420 = arith.constant true
        %broadcast_in_dim3A_1421 = vector.broadcast %broadcast_in_dim3A_1420 : i1 to vector<16xi1>
        %unique3A_1422, %unique3A_1423 = tpu.scan_count mask(%broadcast_in_dim3A_1421 : vector<16xi1>) value(%add3A_1419 : vector<16xi32>) : vector<16xi1>, vector<16xi32>
        tpu.vector_store_idx %arg17[%add3A_1419], %unique3A_1423 masked %unique3A_1422 {add = true} : memref<2048xi32, #tpu.memory_space<vmem>>[vector<16xi32>], vector<16xi32>, vector<16xi1>
        scf.yield %xor3A_1283, %xor3A_1299 : vector<16xi32>, vector<16xi32>
      }
      %scan3A_897 = arith.constant 195 : i32
      %swap3A_898 = arith.constant 3120 : index
      %swap3A_899 = tpu.vector_load %arg8[%swap3A_898] {strides = array<i32>} : memref<3136xi32, #tpu.memory_space<vmem>>, vector<16xi32>,
      tpu.vector_store %arg8[%swap3A_898], %scan3A_896#0 {strides = array<i32>} : memref<3136xi32, #tpu.memory_space<vmem>>, vector<16xi32>,
      %add3A_900 = arith.constant 3120 : i32
      %add3A_901 = vector.broadcast %add3A_900 : i32 to vector<16xi32>
      %add3A_902 = arith.addi %iota3A, %add3A_901 : vector<16xi32>
      %swap3A_903 = arith.constant 3120 : index
      %swap3A_904 = tpu.vector_load %arg9[%swap3A_903] {strides = array<i32>} : memref<3136xi32, #tpu.memory_space<vmem>>, vector<16xi32>,
      tpu.vector_store %arg9[%swap3A_903], %add3A_902 {strides = array<i32>} : memref<3136xi32, #tpu.memory_space<vmem>>, vector<16xi32>,
      %shift_right_logical3A_905 = arith.constant 0 : i32
      %shift_right_logical3A_906 = vector.broadcast %shift_right_logical3A_905 : i32 to vector<16xi32>
      %shift_right_logical3A_907 = arith.shrui %scan3A_896#0, %shift_right_logical3A_906 : vector<16xi32>
      %and3A_908 = arith.constant 255 : i32
      %and3A_909 = vector.broadcast %and3A_908 : i32 to vector<16xi32>
      %and3A_910 = arith.andi %shift_right_logical3A_907, %and3A_909 : vector<16xi32>
      %add3A_911 = arith.constant 0 : i32
      %add3A_912 = vector.broadcast %add3A_911 : i32 to vector<16xi32>
      %add3A_913 = arith.addi %and3A_910, %add3A_912 : vector<16xi32>
      %broadcast_in_dim3A_914 = arith.constant true
      %broadcast_in_dim3A_915 = vector.broadcast %broadcast_in_dim3A_914 : i1 to vector<16xi1>
      %unique3A_916, %unique3A_917 = tpu.scan_count mask(%broadcast_in_dim3A_915 : vector<16xi1>) value(%add3A_913 : vector<16xi32>) : vector<16xi1>, vector<16xi32>
      tpu.vector_store_idx %arg17[%add3A_913], %unique3A_917 masked %unique3A_916 {add = true} : memref<2048xi32, #tpu.memory_space<vmem>>[vector<16xi32>], vector<16xi32>, vector<16xi1>
      %shift_right_logical3A_918 = arith.constant 8 : i32
      %shift_right_logical3A_919 = vector.broadcast %shift_right_logical3A_918 : i32 to vector<16xi32>
      %shift_right_logical3A_920 = arith.shrui %scan3A_896#0, %shift_right_logical3A_919 : vector<16xi32>
      %and3A_921 = arith.constant 255 : i32
      %and3A_922 = vector.broadcast %and3A_921 : i32 to vector<16xi32>
      %and3A_923 = arith.andi %shift_right_logical3A_920, %and3A_922 : vector<16xi32>
      %add3A_924 = arith.constant 256 : i32
      %add3A_925 = vector.broadcast %add3A_924 : i32 to vector<16xi32>
      %add3A_926 = arith.addi %and3A_923, %add3A_925 : vector<16xi32>
      %broadcast_in_dim3A_927 = arith.constant true
      %broadcast_in_dim3A_928 = vector.broadcast %broadcast_in_dim3A_927 : i1 to vector<16xi1>
      %unique3A_929, %unique3A_930 = tpu.scan_count mask(%broadcast_in_dim3A_928 : vector<16xi1>) value(%add3A_926 : vector<16xi32>) : vector<16xi1>, vector<16xi32>
      tpu.vector_store_idx %arg17[%add3A_926], %unique3A_930 masked %unique3A_929 {add = true} : memref<2048xi32, #tpu.memory_space<vmem>>[vector<16xi32>], vector<16xi32>, vector<16xi1>
      %shift_right_logical3A_931 = arith.constant 16 : i32
      %shift_right_logical3A_932 = vector.broadcast %shift_right_logical3A_931 : i32 to vector<16xi32>
      %shift_right_logical3A_933 = arith.shrui %scan3A_896#0, %shift_right_logical3A_932 : vector<16xi32>
      %and3A_934 = arith.constant 255 : i32
      %and3A_935 = vector.broadcast %and3A_934 : i32 to vector<16xi32>
      %and3A_936 = arith.andi %shift_right_logical3A_933, %and3A_935 : vector<16xi32>
      %add3A_937 = arith.constant 512 : i32
      %add3A_938 = vector.broadcast %add3A_937 : i32 to vector<16xi32>
      %add3A_939 = arith.addi %and3A_936, %add3A_938 : vector<16xi32>
      %broadcast_in_dim3A_940 = arith.constant true
      %broadcast_in_dim3A_941 = vector.broadcast %broadcast_in_dim3A_940 : i1 to vector<16xi1>
      %unique3A_942, %unique3A_943 = tpu.scan_count mask(%broadcast_in_dim3A_941 : vector<16xi1>) value(%add3A_939 : vector<16xi32>) : vector<16xi1>, vector<16xi32>
      tpu.vector_store_idx %arg17[%add3A_939], %unique3A_943 masked %unique3A_942 {add = true} : memref<2048xi32, #tpu.memory_space<vmem>>[vector<16xi32>], vector<16xi32>, vector<16xi1>
      %shift_right_logical3A_944 = arith.constant 24 : i32
      %shift_right_logical3A_945 = vector.broadcast %shift_right_logical3A_944 : i32 to vector<16xi32>
      %shift_right_logical3A_946 = arith.shrui %scan3A_896#0, %shift_right_logical3A_945 : vector<16xi32>
      %and3A_947 = arith.constant 255 : i32
      %and3A_948 = vector.broadcast %and3A_947 : i32 to vector<16xi32>
      %and3A_949 = arith.andi %shift_right_logical3A_946, %and3A_948 : vector<16xi32>
      %add3A_950 = arith.constant 768 : i32
      %add3A_951 = vector.broadcast %add3A_950 : i32 to vector<16xi32>
      %add3A_952 = arith.addi %and3A_949, %add3A_951 : vector<16xi32>
      %broadcast_in_dim3A_953 = arith.constant true
      %broadcast_in_dim3A_954 = vector.broadcast %broadcast_in_dim3A_953 : i1 to vector<16xi1>
      %unique3A_955, %unique3A_956 = tpu.scan_count mask(%broadcast_in_dim3A_954 : vector<16xi1>) value(%add3A_952 : vector<16xi32>) : vector<16xi1>, vector<16xi32>
      tpu.vector_store_idx %arg17[%add3A_952], %unique3A_956 masked %unique3A_955 {add = true} : memref<2048xi32, #tpu.memory_space<vmem>>[vector<16xi32>], vector<16xi32>, vector<16xi1>
      %swap3A_957 = arith.constant 3120 : index
      %swap3A_958 = tpu.vector_load %arg12[%swap3A_957] {strides = array<i32>} : memref<3136xi32, #tpu.memory_space<vmem>>, vector<16xi32>,
      tpu.vector_store %arg12[%swap3A_957], %scan3A_896#1 {strides = array<i32>} : memref<3136xi32, #tpu.memory_space<vmem>>, vector<16xi32>,
      %add3A_959 = arith.constant 3120 : i32
      %add3A_960 = vector.broadcast %add3A_959 : i32 to vector<16xi32>
      %add3A_961 = arith.addi %iota3A, %add3A_960 : vector<16xi32>
      %swap3A_962 = arith.constant 3120 : index
      %swap3A_963 = tpu.vector_load %arg13[%swap3A_962] {strides = array<i32>} : memref<3136xi32, #tpu.memory_space<vmem>>, vector<16xi32>,
      tpu.vector_store %arg13[%swap3A_962], %add3A_961 {strides = array<i32>} : memref<3136xi32, #tpu.memory_space<vmem>>, vector<16xi32>,
      %shift_right_logical3A_964 = arith.constant 0 : i32
      %shift_right_logical3A_965 = vector.broadcast %shift_right_logical3A_964 : i32 to vector<16xi32>
      %shift_right_logical3A_966 = arith.shrui %scan3A_896#1, %shift_right_logical3A_965 : vector<16xi32>
      %and3A_967 = arith.constant 255 : i32
      %and3A_968 = vector.broadcast %and3A_967 : i32 to vector<16xi32>
      %and3A_969 = arith.andi %shift_right_logical3A_966, %and3A_968 : vector<16xi32>
      %add3A_970 = arith.constant 1024 : i32
      %add3A_971 = vector.broadcast %add3A_970 : i32 to vector<16xi32>
      %add3A_972 = arith.addi %and3A_969, %add3A_971 : vector<16xi32>
      %broadcast_in_dim3A_973 = arith.constant true
      %broadcast_in_dim3A_974 = vector.broadcast %broadcast_in_dim3A_973 : i1 to vector<16xi1>
      %unique3A_975, %unique3A_976 = tpu.scan_count mask(%broadcast_in_dim3A_974 : vector<16xi1>) value(%add3A_972 : vector<16xi32>) : vector<16xi1>, vector<16xi32>
      tpu.vector_store_idx %arg17[%add3A_972], %unique3A_976 masked %unique3A_975 {add = true} : memref<2048xi32, #tpu.memory_space<vmem>>[vector<16xi32>], vector<16xi32>, vector<16xi1>
      %shift_right_logical3A_977 = arith.constant 8 : i32
      %shift_right_logical3A_978 = vector.broadcast %shift_right_logical3A_977 : i32 to vector<16xi32>
      %shift_right_logical3A_979 = arith.shrui %scan3A_896#1, %shift_right_logical3A_978 : vector<16xi32>
      %and3A_980 = arith.constant 255 : i32
      %and3A_981 = vector.broadcast %and3A_980 : i32 to vector<16xi32>
      %and3A_982 = arith.andi %shift_right_logical3A_979, %and3A_981 : vector<16xi32>
      %add3A_983 = arith.constant 1280 : i32
      %add3A_984 = vector.broadcast %add3A_983 : i32 to vector<16xi32>
      %add3A_985 = arith.addi %and3A_982, %add3A_984 : vector<16xi32>
      %broadcast_in_dim3A_986 = arith.constant true
      %broadcast_in_dim3A_987 = vector.broadcast %broadcast_in_dim3A_986 : i1 to vector<16xi1>
      %unique3A_988, %unique3A_989 = tpu.scan_count mask(%broadcast_in_dim3A_987 : vector<16xi1>) value(%add3A_985 : vector<16xi32>) : vector<16xi1>, vector<16xi32>
      tpu.vector_store_idx %arg17[%add3A_985], %unique3A_989 masked %unique3A_988 {add = true} : memref<2048xi32, #tpu.memory_space<vmem>>[vector<16xi32>], vector<16xi32>, vector<16xi1>
      %shift_right_logical3A_990 = arith.constant 16 : i32
      %shift_right_logical3A_991 = vector.broadcast %shift_right_logical3A_990 : i32 to vector<16xi32>
      %shift_right_logical3A_992 = arith.shrui %scan3A_896#1, %shift_right_logical3A_991 : vector<16xi32>
      %and3A_993 = arith.constant 255 : i32
      %and3A_994 = vector.broadcast %and3A_993 : i32 to vector<16xi32>
      %and3A_995 = arith.andi %shift_right_logical3A_992, %and3A_994 : vector<16xi32>
      %add3A_996 = arith.constant 1536 : i32
      %add3A_997 = vector.broadcast %add3A_996 : i32 to vector<16xi32>
      %add3A_998 = arith.addi %and3A_995, %add3A_997 : vector<16xi32>
      %broadcast_in_dim3A_999 = arith.constant true
      %broadcast_in_dim3A_1000 = vector.broadcast %broadcast_in_dim3A_999 : i1 to vector<16xi1>
      %unique3A_1001, %unique3A_1002 = tpu.scan_count mask(%broadcast_in_dim3A_1000 : vector<16xi1>) value(%add3A_998 : vector<16xi32>) : vector<16xi1>, vector<16xi32>
      tpu.vector_store_idx %arg17[%add3A_998], %unique3A_1002 masked %unique3A_1001 {add = true} : memref<2048xi32, #tpu.memory_space<vmem>>[vector<16xi32>], vector<16xi32>, vector<16xi1>
      %shift_right_logical3A_1003 = arith.constant 24 : i32
      %shift_right_logical3A_1004 = vector.broadcast %shift_right_logical3A_1003 : i32 to vector<16xi32>
      %shift_right_logical3A_1005 = arith.shrui %scan3A_896#1, %shift_right_logical3A_1004 : vector<16xi32>
      %and3A_1006 = arith.constant 255 : i32
      %and3A_1007 = vector.broadcast %and3A_1006 : i32 to vector<16xi32>
      %and3A_1008 = arith.andi %shift_right_logical3A_1005, %and3A_1007 : vector<16xi32>
      %add3A_1009 = arith.constant 1792 : i32
      %add3A_1010 = vector.broadcast %add3A_1009 : i32 to vector<16xi32>
      %add3A_1011 = arith.addi %and3A_1008, %add3A_1010 : vector<16xi32>
      %broadcast_in_dim3A_1012 = arith.constant true
      %broadcast_in_dim3A_1013 = vector.broadcast %broadcast_in_dim3A_1012 : i1 to vector<16xi1>
      %unique3A_1014, %unique3A_1015 = tpu.scan_count mask(%broadcast_in_dim3A_1013 : vector<16xi1>) value(%add3A_1011 : vector<16xi32>) : vector<16xi1>, vector<16xi32>
      tpu.vector_store_idx %arg17[%add3A_1011], %unique3A_1015 masked %unique3A_1014 {add = true} : memref<2048xi32, #tpu.memory_space<vmem>>[vector<16xi32>], vector<16xi32>, vector<16xi1>
      %scan3A_1016 = arith.constant 0 : i32
      %scan3A_1017 = arith.constant 0 : i32
      %scan3A_1018 = arith.constant 128 : i32
      %scan3A_1019 = arith.addi %scan3A_1017, %scan3A_1018 : i32
      %scan3A_1020 = arith.constant 1 : i32
      %scan3A_1021 = scf.for %scan3A_1265 = %scan3A_1017 to %scan3A_1019 step %scan3A_1020 iter_args(%scan3A_1266 = %scan3A_1016) -> (i32)  : i32 {
        %mul3A_1267 = arith.constant 16 : i32
        %mul3A_1268 = arith.muli %scan3A_1265, %mul3A_1267 : i32
        %get3A_1269 = arith.index_cast %mul3A_1268 : i32 to index
        %get3A_1270 = tpu.vector_load %arg17[%get3A_1269] {strides = array<i32>} : memref<2048xi32, #tpu.memory_space<vmem>>, vector<16xi32>,
        %broadcast_in_dim3A_1271 = arith.constant true
        %broadcast_in_dim3A_1272 = vector.broadcast %broadcast_in_dim3A_1271 : i1 to vector<16xi1>
        %masked_cumsum3A = tpu.scan <sum>, %get3A_1270 masked %broadcast_in_dim3A_1272 : vector<16xi32>, vector<16xi1> -> vector<16xi32>
        %sub3A_1273 = arith.subi %masked_cumsum3A, %get3A_1270 : vector<16xi32>
        %add3A_1274 = vector.broadcast %scan3A_1266 : i32 to vector<16xi32>
        %add3A_1275 = arith.addi %sub3A_1273, %add3A_1274 : vector<16xi32>
        %swap3A_1276 = arith.index_cast %mul3A_1268 : i32 to index
        %swap3A_1277 = tpu.vector_load %arg17[%swap3A_1276] {strides = array<i32>} : memref<2048xi32, #tpu.memory_space<vmem>>, vector<16xi32>,
        tpu.vector_store %arg17[%swap3A_1276], %add3A_1275 {strides = array<i32>} : memref<2048xi32, #tpu.memory_space<vmem>>, vector<16xi32>,
        %reduce_sum3A = arith.constant true
        %reduce_sum3A_1278 = vector.broadcast %reduce_sum3A : i1 to vector<16xi1>
        %reduce_sum3A_1279 = tpu.scan <sum>, %get3A_1270 masked %reduce_sum3A_1278 : vector<16xi32>, vector<16xi1> -> vector<16xi32>
        %reduce_sum3A_1280 = vector.extract %reduce_sum3A_1279[15] : i32 from vector<16xi32>
        %add3A_1281 = arith.addi %scan3A_1266, %reduce_sum3A_1280 : i32
        %add3A_1282 = arith.constant 1 : i32
        %add3A_1283 = arith.addi %scan3A_1265, %add3A_1282 : i32
        %jit3A = arith.constant 16 : i32
        %eq3A = arith.constant 0 : i32
        %eq3A_1284 = arith.cmpi eq, %jit3A, %eq3A : i32
        %jit3A_1285 = arith.constant 1 : i32
        %select_n3A = arith.select %eq3A_1284, %jit3A_1285, %jit3A : i32
        %rem3A = arith.remsi %add3A_1283, %select_n3A : i32
        %ne3A = arith.constant 0 : i32
        %ne3A_1286 = arith.cmpi ne, %rem3A, %ne3A : i32
        %lt3A_1287 = arith.constant 0 : i32
        %lt3A_1288 = arith.cmpi slt, %rem3A, %lt3A_1287 : i32
        %lt3A_1289 = arith.constant 0 : i32
        %lt3A_1290 = arith.cmpi slt, %select_n3A, %lt3A_1289 : i32
        %ne3A_1291 = arith.xori %lt3A_1288, %lt3A_1290 : i1
        %and3A_1292 = arith.andi %ne3A_1291, %ne3A_1286 : i1
        %add3A_1293 = arith.addi %rem3A, %select_n3A : i32
        %select_n3A_1294 = arith.select %and3A_1292, %add3A_1293, %rem3A : i32
        %eq3A_1295 = arith.constant 0 : i32
        %eq3A_1296 = arith.cmpi eq, %select_n3A_1294, %eq3A_1295 : i32
        %jit3A_1297 = arith.constant 0 : i32
        %select_n3A_1298 = arith.select %eq3A_1296, %jit3A_1297, %add3A_1281 : i32
        scf.yield %select_n3A_1298 : i32
      }
      %scan3A_1022 = arith.constant 128 : i32
      %get3A_1023 = arith.constant 0 : index
      %get3A_1024 = tpu.vector_load %arg8[%get3A_1023] {strides = array<i32>} : memref<3136xi32, #tpu.memory_space<vmem>>, vector<16xi32>,
      %get3A_1025 = arith.constant 0 : index
      %get3A_1026 = tpu.vector_load %arg9[%get3A_1025] {strides = array<i32>} : memref<3136xi32, #tpu.memory_space<vmem>>, vector<16xi32>,
      %shift_right_logical3A_1027 = arith.constant 0 : i32
      %shift_right_logical3A_1028 = vector.broadcast %shift_right_logical3A_1027 : i32 to vector<16xi32>
      %shift_right_logical3A_1029 = arith.shrui %get3A_1024, %shift_right_logical3A_1028 : vector<16xi32>
      %and3A_1030 = arith.constant 255 : i32
      %and3A_1031 = vector.broadcast %and3A_1030 : i32 to vector<16xi32>
      %and3A_1032 = arith.andi %shift_right_logical3A_1029, %and3A_1031 : vector<16xi32>
      %add3A_1033 = arith.constant 0 : i32
      %add3A_1034 = vector.broadcast %add3A_1033 : i32 to vector<16xi32>
      %add3A_1035 = arith.addi %and3A_1032, %add3A_1034 : vector<16xi32>
      %broadcast_in_dim3A_1036 = arith.constant true
      %broadcast_in_dim3A_1037 = vector.broadcast %broadcast_in_dim3A_1036 : i1 to vector<16xi1>
      %unique3A_1038, %unique3A_1039 = tpu.scan_count mask(%broadcast_in_dim3A_1037 : vector<16xi1>) value(%add3A_1035 : vector<16xi32>) : vector<16xi1>, vector<16xi32>
      %get3A_1040 = arith.constant 0 : index
      %get3A_1041 = tpu.vector_load %arg12[%get3A_1040] {strides = array<i32>} : memref<3136xi32, #tpu.memory_space<vmem>>, vector<16xi32>,
      %get3A_1042 = arith.constant 0 : index
      %get3A_1043 = tpu.vector_load %arg13[%get3A_1042] {strides = array<i32>} : memref<3136xi32, #tpu.memory_space<vmem>>, vector<16xi32>,
      %shift_right_logical3A_1044 = arith.constant 0 : i32
      %shift_right_logical3A_1045 = vector.broadcast %shift_right_logical3A_1044 : i32 to vector<16xi32>
      %shift_right_logical3A_1046 = arith.shrui %get3A_1041, %shift_right_logical3A_1045 : vector<16xi32>
      %and3A_1047 = arith.constant 255 : i32
      %and3A_1048 = vector.broadcast %and3A_1047 : i32 to vector<16xi32>
      %and3A_1049 = arith.andi %shift_right_logical3A_1046, %and3A_1048 : vector<16xi32>
      %add3A_1050 = arith.constant 1024 : i32
      %add3A_1051 = vector.broadcast %add3A_1050 : i32 to vector<16xi32>
      %add3A_1052 = arith.addi %and3A_1049, %add3A_1051 : vector<16xi32>
      %broadcast_in_dim3A_1053 = arith.constant true
      %broadcast_in_dim3A_1054 = vector.broadcast %broadcast_in_dim3A_1053 : i1 to vector<16xi1>
      %unique3A_1055, %unique3A_1056 = tpu.scan_count mask(%broadcast_in_dim3A_1054 : vector<16xi1>) value(%add3A_1052 : vector<16xi32>) : vector<16xi1>, vector<16xi32>
      %scan3A_1057 = arith.constant 0 : i32
      %scan3A_1058 = arith.constant 195 : i32
      %scan3A_1059 = arith.addi %scan3A_1057, %scan3A_1058 : i32
      %scan3A_1060 = arith.constant 1 : i32
      %scan3A_1061:10 = scf.for %scan3A_1265 = %scan3A_1057 to %scan3A_1059 step %scan3A_1060 iter_args(%scan3A_1266 = %get3A_1024, %scan3A_1267 = %get3A_1026, %scan3A_1268 = %add3A_1035, %scan3A_1269 = %unique3A_1039, %scan3A_1270 = %unique3A_1038, %scan3A_1271 = %get3A_1041, %scan3A_1272 = %get3A_1043, %scan3A_1273 = %add3A_1052, %scan3A_1274 = %unique3A_1056, %scan3A_1275 = %unique3A_1055) -> (vector<16xi32>, vector<16xi32>, vector<16xi32>, vector<16xi32>, vector<16xi1>, vector<16xi32>, vector<16xi32>, vector<16xi32>, vector<16xi32>, vector<16xi1>)  : i32 {
        %add3A_1276 = arith.constant 1 : i32
        %add3A_1277 = arith.addi %scan3A_1265, %add3A_1276 : i32
        %mul3A_1278 = arith.constant 16 : i32
        %mul3A_1279 = arith.muli %add3A_1277, %mul3A_1278 : i32
        %get3A_1280 = arith.index_cast %mul3A_1279 : i32 to index
        %get3A_1281 = tpu.vector_load %arg8[%get3A_1280] {strides = array<i32>} : memref<3136xi32, #tpu.memory_space<vmem>>, vector<16xi32>,
        %get3A_1282 = arith.index_cast %mul3A_1279 : i32 to index
        %get3A_1283 = tpu.vector_load %arg9[%get3A_1282] {strides = array<i32>} : memref<3136xi32, #tpu.memory_space<vmem>>, vector<16xi32>,
        %shift_right_logical3A_1284 = arith.constant 0 : i32
        %shift_right_logical3A_1285 = vector.broadcast %shift_right_logical3A_1284 : i32 to vector<16xi32>
        %shift_right_logical3A_1286 = arith.shrui %get3A_1281, %shift_right_logical3A_1285 : vector<16xi32>
        %and3A_1287 = arith.constant 255 : i32
        %and3A_1288 = vector.broadcast %and3A_1287 : i32 to vector<16xi32>
        %and3A_1289 = arith.andi %shift_right_logical3A_1286, %and3A_1288 : vector<16xi32>
        %add3A_1290 = arith.constant 0 : i32
        %add3A_1291 = vector.broadcast %add3A_1290 : i32 to vector<16xi32>
        %add3A_1292 = arith.addi %and3A_1289, %add3A_1291 : vector<16xi32>
        %broadcast_in_dim3A_1293 = arith.constant true
        %broadcast_in_dim3A_1294 = vector.broadcast %broadcast_in_dim3A_1293 : i1 to vector<16xi1>
        %unique3A_1295, %unique3A_1296 = tpu.scan_count mask(%broadcast_in_dim3A_1294 : vector<16xi1>) value(%add3A_1292 : vector<16xi32>) : vector<16xi1>, vector<16xi32>
        %add3A_1297 = arith.constant 1 : i32
        %add3A_1298 = arith.addi %scan3A_1265, %add3A_1297 : i32
        %mul3A_1299 = arith.constant 16 : i32
        %mul3A_1300 = arith.muli %add3A_1298, %mul3A_1299 : i32
        %get3A_1301 = arith.index_cast %mul3A_1300 : i32 to index
        %get3A_1302 = tpu.vector_load %arg12[%get3A_1301] {strides = array<i32>} : memref<3136xi32, #tpu.memory_space<vmem>>, vector<16xi32>,
        %get3A_1303 = arith.index_cast %mul3A_1300 : i32 to index
        %get3A_1304 = tpu.vector_load %arg13[%get3A_1303] {strides = array<i32>} : memref<3136xi32, #tpu.memory_space<vmem>>, vector<16xi32>,
        %shift_right_logical3A_1305 = arith.constant 0 : i32
        %shift_right_logical3A_1306 = vector.broadcast %shift_right_logical3A_1305 : i32 to vector<16xi32>
        %shift_right_logical3A_1307 = arith.shrui %get3A_1302, %shift_right_logical3A_1306 : vector<16xi32>
        %and3A_1308 = arith.constant 255 : i32
        %and3A_1309 = vector.broadcast %and3A_1308 : i32 to vector<16xi32>
        %and3A_1310 = arith.andi %shift_right_logical3A_1307, %and3A_1309 : vector<16xi32>
        %add3A_1311 = arith.constant 1024 : i32
        %add3A_1312 = vector.broadcast %add3A_1311 : i32 to vector<16xi32>
        %add3A_1313 = arith.addi %and3A_1310, %add3A_1312 : vector<16xi32>
        %broadcast_in_dim3A_1314 = arith.constant true
        %broadcast_in_dim3A_1315 = vector.broadcast %broadcast_in_dim3A_1314 : i1 to vector<16xi1>
        %unique3A_1316, %unique3A_1317 = tpu.scan_count mask(%broadcast_in_dim3A_1315 : vector<16xi1>) value(%add3A_1313 : vector<16xi32>) : vector<16xi1>, vector<16xi32>
        %gather3A_1318 = tpu.vector_load_idx %arg17[%scan3A_1268] : memref<2048xi32, #tpu.memory_space<vmem>>[vector<16xi32>], vector<16xi32>,
        %add3A_1319 = arith.addi %gather3A_1318, %scan3A_1269 : vector<16xi32>
        %sub3A_1320 = arith.constant 1 : i32
        %sub3A_1321 = vector.broadcast %sub3A_1320 : i32 to vector<16xi32>
        %sub3A_1322 = arith.subi %add3A_1319, %sub3A_1321 : vector<16xi32>
        tpu.vector_store_idx %arg10[%sub3A_1322], %scan3A_1266 : memref<3136xi32, #tpu.memory_space<vmem>>[vector<16xi32>], vector<16xi32>,
        tpu.vector_store_idx %arg11[%sub3A_1322], %scan3A_1267 : memref<3136xi32, #tpu.memory_space<vmem>>[vector<16xi32>], vector<16xi32>,
        tpu.vector_store_idx %arg17[%scan3A_1268], %scan3A_1269 masked %scan3A_1270 {add = true} : memref<2048xi32, #tpu.memory_space<vmem>>[vector<16xi32>], vector<16xi32>, vector<16xi1>
        %gather3A_1323 = tpu.vector_load_idx %arg17[%scan3A_1273] : memref<2048xi32, #tpu.memory_space<vmem>>[vector<16xi32>], vector<16xi32>,
        %add3A_1324 = arith.addi %gather3A_1323, %scan3A_1274 : vector<16xi32>
        %sub3A_1325 = arith.constant 1 : i32
        %sub3A_1326 = vector.broadcast %sub3A_1325 : i32 to vector<16xi32>
        %sub3A_1327 = arith.subi %add3A_1324, %sub3A_1326 : vector<16xi32>
        tpu.vector_store_idx %arg14[%sub3A_1327], %scan3A_1271 : memref<3136xi32, #tpu.memory_space<vmem>>[vector<16xi32>], vector<16xi32>,
        tpu.vector_store_idx %arg15[%sub3A_1327], %scan3A_1272 : memref<3136xi32, #tpu.memory_space<vmem>>[vector<16xi32>], vector<16xi32>,
        tpu.vector_store_idx %arg17[%scan3A_1273], %scan3A_1274 masked %scan3A_1275 {add = true} : memref<2048xi32, #tpu.memory_space<vmem>>[vector<16xi32>], vector<16xi32>, vector<16xi1>
        scf.yield %get3A_1281, %get3A_1283, %add3A_1292, %unique3A_1296, %unique3A_1295, %get3A_1302, %get3A_1304, %add3A_1313, %unique3A_1317, %unique3A_1316 : vector<16xi32>, vector<16xi32>, vector<16xi32>, vector<16xi32>, vector<16xi1>, vector<16xi32>, vector<16xi32>, vector<16xi32>, vector<16xi32>, vector<16xi1>
      }
      %scan3A_1062 = arith.constant 195 : i32
      %gather3A_1063 = tpu.vector_load_idx %arg17[%scan3A_1061#2] : memref<2048xi32, #tpu.memory_space<vmem>>[vector<16xi32>], vector<16xi32>,
      %add3A_1064 = arith.addi %gather3A_1063, %scan3A_1061#3 : vector<16xi32>
      %sub3A_1065 = arith.constant 1 : i32
      %sub3A_1066 = vector.broadcast %sub3A_1065 : i32 to vector<16xi32>
      %sub3A_1067 = arith.subi %add3A_1064, %sub3A_1066 : vector<16xi32>
      tpu.vector_store_idx %arg10[%sub3A_1067], %scan3A_1061#0 : memref<3136xi32, #tpu.memory_space<vmem>>[vector<16xi32>], vector<16xi32>,
      tpu.vector_store_idx %arg11[%sub3A_1067], %scan3A_1061#1 : memref<3136xi32, #tpu.memory_space<vmem>>[vector<16xi32>], vector<16xi32>,
      tpu.vector_store_idx %arg17[%scan3A_1061#2], %scan3A_1061#3 masked %scan3A_1061#4 {add = true} : memref<2048xi32, #tpu.memory_space<vmem>>[vector<16xi32>], vector<16xi32>, vector<16xi1>
      %gather3A_1068 = tpu.vector_load_idx %arg17[%scan3A_1061#7] : memref<2048xi32, #tpu.memory_space<vmem>>[vector<16xi32>], vector<16xi32>,
      %add3A_1069 = arith.addi %gather3A_1068, %scan3A_1061#8 : vector<16xi32>
      %sub3A_1070 = arith.constant 1 : i32
      %sub3A_1071 = vector.broadcast %sub3A_1070 : i32 to vector<16xi32>
      %sub3A_1072 = arith.subi %add3A_1069, %sub3A_1071 : vector<16xi32>
      tpu.vector_store_idx %arg14[%sub3A_1072], %scan3A_1061#5 : memref<3136xi32, #tpu.memory_space<vmem>>[vector<16xi32>], vector<16xi32>,
      tpu.vector_store_idx %arg15[%sub3A_1072], %scan3A_1061#6 : memref<3136xi32, #tpu.memory_space<vmem>>[vector<16xi32>], vector<16xi32>,
      tpu.vector_store_idx %arg17[%scan3A_1061#7], %scan3A_1061#8 masked %scan3A_1061#9 {add = true} : memref<2048xi32, #tpu.memory_space<vmem>>[vector<16xi32>], vector<16xi32>, vector<16xi1>
      %get3A_1073 = arith.constant 0 : index
      %get3A_1074 = tpu.vector_load %arg10[%get3A_1073] {strides = array<i32>} : memref<3136xi32, #tpu.memory_space<vmem>>, vector<16xi32>,
      %get3A_1075 = arith.constant 0 : index
      %get3A_1076 = tpu.vector_load %arg11[%get3A_1075] {strides = array<i32>} : memref<3136xi32, #tpu.memory_space<vmem>>, vector<16xi32>,
      %shift_right_logical3A_1077 = arith.constant 8 : i32
      %shift_right_logical3A_1078 = vector.broadcast %shift_right_logical3A_1077 : i32 to vector<16xi32>
      %shift_right_logical3A_1079 = arith.shrui %get3A_1074, %shift_right_logical3A_1078 : vector<16xi32>
      %and3A_1080 = arith.constant 255 : i32
      %and3A_1081 = vector.broadcast %and3A_1080 : i32 to vector<16xi32>
      %and3A_1082 = arith.andi %shift_right_logical3A_1079, %and3A_1081 : vector<16xi32>
      %add3A_1083 = arith.constant 256 : i32
      %add3A_1084 = vector.broadcast %add3A_1083 : i32 to vector<16xi32>
      %add3A_1085 = arith.addi %and3A_1082, %add3A_1084 : vector<16xi32>
      %broadcast_in_dim3A_1086 = arith.constant true
      %broadcast_in_dim3A_1087 = vector.broadcast %broadcast_in_dim3A_1086 : i1 to vector<16xi1>
      %unique3A_1088, %unique3A_1089 = tpu.scan_count mask(%broadcast_in_dim3A_1087 : vector<16xi1>) value(%add3A_1085 : vector<16xi32>) : vector<16xi1>, vector<16xi32>
      %get3A_1090 = arith.constant 0 : index
      %get3A_1091 = tpu.vector_load %arg14[%get3A_1090] {strides = array<i32>} : memref<3136xi32, #tpu.memory_space<vmem>>, vector<16xi32>,
      %get3A_1092 = arith.constant 0 : index
      %get3A_1093 = tpu.vector_load %arg15[%get3A_1092] {strides = array<i32>} : memref<3136xi32, #tpu.memory_space<vmem>>, vector<16xi32>,
      %shift_right_logical3A_1094 = arith.constant 8 : i32
      %shift_right_logical3A_1095 = vector.broadcast %shift_right_logical3A_1094 : i32 to vector<16xi32>
      %shift_right_logical3A_1096 = arith.shrui %get3A_1091, %shift_right_logical3A_1095 : vector<16xi32>
      %and3A_1097 = arith.constant 255 : i32
      %and3A_1098 = vector.broadcast %and3A_1097 : i32 to vector<16xi32>
      %and3A_1099 = arith.andi %shift_right_logical3A_1096, %and3A_1098 : vector<16xi32>
      %add3A_1100 = arith.constant 1280 : i32
      %add3A_1101 = vector.broadcast %add3A_1100 : i32 to vector<16xi32>
      %add3A_1102 = arith.addi %and3A_1099, %add3A_1101 : vector<16xi32>
      %broadcast_in_dim3A_1103 = arith.constant true
      %broadcast_in_dim3A_1104 = vector.broadcast %broadcast_in_dim3A_1103 : i1 to vector<16xi1>
      %unique3A_1105, %unique3A_1106 = tpu.scan_count mask(%broadcast_in_dim3A_1104 : vector<16xi1>) value(%add3A_1102 : vector<16xi32>) : vector<16xi1>, vector<16xi32>
      %scan3A_1107 = arith.constant 0 : i32
      %scan3A_1108 = arith.constant 195 : i32
      %scan3A_1109 = arith.addi %scan3A_1107, %scan3A_1108 : i32
      %scan3A_1110 = arith.constant 1 : i32
      %scan3A_1111:10 = scf.for %scan3A_1265 = %scan3A_1107 to %scan3A_1109 step %scan3A_1110 iter_args(%scan3A_1266 = %get3A_1074, %scan3A_1267 = %get3A_1076, %scan3A_1268 = %add3A_1085, %scan3A_1269 = %unique3A_1089, %scan3A_1270 = %unique3A_1088, %scan3A_1271 = %get3A_1091, %scan3A_1272 = %get3A_1093, %scan3A_1273 = %add3A_1102, %scan3A_1274 = %unique3A_1106, %scan3A_1275 = %unique3A_1105) -> (vector<16xi32>, vector<16xi32>, vector<16xi32>, vector<16xi32>, vector<16xi1>, vector<16xi32>, vector<16xi32>, vector<16xi32>, vector<16xi32>, vector<16xi1>)  : i32 {
        %add3A_1276 = arith.constant 1 : i32
        %add3A_1277 = arith.addi %scan3A_1265, %add3A_1276 : i32
        %mul3A_1278 = arith.constant 16 : i32
        %mul3A_1279 = arith.muli %add3A_1277, %mul3A_1278 : i32
        %get3A_1280 = arith.index_cast %mul3A_1279 : i32 to index
        %get3A_1281 = tpu.vector_load %arg10[%get3A_1280] {strides = array<i32>} : memref<3136xi32, #tpu.memory_space<vmem>>, vector<16xi32>,
        %get3A_1282 = arith.index_cast %mul3A_1279 : i32 to index
        %get3A_1283 = tpu.vector_load %arg11[%get3A_1282] {strides = array<i32>} : memref<3136xi32, #tpu.memory_space<vmem>>, vector<16xi32>,
        %shift_right_logical3A_1284 = arith.constant 8 : i32
        %shift_right_logical3A_1285 = vector.broadcast %shift_right_logical3A_1284 : i32 to vector<16xi32>
        %shift_right_logical3A_1286 = arith.shrui %get3A_1281, %shift_right_logical3A_1285 : vector<16xi32>
        %and3A_1287 = arith.constant 255 : i32
        %and3A_1288 = vector.broadcast %and3A_1287 : i32 to vector<16xi32>
        %and3A_1289 = arith.andi %shift_right_logical3A_1286, %and3A_1288 : vector<16xi32>
        %add3A_1290 = arith.constant 256 : i32
        %add3A_1291 = vector.broadcast %add3A_1290 : i32 to vector<16xi32>
        %add3A_1292 = arith.addi %and3A_1289, %add3A_1291 : vector<16xi32>
        %broadcast_in_dim3A_1293 = arith.constant true
        %broadcast_in_dim3A_1294 = vector.broadcast %broadcast_in_dim3A_1293 : i1 to vector<16xi1>
        %unique3A_1295, %unique3A_1296 = tpu.scan_count mask(%broadcast_in_dim3A_1294 : vector<16xi1>) value(%add3A_1292 : vector<16xi32>) : vector<16xi1>, vector<16xi32>
        %add3A_1297 = arith.constant 1 : i32
        %add3A_1298 = arith.addi %scan3A_1265, %add3A_1297 : i32
        %mul3A_1299 = arith.constant 16 : i32
        %mul3A_1300 = arith.muli %add3A_1298, %mul3A_1299 : i32
        %get3A_1301 = arith.index_cast %mul3A_1300 : i32 to index
        %get3A_1302 = tpu.vector_load %arg14[%get3A_1301] {strides = array<i32>} : memref<3136xi32, #tpu.memory_space<vmem>>, vector<16xi32>,
        %get3A_1303 = arith.index_cast %mul3A_1300 : i32 to index
        %get3A_1304 = tpu.vector_load %arg15[%get3A_1303] {strides = array<i32>} : memref<3136xi32, #tpu.memory_space<vmem>>, vector<16xi32>,
        %shift_right_logical3A_1305 = arith.constant 8 : i32
        %shift_right_logical3A_1306 = vector.broadcast %shift_right_logical3A_1305 : i32 to vector<16xi32>
        %shift_right_logical3A_1307 = arith.shrui %get3A_1302, %shift_right_logical3A_1306 : vector<16xi32>
        %and3A_1308 = arith.constant 255 : i32
        %and3A_1309 = vector.broadcast %and3A_1308 : i32 to vector<16xi32>
        %and3A_1310 = arith.andi %shift_right_logical3A_1307, %and3A_1309 : vector<16xi32>
        %add3A_1311 = arith.constant 1280 : i32
        %add3A_1312 = vector.broadcast %add3A_1311 : i32 to vector<16xi32>
        %add3A_1313 = arith.addi %and3A_1310, %add3A_1312 : vector<16xi32>
        %broadcast_in_dim3A_1314 = arith.constant true
        %broadcast_in_dim3A_1315 = vector.broadcast %broadcast_in_dim3A_1314 : i1 to vector<16xi1>
        %unique3A_1316, %unique3A_1317 = tpu.scan_count mask(%broadcast_in_dim3A_1315 : vector<16xi1>) value(%add3A_1313 : vector<16xi32>) : vector<16xi1>, vector<16xi32>
        %gather3A_1318 = tpu.vector_load_idx %arg17[%scan3A_1268] : memref<2048xi32, #tpu.memory_space<vmem>>[vector<16xi32>], vector<16xi32>,
        %add3A_1319 = arith.addi %gather3A_1318, %scan3A_1269 : vector<16xi32>
        %sub3A_1320 = arith.constant 1 : i32
        %sub3A_1321 = vector.broadcast %sub3A_1320 : i32 to vector<16xi32>
        %sub3A_1322 = arith.subi %add3A_1319, %sub3A_1321 : vector<16xi32>
        tpu.vector_store_idx %arg8[%sub3A_1322], %scan3A_1266 : memref<3136xi32, #tpu.memory_space<vmem>>[vector<16xi32>], vector<16xi32>,
        tpu.vector_store_idx %arg9[%sub3A_1322], %scan3A_1267 : memref<3136xi32, #tpu.memory_space<vmem>>[vector<16xi32>], vector<16xi32>,
        tpu.vector_store_idx %arg17[%scan3A_1268], %scan3A_1269 masked %scan3A_1270 {add = true} : memref<2048xi32, #tpu.memory_space<vmem>>[vector<16xi32>], vector<16xi32>, vector<16xi1>
        %gather3A_1323 = tpu.vector_load_idx %arg17[%scan3A_1273] : memref<2048xi32, #tpu.memory_space<vmem>>[vector<16xi32>], vector<16xi32>,
        %add3A_1324 = arith.addi %gather3A_1323, %scan3A_1274 : vector<16xi32>
        %sub3A_1325 = arith.constant 1 : i32
        %sub3A_1326 = vector.broadcast %sub3A_1325 : i32 to vector<16xi32>
        %sub3A_1327 = arith.subi %add3A_1324, %sub3A_1326 : vector<16xi32>
        tpu.vector_store_idx %arg12[%sub3A_1327], %scan3A_1271 : memref<3136xi32, #tpu.memory_space<vmem>>[vector<16xi32>], vector<16xi32>,
        tpu.vector_store_idx %arg13[%sub3A_1327], %scan3A_1272 : memref<3136xi32, #tpu.memory_space<vmem>>[vector<16xi32>], vector<16xi32>,
        tpu.vector_store_idx %arg17[%scan3A_1273], %scan3A_1274 masked %scan3A_1275 {add = true} : memref<2048xi32, #tpu.memory_space<vmem>>[vector<16xi32>], vector<16xi32>, vector<16xi1>
        scf.yield %get3A_1281, %get3A_1283, %add3A_1292, %unique3A_1296, %unique3A_1295, %get3A_1302, %get3A_1304, %add3A_1313, %unique3A_1317, %unique3A_1316 : vector<16xi32>, vector<16xi32>, vector<16xi32>, vector<16xi32>, vector<16xi1>, vector<16xi32>, vector<16xi32>, vector<16xi32>, vector<16xi32>, vector<16xi1>
      }
      %scan3A_1112 = arith.constant 195 : i32
      %gather3A_1113 = tpu.vector_load_idx %arg17[%scan3A_1111#2] : memref<2048xi32, #tpu.memory_space<vmem>>[vector<16xi32>], vector<16xi32>,
      %add3A_1114 = arith.addi %gather3A_1113, %scan3A_1111#3 : vector<16xi32>
      %sub3A_1115 = arith.constant 1 : i32
      %sub3A_1116 = vector.broadcast %sub3A_1115 : i32 to vector<16xi32>
      %sub3A_1117 = arith.subi %add3A_1114, %sub3A_1116 : vector<16xi32>
      tpu.vector_store_idx %arg8[%sub3A_1117], %scan3A_1111#0 : memref<3136xi32, #tpu.memory_space<vmem>>[vector<16xi32>], vector<16xi32>,
      tpu.vector_store_idx %arg9[%sub3A_1117], %scan3A_1111#1 : memref<3136xi32, #tpu.memory_space<vmem>>[vector<16xi32>], vector<16xi32>,
      tpu.vector_store_idx %arg17[%scan3A_1111#2], %scan3A_1111#3 masked %scan3A_1111#4 {add = true} : memref<2048xi32, #tpu.memory_space<vmem>>[vector<16xi32>], vector<16xi32>, vector<16xi1>
      %gather3A_1118 = tpu.vector_load_idx %arg17[%scan3A_1111#7] : memref<2048xi32, #tpu.memory_space<vmem>>[vector<16xi32>], vector<16xi32>,
      %add3A_1119 = arith.addi %gather3A_1118, %scan3A_1111#8 : vector<16xi32>
      %sub3A_1120 = arith.constant 1 : i32
      %sub3A_1121 = vector.broadcast %sub3A_1120 : i32 to vector<16xi32>
      %sub3A_1122 = arith.subi %add3A_1119, %sub3A_1121 : vector<16xi32>
      tpu.vector_store_idx %arg12[%sub3A_1122], %scan3A_1111#5 : memref<3136xi32, #tpu.memory_space<vmem>>[vector<16xi32>], vector<16xi32>,
      tpu.vector_store_idx %arg13[%sub3A_1122], %scan3A_1111#6 : memref<3136xi32, #tpu.memory_space<vmem>>[vector<16xi32>], vector<16xi32>,
      tpu.vector_store_idx %arg17[%scan3A_1111#7], %scan3A_1111#8 masked %scan3A_1111#9 {add = true} : memref<2048xi32, #tpu.memory_space<vmem>>[vector<16xi32>], vector<16xi32>, vector<16xi1>
      %get3A_1123 = arith.constant 0 : index
      %get3A_1124 = tpu.vector_load %arg8[%get3A_1123] {strides = array<i32>} : memref<3136xi32, #tpu.memory_space<vmem>>, vector<16xi32>,
      %get3A_1125 = arith.constant 0 : index
      %get3A_1126 = tpu.vector_load %arg9[%get3A_1125] {strides = array<i32>} : memref<3136xi32, #tpu.memory_space<vmem>>, vector<16xi32>,
      %shift_right_logical3A_1127 = arith.constant 16 : i32
      %shift_right_logical3A_1128 = vector.broadcast %shift_right_logical3A_1127 : i32 to vector<16xi32>
      %shift_right_logical3A_1129 = arith.shrui %get3A_1124, %shift_right_logical3A_1128 : vector<16xi32>
      %and3A_1130 = arith.constant 255 : i32
      %and3A_1131 = vector.broadcast %and3A_1130 : i32 to vector<16xi32>
      %and3A_1132 = arith.andi %shift_right_logical3A_1129, %and3A_1131 : vector<16xi32>
      %add3A_1133 = arith.constant 512 : i32
      %add3A_1134 = vector.broadcast %add3A_1133 : i32 to vector<16xi32>
      %add3A_1135 = arith.addi %and3A_1132, %add3A_1134 : vector<16xi32>
      %broadcast_in_dim3A_1136 = arith.constant true
      %broadcast_in_dim3A_1137 = vector.broadcast %broadcast_in_dim3A_1136 : i1 to vector<16xi1>
      %unique3A_1138, %unique3A_1139 = tpu.scan_count mask(%broadcast_in_dim3A_1137 : vector<16xi1>) value(%add3A_1135 : vector<16xi32>) : vector<16xi1>, vector<16xi32>
      %get3A_1140 = arith.constant 0 : index
      %get3A_1141 = tpu.vector_load %arg12[%get3A_1140] {strides = array<i32>} : memref<3136xi32, #tpu.memory_space<vmem>>, vector<16xi32>,
      %get3A_1142 = arith.constant 0 : index
      %get3A_1143 = tpu.vector_load %arg13[%get3A_1142] {strides = array<i32>} : memref<3136xi32, #tpu.memory_space<vmem>>, vector<16xi32>,
      %shift_right_logical3A_1144 = arith.constant 16 : i32
      %shift_right_logical3A_1145 = vector.broadcast %shift_right_logical3A_1144 : i32 to vector<16xi32>
      %shift_right_logical3A_1146 = arith.shrui %get3A_1141, %shift_right_logical3A_1145 : vector<16xi32>
      %and3A_1147 = arith.constant 255 : i32
      %and3A_1148 = vector.broadcast %and3A_1147 : i32 to vector<16xi32>
      %and3A_1149 = arith.andi %shift_right_logical3A_1146, %and3A_1148 : vector<16xi32>
      %add3A_1150 = arith.constant 1536 : i32
      %add3A_1151 = vector.broadcast %add3A_1150 : i32 to vector<16xi32>
      %add3A_1152 = arith.addi %and3A_1149, %add3A_1151 : vector<16xi32>
      %broadcast_in_dim3A_1153 = arith.constant true
      %broadcast_in_dim3A_1154 = vector.broadcast %broadcast_in_dim3A_1153 : i1 to vector<16xi1>
      %unique3A_1155, %unique3A_1156 = tpu.scan_count mask(%broadcast_in_dim3A_1154 : vector<16xi1>) value(%add3A_1152 : vector<16xi32>) : vector<16xi1>, vector<16xi32>
      %scan3A_1157 = arith.constant 0 : i32
      %scan3A_1158 = arith.constant 195 : i32
      %scan3A_1159 = arith.addi %scan3A_1157, %scan3A_1158 : i32
      %scan3A_1160 = arith.constant 1 : i32
      %scan3A_1161:10 = scf.for %scan3A_1265 = %scan3A_1157 to %scan3A_1159 step %scan3A_1160 iter_args(%scan3A_1266 = %get3A_1124, %scan3A_1267 = %get3A_1126, %scan3A_1268 = %add3A_1135, %scan3A_1269 = %unique3A_1139, %scan3A_1270 = %unique3A_1138, %scan3A_1271 = %get3A_1141, %scan3A_1272 = %get3A_1143, %scan3A_1273 = %add3A_1152, %scan3A_1274 = %unique3A_1156, %scan3A_1275 = %unique3A_1155) -> (vector<16xi32>, vector<16xi32>, vector<16xi32>, vector<16xi32>, vector<16xi1>, vector<16xi32>, vector<16xi32>, vector<16xi32>, vector<16xi32>, vector<16xi1>)  : i32 {
        %add3A_1276 = arith.constant 1 : i32
        %add3A_1277 = arith.addi %scan3A_1265, %add3A_1276 : i32
        %mul3A_1278 = arith.constant 16 : i32
        %mul3A_1279 = arith.muli %add3A_1277, %mul3A_1278 : i32
        %get3A_1280 = arith.index_cast %mul3A_1279 : i32 to index
        %get3A_1281 = tpu.vector_load %arg8[%get3A_1280] {strides = array<i32>} : memref<3136xi32, #tpu.memory_space<vmem>>, vector<16xi32>,
        %get3A_1282 = arith.index_cast %mul3A_1279 : i32 to index
        %get3A_1283 = tpu.vector_load %arg9[%get3A_1282] {strides = array<i32>} : memref<3136xi32, #tpu.memory_space<vmem>>, vector<16xi32>,
        %shift_right_logical3A_1284 = arith.constant 16 : i32
        %shift_right_logical3A_1285 = vector.broadcast %shift_right_logical3A_1284 : i32 to vector<16xi32>
        %shift_right_logical3A_1286 = arith.shrui %get3A_1281, %shift_right_logical3A_1285 : vector<16xi32>
        %and3A_1287 = arith.constant 255 : i32
        %and3A_1288 = vector.broadcast %and3A_1287 : i32 to vector<16xi32>
        %and3A_1289 = arith.andi %shift_right_logical3A_1286, %and3A_1288 : vector<16xi32>
        %add3A_1290 = arith.constant 512 : i32
        %add3A_1291 = vector.broadcast %add3A_1290 : i32 to vector<16xi32>
        %add3A_1292 = arith.addi %and3A_1289, %add3A_1291 : vector<16xi32>
        %broadcast_in_dim3A_1293 = arith.constant true
        %broadcast_in_dim3A_1294 = vector.broadcast %broadcast_in_dim3A_1293 : i1 to vector<16xi1>
        %unique3A_1295, %unique3A_1296 = tpu.scan_count mask(%broadcast_in_dim3A_1294 : vector<16xi1>) value(%add3A_1292 : vector<16xi32>) : vector<16xi1>, vector<16xi32>
        %add3A_1297 = arith.constant 1 : i32
        %add3A_1298 = arith.addi %scan3A_1265, %add3A_1297 : i32
        %mul3A_1299 = arith.constant 16 : i32
        %mul3A_1300 = arith.muli %add3A_1298, %mul3A_1299 : i32
        %get3A_1301 = arith.index_cast %mul3A_1300 : i32 to index
        %get3A_1302 = tpu.vector_load %arg12[%get3A_1301] {strides = array<i32>} : memref<3136xi32, #tpu.memory_space<vmem>>, vector<16xi32>,
        %get3A_1303 = arith.index_cast %mul3A_1300 : i32 to index
        %get3A_1304 = tpu.vector_load %arg13[%get3A_1303] {strides = array<i32>} : memref<3136xi32, #tpu.memory_space<vmem>>, vector<16xi32>,
        %shift_right_logical3A_1305 = arith.constant 16 : i32
        %shift_right_logical3A_1306 = vector.broadcast %shift_right_logical3A_1305 : i32 to vector<16xi32>
        %shift_right_logical3A_1307 = arith.shrui %get3A_1302, %shift_right_logical3A_1306 : vector<16xi32>
        %and3A_1308 = arith.constant 255 : i32
        %and3A_1309 = vector.broadcast %and3A_1308 : i32 to vector<16xi32>
        %and3A_1310 = arith.andi %shift_right_logical3A_1307, %and3A_1309 : vector<16xi32>
        %add3A_1311 = arith.constant 1536 : i32
        %add3A_1312 = vector.broadcast %add3A_1311 : i32 to vector<16xi32>
        %add3A_1313 = arith.addi %and3A_1310, %add3A_1312 : vector<16xi32>
        %broadcast_in_dim3A_1314 = arith.constant true
        %broadcast_in_dim3A_1315 = vector.broadcast %broadcast_in_dim3A_1314 : i1 to vector<16xi1>
        %unique3A_1316, %unique3A_1317 = tpu.scan_count mask(%broadcast_in_dim3A_1315 : vector<16xi1>) value(%add3A_1313 : vector<16xi32>) : vector<16xi1>, vector<16xi32>
        %gather3A_1318 = tpu.vector_load_idx %arg17[%scan3A_1268] : memref<2048xi32, #tpu.memory_space<vmem>>[vector<16xi32>], vector<16xi32>,
        %add3A_1319 = arith.addi %gather3A_1318, %scan3A_1269 : vector<16xi32>
        %sub3A_1320 = arith.constant 1 : i32
        %sub3A_1321 = vector.broadcast %sub3A_1320 : i32 to vector<16xi32>
        %sub3A_1322 = arith.subi %add3A_1319, %sub3A_1321 : vector<16xi32>
        tpu.vector_store_idx %arg10[%sub3A_1322], %scan3A_1266 : memref<3136xi32, #tpu.memory_space<vmem>>[vector<16xi32>], vector<16xi32>,
        tpu.vector_store_idx %arg11[%sub3A_1322], %scan3A_1267 : memref<3136xi32, #tpu.memory_space<vmem>>[vector<16xi32>], vector<16xi32>,
        tpu.vector_store_idx %arg17[%scan3A_1268], %scan3A_1269 masked %scan3A_1270 {add = true} : memref<2048xi32, #tpu.memory_space<vmem>>[vector<16xi32>], vector<16xi32>, vector<16xi1>
        %gather3A_1323 = tpu.vector_load_idx %arg17[%scan3A_1273] : memref<2048xi32, #tpu.memory_space<vmem>>[vector<16xi32>], vector<16xi32>,
        %add3A_1324 = arith.addi %gather3A_1323, %scan3A_1274 : vector<16xi32>
        %sub3A_1325 = arith.constant 1 : i32
        %sub3A_1326 = vector.broadcast %sub3A_1325 : i32 to vector<16xi32>
        %sub3A_1327 = arith.subi %add3A_1324, %sub3A_1326 : vector<16xi32>
        tpu.vector_store_idx %arg14[%sub3A_1327], %scan3A_1271 : memref<3136xi32, #tpu.memory_space<vmem>>[vector<16xi32>], vector<16xi32>,
        tpu.vector_store_idx %arg15[%sub3A_1327], %scan3A_1272 : memref<3136xi32, #tpu.memory_space<vmem>>[vector<16xi32>], vector<16xi32>,
        tpu.vector_store_idx %arg17[%scan3A_1273], %scan3A_1274 masked %scan3A_1275 {add = true} : memref<2048xi32, #tpu.memory_space<vmem>>[vector<16xi32>], vector<16xi32>, vector<16xi1>
        scf.yield %get3A_1281, %get3A_1283, %add3A_1292, %unique3A_1296, %unique3A_1295, %get3A_1302, %get3A_1304, %add3A_1313, %unique3A_1317, %unique3A_1316 : vector<16xi32>, vector<16xi32>, vector<16xi32>, vector<16xi32>, vector<16xi1>, vector<16xi32>, vector<16xi32>, vector<16xi32>, vector<16xi32>, vector<16xi1>
      }
      %scan3A_1162 = arith.constant 195 : i32
      %gather3A_1163 = tpu.vector_load_idx %arg17[%scan3A_1161#2] : memref<2048xi32, #tpu.memory_space<vmem>>[vector<16xi32>], vector<16xi32>,
      %add3A_1164 = arith.addi %gather3A_1163, %scan3A_1161#3 : vector<16xi32>
      %sub3A_1165 = arith.constant 1 : i32
      %sub3A_1166 = vector.broadcast %sub3A_1165 : i32 to vector<16xi32>
      %sub3A_1167 = arith.subi %add3A_1164, %sub3A_1166 : vector<16xi32>
      tpu.vector_store_idx %arg10[%sub3A_1167], %scan3A_1161#0 : memref<3136xi32, #tpu.memory_space<vmem>>[vector<16xi32>], vector<16xi32>,
      tpu.vector_store_idx %arg11[%sub3A_1167], %scan3A_1161#1 : memref<3136xi32, #tpu.memory_space<vmem>>[vector<16xi32>], vector<16xi32>,
      tpu.vector_store_idx %arg17[%scan3A_1161#2], %scan3A_1161#3 masked %scan3A_1161#4 {add = true} : memref<2048xi32, #tpu.memory_space<vmem>>[vector<16xi32>], vector<16xi32>, vector<16xi1>
      %gather3A_1168 = tpu.vector_load_idx %arg17[%scan3A_1161#7] : memref<2048xi32, #tpu.memory_space<vmem>>[vector<16xi32>], vector<16xi32>,
      %add3A_1169 = arith.addi %gather3A_1168, %scan3A_1161#8 : vector<16xi32>
      %sub3A_1170 = arith.constant 1 : i32
      %sub3A_1171 = vector.broadcast %sub3A_1170 : i32 to vector<16xi32>
      %sub3A_1172 = arith.subi %add3A_1169, %sub3A_1171 : vector<16xi32>
      tpu.vector_store_idx %arg14[%sub3A_1172], %scan3A_1161#5 : memref<3136xi32, #tpu.memory_space<vmem>>[vector<16xi32>], vector<16xi32>,
      tpu.vector_store_idx %arg15[%sub3A_1172], %scan3A_1161#6 : memref<3136xi32, #tpu.memory_space<vmem>>[vector<16xi32>], vector<16xi32>,
      tpu.vector_store_idx %arg17[%scan3A_1161#7], %scan3A_1161#8 masked %scan3A_1161#9 {add = true} : memref<2048xi32, #tpu.memory_space<vmem>>[vector<16xi32>], vector<16xi32>, vector<16xi1>
      %ge3A_1173 = arith.constant 1 : i32
      %ge3A_1174 = arith.cmpi sge, %add3A_847, %ge3A_1173 : i32
      %convert_element_type3A_1175 = arith.extui %ge3A_1174 : i1 to i32
      %cond3A_1176 = arith.constant 0 : i32
      %cond3A_1177 = arith.cmpi ne, %convert_element_type3A_1175, %cond3A_1176 : i32
      scf.if %cond3A_1177 {
        %sub3A_1265 = arith.constant 6272 : i32
        %sub3A_1266 = arith.subi %add3A_850, %sub3A_1265 : i32
        %dma_wait3A_1267 = tpu.memref_slice %arg4[%sub3A_1266] : memref<9633792xi32, #tpu.memory_space<hbm>> -> memref<6272xi32, #tpu.memory_space<hbm>>
        %dma_wait3A_1268 = tpu.memref_slice %arg4[%sub3A_1266] : memref<9633792xi32, #tpu.memory_space<hbm>> -> memref<6272xi32, #tpu.memory_space<hbm>>
        tpu.wait_dma2 semaphore(%arg20 : memref<!tpu.dma_semaphore, #tpu.memory_space<semaphore_mem>>) src(%arg16 : memref<6272xi32, #tpu.memory_space<vmem>>) dst(%dma_wait3A_1268 : memref<6272xi32, #tpu.memory_space<hbm>>)
      } else {
      }
      %get3A_1178 = arith.constant 0 : index
      %get3A_1179 = tpu.vector_load %arg10[%get3A_1178] {strides = array<i32>} : memref<3136xi32, #tpu.memory_space<vmem>>, vector<16xi32>,
      %get3A_1180 = arith.constant 0 : index
      %get3A_1181 = tpu.vector_load %arg11[%get3A_1180] {strides = array<i32>} : memref<3136xi32, #tpu.memory_space<vmem>>, vector<16xi32>,
      %shift_right_logical3A_1182 = arith.constant 24 : i32
      %shift_right_logical3A_1183 = vector.broadcast %shift_right_logical3A_1182 : i32 to vector<16xi32>
      %shift_right_logical3A_1184 = arith.shrui %get3A_1179, %shift_right_logical3A_1183 : vector<16xi32>
      %and3A_1185 = arith.constant 255 : i32
      %and3A_1186 = vector.broadcast %and3A_1185 : i32 to vector<16xi32>
      %and3A_1187 = arith.andi %shift_right_logical3A_1184, %and3A_1186 : vector<16xi32>
      %add3A_1188 = arith.constant 768 : i32
      %add3A_1189 = vector.broadcast %add3A_1188 : i32 to vector<16xi32>
      %add3A_1190 = arith.addi %and3A_1187, %add3A_1189 : vector<16xi32>
      %broadcast_in_dim3A_1191 = arith.constant true
      %broadcast_in_dim3A_1192 = vector.broadcast %broadcast_in_dim3A_1191 : i1 to vector<16xi1>
      %unique3A_1193, %unique3A_1194 = tpu.scan_count mask(%broadcast_in_dim3A_1192 : vector<16xi1>) value(%add3A_1190 : vector<16xi32>) : vector<16xi1>, vector<16xi32>
      %get3A_1195 = arith.constant 0 : index
      %get3A_1196 = tpu.vector_load %arg14[%get3A_1195] {strides = array<i32>} : memref<3136xi32, #tpu.memory_space<vmem>>, vector<16xi32>,
      %get3A_1197 = arith.constant 0 : index
      %get3A_1198 = tpu.vector_load %arg15[%get3A_1197] {strides = array<i32>} : memref<3136xi32, #tpu.memory_space<vmem>>, vector<16xi32>,
      %shift_right_logical3A_1199 = arith.constant 24 : i32
      %shift_right_logical3A_1200 = vector.broadcast %shift_right_logical3A_1199 : i32 to vector<16xi32>
      %shift_right_logical3A_1201 = arith.shrui %get3A_1196, %shift_right_logical3A_1200 : vector<16xi32>
      %and3A_1202 = arith.constant 255 : i32
      %and3A_1203 = vector.broadcast %and3A_1202 : i32 to vector<16xi32>
      %and3A_1204 = arith.andi %shift_right_logical3A_1201, %and3A_1203 : vector<16xi32>
      %add3A_1205 = arith.constant 1792 : i32
      %add3A_1206 = vector.broadcast %add3A_1205 : i32 to vector<16xi32>
      %add3A_1207 = arith.addi %and3A_1204, %add3A_1206 : vector<16xi32>
      %broadcast_in_dim3A_1208 = arith.constant true
      %broadcast_in_dim3A_1209 = vector.broadcast %broadcast_in_dim3A_1208 : i1 to vector<16xi1>
      %unique3A_1210, %unique3A_1211 = tpu.scan_count mask(%broadcast_in_dim3A_1209 : vector<16xi1>) value(%add3A_1207 : vector<16xi32>) : vector<16xi1>, vector<16xi32>
      %scan3A_1212 = arith.constant 0 : i32
      %scan3A_1213 = arith.constant 195 : i32
      %scan3A_1214 = arith.addi %scan3A_1212, %scan3A_1213 : i32
      %scan3A_1215 = arith.constant 1 : i32
      %scan3A_1216:10 = scf.for %scan3A_1265 = %scan3A_1212 to %scan3A_1214 step %scan3A_1215 iter_args(%scan3A_1266 = %get3A_1179, %scan3A_1267 = %get3A_1181, %scan3A_1268 = %add3A_1190, %scan3A_1269 = %unique3A_1194, %scan3A_1270 = %unique3A_1193, %scan3A_1271 = %get3A_1196, %scan3A_1272 = %get3A_1198, %scan3A_1273 = %add3A_1207, %scan3A_1274 = %unique3A_1211, %scan3A_1275 = %unique3A_1210) -> (vector<16xi32>, vector<16xi32>, vector<16xi32>, vector<16xi32>, vector<16xi1>, vector<16xi32>, vector<16xi32>, vector<16xi32>, vector<16xi32>, vector<16xi1>)  : i32 {
        %add3A_1276 = arith.constant 1 : i32
        %add3A_1277 = arith.addi %scan3A_1265, %add3A_1276 : i32
        %mul3A_1278 = arith.constant 16 : i32
        %mul3A_1279 = arith.muli %add3A_1277, %mul3A_1278 : i32
        %get3A_1280 = arith.index_cast %mul3A_1279 : i32 to index
        %get3A_1281 = tpu.vector_load %arg10[%get3A_1280] {strides = array<i32>} : memref<3136xi32, #tpu.memory_space<vmem>>, vector<16xi32>,
        %get3A_1282 = arith.index_cast %mul3A_1279 : i32 to index
        %get3A_1283 = tpu.vector_load %arg11[%get3A_1282] {strides = array<i32>} : memref<3136xi32, #tpu.memory_space<vmem>>, vector<16xi32>,
        %shift_right_logical3A_1284 = arith.constant 24 : i32
        %shift_right_logical3A_1285 = vector.broadcast %shift_right_logical3A_1284 : i32 to vector<16xi32>
        %shift_right_logical3A_1286 = arith.shrui %get3A_1281, %shift_right_logical3A_1285 : vector<16xi32>
        %and3A_1287 = arith.constant 255 : i32
        %and3A_1288 = vector.broadcast %and3A_1287 : i32 to vector<16xi32>
        %and3A_1289 = arith.andi %shift_right_logical3A_1286, %and3A_1288 : vector<16xi32>
        %add3A_1290 = arith.constant 768 : i32
        %add3A_1291 = vector.broadcast %add3A_1290 : i32 to vector<16xi32>
        %add3A_1292 = arith.addi %and3A_1289, %add3A_1291 : vector<16xi32>
        %broadcast_in_dim3A_1293 = arith.constant true
        %broadcast_in_dim3A_1294 = vector.broadcast %broadcast_in_dim3A_1293 : i1 to vector<16xi1>
        %unique3A_1295, %unique3A_1296 = tpu.scan_count mask(%broadcast_in_dim3A_1294 : vector<16xi1>) value(%add3A_1292 : vector<16xi32>) : vector<16xi1>, vector<16xi32>
        %add3A_1297 = arith.constant 1 : i32
        %add3A_1298 = arith.addi %scan3A_1265, %add3A_1297 : i32
        %mul3A_1299 = arith.constant 16 : i32
        %mul3A_1300 = arith.muli %add3A_1298, %mul3A_1299 : i32
        %get3A_1301 = arith.index_cast %mul3A_1300 : i32 to index
        %get3A_1302 = tpu.vector_load %arg14[%get3A_1301] {strides = array<i32>} : memref<3136xi32, #tpu.memory_space<vmem>>, vector<16xi32>,
        %get3A_1303 = arith.index_cast %mul3A_1300 : i32 to index
        %get3A_1304 = tpu.vector_load %arg15[%get3A_1303] {strides = array<i32>} : memref<3136xi32, #tpu.memory_space<vmem>>, vector<16xi32>,
        %shift_right_logical3A_1305 = arith.constant 24 : i32
        %shift_right_logical3A_1306 = vector.broadcast %shift_right_logical3A_1305 : i32 to vector<16xi32>
        %shift_right_logical3A_1307 = arith.shrui %get3A_1302, %shift_right_logical3A_1306 : vector<16xi32>
        %and3A_1308 = arith.constant 255 : i32
        %and3A_1309 = vector.broadcast %and3A_1308 : i32 to vector<16xi32>
        %and3A_1310 = arith.andi %shift_right_logical3A_1307, %and3A_1309 : vector<16xi32>
        %add3A_1311 = arith.constant 1792 : i32
        %add3A_1312 = vector.broadcast %add3A_1311 : i32 to vector<16xi32>
        %add3A_1313 = arith.addi %and3A_1310, %add3A_1312 : vector<16xi32>
        %broadcast_in_dim3A_1314 = arith.constant true
        %broadcast_in_dim3A_1315 = vector.broadcast %broadcast_in_dim3A_1314 : i1 to vector<16xi1>
        %unique3A_1316, %unique3A_1317 = tpu.scan_count mask(%broadcast_in_dim3A_1315 : vector<16xi1>) value(%add3A_1313 : vector<16xi32>) : vector<16xi1>, vector<16xi32>
        %gather3A_1318 = tpu.vector_load_idx %arg17[%scan3A_1268] : memref<2048xi32, #tpu.memory_space<vmem>>[vector<16xi32>], vector<16xi32>,
        %add3A_1319 = arith.addi %gather3A_1318, %scan3A_1269 : vector<16xi32>
        %sub3A_1320 = arith.constant 1 : i32
        %sub3A_1321 = vector.broadcast %sub3A_1320 : i32 to vector<16xi32>
        %sub3A_1322 = arith.subi %add3A_1319, %sub3A_1321 : vector<16xi32>
        %shift_right_arithmetic3A_1323 = arith.constant 31 : i32
        %shift_right_arithmetic3A_1324 = vector.broadcast %shift_right_arithmetic3A_1323 : i32 to vector<16xi32>
        %shift_right_arithmetic3A_1325 = arith.shrsi %scan3A_1266, %shift_right_arithmetic3A_1324 : vector<16xi32>
        %not3A_1326 = arith.constant dense<-1> : vector<16xi32>
        %not3A_1327 = arith.xori %shift_right_arithmetic3A_1325, %not3A_1326 : vector<16xi32>
        %or3A_1328 = arith.constant -2147483648 : i32
        %or3A_1329 = vector.broadcast %or3A_1328 : i32 to vector<16xi32>
        %or3A_1330 = arith.ori %not3A_1327, %or3A_1329 : vector<16xi32>
        %xor3A_1331 = arith.xori %scan3A_1266, %or3A_1330 : vector<16xi32>
        %bitcast_convert_type3A_1332 = tpu.bitcast %xor3A_1331 : vector<16xi32> -> vector<16xf32>
        %add3A_1333 = arith.constant 0 : i32
        %add3A_1334 = vector.broadcast %add3A_1333 : i32 to vector<16xi32>
        %add3A_1335 = arith.addi %sub3A_1322, %add3A_1334 : vector<16xi32>
        tpu.vector_store_idx %arg7[%add3A_1335], %bitcast_convert_type3A_1332 : memref<6272xf32, #tpu.memory_space<vmem>>[vector<16xi32>], vector<16xf32>,
        %add3A_1336 = arith.constant 0 : i32
        %add3A_1337 = vector.broadcast %add3A_1336 : i32 to vector<16xi32>
        %add3A_1338 = arith.addi %sub3A_1322, %add3A_1337 : vector<16xi32>
        tpu.vector_store_idx %arg16[%add3A_1338], %scan3A_1267 : memref<6272xi32, #tpu.memory_space<vmem>>[vector<16xi32>], vector<16xi32>,
        tpu.vector_store_idx %arg17[%scan3A_1268], %scan3A_1269 masked %scan3A_1270 {add = true} : memref<2048xi32, #tpu.memory_space<vmem>>[vector<16xi32>], vector<16xi32>, vector<16xi1>
        %gather3A_1339 = tpu.vector_load_idx %arg17[%scan3A_1273] : memref<2048xi32, #tpu.memory_space<vmem>>[vector<16xi32>], vector<16xi32>,
        %add3A_1340 = arith.addi %gather3A_1339, %scan3A_1274 : vector<16xi32>
        %sub3A_1341 = arith.constant 1 : i32
        %sub3A_1342 = vector.broadcast %sub3A_1341 : i32 to vector<16xi32>
        %sub3A_1343 = arith.subi %add3A_1340, %sub3A_1342 : vector<16xi32>
        %shift_right_arithmetic3A_1344 = arith.constant 31 : i32
        %shift_right_arithmetic3A_1345 = vector.broadcast %shift_right_arithmetic3A_1344 : i32 to vector<16xi32>
        %shift_right_arithmetic3A_1346 = arith.shrsi %scan3A_1271, %shift_right_arithmetic3A_1345 : vector<16xi32>
        %not3A_1347 = arith.constant dense<-1> : vector<16xi32>
        %not3A_1348 = arith.xori %shift_right_arithmetic3A_1346, %not3A_1347 : vector<16xi32>
        %or3A_1349 = arith.constant -2147483648 : i32
        %or3A_1350 = vector.broadcast %or3A_1349 : i32 to vector<16xi32>
        %or3A_1351 = arith.ori %not3A_1348, %or3A_1350 : vector<16xi32>
        %xor3A_1352 = arith.xori %scan3A_1271, %or3A_1351 : vector<16xi32>
        %bitcast_convert_type3A_1353 = tpu.bitcast %xor3A_1352 : vector<16xi32> -> vector<16xf32>
        %add3A_1354 = arith.constant 3136 : i32
        %add3A_1355 = vector.broadcast %add3A_1354 : i32 to vector<16xi32>
        %add3A_1356 = arith.addi %sub3A_1343, %add3A_1355 : vector<16xi32>
        tpu.vector_store_idx %arg7[%add3A_1356], %bitcast_convert_type3A_1353 : memref<6272xf32, #tpu.memory_space<vmem>>[vector<16xi32>], vector<16xf32>,
        %add3A_1357 = arith.constant 3136 : i32
        %add3A_1358 = vector.broadcast %add3A_1357 : i32 to vector<16xi32>
        %add3A_1359 = arith.addi %sub3A_1343, %add3A_1358 : vector<16xi32>
        tpu.vector_store_idx %arg16[%add3A_1359], %scan3A_1272 : memref<6272xi32, #tpu.memory_space<vmem>>[vector<16xi32>], vector<16xi32>,
        tpu.vector_store_idx %arg17[%scan3A_1273], %scan3A_1274 masked %scan3A_1275 {add = true} : memref<2048xi32, #tpu.memory_space<vmem>>[vector<16xi32>], vector<16xi32>, vector<16xi1>
        scf.yield %get3A_1281, %get3A_1283, %add3A_1292, %unique3A_1296, %unique3A_1295, %get3A_1302, %get3A_1304, %add3A_1313, %unique3A_1317, %unique3A_1316 : vector<16xi32>, vector<16xi32>, vector<16xi32>, vector<16xi32>, vector<16xi1>, vector<16xi32>, vector<16xi32>, vector<16xi32>, vector<16xi32>, vector<16xi1>
      }
      %scan3A_1217 = arith.constant 195 : i32
      %gather3A_1218 = tpu.vector_load_idx %arg17[%scan3A_1216#2] : memref<2048xi32, #tpu.memory_space<vmem>>[vector<16xi32>], vector<16xi32>,
      %add3A_1219 = arith.addi %gather3A_1218, %scan3A_1216#3 : vector<16xi32>
      %sub3A_1220 = arith.constant 1 : i32
      %sub3A_1221 = vector.broadcast %sub3A_1220 : i32 to vector<16xi32>
      %sub3A_1222 = arith.subi %add3A_1219, %sub3A_1221 : vector<16xi32>
      %shift_right_arithmetic3A_1223 = arith.constant 31 : i32
      %shift_right_arithmetic3A_1224 = vector.broadcast %shift_right_arithmetic3A_1223 : i32 to vector<16xi32>
      %shift_right_arithmetic3A_1225 = arith.shrsi %scan3A_1216#0, %shift_right_arithmetic3A_1224 : vector<16xi32>
      %not3A_1226 = arith.constant dense<-1> : vector<16xi32>
      %not3A_1227 = arith.xori %shift_right_arithmetic3A_1225, %not3A_1226 : vector<16xi32>
      %or3A_1228 = arith.constant -2147483648 : i32
      %or3A_1229 = vector.broadcast %or3A_1228 : i32 to vector<16xi32>
      %or3A_1230 = arith.ori %not3A_1227, %or3A_1229 : vector<16xi32>
      %xor3A_1231 = arith.xori %scan3A_1216#0, %or3A_1230 : vector<16xi32>
      %bitcast_convert_type3A_1232 = tpu.bitcast %xor3A_1231 : vector<16xi32> -> vector<16xf32>
      %add3A_1233 = arith.constant 0 : i32
      %add3A_1234 = vector.broadcast %add3A_1233 : i32 to vector<16xi32>
      %add3A_1235 = arith.addi %sub3A_1222, %add3A_1234 : vector<16xi32>
      tpu.vector_store_idx %arg7[%add3A_1235], %bitcast_convert_type3A_1232 : memref<6272xf32, #tpu.memory_space<vmem>>[vector<16xi32>], vector<16xf32>,
      %add3A_1236 = arith.constant 0 : i32
      %add3A_1237 = vector.broadcast %add3A_1236 : i32 to vector<16xi32>
      %add3A_1238 = arith.addi %sub3A_1222, %add3A_1237 : vector<16xi32>
      tpu.vector_store_idx %arg16[%add3A_1238], %scan3A_1216#1 : memref<6272xi32, #tpu.memory_space<vmem>>[vector<16xi32>], vector<16xi32>,
      tpu.vector_store_idx %arg17[%scan3A_1216#2], %scan3A_1216#3 masked %scan3A_1216#4 {add = true} : memref<2048xi32, #tpu.memory_space<vmem>>[vector<16xi32>], vector<16xi32>, vector<16xi1>
      %gather3A_1239 = tpu.vector_load_idx %arg17[%scan3A_1216#7] : memref<2048xi32, #tpu.memory_space<vmem>>[vector<16xi32>], vector<16xi32>,
      %add3A_1240 = arith.addi %gather3A_1239, %scan3A_1216#8 : vector<16xi32>
      %sub3A_1241 = arith.constant 1 : i32
      %sub3A_1242 = vector.broadcast %sub3A_1241 : i32 to vector<16xi32>
      %sub3A_1243 = arith.subi %add3A_1240, %sub3A_1242 : vector<16xi32>
      %shift_right_arithmetic3A_1244 = arith.constant 31 : i32
      %shift_right_arithmetic3A_1245 = vector.broadcast %shift_right_arithmetic3A_1244 : i32 to vector<16xi32>
      %shift_right_arithmetic3A_1246 = arith.shrsi %scan3A_1216#5, %shift_right_arithmetic3A_1245 : vector<16xi32>
      %not3A_1247 = arith.constant dense<-1> : vector<16xi32>
      %not3A_1248 = arith.xori %shift_right_arithmetic3A_1246, %not3A_1247 : vector<16xi32>
      %or3A_1249 = arith.constant -2147483648 : i32
      %or3A_1250 = vector.broadcast %or3A_1249 : i32 to vector<16xi32>
      %or3A_1251 = arith.ori %not3A_1248, %or3A_1250 : vector<16xi32>
      %xor3A_1252 = arith.xori %scan3A_1216#5, %or3A_1251 : vector<16xi32>
      %bitcast_convert_type3A_1253 = tpu.bitcast %xor3A_1252 : vector<16xi32> -> vector<16xf32>
      %add3A_1254 = arith.constant 3136 : i32
      %add3A_1255 = vector.broadcast %add3A_1254 : i32 to vector<16xi32>
      %add3A_1256 = arith.addi %sub3A_1243, %add3A_1255 : vector<16xi32>
      tpu.vector_store_idx %arg7[%add3A_1256], %bitcast_convert_type3A_1253 : memref<6272xf32, #tpu.memory_space<vmem>>[vector<16xi32>], vector<16xf32>,
      %add3A_1257 = arith.constant 3136 : i32
      %add3A_1258 = vector.broadcast %add3A_1257 : i32 to vector<16xi32>
      %add3A_1259 = arith.addi %sub3A_1243, %add3A_1258 : vector<16xi32>
      tpu.vector_store_idx %arg16[%add3A_1259], %scan3A_1216#6 : memref<6272xi32, #tpu.memory_space<vmem>>[vector<16xi32>], vector<16xi32>,
      tpu.vector_store_idx %arg17[%scan3A_1216#7], %scan3A_1216#8 masked %scan3A_1216#9 {add = true} : memref<2048xi32, #tpu.memory_space<vmem>>[vector<16xi32>], vector<16xi32>, vector<16xi1>
      %dma_start3A_1260 = tpu.memref_slice %arg3[%add3A_850] : memref<9633792xf32, #tpu.memory_space<hbm>> -> memref<6272xf32, #tpu.memory_space<hbm>>
      %dma_start3A_1261 = tpu.memref_slice %arg3[%add3A_850] : memref<9633792xf32, #tpu.memory_space<hbm>> -> memref<6272xf32, #tpu.memory_space<hbm>>
      tpu.enqueue_dma source(%arg7 : memref<6272xf32, #tpu.memory_space<vmem>>) target(%dma_start3A_1261 : memref<6272xf32, #tpu.memory_space<hbm>>) target_semaphore(%arg19 : memref<!tpu.dma_semaphore, #tpu.memory_space<semaphore_mem>>)
      %dma_start3A_1262 = tpu.memref_slice %arg4[%add3A_850] : memref<9633792xi32, #tpu.memory_space<hbm>> -> memref<6272xi32, #tpu.memory_space<hbm>>
      %dma_start3A_1263 = tpu.memref_slice %arg4[%add3A_850] : memref<9633792xi32, #tpu.memory_space<hbm>> -> memref<6272xi32, #tpu.memory_space<hbm>>
      tpu.enqueue_dma source(%arg16 : memref<6272xi32, #tpu.memory_space<vmem>>) target(%dma_start3A_1263 : memref<6272xi32, #tpu.memory_space<hbm>>) target_semaphore(%arg20 : memref<!tpu.dma_semaphore, #tpu.memory_space<semaphore_mem>>)
      %scan3A_1264 = arith.constant 0 : i32
      scf.yield %scan3A_1264 : i32
    }
    %scan3A_11 = arith.constant 16 : i32
    %add3A_12 = arith.constant 301056 : i32
    %add3A_13 = arith.addi %mul3A_4, %add3A_12 : i32
    %sub3A = arith.constant 12544 : i32
    %sub3A_14 = arith.subi %add3A_13, %sub3A : i32
    %dma_wait3A = tpu.memref_slice %arg3[%sub3A_14] : memref<9633792xf32, #tpu.memory_space<hbm>> -> memref<6272xf32, #tpu.memory_space<hbm>>
    %dma_wait3A_15 = tpu.memref_slice %arg3[%sub3A_14] : memref<9633792xf32, #tpu.memory_space<hbm>> -> memref<6272xf32, #tpu.memory_space<hbm>>
    tpu.wait_dma2 semaphore(%arg19 : memref<!tpu.dma_semaphore, #tpu.memory_space<semaphore_mem>>) src(%arg6 : memref<6272xf32, #tpu.memory_space<vmem>>) dst(%dma_wait3A_15 : memref<6272xf32, #tpu.memory_space<hbm>>)
    %sub3A_16 = arith.constant 6272 : i32
    %sub3A_17 = arith.subi %add3A_13, %sub3A_16 : i32
    %dma_wait3A_18 = tpu.memref_slice %arg3[%sub3A_17] : memref<9633792xf32, #tpu.memory_space<hbm>> -> memref<6272xf32, #tpu.memory_space<hbm>>
    %dma_wait3A_19 = tpu.memref_slice %arg3[%sub3A_17] : memref<9633792xf32, #tpu.memory_space<hbm>> -> memref<6272xf32, #tpu.memory_space<hbm>>
    tpu.wait_dma2 semaphore(%arg19 : memref<!tpu.dma_semaphore, #tpu.memory_space<semaphore_mem>>) src(%arg7 : memref<6272xf32, #tpu.memory_space<vmem>>) dst(%dma_wait3A_19 : memref<6272xf32, #tpu.memory_space<hbm>>)
    %sub3A_20 = arith.constant 6272 : i32
    %sub3A_21 = arith.subi %add3A_13, %sub3A_20 : i32
    %dma_wait3A_22 = tpu.memref_slice %arg4[%sub3A_21] : memref<9633792xi32, #tpu.memory_space<hbm>> -> memref<6272xi32, #tpu.memory_space<hbm>>
    %dma_wait3A_23 = tpu.memref_slice %arg4[%sub3A_21] : memref<9633792xi32, #tpu.memory_space<hbm>> -> memref<6272xi32, #tpu.memory_space<hbm>>
    tpu.wait_dma2 semaphore(%arg20 : memref<!tpu.dma_semaphore, #tpu.memory_space<semaphore_mem>>) src(%arg16 : memref<6272xi32, #tpu.memory_space<vmem>>) dst(%dma_wait3A_23 : memref<6272xi32, #tpu.memory_space<hbm>>)
    return
  }
}

#map = affine_map<(d0, d1) -> (0)>
module attributes {stable_mosaic.version = 14 : i64} {
  func.func @_mix_rows_body(%arg0: i32, %arg1: i32, %arg2: memref<16xf32, #tpu.memory_space<hbm>>, %arg3: memref<16xi32, #tpu.memory_space<hbm>>, %arg4: memref<9633792xf32, #tpu.memory_space<hbm>>, %arg5: memref<9633792xi32, #tpu.memory_space<hbm>>, %arg6: memref<9633792xf32, #tpu.memory_space<hbm>>, %arg7: memref<16xf32, #tpu.memory_space<vmem>>, %arg8: memref<16xi32, #tpu.memory_space<vmem>>, %arg9: memref<3136xf32, #tpu.memory_space<vmem>>, %arg10: memref<3136xf32, #tpu.memory_space<vmem>>, %arg11: memref<3136xf32, #tpu.memory_space<vmem>>, %arg12: memref<3136xf32, #tpu.memory_space<vmem>>, %arg13: memref<3136xi32, #tpu.memory_space<vmem>>, %arg14: memref<3136xi32, #tpu.memory_space<vmem>>, %arg15: memref<3136xf32, #tpu.memory_space<vmem>>, %arg16: memref<3136xf32, #tpu.memory_space<vmem>>, %arg17: memref<!tpu.dma_semaphore, #tpu.memory_space<semaphore_mem>>, %arg18: memref<!tpu.dma_semaphore, #tpu.memory_space<semaphore_mem>>) attributes {dimension_semantics = [#tpu.dimension_semantics<core_parallel>, #tpu.dimension_semantics<subcore_parallel>], iteration_bounds = array<i64: 2, 16>, scalar_prefetch = 0 : i64, scratch_operands = 12 : i64, tpu.core_type = #tpu.core_type<sc_vector_subcore>, window_params = [{transform_indices = #map}, {transform_indices = #map}, {transform_indices = #map}, {transform_indices = #map}, {transform_indices = #map}]} {
    %mul3A = arith.constant 2 : i32
    %mul3A_0 = arith.muli %arg1, %mul3A : i32
    %add3A = arith.addi %mul3A_0, %arg0 : i32
    %jit3A = arith.constant 2 : i32
    %div3A = arith.divsi %add3A, %jit3A : i32
    %sign3A = arith.constant 0 : i32
    %sign3A_1 = arith.cmpi sgt, %add3A, %sign3A : i32
    %sign3A_2 = arith.extui %sign3A_1 : i1 to i32
    %sign3A_3 = arith.constant 0 : i32
    %sign3A_4 = arith.cmpi slt, %add3A, %sign3A_3 : i32
    %sign3A_5 = arith.extui %sign3A_4 : i1 to i32
    %sign3A_6 = arith.subi %sign3A_2, %sign3A_5 : i32
    %sign3A_7 = arith.constant 0 : i32
    %sign3A_8 = arith.cmpi sgt, %jit3A, %sign3A_7 : i32
    %sign3A_9 = arith.extui %sign3A_8 : i1 to i32
    %sign3A_10 = arith.constant 0 : i32
    %sign3A_11 = arith.cmpi slt, %jit3A, %sign3A_10 : i32
    %sign3A_12 = arith.extui %sign3A_11 : i1 to i32
    %sign3A_13 = arith.subi %sign3A_9, %sign3A_12 : i32
    %ne3A = arith.cmpi ne, %sign3A_6, %sign3A_13 : i32
    %rem3A = arith.remsi %add3A, %jit3A : i32
    %ne3A_14 = arith.constant 0 : i32
    %ne3A_15 = arith.cmpi ne, %rem3A, %ne3A_14 : i32
    %and3A = arith.andi %ne3A, %ne3A_15 : i1
    %sub3A = arith.constant 1 : i32
    %sub3A_16 = arith.subi %div3A, %sub3A : i32
    %select_n3A = arith.select %and3A, %sub3A_16, %div3A : i32
    %jit3A_17 = arith.constant 2 : i32
    %eq3A = arith.constant 0 : i32
    %eq3A_18 = arith.cmpi eq, %jit3A_17, %eq3A : i32
    %jit3A_19 = arith.constant 1 : i32
    %select_n3A_20 = arith.select %eq3A_18, %jit3A_19, %jit3A_17 : i32
    %rem3A_21 = arith.remsi %add3A, %select_n3A_20 : i32
    %ne3A_22 = arith.constant 0 : i32
    %ne3A_23 = arith.cmpi ne, %rem3A_21, %ne3A_22 : i32
    %lt3A = arith.constant 0 : i32
    %lt3A_24 = arith.cmpi slt, %rem3A_21, %lt3A : i32
    %lt3A_25 = arith.constant 0 : i32
    %lt3A_26 = arith.cmpi slt, %select_n3A_20, %lt3A_25 : i32
    %ne3A_27 = arith.xori %lt3A_24, %lt3A_26 : i1
    %and3A_28 = arith.andi %ne3A_27, %ne3A_23 : i1
    %add3A_29 = arith.addi %rem3A_21, %select_n3A_20 : i32
    %select_n3A_30 = arith.select %and3A_28, %add3A_29, %rem3A_21 : i32
    %mul3A_31 = arith.constant 96 : i32
    %mul3A_32 = arith.muli %select_n3A_30, %mul3A_31 : i32
    %iota3A = tpu.iota {dimensions = array<i32: 0>} : vector<16xi32>
    "tpu.region"() ({
      %run_scoped3A = tpu.sem_alloc : memref<!tpu.dma_semaphore, #tpu.memory_space<semaphore_mem>>
      tpu.enqueue_dma source(%arg2 : memref<16xf32, #tpu.memory_space<hbm>>) target(%arg7 : memref<16xf32, #tpu.memory_space<vmem>>) target_semaphore(%run_scoped3A : memref<!tpu.dma_semaphore, #tpu.memory_space<semaphore_mem>>)
      tpu.wait_dma2 semaphore(%run_scoped3A : memref<!tpu.dma_semaphore, #tpu.memory_space<semaphore_mem>>) src(%arg2 : memref<16xf32, #tpu.memory_space<hbm>>) dst(%arg7 : memref<16xf32, #tpu.memory_space<vmem>>)
      tpu.yield
    }) : () -> ()
    "tpu.region"() ({
      %run_scoped3A = tpu.sem_alloc : memref<!tpu.dma_semaphore, #tpu.memory_space<semaphore_mem>>
      tpu.enqueue_dma source(%arg3 : memref<16xi32, #tpu.memory_space<hbm>>) target(%arg8 : memref<16xi32, #tpu.memory_space<vmem>>) target_semaphore(%run_scoped3A : memref<!tpu.dma_semaphore, #tpu.memory_space<semaphore_mem>>)
      tpu.wait_dma2 semaphore(%run_scoped3A : memref<!tpu.dma_semaphore, #tpu.memory_space<semaphore_mem>>) src(%arg3 : memref<16xi32, #tpu.memory_space<hbm>>) dst(%arg8 : memref<16xi32, #tpu.memory_space<vmem>>)
      tpu.yield
    }) : () -> ()
    %eq3A_33 = vector.broadcast %select_n3A : i32 to vector<16xi32>
    %eq3A_34 = arith.cmpi eq, %iota3A, %eq3A_33 : vector<16xi32>
    %get3A = arith.constant 0 : index
    %get3A_35 = tpu.vector_load %arg7[%get3A] {strides = array<i32>} : memref<16xf32, #tpu.memory_space<vmem>>, vector<16xf32>,
    %jit3A_36 = arith.constant 0.000000e+00 : f32
    %broadcast_in_dim3A = vector.broadcast %jit3A_36 : f32 to vector<16xf32>
    %select_n3A_37 = arith.select %eq3A_34, %get3A_35, %broadcast_in_dim3A : vector<16xi1>, vector<16xf32>
    %reduce_sum3A = arith.constant true
    %reduce_sum3A_38 = vector.broadcast %reduce_sum3A : i1 to vector<16xi1>
    %reduce_sum3A_39 = tpu.scan <sum>, %select_n3A_37 masked %reduce_sum3A_38 : vector<16xf32>, vector<16xi1> -> vector<16xf32>
    %reduce_sum3A_40 = vector.extract %reduce_sum3A_39[15] : f32 from vector<16xf32>
    %eq3A_41 = vector.broadcast %select_n3A : i32 to vector<16xi32>
    %eq3A_42 = arith.cmpi eq, %iota3A, %eq3A_41 : vector<16xi32>
    %get3A_43 = arith.constant 0 : index
    %get3A_44 = tpu.vector_load %arg8[%get3A_43] {strides = array<i32>} : memref<16xi32, #tpu.memory_space<vmem>>, vector<16xi32>,
    %jit3A_45 = arith.constant 0 : i32
    %broadcast_in_dim3A_46 = vector.broadcast %jit3A_45 : i32 to vector<16xi32>
    %select_n3A_47 = arith.select %eq3A_42, %get3A_44, %broadcast_in_dim3A_46 : vector<16xi1>, vector<16xi32>
    %reduce_sum3A_48 = arith.constant true
    %reduce_sum3A_49 = vector.broadcast %reduce_sum3A_48 : i1 to vector<16xi1>
    %reduce_sum3A_50 = tpu.scan <sum>, %select_n3A_47 masked %reduce_sum3A_49 : vector<16xi32>, vector<16xi1> -> vector<16xi32>
    %reduce_sum3A_51 = vector.extract %reduce_sum3A_50[15] : i32 from vector<16xi32>
    %broadcast_in_dim3A_52 = vector.broadcast %reduce_sum3A_40 : f32 to vector<16xf32>
    %broadcast_in_dim3A_53 = arith.constant 1.000000e+00 : f32
    %broadcast_in_dim3A_54 = vector.broadcast %broadcast_in_dim3A_53 : f32 to vector<16xf32>
    %sub3A_55 = arith.subf %broadcast_in_dim3A_54, %broadcast_in_dim3A_52 : vector<16xf32>
    %mul3A_56 = arith.constant 96 : i32
    %mul3A_57 = arith.muli %add3A, %mul3A_56 : i32
    %mul3A_58 = arith.constant 192 : i32
    %mul3A_59 = arith.muli %reduce_sum3A_51, %mul3A_58 : i32
    %add3A_60 = arith.addi %mul3A_59, %mul3A_32 : i32
    %add3A_61 = arith.constant 0 : i32
    %add3A_62 = arith.addi %mul3A_57, %add3A_61 : i32
    %mul3A_63 = arith.constant 3136 : i32
    %mul3A_64 = arith.muli %add3A_62, %mul3A_63 : i32
    %dma_start3A = tpu.memref_slice %arg4[%mul3A_64] : memref<9633792xf32, #tpu.memory_space<hbm>> -> memref<3136xf32, #tpu.memory_space<hbm>>
    %dma_start3A_65 = tpu.memref_slice %arg4[%mul3A_64] : memref<9633792xf32, #tpu.memory_space<hbm>> -> memref<3136xf32, #tpu.memory_space<hbm>>
    tpu.enqueue_dma source(%dma_start3A_65 : memref<3136xf32, #tpu.memory_space<hbm>>) target(%arg9 : memref<3136xf32, #tpu.memory_space<vmem>>) target_semaphore(%arg17 : memref<!tpu.dma_semaphore, #tpu.memory_space<semaphore_mem>>)
    %add3A_66 = arith.constant 0 : i32
    %add3A_67 = arith.addi %add3A_60, %add3A_66 : i32
    %mul3A_68 = arith.constant 3136 : i32
    %mul3A_69 = arith.muli %add3A_67, %mul3A_68 : i32
    %dma_start3A_70 = tpu.memref_slice %arg4[%mul3A_69] : memref<9633792xf32, #tpu.memory_space<hbm>> -> memref<3136xf32, #tpu.memory_space<hbm>>
    %dma_start3A_71 = tpu.memref_slice %arg4[%mul3A_69] : memref<9633792xf32, #tpu.memory_space<hbm>> -> memref<3136xf32, #tpu.memory_space<hbm>>
    tpu.enqueue_dma source(%dma_start3A_71 : memref<3136xf32, #tpu.memory_space<hbm>>) target(%arg11 : memref<3136xf32, #tpu.memory_space<vmem>>) target_semaphore(%arg17 : memref<!tpu.dma_semaphore, #tpu.memory_space<semaphore_mem>>)
    %add3A_72 = arith.constant 0 : i32
    %add3A_73 = arith.addi %mul3A_57, %add3A_72 : i32
    %mul3A_74 = arith.constant 3136 : i32
    %mul3A_75 = arith.muli %add3A_73, %mul3A_74 : i32
    %dma_start3A_76 = tpu.memref_slice %arg5[%mul3A_75] : memref<9633792xi32, #tpu.memory_space<hbm>> -> memref<3136xi32, #tpu.memory_space<hbm>>
    %dma_start3A_77 = tpu.memref_slice %arg5[%mul3A_75] : memref<9633792xi32, #tpu.memory_space<hbm>> -> memref<3136xi32, #tpu.memory_space<hbm>>
    tpu.enqueue_dma source(%dma_start3A_77 : memref<3136xi32, #tpu.memory_space<hbm>>) target(%arg13 : memref<3136xi32, #tpu.memory_space<vmem>>) target_semaphore(%arg17 : memref<!tpu.dma_semaphore, #tpu.memory_space<semaphore_mem>>)
    %scan3A = arith.constant 0 : i32
    %scan3A_78 = arith.constant 0 : i32
    %scan3A_79 = arith.constant 48 : i32
    %scan3A_80 = arith.addi %scan3A_78, %scan3A_79 : i32
    %scan3A_81 = arith.constant 1 : i32
    %scan3A_82 = scf.for %scan3A_99 = %scan3A_78 to %scan3A_80 step %scan3A_81 iter_args(%scan3A_100 = %scan3A) -> (i32)  : i32 {
      %mul3A_101 = arith.constant 2 : i32
      %mul3A_102 = arith.muli %mul3A_101, %scan3A_99 : i32
      %add3A_103 = arith.constant 1 : i32
      %add3A_104 = arith.addi %mul3A_102, %add3A_103 : i32
      %lt3A_105 = arith.constant 96 : i32
      %lt3A_106 = arith.cmpi slt, %add3A_104, %lt3A_105 : i32
      %add3A_107 = arith.addi %mul3A_57, %mul3A_102 : i32
      %mul3A_108 = arith.constant 3136 : i32
      %mul3A_109 = arith.muli %add3A_107, %mul3A_108 : i32
      %dma_wait3A_110 = tpu.memref_slice %arg4[%mul3A_109] : memref<9633792xf32, #tpu.memory_space<hbm>> -> memref<3136xf32, #tpu.memory_space<hbm>>
      %dma_wait3A_111 = tpu.memref_slice %arg4[%mul3A_109] : memref<9633792xf32, #tpu.memory_space<hbm>> -> memref<3136xf32, #tpu.memory_space<hbm>>
      tpu.wait_dma2 semaphore(%arg17 : memref<!tpu.dma_semaphore, #tpu.memory_space<semaphore_mem>>) src(%dma_wait3A_111 : memref<3136xf32, #tpu.memory_space<hbm>>) dst(%arg9 : memref<3136xf32, #tpu.memory_space<vmem>>)
      %add3A_112 = arith.addi %add3A_60, %mul3A_102 : i32
      %mul3A_113 = arith.constant 3136 : i32
      %mul3A_114 = arith.muli %add3A_112, %mul3A_113 : i32
      %dma_wait3A_115 = tpu.memref_slice %arg4[%mul3A_114] : memref<9633792xf32, #tpu.memory_space<hbm>> -> memref<3136xf32, #tpu.memory_space<hbm>>
      %dma_wait3A_116 = tpu.memref_slice %arg4[%mul3A_114] : memref<9633792xf32, #tpu.memory_space<hbm>> -> memref<3136xf32, #tpu.memory_space<hbm>>
      tpu.wait_dma2 semaphore(%arg17 : memref<!tpu.dma_semaphore, #tpu.memory_space<semaphore_mem>>) src(%dma_wait3A_116 : memref<3136xf32, #tpu.memory_space<hbm>>) dst(%arg11 : memref<3136xf32, #tpu.memory_space<vmem>>)
      %add3A_117 = arith.addi %mul3A_57, %mul3A_102 : i32
      %mul3A_118 = arith.constant 3136 : i32
      %mul3A_119 = arith.muli %add3A_117, %mul3A_118 : i32
      %dma_wait3A_120 = tpu.memref_slice %arg5[%mul3A_119] : memref<9633792xi32, #tpu.memory_space<hbm>> -> memref<3136xi32, #tpu.memory_space<hbm>>
      %dma_wait3A_121 = tpu.memref_slice %arg5[%mul3A_119] : memref<9633792xi32, #tpu.memory_space<hbm>> -> memref<3136xi32, #tpu.memory_space<hbm>>
      tpu.wait_dma2 semaphore(%arg17 : memref<!tpu.dma_semaphore, #tpu.memory_space<semaphore_mem>>) src(%dma_wait3A_121 : memref<3136xi32, #tpu.memory_space<hbm>>) dst(%arg13 : memref<3136xi32, #tpu.memory_space<vmem>>)
      %convert_element_type3A = arith.extui %lt3A_106 : i1 to i32
      %cond3A = arith.constant 0 : i32
      %cond3A_122 = arith.cmpi ne, %convert_element_type3A, %cond3A : i32
      scf.if %cond3A_122 {
        %add3A_197 = arith.constant 1 : i32
        %add3A_198 = arith.addi %mul3A_102, %add3A_197 : i32
        %add3A_199 = arith.addi %mul3A_57, %add3A_198 : i32
        %mul3A_200 = arith.constant 3136 : i32
        %mul3A_201 = arith.muli %add3A_199, %mul3A_200 : i32
        %dma_start3A_202 = tpu.memref_slice %arg4[%mul3A_201] : memref<9633792xf32, #tpu.memory_space<hbm>> -> memref<3136xf32, #tpu.memory_space<hbm>>
        %dma_start3A_203 = tpu.memref_slice %arg4[%mul3A_201] : memref<9633792xf32, #tpu.memory_space<hbm>> -> memref<3136xf32, #tpu.memory_space<hbm>>
        tpu.enqueue_dma source(%dma_start3A_203 : memref<3136xf32, #tpu.memory_space<hbm>>) target(%arg10 : memref<3136xf32, #tpu.memory_space<vmem>>) target_semaphore(%arg17 : memref<!tpu.dma_semaphore, #tpu.memory_space<semaphore_mem>>)
        %add3A_204 = arith.addi %add3A_60, %add3A_198 : i32
        %mul3A_205 = arith.constant 3136 : i32
        %mul3A_206 = arith.muli %add3A_204, %mul3A_205 : i32
        %dma_start3A_207 = tpu.memref_slice %arg4[%mul3A_206] : memref<9633792xf32, #tpu.memory_space<hbm>> -> memref<3136xf32, #tpu.memory_space<hbm>>
        %dma_start3A_208 = tpu.memref_slice %arg4[%mul3A_206] : memref<9633792xf32, #tpu.memory_space<hbm>> -> memref<3136xf32, #tpu.memory_space<hbm>>
        tpu.enqueue_dma source(%dma_start3A_208 : memref<3136xf32, #tpu.memory_space<hbm>>) target(%arg12 : memref<3136xf32, #tpu.memory_space<vmem>>) target_semaphore(%arg17 : memref<!tpu.dma_semaphore, #tpu.memory_space<semaphore_mem>>)
        %add3A_209 = arith.addi %mul3A_57, %add3A_198 : i32
        %mul3A_210 = arith.constant 3136 : i32
        %mul3A_211 = arith.muli %add3A_209, %mul3A_210 : i32
        %dma_start3A_212 = tpu.memref_slice %arg5[%mul3A_211] : memref<9633792xi32, #tpu.memory_space<hbm>> -> memref<3136xi32, #tpu.memory_space<hbm>>
        %dma_start3A_213 = tpu.memref_slice %arg5[%mul3A_211] : memref<9633792xi32, #tpu.memory_space<hbm>> -> memref<3136xi32, #tpu.memory_space<hbm>>
        tpu.enqueue_dma source(%dma_start3A_213 : memref<3136xi32, #tpu.memory_space<hbm>>) target(%arg14 : memref<3136xi32, #tpu.memory_space<vmem>>) target_semaphore(%arg17 : memref<!tpu.dma_semaphore, #tpu.memory_space<semaphore_mem>>)
      } else {
      }
      %ge3A = arith.constant 2 : i32
      %ge3A_123 = arith.cmpi sge, %mul3A_102, %ge3A : i32
      %convert_element_type3A_124 = arith.extui %ge3A_123 : i1 to i32
      %cond3A_125 = arith.constant 0 : i32
      %cond3A_126 = arith.cmpi ne, %convert_element_type3A_124, %cond3A_125 : i32
      scf.if %cond3A_126 {
        %add3A_197 = arith.addi %mul3A_57, %mul3A_102 : i32
        %sub3A_198 = arith.constant 2 : i32
        %sub3A_199 = arith.subi %add3A_197, %sub3A_198 : i32
        %mul3A_200 = arith.constant 3136 : i32
        %mul3A_201 = arith.muli %sub3A_199, %mul3A_200 : i32
        %dma_wait3A_202 = tpu.memref_slice %arg6[%mul3A_201] : memref<9633792xf32, #tpu.memory_space<hbm>> -> memref<3136xf32, #tpu.memory_space<hbm>>
        %dma_wait3A_203 = tpu.memref_slice %arg6[%mul3A_201] : memref<9633792xf32, #tpu.memory_space<hbm>> -> memref<3136xf32, #tpu.memory_space<hbm>>
        tpu.wait_dma2 semaphore(%arg18 : memref<!tpu.dma_semaphore, #tpu.memory_space<semaphore_mem>>) src(%arg15 : memref<3136xf32, #tpu.memory_space<vmem>>) dst(%dma_wait3A_203 : memref<3136xf32, #tpu.memory_space<hbm>>)
      } else {
      }
      %get3A_127 = arith.constant 0 : index
      %get3A_128 = tpu.vector_load %arg9[%get3A_127] {strides = array<i32>} : memref<3136xf32, #tpu.memory_space<vmem>>, vector<16xf32>,
      %get3A_129 = arith.constant 0 : index
      %get3A_130 = tpu.vector_load %arg11[%get3A_129] {strides = array<i32>} : memref<3136xf32, #tpu.memory_space<vmem>>, vector<16xf32>,
      %get3A_131 = arith.constant 0 : index
      %get3A_132 = tpu.vector_load %arg13[%get3A_131] {strides = array<i32>} : memref<3136xi32, #tpu.memory_space<vmem>>, vector<16xi32>,
      %scan3A_133 = arith.constant 0 : i32
      %scan3A_134 = arith.constant 195 : i32
      %scan3A_135 = arith.addi %scan3A_133, %scan3A_134 : i32
      %scan3A_136 = arith.constant 1 : i32
      %scan3A_137:3 = scf.for %scan3A_197 = %scan3A_133 to %scan3A_135 step %scan3A_136 iter_args(%scan3A_198 = %get3A_128, %scan3A_199 = %get3A_130, %scan3A_200 = %get3A_132) -> (vector<16xf32>, vector<16xf32>, vector<16xi32>)  : i32 {
        %add3A_201 = arith.constant 1 : i32
        %add3A_202 = arith.addi %scan3A_197, %add3A_201 : i32
        %mul3A_203 = arith.constant 16 : i32
        %mul3A_204 = arith.muli %add3A_202, %mul3A_203 : i32
        %get3A_205 = arith.index_cast %mul3A_204 : i32 to index
        %get3A_206 = tpu.vector_load %arg9[%get3A_205] {strides = array<i32>} : memref<3136xf32, #tpu.memory_space<vmem>>, vector<16xf32>,
        %get3A_207 = arith.index_cast %mul3A_204 : i32 to index
        %get3A_208 = tpu.vector_load %arg11[%get3A_207] {strides = array<i32>} : memref<3136xf32, #tpu.memory_space<vmem>>, vector<16xf32>,
        %get3A_209 = arith.index_cast %mul3A_204 : i32 to index
        %get3A_210 = tpu.vector_load %arg13[%get3A_209] {strides = array<i32>} : memref<3136xi32, #tpu.memory_space<vmem>>, vector<16xi32>,
        %mul3A_211 = arith.mulf %broadcast_in_dim3A_52, %scan3A_198 : vector<16xf32>
        %mul3A_212 = arith.mulf %sub3A_55, %scan3A_199 : vector<16xf32>
        %add3A_213 = arith.addf %mul3A_211, %mul3A_212 : vector<16xf32>
        tpu.vector_store_idx %arg15[%scan3A_200], %add3A_213 : memref<3136xf32, #tpu.memory_space<vmem>>[vector<16xi32>], vector<16xf32>,
        scf.yield %get3A_206, %get3A_208, %get3A_210 : vector<16xf32>, vector<16xf32>, vector<16xi32>
      }
      %scan3A_138 = arith.constant 195 : i32
      %mul3A_139 = arith.mulf %broadcast_in_dim3A_52, %scan3A_137#0 : vector<16xf32>
      %mul3A_140 = arith.mulf %sub3A_55, %scan3A_137#1 : vector<16xf32>
      %add3A_141 = arith.addf %mul3A_139, %mul3A_140 : vector<16xf32>
      tpu.vector_store_idx %arg15[%scan3A_137#2], %add3A_141 : memref<3136xf32, #tpu.memory_space<vmem>>[vector<16xi32>], vector<16xf32>,
      %add3A_142 = arith.addi %mul3A_57, %mul3A_102 : i32
      %mul3A_143 = arith.constant 3136 : i32
      %mul3A_144 = arith.muli %add3A_142, %mul3A_143 : i32
      %dma_start3A_145 = tpu.memref_slice %arg6[%mul3A_144] : memref<9633792xf32, #tpu.memory_space<hbm>> -> memref<3136xf32, #tpu.memory_space<hbm>>
      %dma_start3A_146 = tpu.memref_slice %arg6[%mul3A_144] : memref<9633792xf32, #tpu.memory_space<hbm>> -> memref<3136xf32, #tpu.memory_space<hbm>>
      tpu.enqueue_dma source(%arg15 : memref<3136xf32, #tpu.memory_space<vmem>>) target(%dma_start3A_146 : memref<3136xf32, #tpu.memory_space<hbm>>) target_semaphore(%arg18 : memref<!tpu.dma_semaphore, #tpu.memory_space<semaphore_mem>>)
      %add3A_147 = arith.constant 1 : i32
      %add3A_148 = arith.addi %mul3A_102, %add3A_147 : i32
      %add3A_149 = arith.constant 2 : i32
      %add3A_150 = arith.addi %mul3A_102, %add3A_149 : i32
      %lt3A_151 = arith.constant 96 : i32
      %lt3A_152 = arith.cmpi slt, %add3A_150, %lt3A_151 : i32
      %add3A_153 = arith.addi %mul3A_57, %add3A_148 : i32
      %mul3A_154 = arith.constant 3136 : i32
      %mul3A_155 = arith.muli %add3A_153, %mul3A_154 : i32
      %dma_wait3A_156 = tpu.memref_slice %arg4[%mul3A_155] : memref<9633792xf32, #tpu.memory_space<hbm>> -> memref<3136xf32, #tpu.memory_space<hbm>>
      %dma_wait3A_157 = tpu.memref_slice %arg4[%mul3A_155] : memref<9633792xf32, #tpu.memory_space<hbm>> -> memref<3136xf32, #tpu.memory_space<hbm>>
      tpu.wait_dma2 semaphore(%arg17 : memref<!tpu.dma_semaphore, #tpu.memory_space<semaphore_mem>>) src(%dma_wait3A_157 : memref<3136xf32, #tpu.memory_space<hbm>>) dst(%arg10 : memref<3136xf32, #tpu.memory_space<vmem>>)
      %add3A_158 = arith.addi %add3A_60, %add3A_148 : i32
      %mul3A_159 = arith.constant 3136 : i32
      %mul3A_160 = arith.muli %add3A_158, %mul3A_159 : i32
      %dma_wait3A_161 = tpu.memref_slice %arg4[%mul3A_160] : memref<9633792xf32, #tpu.memory_space<hbm>> -> memref<3136xf32, #tpu.memory_space<hbm>>
      %dma_wait3A_162 = tpu.memref_slice %arg4[%mul3A_160] : memref<9633792xf32, #tpu.memory_space<hbm>> -> memref<3136xf32, #tpu.memory_space<hbm>>
      tpu.wait_dma2 semaphore(%arg17 : memref<!tpu.dma_semaphore, #tpu.memory_space<semaphore_mem>>) src(%dma_wait3A_162 : memref<3136xf32, #tpu.memory_space<hbm>>) dst(%arg12 : memref<3136xf32, #tpu.memory_space<vmem>>)
      %add3A_163 = arith.addi %mul3A_57, %add3A_148 : i32
      %mul3A_164 = arith.constant 3136 : i32
      %mul3A_165 = arith.muli %add3A_163, %mul3A_164 : i32
      %dma_wait3A_166 = tpu.memref_slice %arg5[%mul3A_165] : memref<9633792xi32, #tpu.memory_space<hbm>> -> memref<3136xi32, #tpu.memory_space<hbm>>
      %dma_wait3A_167 = tpu.memref_slice %arg5[%mul3A_165] : memref<9633792xi32, #tpu.memory_space<hbm>> -> memref<3136xi32, #tpu.memory_space<hbm>>
      tpu.wait_dma2 semaphore(%arg17 : memref<!tpu.dma_semaphore, #tpu.memory_space<semaphore_mem>>) src(%dma_wait3A_167 : memref<3136xi32, #tpu.memory_space<hbm>>) dst(%arg14 : memref<3136xi32, #tpu.memory_space<vmem>>)
      %convert_element_type3A_168 = arith.extui %lt3A_152 : i1 to i32
      %cond3A_169 = arith.constant 0 : i32
      %cond3A_170 = arith.cmpi ne, %convert_element_type3A_168, %cond3A_169 : i32
      scf.if %cond3A_170 {
        %add3A_197 = arith.constant 1 : i32
        %add3A_198 = arith.addi %add3A_148, %add3A_197 : i32
        %add3A_199 = arith.addi %mul3A_57, %add3A_198 : i32
        %mul3A_200 = arith.constant 3136 : i32
        %mul3A_201 = arith.muli %add3A_199, %mul3A_200 : i32
        %dma_start3A_202 = tpu.memref_slice %arg4[%mul3A_201] : memref<9633792xf32, #tpu.memory_space<hbm>> -> memref<3136xf32, #tpu.memory_space<hbm>>
        %dma_start3A_203 = tpu.memref_slice %arg4[%mul3A_201] : memref<9633792xf32, #tpu.memory_space<hbm>> -> memref<3136xf32, #tpu.memory_space<hbm>>
        tpu.enqueue_dma source(%dma_start3A_203 : memref<3136xf32, #tpu.memory_space<hbm>>) target(%arg9 : memref<3136xf32, #tpu.memory_space<vmem>>) target_semaphore(%arg17 : memref<!tpu.dma_semaphore, #tpu.memory_space<semaphore_mem>>)
        %add3A_204 = arith.addi %add3A_60, %add3A_198 : i32
        %mul3A_205 = arith.constant 3136 : i32
        %mul3A_206 = arith.muli %add3A_204, %mul3A_205 : i32
        %dma_start3A_207 = tpu.memref_slice %arg4[%mul3A_206] : memref<9633792xf32, #tpu.memory_space<hbm>> -> memref<3136xf32, #tpu.memory_space<hbm>>
        %dma_start3A_208 = tpu.memref_slice %arg4[%mul3A_206] : memref<9633792xf32, #tpu.memory_space<hbm>> -> memref<3136xf32, #tpu.memory_space<hbm>>
        tpu.enqueue_dma source(%dma_start3A_208 : memref<3136xf32, #tpu.memory_space<hbm>>) target(%arg11 : memref<3136xf32, #tpu.memory_space<vmem>>) target_semaphore(%arg17 : memref<!tpu.dma_semaphore, #tpu.memory_space<semaphore_mem>>)
        %add3A_209 = arith.addi %mul3A_57, %add3A_198 : i32
        %mul3A_210 = arith.constant 3136 : i32
        %mul3A_211 = arith.muli %add3A_209, %mul3A_210 : i32
        %dma_start3A_212 = tpu.memref_slice %arg5[%mul3A_211] : memref<9633792xi32, #tpu.memory_space<hbm>> -> memref<3136xi32, #tpu.memory_space<hbm>>
        %dma_start3A_213 = tpu.memref_slice %arg5[%mul3A_211] : memref<9633792xi32, #tpu.memory_space<hbm>> -> memref<3136xi32, #tpu.memory_space<hbm>>
        tpu.enqueue_dma source(%dma_start3A_213 : memref<3136xi32, #tpu.memory_space<hbm>>) target(%arg13 : memref<3136xi32, #tpu.memory_space<vmem>>) target_semaphore(%arg17 : memref<!tpu.dma_semaphore, #tpu.memory_space<semaphore_mem>>)
      } else {
      }
      %ge3A_171 = arith.constant 2 : i32
      %ge3A_172 = arith.cmpi sge, %add3A_148, %ge3A_171 : i32
      %convert_element_type3A_173 = arith.extui %ge3A_172 : i1 to i32
      %cond3A_174 = arith.constant 0 : i32
      %cond3A_175 = arith.cmpi ne, %convert_element_type3A_173, %cond3A_174 : i32
      scf.if %cond3A_175 {
        %add3A_197 = arith.addi %mul3A_57, %add3A_148 : i32
        %sub3A_198 = arith.constant 2 : i32
        %sub3A_199 = arith.subi %add3A_197, %sub3A_198 : i32
        %mul3A_200 = arith.constant 3136 : i32
        %mul3A_201 = arith.muli %sub3A_199, %mul3A_200 : i32
        %dma_wait3A_202 = tpu.memref_slice %arg6[%mul3A_201] : memref<9633792xf32, #tpu.memory_space<hbm>> -> memref<3136xf32, #tpu.memory_space<hbm>>
        %dma_wait3A_203 = tpu.memref_slice %arg6[%mul3A_201] : memref<9633792xf32, #tpu.memory_space<hbm>> -> memref<3136xf32, #tpu.memory_space<hbm>>
        tpu.wait_dma2 semaphore(%arg18 : memref<!tpu.dma_semaphore, #tpu.memory_space<semaphore_mem>>) src(%arg16 : memref<3136xf32, #tpu.memory_space<vmem>>) dst(%dma_wait3A_203 : memref<3136xf32, #tpu.memory_space<hbm>>)
      } else {
      }
      %get3A_176 = arith.constant 0 : index
      %get3A_177 = tpu.vector_load %arg10[%get3A_176] {strides = array<i32>} : memref<3136xf32, #tpu.memory_space<vmem>>, vector<16xf32>,
      %get3A_178 = arith.constant 0 : index
      %get3A_179 = tpu.vector_load %arg12[%get3A_178] {strides = array<i32>} : memref<3136xf32, #tpu.memory_space<vmem>>, vector<16xf32>,
      %get3A_180 = arith.constant 0 : index
      %get3A_181 = tpu.vector_load %arg14[%get3A_180] {strides = array<i32>} : memref<3136xi32, #tpu.memory_space<vmem>>, vector<16xi32>,
      %scan3A_182 = arith.constant 0 : i32
      %scan3A_183 = arith.constant 195 : i32
      %scan3A_184 = arith.addi %scan3A_182, %scan3A_183 : i32
      %scan3A_185 = arith.constant 1 : i32
      %scan3A_186:3 = scf.for %scan3A_197 = %scan3A_182 to %scan3A_184 step %scan3A_185 iter_args(%scan3A_198 = %get3A_177, %scan3A_199 = %get3A_179, %scan3A_200 = %get3A_181) -> (vector<16xf32>, vector<16xf32>, vector<16xi32>)  : i32 {
        %add3A_201 = arith.constant 1 : i32
        %add3A_202 = arith.addi %scan3A_197, %add3A_201 : i32
        %mul3A_203 = arith.constant 16 : i32
        %mul3A_204 = arith.muli %add3A_202, %mul3A_203 : i32
        %get3A_205 = arith.index_cast %mul3A_204 : i32 to index
        %get3A_206 = tpu.vector_load %arg10[%get3A_205] {strides = array<i32>} : memref<3136xf32, #tpu.memory_space<vmem>>, vector<16xf32>,
        %get3A_207 = arith.index_cast %mul3A_204 : i32 to index
        %get3A_208 = tpu.vector_load %arg12[%get3A_207] {strides = array<i32>} : memref<3136xf32, #tpu.memory_space<vmem>>, vector<16xf32>,
        %get3A_209 = arith.index_cast %mul3A_204 : i32 to index
        %get3A_210 = tpu.vector_load %arg14[%get3A_209] {strides = array<i32>} : memref<3136xi32, #tpu.memory_space<vmem>>, vector<16xi32>,
        %mul3A_211 = arith.mulf %broadcast_in_dim3A_52, %scan3A_198 : vector<16xf32>
        %mul3A_212 = arith.mulf %sub3A_55, %scan3A_199 : vector<16xf32>
        %add3A_213 = arith.addf %mul3A_211, %mul3A_212 : vector<16xf32>
        tpu.vector_store_idx %arg16[%scan3A_200], %add3A_213 : memref<3136xf32, #tpu.memory_space<vmem>>[vector<16xi32>], vector<16xf32>,
        scf.yield %get3A_206, %get3A_208, %get3A_210 : vector<16xf32>, vector<16xf32>, vector<16xi32>
      }
      %scan3A_187 = arith.constant 195 : i32
      %mul3A_188 = arith.mulf %broadcast_in_dim3A_52, %scan3A_186#0 : vector<16xf32>
      %mul3A_189 = arith.mulf %sub3A_55, %scan3A_186#1 : vector<16xf32>
      %add3A_190 = arith.addf %mul3A_188, %mul3A_189 : vector<16xf32>
      tpu.vector_store_idx %arg16[%scan3A_186#2], %add3A_190 : memref<3136xf32, #tpu.memory_space<vmem>>[vector<16xi32>], vector<16xf32>,
      %add3A_191 = arith.addi %mul3A_57, %add3A_148 : i32
      %mul3A_192 = arith.constant 3136 : i32
      %mul3A_193 = arith.muli %add3A_191, %mul3A_192 : i32
      %dma_start3A_194 = tpu.memref_slice %arg6[%mul3A_193] : memref<9633792xf32, #tpu.memory_space<hbm>> -> memref<3136xf32, #tpu.memory_space<hbm>>
      %dma_start3A_195 = tpu.memref_slice %arg6[%mul3A_193] : memref<9633792xf32, #tpu.memory_space<hbm>> -> memref<3136xf32, #tpu.memory_space<hbm>>
      tpu.enqueue_dma source(%arg16 : memref<3136xf32, #tpu.memory_space<vmem>>) target(%dma_start3A_195 : memref<3136xf32, #tpu.memory_space<hbm>>) target_semaphore(%arg18 : memref<!tpu.dma_semaphore, #tpu.memory_space<semaphore_mem>>)
      %scan3A_196 = arith.constant 0 : i32
      scf.yield %scan3A_196 : i32
    }
    %scan3A_83 = arith.constant 48 : i32
    %add3A_84 = arith.constant 96 : i32
    %add3A_85 = arith.addi %mul3A_57, %add3A_84 : i32
    %sub3A_86 = arith.constant 2 : i32
    %sub3A_87 = arith.subi %add3A_85, %sub3A_86 : i32
    %mul3A_88 = arith.constant 3136 : i32
    %mul3A_89 = arith.muli %sub3A_87, %mul3A_88 : i32
    %dma_wait3A = tpu.memref_slice %arg6[%mul3A_89] : memref<9633792xf32, #tpu.memory_space<hbm>> -> memref<3136xf32, #tpu.memory_space<hbm>>
    %dma_wait3A_90 = tpu.memref_slice %arg6[%mul3A_89] : memref<9633792xf32, #tpu.memory_space<hbm>> -> memref<3136xf32, #tpu.memory_space<hbm>>
    tpu.wait_dma2 semaphore(%arg18 : memref<!tpu.dma_semaphore, #tpu.memory_space<semaphore_mem>>) src(%arg15 : memref<3136xf32, #tpu.memory_space<vmem>>) dst(%dma_wait3A_90 : memref<3136xf32, #tpu.memory_space<hbm>>)
    %add3A_91 = arith.constant 96 : i32
    %add3A_92 = arith.addi %mul3A_57, %add3A_91 : i32
    %sub3A_93 = arith.constant 1 : i32
    %sub3A_94 = arith.subi %add3A_92, %sub3A_93 : i32
    %mul3A_95 = arith.constant 3136 : i32
    %mul3A_96 = arith.muli %sub3A_94, %mul3A_95 : i32
    %dma_wait3A_97 = tpu.memref_slice %arg6[%mul3A_96] : memref<9633792xf32, #tpu.memory_space<hbm>> -> memref<3136xf32, #tpu.memory_space<hbm>>
    %dma_wait3A_98 = tpu.memref_slice %arg6[%mul3A_96] : memref<9633792xf32, #tpu.memory_space<hbm>> -> memref<3136xf32, #tpu.memory_space<hbm>>
    tpu.wait_dma2 semaphore(%arg18 : memref<!tpu.dma_semaphore, #tpu.memory_space<semaphore_mem>>) src(%arg16 : memref<3136xf32, #tpu.memory_space<vmem>>) dst(%dma_wait3A_98 : memref<3136xf32, #tpu.memory_space<hbm>>)
    return
  }
}

</mosaic_0001>

<sc_bundles>
// kernel: kernel.4.cloned.1.call-start
scs
__scs_entry_jumppad:
0x0: {  	(pc) =	sbr.rel $0x88, $3  }
0x1: {  	(tag) =	ssettag $0x0;
	lr =	simm.s32 $0x1  }
0x2: {  	[smem:$0x3F9E] =	sst lr;
	_ =	strace $0xD0000000  }
0x3: {  	_ = 	snop  }
0x4: {  	_ = 	snop  }
0x5: {  	_ = 	snop  }
0x6: {  	_ = 	snop  }
0x7: {  	_ = 	snop  }
__scs_overlays_trampoline_lowered:
0x8: {  	[smem:$0x3FAD] =	sst s0  }
0x9: {  	[smem:$0x3FAE] =	sst s1  }
0xa: {  	[smem:$0x3FAF] =	sst s2  }
0xb: {  	[smem:$0x3FB0] =	sst s3  }
0xc: {  	[smem:$0x3FB1] =	sst s4  }
0xd: {  	[smem:$0x3FB2] =	sst s5  }
0xe: {  	[smem:$0x3FB3] =	sst s6  }
0xf: {  	[smem:$0x3FB4] =	sst s7  }
0x10: {  	[smem:$0x3FB5] =	sst s8  }
0x11: {  	[smem:$0x3FB6] =	sst s9;
	s0 =	simm.s32 @!p0 $0x0  }
0x12: {  	s1 =	sld [smem:$0x3F9C];
	s0 =	simm.s32 @p0 $0x1  }
0x13: {  	[smem:$0x3FB7] =	sst s0;
	s0 =	simm.s32 @!p1 $0x0  }
0x14: {  	s2 =	sld [smem:$0x3F9B];
	s0 =	simm.s32 @p1 $0x1  }
0x15: {  	[smem:$0x3FB8] =	sst s0;
	s0 =	simm.s32 @!p2 $0x0  }
0x16: {  	s3 =	sld [smem:$0x3FDB];
	s0 =	simm.s32 @p2 $0x1  }
0x17: {  	s4 =	simm.s32 $0x1BF5;
	[smem:$0x3FBA] =	sst s0  }
0x18: {  	s0 =	sld [smem:$0x3F9D];
	_ =	swait.ge [sflag:s4], $0x0  }
0x19: {  	s7 =	sld [smem:$0x3F9E]  }
0x1a: {  	s8 =	sadd.s32 $0xFFFFE003, lr  }
0x1b: {  	s9 =	sadd.s32 $0xFFFFFEF7, lr;
	s5 =	simm.s32 $0xFFFFFFFF;
	p2 =	slt.u32 s8, $0xFFFFF086  }
0x1c: {  	p1 =	slt.u32 s9, $0xF7A;
	s5 =	simm.s32 @!p2 $0x0  }
0x1d: {  	s5 =	simm.s32 @p1 $0x1;
	p0 =	seq.s32 s7, s2  }
0x1e: {  	s7 =	smul.u32 @!p0 $0xF7A, s2;
	p2 =	seq.s32 @!p0 s5, $0x0  }
0x1f: {  	s9 =	smul.u32 $0xF7A, s1;
	s8 =	simm.s32 @!p0 $0x1BF5;
	p2 =	por !p2, p0  }
0x20: {  	[sflag:s8] =	ssyncset.s32 @!p0 $0xFFFFF086;
	s6 =	sadd.s32 @!p0 s3, s7;
	s7 =	simm.s32 @!p0 $0x108  }
0x21: {  	s3 =	sadd.s32 s3, s9;
	s6 =	sadd.s32 @!p0 $0x88, s6;
	s7 =	simm.s32 @p2 $0x1082  }
0x22: {  	[simem:s7], [sflag:s8] =	dma.local @!p0 [hbm:s6], $0xF7A  }
0x23: {  	s9 =	sor.u32 $0xD0000000, s2;
	s6 =	simm.s32 $0x108;
	_ =	swait.ge @!p0 [sflag:s8], $0x0  }
0x24: {  	s3 =	sadd.s32 $0x88, s3;
	s6 =	simm.s32 @!p1 $0x1082;
	[sflag:s4] =	ssyncset.s32 $0xFFFFF086  }
0x25: {  	[simem:s6], [sflag:s4] =	dma.local [hbm:s3], $0xF7A  }
0x26: {  	[smem:$0x3F9E] =	sst s1;
	(tag) =	ssettag s2;
	_ =	strace s9  }
0x27: {  	s1 =	sld [smem:$0x3FAE]  }
0x28: {  	s2 =	sld [smem:$0x3FAF]  }
0x29: {  	s4 =	sld [smem:$0x3FB1]  }
0x2a: {  	p0 =	seq.s32 s5, $0x0;
	s5 =	sld [smem:$0x3FB2]  }
0x2b: {  	s6 =	sld [smem:$0x3FB3]  }
0x2c: {  	s7 =	sld [smem:$0x3FB4]  }
0x2d: {  	s3 =	simm.s32 $0x108;
	s8 =	sld [smem:$0x3FB5]  }
0x2e: {  	s3 =	simm.s32 @!p0 $0x1082;
	s9 =	sld [smem:$0x3FB6]  }
0x2f: {  	lr =	sadd.s32 s0, s3;
	s0 =	sld [smem:$0x3FAD]  }
0x30: {  	s3 =	sld [smem:$0x3FB0]  }
0x31: {  	[smem:$0x3FB9] =	sst s10  }
0x32: {  	s10 =	sld [smem:$0x3FB7];
	_ =	sdelay $0x3  }
0x33: {  	p0 =	seq.s32 s10, $0x1;
	s10 =	sld [smem:$0x3FB9];
	_ =	sdelay $0x3  }
0x34: {  	[smem:$0x3FB9] =	sst s10  }
0x35: {  	s10 =	sld [smem:$0x3FB8];
	_ =	sdelay $0x3  }
0x36: {  	p1 =	seq.s32 s10, $0x1;
	s10 =	sld [smem:$0x3FB9];
	_ =	sdelay $0x3  }
0x37: {  	[smem:$0x3FB9] =	sst s10  }
0x38: {  	s10 =	sld [smem:$0x3FBA]  }
0x39: {  	_ = 	snop;
	(pc) =	sbr.ind lr, $3  }
0x3a: {  	_ = 	snop  }
0x3b: {  	_ = 	snop  }
0x3c: {  	p2 =	seq.s32 s10, $0x1;
	s10 =	sld [smem:$0x3FB9]  }
0x3d: {  	_ =	shalt  }
0x3e: {  	_ =	shalt  }
0x3f: {  	_ =	shalt  }
0x40: {  	_ =	shalt  }
0x41: {  	_ =	shalt  }
0x42: {  	_ =	shalt  }
0x43: {  	_ =	shalt  }
0x44: {  	_ =	shalt  }
0x45: {  	_ =	shalt  }
0x46: {  	_ =	shalt  }
0x47: {  	_ =	shalt  }
0x48: {  	_ =	shalt  }
0x49: {  	_ =	shalt  }
0x4a: {  	_ =	shalt  }
0x4b: {  	_ =	shalt  }
0x4c: {  	_ =	shalt  }
0x4d: {  	_ =	shalt  }
0x4e: {  	_ =	shalt  }
0x4f: {  	_ =	shalt  }
0x50: {  	_ =	shalt  }
0x51: {  	_ =	shalt  }
0x52: {  	_ =	shalt  }
0x53: {  	_ =	shalt  }
0x54: {  	_ =	shalt  }
0x55: {  	_ =	shalt  }
0x56: {  	_ =	shalt  }
0x57: {  	_ =	shalt  }
0x58: {  	_ =	shalt  }
0x59: {  	_ =	shalt  }
0x5a: {  	_ =	shalt  }
0x5b: {  	_ =	shalt  }
0x5c: {  	_ =	shalt  }
0x5d: {  	_ =	shalt  }
0x5e: {  	_ =	shalt  }
0x5f: {  	_ =	shalt  }
0x60: {  	_ =	shalt  }
0x61: {  	_ =	shalt  }
0x62: {  	_ =	shalt  }
0x63: {  	_ =	shalt  }
0x64: {  	_ =	shalt  }
0x65: {  	_ =	shalt  }
0x66: {  	_ =	shalt  }
0x67: {  	_ =	shalt  }
0x68: {  	_ =	shalt  }
0x69: {  	_ =	shalt  }
0x6a: {  	_ =	shalt  }
0x6b: {  	_ =	shalt  }
0x6c: {  	_ =	shalt  }
0x6d: {  	_ =	shalt  }
0x6e: {  	_ =	shalt  }
0x6f: {  	_ =	shalt  }
0x70: {  	_ =	shalt  }
0x71: {  	_ =	shalt  }
0x72: {  	_ =	shalt  }
0x73: {  	_ =	shalt  }
0x74: {  	_ =	shalt  }
0x75: {  	_ =	shalt  }
0x76: {  	_ =	shalt  }
0x77: {  	_ =	shalt  }
0x78: {  	_ =	shalt  }
0x79: {  	_ =	shalt  }
0x7a: {  	_ =	shalt  }
0x7b: {  	_ =	shalt  }
0x7c: {  	_ =	shalt  }
0x7d: {  	_ =	shalt  }
0x7e: {  	_ =	shalt  }
0x7f: {  	_ =	shalt  }
0x80: {  	_ =	shalt  }
0x81: {  	_ =	shalt  }
0x82: {  	_ =	shalt  }
0x83: {  	_ =	shalt  }
0x84: {  	_ =	shalt  }
0x85: {  	_ =	shalt  }
0x86: {  	_ =	shalt  }
0x87: {  	_ =	shalt  }
.Lfunc_end0:
.L_simem_size_0:
called_computation.1_lowered:
.L_overlay_start_0:
0x88: {  	s2 =	sld [smem:$0x3FD9]  }
0x89: {  	s3 =	sld [smem:$0x3FFE];
	_ =	sdelay $0x1  }
0x8a: {  	s1 =	srdreg.scid  }
0x8b: {  	s0 =	sand.u32 $0x1, s1  }
0x8c: {  	s17 =	sshll.u32 s0, $0xA;
	s2 =	sadd.s32 s3, s2  }
0x8d: {  	s2 =	sadd.s32 s2, s17  }
0x8e: {  	[smem:$0x3FC5] =	sst s2  }
0x8f: {  	_ = 	snop  }
0x90: {  	s2 =	sld [smem:$0x3FD0];
	(tm) =	ssettm $0x1  }
0x91: {  	s18 =	sld [smem:$0x3FFB];
	_ =	sdelay $0x3  }
0x92: {  	_ =	strace s18  }
0x93: {  	s3 =	sld [smem:$0x3FFC];
	_ =	sdelay $0x3  }
0x94: {  	_ =	strace s3  }
0x95: {  	s3 =	sld [smem:$0x3FFD];
	_ =	sdelay $0x3  }
0x96: {  	_ =	strace s3  }
0x97: {  	_ =	strace $0x8FFFFFFF  }
0x98: {  	s19 =	sld [smem:$0x3FDB];
	_ =	sdelay $0x1  }
0x99: {  	s4 =	simm.s32 $_scs_section_size  }
0x9a: {  	s5 =	simm.s32 $_size__tile_overlayer_lowered;
	s6 =	simm.s32 $_tile_overlayer_lowered  }
0x9b: {  	s22 =	simm.s32 $0x1BFF;
	s21 =	sshll.u32 s6, $0x1;
	s3 =	sadd.s32 s4, s19  }
0x9c: {  	s7 =	simm.s32 $0x0;
	s20 =	sshll.u32 s5, $0x1;
	s5 =	sadd.s32 s21, s3  }
0x9d: {  	[timem:s7], [sflag:s22] =	dma.local [hbm:s5], s20  }
0x9e: {  	_ =	swait.ge [sflag:s22], s20  }
0x9f: {  	s4 =	ssub.s32 $0x0, s20;
	[sflag:s22] =	ssyncset.done $0x0  }
0xa0: {  	[sflag:s22] =	ssyncadd.s32 s4;
	_ =	sdelay $0x1  }
0xa1: {  	s23 =	simm.s32 $0x1B8B  }
0xa2: {  	_ =	swait.ge [sflag:s23], $0x1  }
0xa3: {  	[sflag:s23] =	ssyncset.done $0x0  }
0xa4: {  	s25 =	simm.s32 $0x1B8E;
	s24 =	sld [smem:$0x3FFE];
	[sflag:s23] =	ssyncadd.s32 $0xFFFFFFFF  }
0xa5: {  	s26 =	simm.s32 $execute0_lowered;
	[smem:$0x3FD2] =	sst s25  }
0xa6: {  	s5 =	sshll.u32 s26, $0x1;
	_ =	strace $0x80000046;
	[dreg:$0x1] =	wrdreg $0xFFFFFFFF  }
0xa7: {  	s28 =	simm.s32 $_size_execute0_lowered;
	s3 =	sadd.s32 s3, s5;
	[dreg:$0x0] =	wrdreg $0x0  }
0xa8: {  	s5 =	sshll.u32 s28, $0x1;
	[dreg:$0x2] =	wrdreg s3  }
0xa9: {  	[dreg:$0x3] =	wrdreg s5  }
0xaa: {  	[dreg:$0x4] =	wrdreg $0xC0  }
0xab: {  	_ =	task [dreg:s7], $0x5FFFF  }
0xac: {  	[dreg:$0x1] =	wrdreg $0xFFFFFFFF  }
0xad: {  	[dreg:$0x0] =	wrdreg $0x60  }
0xae: {  	[dreg:$0x2] =	wrdreg s2  }
0xaf: {  	[dreg:$0x3] =	wrdreg s24  }
0xb0: {  	[dreg:$0x4] =	wrdreg $0x9  }
0xb1: {  	_ =	task.clear_ibuf [dreg:s7], $0x5FFFF;
	_ =	strace $0x90000046  }
0xb2: {  	s29 =	simm.s32 $0x9;
	_ =	strace $0x80000048  }
0xb3: {  	_ =	swait.ge [sflag:s29], $0x1  }
0xb4: {  	[sflag:s29] =	ssyncadd.s32 $0xFFFFFFFF  }
0xb5: {  	_ =	strace $0x90000048  }
0xb6: {  	_ =	sfence  }
0xb7: {  	s30 =	sld [smem:$0x0];
	_ =	sdelay $0x2  }
0xb8: {  	s31 =	sshll.u32 s1, $0xD;
	s1 =	sshrl.u32 s1, $0x2  }
0xb9: {  	s3 =	sand.u32 $0x4000, s31;
	s1 =	sadd.s32 s1, s30  }
0xba: {  	s0 =	sor.u32 s3, s0;
	s1 =	sshll.u32 s1, $0x11  }
0xbb: {  	s0 =	sor.u32 s1, s0  }
0xbc: {  	s0 =	sadd.s32 $0x8F2B, s0  }
0xbd: {  	[sflag:s0] =	ssyncadd.remote.s32 $0x1  }
0xbe: {  	_ =	sfence.sel $0xFFFF  }
0xbf: {  	[dreg:$0x0] =	wrdreg $0xFFFFFFFF;
	(pc) =	sbr.abs _section_cstart, $3  }
0xc0: {  	[dreg:$0x1] =	wrdreg $0xFFFFFFFF  }
0xc1: {  	_ =	task.clear_ibuf [dreg:s7], $0x2FFFF;
	_ =	strace $0x9FFFFFFF  }
0xc2: {  	(tm) =	ssettm $0x7FFFFFFF  }
0xc3: {  	_ =	shalt  }
tec
execute0_lowered:
.L_overlay_start_1:
0x0: {  	(tag) =	ssettag $0x1  }
0x1: {  	s4 =	rddreg [dreg:$0x0];
	s0 =	srdreg.scid  }
0x2: {  	s2 =	stileid.u32;
	s1 =	rddreg [dreg:$0x1];
	s3 =	simm.s32 $0x0  }
0x3: {  	s12 =	simm.s32 $0x1880;
	s13 =	simm.s32 $0xC600;
	s14 =	simm.s32 $0x6280  }
0x4: {  	s15 =	simm.s32 $0x6F00;
	s16 =	simm.s32 $0x9480;
	s17 =	simm.s32 $0xA100  }
0x5: {  	s18 =	simm.s32 $0x4980;
	s19 =	simm.s32 $0x5600;
	s20 =	simm.s32 $0x7B80  }
0x6: {  	s0 =	sand.u32 $0x1, s0;
	s2 =	sshll.u32 s2, $0x1;
	[smem:$0x7FF] =	sst s3  }
0x7: {  	s25 =	sadd.s32 $0x1000, s1;
	s1 =	sadd.s32 $0x127000, s1;
	s2 =	sor.u32 s0, s2  }
0x8: {  	_ =	strace $0x80000047;
	[dreg:$0x4] =	wrdreg s25;
	s5 =	smul.u32 $0x49800, s2  }
0x9: {  	s21 =	simm.s32 $0x8800;
	s0 =	ssub.s32 $0x2, s0;
	[dreg:$0x5] =	wrdreg s1  }
0xa: {  	s26 =	sshrl.u32 s0, $0x1;
	s30 =	sadd.s32 $0x1880, s5;
	[dreg:$0x3] =	wrdreg s5  }
0xb: {  	s0 =	ssub.s32 s0, s26;
	s31 =	sadd.s32 $0x3100, s5;
	[dreg:$0x7] =	wrdreg s30  }
0xc: {  	s28 =	sshrl.u32 s5, $0x3;
	s0 =	smax.u32 s0, $0x1;
	[dreg:$0x8] =	wrdreg s31  }
0xd: {  	v0 =	vlaneseq.u32;
	s22 =	simm.s32 $0xAD80;
	s29 =	sadd.s32 s4, s28;
	[dreg:$0x9] =	wrdreg s0  }
0xe: {  	s23 =	simm.s32 $0x3100;
	v1 =	vimm.s32 $0x0;
	v3 =	vimm.s32 $0x80000000;
	v2 =	vor.u32 $0xC30, v0;
	s2 =	simm.s32 $0x0;
	[dreg:$0x6] =	wrdreg s29  }
.LBB2_1:
0xf: {  	[dreg:$0xa] =	wrdreg s2  }
0x10: {  	s0 =	rddreg [dreg:$0x6];
	s28 =	simm.s32 $0x0  }
0x11: {  	[tilespmem:s3], [sflag:$0x1] =	stream.linear.gather [hbm4b:s0+s3], $0x1880, $0x38;
	[tilespmem:$0xCE00] =	vst v63  }
.LBB2_2:
0x12: {  	s1 =	simm.s32 $0x1  }
0x13: {  	s2 =	smul.u32 $0x4980, s28;
	_ =	swait.ge [sflag:s1], $0x1880  }
0x14: {  	p0 =	seq.s32 s28, $0x0;
	[sflag:s1] =	ssyncset.done $0x0  }
0x15: {  	[dreg:$0xb] =	wrdreg s2;
	[sflag:s1] =	ssyncadd.s32 $0xFFFFE780;
	s1 =	simm.s32 @!p0 $0x2  }
0x16: {  	s0 =	rddreg [dreg:$0x3];
	_ =	swait.ge @!p0 [sflag:s1], $0x1880  }
0x17: {  	s0 =	sadd.s32 s0, s2;
	[sflag:s1] =	ssyncset.done @!p0 $0x0  }
0x18: {  	s30 =	sshrl.u32 s0, $0x3;
	s29 =	rddreg [dreg:$0x0]  }
0x19: {  	s0 =	sadd.s32 s29, s30  }
0x1a: {  	s31 =	simm.s32 $0x0;
	[sflag:s1] =	ssyncadd.s32 @!p0 $0xFFFFE780;
	s0 =	sadd.s32 $0x310, s0  }
0x1b: {  	[tilespmem:s12], [sflag:$0x1] =	stream.linear.gather [hbm4b:s0+s31], $0x1880, $0x38;
	[tilespmem:$0xCE00] =	vst v63  }
0x1c: {  	s1 =	simm.s32 $0x0;
	s0 =	simm.s32 $0x40  }
.LBB2_3:
0x1d: {  	p1 =	sne.s32 s0, $0x1FC0;
	[tilespmem:s1+$0xC600] =	vst v1;
	s1 =	smov.u32 s0;
	s0 =	sadd.s32 $0x40, s0  }
.Ltmp0:
0x1e: {  	(pc) =	sbr.rel @p1 .LBB2_3-.Ltmp0, $2  }
0x1f: {  	_ =	sdelay $0x2  }
0x20: {  	s1 =	sshra.s32 s1, $0x2  }
0x21: {  	[tilespmem:s1+$0xC600] =	vst v1  }
0x22: {  	v4 =	vld [tilespmem:$0x0];
	_ =	sdelay $0x4  }
0x23: {  	v5 =	vshra.s32 v4, $0x1F  }
0x24: {  	v5 =	vor.u32 $0x80000000, v5  }
0x25: {  	v14 =	vxor.u32 v4, v5  }
0x26: {  	v25 =	vand.u32 $0xFF, v14  }
0x27: {  	(xrf1) =	vunique.msk.u32 $0xffff, v25  }
0x28: {  	v6 =	vld [tilespmem:$0xC40];
	_ =	sdelay $0x1  }
0x29: {  	v7 =	vshrl.u32 v14, $0x8  }
0x2a: {  	v10 =	vshrl.u32 v14, $0x10;
	v5 =	vand.u32 $0xFF, v7  }
0x2b: {  	v8 =	vand.u32 $0xFF, v10;
	v11 =	vor.u32 $0x100, v5  }
0x2c: {  	v4 =	vshra.s32 v6, $0x1F;
	v5 =	vshrl.u32 v14, $0x18;
	v16 =	vor.u32 $0x200, v8;
	(xrf1) =	vunique.msk.u32 $0xffff, v11  }
0x2d: {  	v4 =	vor.u32 $0x80000000, v4;
	v5 =	vor.u32 $0x300, v5;
	(xrf1) =	vunique.msk.u32 $0xffff, v16  }
0x2e: {  	v4 =	vxor.u32 v6, v4;
	(xrf1) =	vunique.msk.u32 $0xffff, v5  }
0x2f: {  	v6 =	vand.u32 $0xFF, v4;
	v9 =	vshrl.u32 v4, $0x8  }
0x30: {  	v17 =	vshrl.u32 v4, $0x10;
	v6 =	vor.u32 $0x400, v6;
	v8 =	vand.u32 $0xFF, v9  }
0x31: {  	v12 =	vand.u32 $0xFF, v17;
	v18 =	vor.u32 $0x500, v8;
	(xrf1) =	vunique.msk.u32 $0xffff, v6  }
0x32: {  	v20 =	vor.u32 $0x600, v12;
	v8 =	vshrl.u32 v4, $0x18;
	(xrf1) =	vunique.msk.u32 $0xffff, v18  }
0x33: {  	v12 =	vand.u32 $0x480, v6;
	v6 =	vor.u32 $0x700, v8;
	(xrf1) =	vunique.msk.u32 $0xffff, v20  }
0x34: {  	s0 =	simm.s32 $0xC50;
	_, v27, vm3 =	vpop (xrf1);
	(xrf1) =	vunique.msk.u32 $0xffff, v6  }
0x35: {  	v19 =	vld [tilespmem:s0+$0xFFFFF3C0];
	_ =	sdelay $0x1  }
0x36: {  	v10 =	vand.u32 $0x7F, v10  }
0x37: {  	s26 =	simm.s32 $0x0;
	v7 =	vand.u32 $0x7F, v7;
	v13 =	vand.u32 $0x7F, v4;
	v15 =	vand.u32 $0x7F, v9  }
0x38: {  	v9 =	vor.u32 s26, v0;
	v11 =	vand.u32 $0x180, v11;
	v8 =	vor.u32 v13, v12  }
0x39: {  	s29 =	simm.s32 $0x4980;
	s6 =	simm.s32 $0x5600;
	v13 =	vand.u32 $0x580, v18;
	v12 =	vand.u32 $0x680, v20;
	v18 =	vshra.s32 v19, $0x1F;
	_, v23, vm1 =	vpop (xrf1)  }
0x3a: {  	s5 =	simm.s32 $0x7B80;
	s25 =	simm.s32 $0x8800;
	s8 =	simm.s32 $0x10;
	v21 =	vor.u32 $0x80000000, v18;
	v20 =	vor.u32 v7, v11;
	v11 =	vand.u32 $0x280, v16;
	v18 =	vld [tilespmem:s0+$0x0];
	_, v24, vm2 =	vpop (xrf1)  }
0x3b: {  	s10 =	simm.s32 $0x20;
	s4 =	simm.s32 $0x8810;
	s2 =	simm.s32 $0xC60;
	v7 =	vxor.u32 v19, v21;
	v21 =	vor.u32 v10, v11;
	v19 =	vand.u32 $0x7F, v17;
	_, v22, vm0 =	vpop (xrf1)  }
0x3c: {  	s7 =	simm.s32 $0x4990;
	s31 =	simm.s32 $0x7B90;
	s11 =	simm.s32 $0x30;
	[tilespmem:s29+$0x0] =	vst v14;
	v10 =	vshrl.u32 v7, $0x8;
	v11 =	vshrl.u32 v7, $0x10;
	v26 =	vshrl.u32 v7, $0x18  }
0x3d: {  	s1 =	simm.s32 $0x8820;
	s9 =	simm.s32 $0x7B90;
	s24 =	simm.s32 $0x4990;
	[tilespmem:s6+$0x0] =	vst v9;
	v17 =	vand.u32 $0xFF, v7;
	v14 =	vand.u32 $0xFF, v10;
	v28 =	vand.u32 $0xFF, v11  }
0x3e: {  	s26 =	simm.s32 $0xC70;
	s0 =	simm.s32 $0x5610;
	s6 =	simm.s32 $0x5610;
	v16 =	vor.u32 $0x100, v14;
	v14 =	vor.u32 $0x200, v28;
	(xrf1) =	vunique.msk.u32 $0xffff, v17;
	[tilespmem:v25+s13+$0x0] =	vst.idx.add.s32.msk vm3, v27;
	_, v25, vm3 =	vpop (xrf1)  }
.LBB2_5:
0x3f: {  	v26 =	vor.u32 $0x300, v26;
	s7 =	sadd.s32 $0x10, s7;
	s0 =	sadd.s32 $0x10, s0;
	s31 =	sadd.s32 $0x10, s31;
	(xrf1) =	vunique.msk.u32 $0xffff, v16;
	v27 =	vshra.s32 v18, $0x1F;
	[tilespmem:v20+s13+$0x0] =	vst.idx.add.s32.msk vm1, v23;
	_, v20, vm1 =	vpop (xrf1)  }
0x40: {  	p1 =	sne.s32 s11, $0xC20;
	v13 =	vor.u32 v15, v13;
	s29 =	smov.u32 s11;
	s11 =	sadd.s32 $0x10, s11;
	(xrf1) =	vunique.msk.u32 $0xffff, v14;
	v23 =	vor.u32 $0x80000000, v27;
	[tilespmem:v21+s13+$0x0] =	vst.idx.add.s32.msk vm2, v24;
	_, v15, vm2 =	vpop (xrf1)  }
0x41: {  	v12 =	vor.u32 v19, v12;
	(xrf1) =	vunique.msk.u32 $0xffff, v26;
	v18 =	vxor.u32 v18, v23;
	[tilespmem:v5+s13+$0x0] =	vst.idx.add.s32.msk vm0, v22;
	_, v19, vm0 =	vpop (xrf1)  }
0x42: {  	v5 =	vmovc v26;
	v21 =	vand.u32 $0xFF, v18;
	v22 =	vshrl.u32 v18, $0x8;
	v27 =	vshrl.u32 v18, $0x10;
	[tilespmem:s5+$0x0] =	vst v4;
	v4 =	vmovc v18;
	s5 =	smov.u32 s9;
	s9 =	smov.u32 s31  }
0x43: {  	v28 =	vmovc v17;
	v21 =	vor.u32 $0x400, v21;
	v23 =	vand.u32 $0xFF, v22;
	v24 =	vand.u32 $0xFF, v27;
	[tilespmem:s25+$0x0] =	vst v9;
	s25 =	smov.u32 s4;
	s4 =	smov.u32 s1  }
0x44: {  	v9 =	vor.u32 $0x500, v23;
	v17 =	vor.u32 $0x600, v24;
	(xrf1) =	vunique.msk.u32 $0xffff, v21;
	[tilespmem:v8+s13+$0x0] =	vst.idx.add.s32.msk vm3, v25  }
0x45: {  	v8 =	vand.u32 $0x480, v21;
	v21 =	vshrl.u32 v18, $0x18;
	(xrf1) =	vunique.msk.u32 $0xffff, v9;
	[tilespmem:v13+s13+$0x0] =	vst.idx.add.s32.msk vm1, v20  }
0x46: {  	v13 =	vand.u32 $0x7F, v18;
	v18 =	vor.u32 $0x700, v21;
	(xrf1) =	vunique.msk.u32 $0xffff, v17;
	[tilespmem:v12+s13+$0x0] =	vst.idx.add.s32.msk vm2, v15  }
0x47: {  	v8 =	vor.u32 v13, v8;
	v13 =	vand.u32 $0x580, v9;
	(xrf1) =	vunique.msk.u32 $0xffff, v18;
	[tilespmem:v6+s13+$0x0] =	vst.idx.add.s32.msk vm0, v19;
	v6 =	vmovc v18  }
0x48: {  	v15 =	vand.u32 $0x7F, v22;
	v12 =	vand.u32 $0x680, v17;
	v19 =	vld [tilespmem:s2+$0xFFFFF3C0];
	_ =	sdelay $0x3  }
0x49: {  	v11 =	vand.u32 $0x7F, v11;
	v9 =	vor.u32 s8, v0;
	s8 =	smov.u32 s10;
	s10 =	smov.u32 s29;
	v18 =	vld [tilespmem:s2+$0x0];
	_, v25, vm3 =	vpop (xrf1);
	s2 =	smov.u32 s26  }
0x4a: {  	v16 =	vand.u32 $0x180, v16;
	v10 =	vand.u32 $0x7F, v10;
	v17 =	vshra.s32 v19, $0x1F;
	_, v23, vm1 =	vpop (xrf1)  }
.Ltmp1:
0x4b: {  	v20 =	vor.u32 v10, v16;
	v10 =	vand.u32 $0x280, v14;
	v17 =	vor.u32 $0x80000000, v17;
	_, v24, vm2 =	vpop (xrf1);
	(pc) =	sbr.rel @p1 .LBB2_5-.Ltmp1, $4  }
0x4c: {  	v21 =	vor.u32 v11, v10;
	v14 =	vxor.u32 v19, v17;
	v19 =	vand.u32 $0x7F, v27;
	_, v22, vm0 =	vpop (xrf1)  }
0x4d: {  	v10 =	vshrl.u32 v14, $0x8;
	v11 =	vshrl.u32 v14, $0x10;
	v26 =	vshrl.u32 v14, $0x18;
	[tilespmem:s24+$0x0] =	vst v7;
	v7 =	vmovc v14;
	s24 =	smov.u32 s7  }
0x4e: {  	v17 =	vand.u32 $0xFF, v14;
	v14 =	vand.u32 $0xFF, v10;
	v27 =	vand.u32 $0xFF, v11;
	[tilespmem:s6+$0x0] =	vst v9;
	s6 =	smov.u32 s0  }
0x4f: {  	s1 =	sadd.s32 $0x10, s1;
	s26 =	sadd.s32 $0x10, s26;
	v16 =	vor.u32 $0x100, v14;
	v14 =	vor.u32 $0x200, v27;
	(xrf1) =	vunique.msk.u32 $0xffff, v17;
	[tilespmem:v28+s13+$0x0] =	vst.idx.add.s32.msk vm3, v25;
	_, v25, vm3 =	vpop (xrf1)  }
0x50: {  	(xrf1) =	vunique.msk.u32 $0xffff, v16;
	v27 =	vshra.s32 v18, $0x1F  }
0x51: {  	v26 =	vor.u32 $0x300, v26;
	(xrf1) =	vunique.msk.u32 $0xffff, v14;
	v27 =	vor.u32 $0x80000000, v27  }
0x52: {  	(xrf1) =	vunique.msk.u32 $0xffff, v26;
	v62 =	vxor.u32 v18, v27  }
0x53: {  	v27 =	vand.u32 $0xFF, v62;
	v28 =	vshrl.u32 v62, $0x8  }
0x54: {  	v29 =	vshrl.u32 v62, $0x10;
	v27 =	vor.u32 $0x400, v27;
	v30 =	vand.u32 $0xFF, v28  }
0x55: {  	v31 =	vand.u32 $0xFF, v29;
	v30 =	vor.u32 $0x500, v30;
	(xrf1) =	vunique.msk.u32 $0xffff, v27  }
0x56: {  	[tilespmem:v20+s13+$0x0] =	vst.idx.add.s32.msk vm1, v23;
	_, v20, vm1 =	vpop (xrf1);
	v33 =	vshrl.u32 v62, $0x18;
	v63 =	vor.u32 $0x600, v31;
	(xrf1) =	vunique.msk.u32 $0xffff, v30  }
0x57: {  	v13 =	vor.u32 v15, v13;
	[tilespmem:v21+s13+$0x0] =	vst.idx.add.s32.msk vm2, v24;
	_, v34, vm7 =	vpop (xrf1);
	v35 =	vor.u32 $0x700, v33;
	(xrf1) =	vunique.msk.u32 $0xffff, v63  }
0x58: {  	[tilespmem:v5+s13+$0x0] =	vst.idx.add.s32.msk vm0, v22;
	v5 =	vor.u32 v19, v12;
	_, v36, vm8 =	vpop (xrf1);
	(xrf1) =	vunique.msk.u32 $0xffff, v35  }
0x59: {  	[tilespmem:s5+$0x0] =	vst v4  }
0x5a: {  	[tilespmem:s25+$0x0] =	vst v9  }
0x5b: {  	[tilespmem:v8+s13+$0x0] =	vst.idx.add.s32.msk vm3, v25  }
0x5c: {  	[tilespmem:v13+s13+$0x0] =	vst.idx.add.s32.msk vm1, v20  }
0x5d: {  	[tilespmem:v5+s13+$0x0] =	vst.idx.add.s32.msk vm7, v34;
	_, v4, vm9 =	vpop (xrf1)  }
0x5e: {  	v5 =	vand.u32 $0x180, v16;
	[tilespmem:v6+s13+$0x0] =	vst.idx.add.s32.msk vm8, v36;
	v6 =	vand.u32 $0x7F, v10;
	_, v37, vm10 =	vpop (xrf1)  }
0x5f: {  	v38 =	vand.u32 $0x7F, v11;
	v5 =	vor.u32 v6, v5;
	v6 =	vand.u32 $0x280, v14;
	_, v39, vm11 =	vpop (xrf1)  }
0x60: {  	v9 =	vld [tilespmem:s2+$0xFFFFF3C0];
	v6 =	vor.u32 v38, v6;
	_, v40, vm12 =	vpop (xrf1)  }
0x61: {  	v41 =	vor.u32 s8, v0;
	v12 =	vld [tilespmem:s2+$0x0];
	[tilespmem:s24+$0x0] =	vst v7  }
0x62: {  	[tilespmem:s6+$0x0] =	vst v41  }
0x63: {  	v42 =	vand.u32 $0x7F, v62;
	v44 =	vand.u32 $0x7F, v28;
	v7 =	vand.u32 $0x480, v27;
	[tilespmem:v17+s13+$0x0] =	vst.idx.add.s32.msk vm9, v4;
	_, v4, vm1 =	vpop (xrf1)  }
0x64: {  	v47 =	vand.u32 $0x7F, v29;
	v43 =	vand.u32 $0x580, v30;
	v7 =	vor.u32 v42, v7;
	[tilespmem:v5+s13+$0x0] =	vst.idx.add.s32.msk vm10, v37;
	_, v5, vm0 =	vpop (xrf1)  }
0x65: {  	v45 =	vand.u32 $0x680, v63;
	v46 =	vshra.s32 v9, $0x1F;
	[tilespmem:v6+s13+$0x0] =	vst.idx.add.s32.msk vm11, v39;
	v6 =	vor.u32 v44, v43;
	_, v11, vm2 =	vpop (xrf1)  }
0x66: {  	v48 =	vor.u32 v47, v45;
	v8 =	vor.u32 $0x80000000, v46;
	[tilespmem:v26+s13+$0x0] =	vst.idx.add.s32.msk vm12, v40;
	_, v49, vm13 =	vpop (xrf1)  }
0x67: {  	v8 =	vxor.u32 v9, v8;
	[tilespmem:s9+$0x0] =	vst v62  }
0x68: {  	v9 =	vshrl.u32 v8, $0x8;
	[tilespmem:s4+$0x0] =	vst v41  }
0x69: {  	v50 =	vand.u32 $0xFF, v8;
	v51 =	vand.u32 $0xFF, v9;
	[tilespmem:v7+s13+$0x0] =	vst.idx.add.s32.msk vm1, v4  }
0x6a: {  	(xrf1) =	vunique.msk.u32 $0xffff, v50;
	v4 =	vshrl.u32 v8, $0x10;
	v7 =	vor.u32 $0x100, v51;
	[tilespmem:v6+s13+$0x0] =	vst.idx.add.s32.msk vm0, v5  }
0x6b: {  	v5 =	vand.u32 $0xFF, v4;
	(xrf1) =	vunique.msk.u32 $0xffff, v7;
	[tilespmem:v48+s13+$0x0] =	vst.idx.add.s32.msk vm2, v11  }
0x6c: {  	v52 =	vshra.s32 v12, $0x1F;
	v6 =	vshrl.u32 v8, $0x18;
	v5 =	vor.u32 $0x200, v5;
	[tilespmem:v35+s13+$0x0] =	vst.idx.add.s32.msk vm13, v49  }
0x6d: {  	v10 =	vor.u32 $0x80000000, v52;
	v6 =	vor.u32 $0x300, v6;
	(xrf1) =	vunique.msk.u32 $0xffff, v5;
	v11 =	vld [tilespmem:s26+$0xFFFFF3C0]  }
0x6e: {  	v10 =	vxor.u32 v12, v10;
	(xrf1) =	vunique.msk.u32 $0xffff, v6  }
0x6f: {  	v12 =	vand.u32 $0xFF, v10;
	v53 =	vshrl.u32 v10, $0x8  }
0x70: {  	v54 =	vshrl.u32 v10, $0x10;
	v12 =	vor.u32 $0x400, v12;
	v55 =	vand.u32 $0xFF, v53  }
0x71: {  	v56 =	vand.u32 $0xFF, v54;
	v16 =	vor.u32 $0x500, v55;
	(xrf1) =	vunique.msk.u32 $0xffff, v12  }
0x72: {  	v57 =	vshrl.u32 v10, $0x18;
	v17 =	vor.u32 $0x600, v56;
	(xrf1) =	vunique.msk.u32 $0xffff, v16;
	v58 =	vshra.s32 v11, $0x1F  }
0x73: {  	v18 =	vor.u32 $0x700, v57;
	v20 =	vld [tilespmem:s26+$0x0];
	(xrf1) =	vunique.msk.u32 $0xffff, v17;
	v19 =	vor.u32 $0x80000000, v58  }
0x74: {  	v59 =	vor.u32 s10, v0;
	(xrf1) =	vunique.msk.u32 $0xffff, v18;
	v11 =	vxor.u32 v11, v19  }
0x75: {  	v9 =	vand.u32 $0x7F, v9;
	v4 =	vand.u32 $0x7F, v4;
	v60 =	vshrl.u32 v11, $0x8  }
0x76: {  	v61 =	vand.u32 $0xFF, v11;
	v63 =	vshrl.u32 v11, $0x10;
	v62 =	vand.u32 $0xFF, v60  }
0x77: {  	v7 =	vand.u32 $0x180, v7;
	(xrf1) =	vunique.msk.u32 $0xffff, v61;
	v34 =	vand.u32 $0xFF, v63;
	v23 =	vor.u32 $0x100, v62  }
0x78: {  	v35 =	vshra.s32 v20, $0x1F;
	_, v33, vm14 =	vpop (xrf1);
	v36 =	vshrl.u32 v11, $0x18;
	v26 =	vor.u32 $0x200, v34;
	(xrf1) =	vunique.msk.u32 $0xffff, v23  }
0x79: {  	v5 =	vand.u32 $0x280, v5;
	v27 =	vor.u32 $0x80000000, v35;
	v28 =	vor.u32 $0x300, v36;
	_, v37, vm15 =	vpop (xrf1);
	(xrf1) =	vunique.msk.u32 $0xffff, v26  }
0x7a: {  	v7 =	vor.u32 v9, v7;
	v4 =	vor.u32 v4, v5;
	v38 =	vxor.u32 v20, v27;
	(xrf1) =	vunique.msk.u32 $0xffff, v28  }
0x7b: {  	s26 =	sadd.s32 $0x10, s7;
	v12 =	vand.u32 $0x480, v12;
	v5 =	vand.u32 $0xFF, v38;
	v40 =	vshrl.u32 v38, $0x8;
	_, v39, vm6 =	vpop (xrf1)  }
0x7c: {  	s0 =	sadd.s32 $0x10, s0;
	[tilespmem:s26+$0x0] =	vst v8;
	v43 =	vshrl.u32 v38, $0x10;
	v5 =	vor.u32 $0x400, v5;
	v42 =	vand.u32 $0xFF, v40;
	_, v41, vm7 =	vpop (xrf1)  }
0x7d: {  	[tilespmem:s0+$0x0] =	vst v59;
	v45 =	vand.u32 $0xFF, v43;
	v44 =	vor.u32 $0x500, v42;
	(xrf1) =	vunique.msk.u32 $0xffff, v5  }
0x7e: {  	v46 =	vshrl.u32 v38, $0x18;
	v25 =	vor.u32 $0x600, v45;
	[tilespmem:v50+s13+$0x0] =	vst.idx.add.s32.msk vm14, v33;
	(xrf1) =	vunique.msk.u32 $0xffff, v44  }
0x7f: {  	v30 =	vor.u32 $0x700, v46;
	_, v47, vm8 =	vpop (xrf1);
	(xrf1) =	vunique.msk.u32 $0xffff, v25;
	[tilespmem:v7+s13+$0x0] =	vst.idx.add.s32.msk vm15, v37;
	v7 =	vand.u32 $0x7F, v10  }
0x80: {  	v13 =	vand.u32 $0x7F, v53;
	v48 =	vand.u32 $0x580, v16;
	_, v49, vm9 =	vpop (xrf1);
	(xrf1) =	vunique.msk.u32 $0xffff, v30;
	v7 =	vor.u32 v7, v12  }
0x81: {  	v14 =	vand.u32 $0x7F, v54;
	v50 =	vand.u32 $0x680, v17;
	v12 =	vor.u32 v13, v48;
	[tilespmem:v4+s13+$0x0] =	vst.idx.add.s32.msk vm6, v39;
	_, v4, vm2 =	vpop (xrf1)  }
0x82: {  	s29 =	sadd.s32 $0x10, s31;
	v13 =	vor.u32 v14, v50;
	[tilespmem:v6+s13+$0x0] =	vst.idx.add.s32.msk vm7, v41;
	_, v6, vm3 =	vpop (xrf1)  }
0x83: {  	[tilespmem:s29+$0x0] =	vst v10  }
0x84: {  	[tilespmem:s1+$0x0] =	vst v59  }
0x85: {  	[tilespmem:v7+s13+$0x0] =	vst.idx.add.s32.msk vm8, v47;
	_, v7, vm0 =	vpop (xrf1)  }
0x86: {  	v53 =	vand.u32 $0x7F, v60;
	v52 =	vand.u32 $0x180, v23;
	[tilespmem:v12+s13+$0x0] =	vst.idx.add.s32.msk vm9, v49;
	_, v51, vm10 =	vpop (xrf1)  }
0x87: {  	v56 =	vand.u32 $0x7F, v63;
	v55 =	vand.u32 $0x280, v26;
	[tilespmem:v13+s13+$0x0] =	vst.idx.add.s32.msk vm2, v4;
	v4 =	vor.u32 v53, v52;
	_, v54, vm11 =	vpop (xrf1)  }
0x88: {  	v5 =	vand.u32 $0x480, v5;
	[tilespmem:v18+s13+$0x0] =	vst.idx.add.s32.msk vm3, v6;
	v6 =	vor.u32 v56, v55;
	_, v57, vm12 =	vpop (xrf1)  }
0x89: {  	[tilespmem:$0x55B0] =	vst v11  }
0x8a: {  	s31 =	simm.s32 $0xC600;
	[tilespmem:$0x6230] =	vst v2  }
0x8b: {  	v58 =	vand.u32 $0x7F, v38;
	[tilespmem:v61+s31+$0x0] =	vst.idx.add.s32.msk vm0, v7;
	_, v7, vm0 =	vpop (xrf1)  }
0x8c: {  	v8 =	vand.u32 $0x7F, v40;
	v59 =	vand.u32 $0x580, v44;
	[tilespmem:v4+s31+$0x0] =	vst.idx.add.s32.msk vm10, v51;
	v4 =	vor.u32 v58, v5;
	_, v5, vm13 =	vpop (xrf1)  }
0x8d: {  	v62 =	vand.u32 $0x7F, v43;
	v61 =	vand.u32 $0x680, v25;
	[tilespmem:v6+s31+$0x0] =	vst.idx.add.s32.msk vm11, v54;
	v6 =	vor.u32 v8, v59;
	_, v60, vm14 =	vpop (xrf1)  }
0x8e: {  	v10 =	vor.u32 v62, v61;
	[tilespmem:v28+s31+$0x0] =	vst.idx.add.s32.msk vm12, v57;
	_, v63, vm15 =	vpop (xrf1)  }
0x8f: {  	[tilespmem:$0x87B0] =	vst v38  }
0x90: {  	[tilespmem:$0x9430] =	vst v2  }
0x91: {  	[tilespmem:v4+s31+$0x0] =	vst.idx.add.s32.msk vm0, v7  }
0x92: {  	[tilespmem:v6+s31+$0x0] =	vst.idx.add.s32.msk vm13, v5  }
0x93: {  	[tilespmem:v10+s31+$0x0] =	vst.idx.add.s32.msk vm14, v60  }
0x94: {  	[tilespmem:v30+s31+$0x0] =	vst.idx.add.s32.msk vm15, v63  }
0x95: {  	v4 =	vld [tilespmem:s31+$0x0];
	_ =	sdelay $0x4  }
0x96: {  	(xrf0) =	vadd.scan.msk.s32 $0xffff, v4;
	_ =	sdelay $0x5  }
0x97: {  	v5, _, _ =	vpop (xrf0)  }
0x98: {  	(v2sf) =	vpush v5, $0xF  }
0x99: {  	s1 =	simm.s32 $0x0  }
0x9a: {  	v4 =	vsub.s32 s1, v4  }
0x9b: {  	v4 =	vadd.s32 v5, v4  }
0x9c: {  	s0 =	simm.s32 $0xC610;
	[tilespmem:s31+$0x0] =	vst v4  }
0x9d: {  	s5 =	simm.s32 $0x2;
	s2 =	simm.s32 $0x1;
	s4 =	simm.s32 $0x3;
	v4 =	vld [tilespmem:s0+$0x0]  }
.LBB2_7:
0x9e: {  	p1 =	sne.s32 s4, $0x80;
	_ =	sdelay $0x3  }
0x9f: {  	(xrf0) =	vadd.scan.msk.s32 $0xffff, v4;
	_ =	sdelay $0x4  }
0xa0: {  	s6 =	sand.u32 $0xF, s2;
	s2 =	smov.u32 s5;
	s7 =	spop (v2sf)  }
0xa1: {  	s5 =	smov.u32 s4;
	p2 =	seq.s32 s6, $0x0;
	v5, _, _ =	vpop (xrf0);
	s1 =	sadd.s32 s1, s7  }
0xa2: {  	(v2sf) =	vpush v5, $0xF;
	s1 =	simm.s32 @p2 $0x0  }
.Ltmp2:
0xa3: {  	v4 =	vsub.s32 s1, v4;
	(pc) =	sbr.rel @p1 .LBB2_7-.Ltmp2, $4  }
0xa4: {  	v4 =	vadd.s32 v5, v4  }
0xa5: {  	[tilespmem:s0+$0x0] =	vst v4  }
0xa6: {  	s0 =	sadd.s32 $0x10, s0  }
0xa7: {  	s4 =	sadd.s32 $0x1, s4;
	v4 =	vld [tilespmem:s0+$0x0]  }
0xa8: {  	_ =	sdelay $0x5  }
0xa9: {  	(xrf0) =	vadd.scan.msk.s32 $0xffff, v4;
	_ =	sdelay $0x2  }
0xaa: {  	s2 =	sand.u32 $0xF, s2;
	s4 =	spop (v2sf)  }
0xab: {  	p1 =	seq.s32 s2, $0x0;
	s1 =	sadd.s32 s1, s4  }
0xac: {  	s1 =	simm.s32 @p1 $0x0  }
0xad: {  	v5, _, _ =	vpop (xrf0);
	v4 =	vsub.s32 s1, v4  }
0xae: {  	v4 =	vadd.s32 v5, v4  }
0xaf: {  	[tilespmem:s0+$0x0] =	vst v4  }
0xb0: {  	v6 =	vld [tilespmem:$0x4980]  }
0xb1: {  	v4 =	vld [tilespmem:$0x7B80];
	_ =	sdelay $0x4  }
0xb2: {  	v10 =	vand.u32 $0xFF, v6;
	v7 =	vand.u32 $0xFF, v4  }
0xb3: {  	(v2sf) =	vpush v5, $0xF;
	(xrf1) =	vunique.msk.u32 $0xffff, v10;
	v5 =	vor.u32 $0x400, v7  }
0xb4: {  	(xrf1) =	vunique.msk.u32 $0xffff, v5;
	_ =	sdelay $0xc  }
0xb5: {  	v8 =	vld [tilespmem:$0x5600];
	_, v11, vm1 =	vpop (xrf1)  }
0xb6: {  	s0 =	simm.s32 $0x40;
	v7 =	vld [tilespmem:$0x8800];
	s31 =	spop (v2sf);
	_, v9, vm0 =	vpop (xrf1)  }
.LBB2_9:
0xb7: {  	v12 =	vmov v10;
	v10 =	vld.idx.msk [tilespmem:v10+s13+$0x0], $0xffff;
	_ =	sdelay $0x3  }
0xb8: {  	s1 =	sshra.s32 s0, $0x2  }
0xb9: {  	v13 =	vmov v6;
	v6 =	vld [tilespmem:s1+$0x4980];
	v10 =	vadd.s32 v10, v11  }
0xba: {  	v14 =	vmov v4;
	v4 =	vld [tilespmem:s1+$0x7B80];
	v15 =	vadd.s32 $0xFFFFFFFF, v10;
	_ =	sdelay $0x2  }
0xbb: {  	v18 =	vmov v5  }
0xbc: {  	v16 =	vmov v8;
	v8 =	vld [tilespmem:s1+$0x5600]  }
0xbd: {  	v17 =	vmov v7;
	v7 =	vld [tilespmem:s1+$0x8800];
	v10 =	vand.u32 $0xFF, v6;
	v5 =	vand.u32 $0xFF, v4;
	[tilespmem:v15+s14+$0x0] =	vst.idx.msk $0xffff, v13  }
0xbe: {  	(xrf1) =	vunique.msk.u32 $0xffff, v10;
	v5 =	vor.u32 $0x400, v5;
	[tilespmem:v15+s15+$0x0] =	vst.idx.msk $0xffff, v16  }
0xbf: {  	(xrf1) =	vunique.msk.u32 $0xffff, v5;
	[tilespmem:v12+s13+$0x0] =	vst.idx.add.s32.msk vm1, v11  }
0xc0: {  	v11 =	vld.idx.msk [tilespmem:v18+s13+$0x0], $0xffff;
	_ =	sdelay $0x4  }
0xc1: {  	v63 =	vmov v9;
	v9 =	vadd.s32 v11, v9  }
0xc2: {  	v9 =	vadd.s32 $0xFFFFFFFF, v9  }
0xc3: {  	vm2 =	vmmov vm0  }
0xc4: {  	p1 =	sne.s32 s0, $0x30C0  }
.Ltmp3:
0xc5: {  	_ = 	snop;
	(pc) =	sbr.rel @p1 .LBB2_9-.Ltmp3, $4  }
0xc6: {  	_ = 	snop  }
0xc7: {  	[tilespmem:v9+s16+$0x0] =	vst.idx.msk $0xffff, v14  }
0xc8: {  	_, v11, vm1 =	vpop (xrf1);
	[tilespmem:v9+s17+$0x0] =	vst.idx.msk $0xffff, v17  }
0xc9: {  	s0 =	sadd.s32 $0x40, s0;
	_, v9, vm0 =	vpop (xrf1);
	[tilespmem:v18+s13+$0x0] =	vst.idx.add.s32.msk vm2, v63  }
0xca: {  	_ =	sdelay $0x3  }
0xcb: {  	v12 =	vld.idx.msk [tilespmem:v10+s13+$0x0], $0xffff;
	_ =	sdelay $0x4  }
0xcc: {  	v12 =	vadd.s32 v12, v11  }
0xcd: {  	v12 =	vadd.s32 $0xFFFFFFFF, v12;
	_ =	sdelay $0x4  }
0xce: {  	[tilespmem:v12+s14+$0x0] =	vst.idx.msk $0xffff, v6  }
0xcf: {  	[tilespmem:v12+s15+$0x0] =	vst.idx.msk $0xffff, v8  }
0xd0: {  	[tilespmem:v10+s13+$0x0] =	vst.idx.add.s32.msk vm1, v11  }
0xd1: {  	v6 =	vld.idx.msk [tilespmem:v5+s13+$0x0], $0xffff;
	_ =	sdelay $0x4  }
0xd2: {  	v6 =	vadd.s32 v6, v9  }
0xd3: {  	v6 =	vadd.s32 $0xFFFFFFFF, v6;
	_ =	sdelay $0x4  }
0xd4: {  	[tilespmem:v6+s16+$0x0] =	vst.idx.msk $0xffff, v4  }
0xd5: {  	[tilespmem:v6+s17+$0x0] =	vst.idx.msk $0xffff, v7  }
0xd6: {  	[tilespmem:v5+s13+$0x0] =	vst.idx.add.s32.msk vm0, v9  }
0xd7: {  	v7 =	vld [tilespmem:$0x6280];
	_ =	sdelay $0x4  }
0xd8: {  	v4 =	vshrl.u32 v7, $0x8  }
0xd9: {  	v4 =	vand.u32 $0xFF, v4  }
0xda: {  	v10 =	vor.u32 $0x100, v4  }
0xdb: {  	(xrf1) =	vunique.msk.u32 $0xffff, v10;
	_ =	sdelay $0x3  }
0xdc: {  	v4 =	vld [tilespmem:$0x9480];
	_ =	sdelay $0x4  }
0xdd: {  	v5 =	vshrl.u32 v4, $0x8  }
0xde: {  	v6 =	vld.idx.msk [tilespmem:v10+s13+$0x0], $0xffff;
	v5 =	vand.u32 $0xFF, v5  }
0xdf: {  	v5 =	vor.u32 $0x500, v5  }
0xe0: {  	(xrf1) =	vunique.msk.u32 $0xffff, v5;
	_ =	sdelay $0x1  }
0xe1: {  	_, v11, vm0 =	vpop (xrf1)  }
0xe2: {  	v8 =	vadd.s32 v6, v11  }
0xe3: {  	s0 =	simm.s32 $0x10;
	v14 =	vld [tilespmem:$0x6F00];
	v15 =	vadd.s32 $0xFFFFFFFF, v8  }
0xe4: {  	v9 =	vld [tilespmem:s0+$0x9480]  }
0xe5: {  	v12 =	vld [tilespmem:s0+$0x6280]  }
0xe6: {  	v13 =	vld [tilespmem:s0+$0x6F00]  }
0xe7: {  	v6 =	vld [tilespmem:$0xA100]  }
0xe8: {  	v8 =	vld [tilespmem:s0+$0xA100];
	[tilespmem:v15+s18+$0x0] =	vst.idx.msk $0xffff, v7  }
0xe9: {  	v7 =	vshrl.u32 v9, $0x8;
	[tilespmem:v15+s19+$0x0] =	vst.idx.msk $0xffff, v14  }
0xea: {  	v7 =	vand.u32 $0xFF, v7;
	[tilespmem:v10+s13+$0x0] =	vst.idx.add.s32.msk vm0, v11;
	v10 =	vshrl.u32 v12, $0x8  }
0xeb: {  	v7 =	vor.u32 $0x500, v7;
	v14 =	vld.idx.msk [tilespmem:v5+s13+$0x0], $0xffff;
	v10 =	vand.u32 $0xFF, v10  }
0xec: {  	(xrf1) =	vunique.msk.u32 $0xffff, v7;
	v10 =	vor.u32 $0x100, v10  }
0xed: {  	_, v11, vm0 =	vpop (xrf1);
	(xrf1) =	vunique.msk.u32 $0xffff, v10;
	_ =	sdelay $0x2  }
0xee: {  	v14 =	vadd.s32 v14, v11  }
0xef: {  	s0 =	simm.s32 $0x80;
	v14 =	vadd.s32 $0xFFFFFFFF, v14  }
.LBB2_11:
0xf0: {  	_ =	sdelay $0x2  }
0xf1: {  	p1 =	sne.s32 s0, $0x30C0;
	v15 =	vmov v12;
	v16 =	vmov v13;
	s1 =	smov.u32 s0;
	s0 =	sadd.s32 $0x40, s0  }
0xf2: {  	[tilespmem:v14+s20+$0x0] =	vst.idx.msk $0xffff, v4;
	v4 =	vmov v9  }
0xf3: {  	[tilespmem:v14+s21+$0x0] =	vst.idx.msk $0xffff, v6;
	v6 =	vmov v8  }
0xf4: {  	[tilespmem:v5+s13+$0x0] =	vst.idx.add.s32.msk vm0, v11;
	v5 =	vmov v7  }
0xf5: {  	v8 =	vld.idx.msk [tilespmem:v10+s13+$0x0], $0xffff  }
0xf6: {  	_, v11, vm0 =	vpop (xrf1)  }
0xf7: {  	_, v14, vm1 =	vpop (xrf1);
	_ =	sdelay $0x3  }
0xf8: {  	v8 =	vadd.s32 v8, v14  }
0xf9: {  	s1 =	sshra.s32 s1, $0x2;
	v17 =	vadd.s32 $0xFFFFFFFF, v8  }
0xfa: {  	v8 =	vld [tilespmem:s1+$0xA100]  }
0xfb: {  	v9 =	vld [tilespmem:s1+$0x9480]  }
0xfc: {  	v12 =	vld [tilespmem:s1+$0x6280]  }
0xfd: {  	v13 =	vld [tilespmem:s1+$0x6F00]  }
0xfe: {  	[tilespmem:v17+s18+$0x0] =	vst.idx.msk $0xffff, v15  }
0xff: {  	[tilespmem:v17+s19+$0x0] =	vst.idx.msk $0xffff, v16  }
0x100: {  	v15 =	vshrl.u32 v9, $0x8;
	[tilespmem:v10+s13+$0x0] =	vst.idx.add.s32.msk vm1, v14  }
0x101: {  	v10 =	vshrl.u32 v12, $0x8;
	v14 =	vand.u32 $0xFF, v15;
	v15 =	vld.idx.msk [tilespmem:v7+s13+$0x0], $0xffff  }
0x102: {  	v10 =	vand.u32 $0xFF, v10;
	v7 =	vor.u32 $0x500, v14  }
0x103: {  	v10 =	vor.u32 $0x100, v10;
	(xrf1) =	vunique.msk.u32 $0xffff, v7  }
.Ltmp4:
0x104: {  	(xrf1) =	vunique.msk.u32 $0xffff, v10;
	(pc) =	sbr.rel @p1 .LBB2_11-.Ltmp4, $3  }
0x105: {  	_ =	sdelay $0x1  }
0x106: {  	v14 =	vadd.s32 v15, v11  }
0x107: {  	v14 =	vadd.s32 $0xFFFFFFFF, v14  }
0x108: {  	_ =	sdelay $0x3  }
0x109: {  	[tilespmem:v14+s20+$0x0] =	vst.idx.msk $0xffff, v4  }
0x10a: {  	[tilespmem:v14+s21+$0x0] =	vst.idx.msk $0xffff, v6  }
0x10b: {  	[tilespmem:v5+s13+$0x0] =	vst.idx.add.s32.msk vm0, v11  }
0x10c: {  	v4 =	vld.idx.msk [tilespmem:v10+s13+$0x0], $0xffff;
	_ =	sdelay $0x2  }
0x10d: {  	_, v5, vm0 =	vpop (xrf1)  }
0x10e: {  	_, v6, vm1 =	vpop (xrf1)  }
0x10f: {  	v4 =	vadd.s32 v4, v6  }
0x110: {  	v4 =	vadd.s32 $0xFFFFFFFF, v4;
	_ =	sdelay $0x4  }
0x111: {  	[tilespmem:v4+s18+$0x0] =	vst.idx.msk $0xffff, v12  }
0x112: {  	[tilespmem:v4+s19+$0x0] =	vst.idx.msk $0xffff, v13  }
0x113: {  	[tilespmem:v10+s13+$0x0] =	vst.idx.add.s32.msk vm1, v6  }
0x114: {  	v4 =	vld.idx.msk [tilespmem:v7+s13+$0x0], $0xffff;
	_ =	sdelay $0x4  }
0x115: {  	v4 =	vadd.s32 v4, v5  }
0x116: {  	v4 =	vadd.s32 $0xFFFFFFFF, v4;
	_ =	sdelay $0x4  }
0x117: {  	[tilespmem:v4+s20+$0x0] =	vst.idx.msk $0xffff, v9  }
0x118: {  	[tilespmem:v4+s21+$0x0] =	vst.idx.msk $0xffff, v8  }
0x119: {  	[tilespmem:v7+s13+$0x0] =	vst.idx.add.s32.msk vm0, v5  }
0x11a: {  	v7 =	vld [tilespmem:$0x4980];
	_ =	sdelay $0x4  }
0x11b: {  	v4 =	vshrl.u32 v7, $0x10  }
0x11c: {  	v4 =	vand.u32 $0xFF, v4  }
0x11d: {  	v10 =	vor.u32 $0x200, v4  }
0x11e: {  	(xrf1) =	vunique.msk.u32 $0xffff, v10;
	_ =	sdelay $0x5  }
0x11f: {  	v4 =	vld [tilespmem:$0x7B80];
	_ =	sdelay $0x4  }
0x120: {  	v5 =	vshrl.u32 v4, $0x10  }
0x121: {  	v6 =	vld.idx.msk [tilespmem:v10+s13+$0x0], $0xffff;
	v5 =	vand.u32 $0xFF, v5  }
0x122: {  	v5 =	vor.u32 $0x600, v5  }
0x123: {  	_, v11, vm0 =	vpop (xrf1);
	(xrf1) =	vunique.msk.u32 $0xffff, v5;
	_ =	sdelay $0x2  }
0x124: {  	v8 =	vadd.s32 v6, v11  }
0x125: {  	s0 =	simm.s32 $0x10;
	v14 =	vld [tilespmem:$0x5600];
	v15 =	vadd.s32 $0xFFFFFFFF, v8  }
0x126: {  	v9 =	vld [tilespmem:s0+$0x7B80]  }
0x127: {  	v12 =	vld [tilespmem:s0+$0x4980]  }
0x128: {  	v13 =	vld [tilespmem:s0+$0x5600]  }
0x129: {  	v6 =	vld [tilespmem:$0x8800]  }
0x12a: {  	v8 =	vld [tilespmem:s0+$0x8800];
	[tilespmem:v15+s14+$0x0] =	vst.idx.msk $0xffff, v7  }
0x12b: {  	v7 =	vshrl.u32 v9, $0x10;
	[tilespmem:v15+s15+$0x0] =	vst.idx.msk $0xffff, v14  }
0x12c: {  	v7 =	vand.u32 $0xFF, v7;
	[tilespmem:v10+s13+$0x0] =	vst.idx.add.s32.msk vm0, v11;
	v10 =	vshrl.u32 v12, $0x10  }
0x12d: {  	v7 =	vor.u32 $0x600, v7;
	v14 =	vld.idx.msk [tilespmem:v5+s13+$0x0], $0xffff;
	v10 =	vand.u32 $0xFF, v10  }
0x12e: {  	(xrf1) =	vunique.msk.u32 $0xffff, v7;
	v10 =	vor.u32 $0x200, v10  }
0x12f: {  	_, v11, vm0 =	vpop (xrf1);
	(xrf1) =	vunique.msk.u32 $0xffff, v10;
	_ =	sdelay $0x2  }
0x130: {  	v14 =	vadd.s32 v14, v11  }
0x131: {  	s0 =	simm.s32 $0x80;
	v14 =	vadd.s32 $0xFFFFFFFF, v14  }
.LBB2_13:
0x132: {  	_ =	sdelay $0x2  }
0x133: {  	p1 =	sne.s32 s0, $0x30C0;
	v15 =	vmov v12;
	v16 =	vmov v13;
	s1 =	smov.u32 s0;
	s0 =	sadd.s32 $0x40, s0  }
0x134: {  	[tilespmem:v14+s16+$0x0] =	vst.idx.msk $0xffff, v4;
	v4 =	vmov v9  }
0x135: {  	[tilespmem:v14+s17+$0x0] =	vst.idx.msk $0xffff, v6;
	v6 =	vmov v8  }
0x136: {  	[tilespmem:v5+s13+$0x0] =	vst.idx.add.s32.msk vm0, v11;
	v5 =	vmov v7  }
0x137: {  	v8 =	vld.idx.msk [tilespmem:v10+s13+$0x0], $0xffff  }
0x138: {  	_, v11, vm0 =	vpop (xrf1)  }
0x139: {  	_, v14, vm1 =	vpop (xrf1);
	_ =	sdelay $0x3  }
0x13a: {  	v8 =	vadd.s32 v8, v14  }
0x13b: {  	s1 =	sshra.s32 s1, $0x2;
	v17 =	vadd.s32 $0xFFFFFFFF, v8  }
0x13c: {  	v8 =	vld [tilespmem:s1+$0x8800]  }
0x13d: {  	v9 =	vld [tilespmem:s1+$0x7B80]  }
0x13e: {  	v12 =	vld [tilespmem:s1+$0x4980]  }
0x13f: {  	v13 =	vld [tilespmem:s1+$0x5600]  }
0x140: {  	[tilespmem:v17+s14+$0x0] =	vst.idx.msk $0xffff, v15  }
0x141: {  	[tilespmem:v17+s15+$0x0] =	vst.idx.msk $0xffff, v16  }
0x142: {  	v15 =	vshrl.u32 v9, $0x10;
	[tilespmem:v10+s13+$0x0] =	vst.idx.add.s32.msk vm1, v14  }
0x143: {  	v10 =	vshrl.u32 v12, $0x10;
	v14 =	vand.u32 $0xFF, v15;
	v15 =	vld.idx.msk [tilespmem:v7+s13+$0x0], $0xffff  }
0x144: {  	v10 =	vand.u32 $0xFF, v10;
	v7 =	vor.u32 $0x600, v14  }
0x145: {  	v10 =	vor.u32 $0x200, v10;
	(xrf1) =	vunique.msk.u32 $0xffff, v7  }
.Ltmp5:
0x146: {  	(xrf1) =	vunique.msk.u32 $0xffff, v10;
	(pc) =	sbr.rel @p1 .LBB2_13-.Ltmp5, $3  }
0x147: {  	_ =	sdelay $0x1  }
0x148: {  	v14 =	vadd.s32 v15, v11  }
0x149: {  	v14 =	vadd.s32 $0xFFFFFFFF, v14  }
0x14a: {  	_ =	sdelay $0x3  }
0x14b: {  	[tilespmem:v14+s16+$0x0] =	vst.idx.msk $0xffff, v4  }
0x14c: {  	[tilespmem:v14+s17+$0x0] =	vst.idx.msk $0xffff, v6  }
0x14d: {  	[tilespmem:v5+s13+$0x0] =	vst.idx.add.s32.msk vm0, v11  }
0x14e: {  	v4 =	vld.idx.msk [tilespmem:v10+s13+$0x0], $0xffff;
	_ =	sdelay $0x2  }
0x14f: {  	_, v5, vm0 =	vpop (xrf1)  }
0x150: {  	_, v6, vm1 =	vpop (xrf1)  }
0x151: {  	v4 =	vadd.s32 v4, v6  }
0x152: {  	v4 =	vadd.s32 $0xFFFFFFFF, v4;
	_ =	sdelay $0x4  }
0x153: {  	[tilespmem:v4+s14+$0x0] =	vst.idx.msk $0xffff, v12  }
0x154: {  	[tilespmem:v4+s15+$0x0] =	vst.idx.msk $0xffff, v13  }
0x155: {  	[tilespmem:v10+s13+$0x0] =	vst.idx.add.s32.msk vm1, v6  }
0x156: {  	v4 =	vld.idx.msk [tilespmem:v7+s13+$0x0], $0xffff;
	_ =	sdelay $0x4  }
0x157: {  	v4 =	vadd.s32 v4, v5  }
0x158: {  	v4 =	vadd.s32 $0xFFFFFFFF, v4;
	_ =	sdelay $0x4  }
0x159: {  	[tilespmem:v4+s16+$0x0] =	vst.idx.msk $0xffff, v9  }
0x15a: {  	[tilespmem:v4+s17+$0x0] =	vst.idx.msk $0xffff, v8  }
0x15b: {  	s0 =	simm.s32 @!p0 $0x3;
	[tilespmem:v7+s13+$0x0] =	vst.idx.add.s32.msk vm0, v5  }
0x15c: {  	_ =	swait.ge @!p0 [sflag:s0], $0x1880  }
0x15d: {  	[sflag:s0] =	ssyncset.done @!p0 $0x0  }
0x15e: {  	[sflag:s0] =	ssyncadd.s32 @!p0 $0xFFFFE780  }
0x15f: {  	v7 =	vld [tilespmem:$0x6280]  }
0x160: {  	v4 =	vld [tilespmem:$0x9480];
	_ =	sdelay $0x3  }
0x161: {  	v5 =	vshrl.u32 v7, $0x18  }
0x162: {  	v10 =	vor.u32 $0x300, v5;
	v5 =	vshrl.u32 v4, $0x18  }
0x163: {  	(xrf1) =	vunique.msk.u32 $0xffff, v10;
	v5 =	vor.u32 $0x700, v5  }
0x164: {  	(xrf1) =	vunique.msk.u32 $0xffff, v5;
	_ =	sdelay $0xc  }
0x165: {  	v9 =	vld [tilespmem:$0x6F00];
	_, v11, vm1 =	vpop (xrf1)  }
0x166: {  	s0 =	simm.s32 $0x40;
	v6 =	vld [tilespmem:$0xA100];
	_, v8, vm0 =	vpop (xrf1)  }
.LBB2_15:
0x167: {  	v12 =	vmov v10;
	v10 =	vld.idx.msk [tilespmem:v10+s13+$0x0], $0xffff;
	_ =	sdelay $0x3  }
0x168: {  	s1 =	sshra.s32 s0, $0x2  }
0x169: {  	v13 =	vmov v7;
	v7 =	vld [tilespmem:s1+$0x6280];
	v10 =	vadd.s32 v10, v11  }
0x16a: {  	v14 =	vmov v4;
	v4 =	vld [tilespmem:s1+$0x9480];
	v15 =	vadd.s32 $0xFFFFFFFF, v10;
	_ =	sdelay $0x1  }
0x16b: {  	vm2 =	vgt.s32 v13, $0xFFFFFFFF  }
0x16c: {  	v18 =	vmov v5;
	v10 =	vsel vm2, $0xFFFFFFFF, v3  }
0x16d: {  	v16 =	vmov v9;
	v9 =	vld [tilespmem:s1+$0x6F00];
	v5 =	vshrl.u32 v7, $0x18;
	v13 =	vxor.u32 v13, v10  }
0x16e: {  	v17 =	vmov v6;
	v6 =	vld [tilespmem:s1+$0xA100];
	v10 =	vor.u32 $0x300, v5;
	v5 =	vshrl.u32 v4, $0x18;
	[tilespmem:v15+s3+$0x0] =	vst.idx.msk $0xffff, v13  }
0x16f: {  	(xrf1) =	vunique.msk.u32 $0xffff, v10;
	v5 =	vor.u32 $0x700, v5;
	[tilespmem:v15+s22+$0x0] =	vst.idx.msk $0xffff, v16  }
0x170: {  	(xrf1) =	vunique.msk.u32 $0xffff, v5;
	[tilespmem:v12+s13+$0x0] =	vst.idx.add.s32.msk vm1, v11  }
0x171: {  	v11 =	vld.idx.msk [tilespmem:v18+s13+$0x0], $0xffff;
	_ =	sdelay $0x4  }
0x172: {  	v63 =	vmov v8;
	v8 =	vadd.s32 v11, v8  }
0x173: {  	vm2 =	vmmov vm0;
	vm0 =	vgt.s32 v14, $0xFFFFFFFF;
	v8 =	vadd.s32 $0xC3F, v8  }
0x174: {  	v11 =	vsel vm0, $0xFFFFFFFF, v3  }
0x175: {  	p1 =	sne.s32 s0, $0x30C0;
	v11 =	vxor.u32 v14, v11  }
.Ltmp6:
0x176: {  	_ = 	snop;
	(pc) =	sbr.rel @p1 .LBB2_15-.Ltmp6, $4  }
0x177: {  	_ = 	snop  }
0x178: {  	[tilespmem:v8+s3+$0x0] =	vst.idx.msk $0xffff, v11  }
0x179: {  	_, v11, vm1 =	vpop (xrf1);
	[tilespmem:v8+s22+$0x0] =	vst.idx.msk $0xffff, v17  }
0x17a: {  	s0 =	sadd.s32 $0x40, s0;
	_, v8, vm0 =	vpop (xrf1);
	[tilespmem:v18+s13+$0x0] =	vst.idx.add.s32.msk vm2, v63  }
0x17b: {  	_ =	sdelay $0x3  }
0x17c: {  	v12 =	vld.idx.msk [tilespmem:v10+s13+$0x0], $0xffff;
	_ =	sdelay $0x4  }
0x17d: {  	v12 =	vadd.s32 v12, v11  }
0x17e: {  	v12 =	vadd.s32 $0xFFFFFFFF, v12;
	_ =	sdelay $0x1  }
0x17f: {  	vm2 =	vgt.s32 v7, $0xFFFFFFFF  }
0x180: {  	v13 =	vsel vm2, $0xFFFFFFFF, v3  }
0x181: {  	v62 =	vxor.u32 v7, v13  }
0x182: {  	[tilespmem:v12+s3+$0x0] =	vst.idx.msk $0xffff, v62  }
0x183: {  	[tilespmem:v12+s22+$0x0] =	vst.idx.msk $0xffff, v9  }
0x184: {  	[tilespmem:v10+s13+$0x0] =	vst.idx.add.s32.msk vm1, v11  }
0x185: {  	v7 =	vld.idx.msk [tilespmem:v5+s13+$0x0], $0xffff;
	_ =	sdelay $0x4  }
0x186: {  	v7 =	vadd.s32 v7, v8  }
0x187: {  	v7 =	vadd.s32 $0xC3F, v7;
	_ =	sdelay $0x1  }
0x188: {  	vm15 =	vgt.s32 v4, $0xFFFFFFFF  }
0x189: {  	v63 =	vsel vm15, $0xFFFFFFFF, v3  }
0x18a: {  	v4 =	vxor.u32 v4, v63  }
0x18b: {  	[tilespmem:v7+s3+$0x0] =	vst.idx.msk $0xffff, v4  }
0x18c: {  	s0 =	rddreg [dreg:$0x4];
	[tilespmem:v7+s22+$0x0] =	vst.idx.msk $0xffff, v6  }
0x18d: {  	s25 =	rddreg [dreg:$0x5];
	s0 =	sadd.s32 s0, s30;
	[tilespmem:v5+s13+$0x0] =	vst.idx.add.s32.msk vm0, v8  }
0x18e: {  	[hbm4b:s0+s3] =	stream.linear.scatter [tilespmem:s3], [sflag:$0x2], $0x1880, $0x38;
	[tilespmem:$0xCE00] =	vst v63  }
0x18f: {  	s1 =	simm.s32 $0x1;
	s0 =	sadd.s32 s25, s30  }
0x190: {  	[hbm4b:s0+s3] =	stream.linear.scatter [tilespmem:s22], [sflag:$0x3], $0x1880, $0x38;
	[tilespmem:$0xCE00] =	vst v63  }
0x191: {  	_ =	swait.ge [sflag:s1], $0x1880  }
0x192: {  	[sflag:s1] =	ssyncset.done $0x0  }
0x193: {  	s26 =	rddreg [dreg:$0x7];
	[sflag:s1] =	ssyncadd.s32 $0xFFFFE780;
	s1 =	simm.s32 @!p0 $0x2  }
0x194: {  	s2 =	rddreg [dreg:$0xb];
	_ =	swait.ge @!p0 [sflag:s1], $0x1880  }
0x195: {  	s0 =	sadd.s32 s2, s26;
	[sflag:s1] =	ssyncset.done @!p0 $0x0  }
0x196: {  	s30 =	sshrl.u32 s0, $0x3;
	s29 =	rddreg [dreg:$0x0]  }
0x197: {  	s0 =	sadd.s32 s29, s30  }
0x198: {  	s31 =	simm.s32 $0x0;
	[sflag:s1] =	ssyncadd.s32 @!p0 $0xFFFFE780;
	s0 =	sadd.s32 $0x310, s0  }
0x199: {  	[tilespmem:s23], [sflag:$0x1] =	stream.linear.gather [hbm4b:s0+s31], $0x1880, $0x38;
	[tilespmem:$0xCE00] =	vst v63  }
0x19a: {  	s1 =	simm.s32 $0x0;
	s0 =	simm.s32 $0x40  }
.LBB2_17:
0x19b: {  	p0 =	sne.s32 s0, $0x1FC0;
	[tilespmem:s1+$0xC600] =	vst v1;
	s1 =	smov.u32 s0;
	s0 =	sadd.s32 $0x40, s0  }
.Ltmp7:
0x19c: {  	(pc) =	sbr.rel @p0 .LBB2_17-.Ltmp7, $2  }
0x19d: {  	_ =	sdelay $0x2  }
0x19e: {  	s1 =	sshra.s32 s1, $0x2  }
0x19f: {  	[tilespmem:s1+$0xC600] =	vst v1  }
0x1a0: {  	v4 =	vld [tilespmem:$0x1880];
	_ =	sdelay $0x4  }
0x1a1: {  	v5 =	vshra.s32 v4, $0x1F  }
0x1a2: {  	v5 =	vor.u32 $0x80000000, v5  }
0x1a3: {  	v14 =	vxor.u32 v4, v5  }
0x1a4: {  	v25 =	vand.u32 $0xFF, v14  }
0x1a5: {  	(xrf1) =	vunique.msk.u32 $0xffff, v25  }
0x1a6: {  	v6 =	vld [tilespmem:$0x24C0];
	_ =	sdelay $0x1  }
0x1a7: {  	v7 =	vshrl.u32 v14, $0x8  }
0x1a8: {  	v10 =	vshrl.u32 v14, $0x10;
	v5 =	vand.u32 $0xFF, v7  }
0x1a9: {  	v8 =	vand.u32 $0xFF, v10;
	v11 =	vor.u32 $0x100, v5  }
0x1aa: {  	v4 =	vshra.s32 v6, $0x1F;
	v5 =	vshrl.u32 v14, $0x18;
	v16 =	vor.u32 $0x200, v8;
	(xrf1) =	vunique.msk.u32 $0xffff, v11  }
0x1ab: {  	v4 =	vor.u32 $0x80000000, v4;
	v5 =	vor.u32 $0x300, v5;
	(xrf1) =	vunique.msk.u32 $0xffff, v16  }
0x1ac: {  	v4 =	vxor.u32 v6, v4;
	(xrf1) =	vunique.msk.u32 $0xffff, v5  }
0x1ad: {  	v6 =	vand.u32 $0xFF, v4;
	v9 =	vshrl.u32 v4, $0x8  }
0x1ae: {  	v17 =	vshrl.u32 v4, $0x10;
	v6 =	vor.u32 $0x400, v6;
	v8 =	vand.u32 $0xFF, v9  }
0x1af: {  	v12 =	vand.u32 $0xFF, v17;
	v18 =	vor.u32 $0x500, v8;
	(xrf1) =	vunique.msk.u32 $0xffff, v6  }
0x1b0: {  	v20 =	vor.u32 $0x600, v12;
	v8 =	vshrl.u32 v4, $0x18;
	(xrf1) =	vunique.msk.u32 $0xffff, v18  }
0x1b1: {  	v12 =	vand.u32 $0x480, v6;
	v6 =	vor.u32 $0x700, v8;
	(xrf1) =	vunique.msk.u32 $0xffff, v20  }
0x1b2: {  	s0 =	simm.s32 $0x24D0;
	_, v27, vm3 =	vpop (xrf1);
	(xrf1) =	vunique.msk.u32 $0xffff, v6  }
0x1b3: {  	v19 =	vld [tilespmem:s0+$0xFFFFF3C0];
	_ =	sdelay $0x1  }
0x1b4: {  	v10 =	vand.u32 $0x7F, v10  }
0x1b5: {  	s26 =	simm.s32 $0x0;
	v7 =	vand.u32 $0x7F, v7;
	v13 =	vand.u32 $0x7F, v4;
	v15 =	vand.u32 $0x7F, v9  }
0x1b6: {  	v9 =	vor.u32 s26, v0;
	v11 =	vand.u32 $0x180, v11;
	v8 =	vor.u32 v13, v12  }
0x1b7: {  	s29 =	simm.s32 $0x4980;
	s6 =	simm.s32 $0x5600;
	v13 =	vand.u32 $0x580, v18;
	v12 =	vand.u32 $0x680, v20;
	v18 =	vshra.s32 v19, $0x1F;
	_, v23, vm1 =	vpop (xrf1)  }
0x1b8: {  	s5 =	simm.s32 $0x7B80;
	s25 =	simm.s32 $0x8800;
	s8 =	simm.s32 $0x10;
	v21 =	vor.u32 $0x80000000, v18;
	v20 =	vor.u32 v7, v11;
	v11 =	vand.u32 $0x280, v16;
	v18 =	vld [tilespmem:s0+$0x0];
	_, v24, vm2 =	vpop (xrf1)  }
0x1b9: {  	s10 =	simm.s32 $0x20;
	s4 =	simm.s32 $0x8810;
	s2 =	simm.s32 $0x24E0;
	v7 =	vxor.u32 v19, v21;
	v21 =	vor.u32 v10, v11;
	v19 =	vand.u32 $0x7F, v17;
	_, v22, vm0 =	vpop (xrf1)  }
0x1ba: {  	s7 =	simm.s32 $0x4990;
	s31 =	simm.s32 $0x7B90;
	s11 =	simm.s32 $0x30;
	[tilespmem:s29+$0x0] =	vst v14;
	v10 =	vshrl.u32 v7, $0x8;
	v11 =	vshrl.u32 v7, $0x10;
	v26 =	vshrl.u32 v7, $0x18  }
0x1bb: {  	s1 =	simm.s32 $0x8820;
	s9 =	simm.s32 $0x7B90;
	s24 =	simm.s32 $0x4990;
	[tilespmem:s6+$0x0] =	vst v9;
	v17 =	vand.u32 $0xFF, v7;
	v14 =	vand.u32 $0xFF, v10;
	v28 =	vand.u32 $0xFF, v11  }
0x1bc: {  	s26 =	simm.s32 $0x24F0;
	s0 =	simm.s32 $0x5610;
	s6 =	simm.s32 $0x5610;
	v16 =	vor.u32 $0x100, v14;
	v14 =	vor.u32 $0x200, v28;
	(xrf1) =	vunique.msk.u32 $0xffff, v17;
	[tilespmem:v25+s13+$0x0] =	vst.idx.add.s32.msk vm3, v27;
	_, v25, vm3 =	vpop (xrf1)  }
.LBB2_19:
0x1bd: {  	v26 =	vor.u32 $0x300, v26;
	s7 =	sadd.s32 $0x10, s7;
	s0 =	sadd.s32 $0x10, s0;
	s31 =	sadd.s32 $0x10, s31;
	(xrf1) =	vunique.msk.u32 $0xffff, v16;
	v27 =	vshra.s32 v18, $0x1F;
	[tilespmem:v20+s13+$0x0] =	vst.idx.add.s32.msk vm1, v23;
	_, v20, vm1 =	vpop (xrf1)  }
0x1be: {  	p0 =	sne.s32 s11, $0xC20;
	v13 =	vor.u32 v15, v13;
	s29 =	smov.u32 s11;
	s11 =	sadd.s32 $0x10, s11;
	(xrf1) =	vunique.msk.u32 $0xffff, v14;
	v23 =	vor.u32 $0x80000000, v27;
	[tilespmem:v21+s13+$0x0] =	vst.idx.add.s32.msk vm2, v24;
	_, v15, vm2 =	vpop (xrf1)  }
0x1bf: {  	v12 =	vor.u32 v19, v12;
	(xrf1) =	vunique.msk.u32 $0xffff, v26;
	v18 =	vxor.u32 v18, v23;
	[tilespmem:v5+s13+$0x0] =	vst.idx.add.s32.msk vm0, v22;
	_, v19, vm0 =	vpop (xrf1)  }
0x1c0: {  	v5 =	vmovc v26;
	v21 =	vand.u32 $0xFF, v18;
	v22 =	vshrl.u32 v18, $0x8;
	v27 =	vshrl.u32 v18, $0x10;
	[tilespmem:s5+$0x0] =	vst v4;
	v4 =	vmovc v18;
	s5 =	smov.u32 s9;
	s9 =	smov.u32 s31  }
0x1c1: {  	v28 =	vmovc v17;
	v21 =	vor.u32 $0x400, v21;
	v23 =	vand.u32 $0xFF, v22;
	v24 =	vand.u32 $0xFF, v27;
	[tilespmem:s25+$0x0] =	vst v9;
	s25 =	smov.u32 s4;
	s4 =	smov.u32 s1  }
0x1c2: {  	v9 =	vor.u32 $0x500, v23;
	v17 =	vor.u32 $0x600, v24;
	(xrf1) =	vunique.msk.u32 $0xffff, v21;
	[tilespmem:v8+s13+$0x0] =	vst.idx.add.s32.msk vm3, v25  }
0x1c3: {  	v8 =	vand.u32 $0x480, v21;
	v21 =	vshrl.u32 v18, $0x18;
	(xrf1) =	vunique.msk.u32 $0xffff, v9;
	[tilespmem:v13+s13+$0x0] =	vst.idx.add.s32.msk vm1, v20  }
0x1c4: {  	v13 =	vand.u32 $0x7F, v18;
	v18 =	vor.u32 $0x700, v21;
	(xrf1) =	vunique.msk.u32 $0xffff, v17;
	[tilespmem:v12+s13+$0x0] =	vst.idx.add.s32.msk vm2, v15  }
0x1c5: {  	v8 =	vor.u32 v13, v8;
	v13 =	vand.u32 $0x580, v9;
	(xrf1) =	vunique.msk.u32 $0xffff, v18;
	[tilespmem:v6+s13+$0x0] =	vst.idx.add.s32.msk vm0, v19;
	v6 =	vmovc v18  }
0x1c6: {  	v15 =	vand.u32 $0x7F, v22;
	v12 =	vand.u32 $0x680, v17;
	v19 =	vld [tilespmem:s2+$0xFFFFF3C0];
	_ =	sdelay $0x3  }
0x1c7: {  	v11 =	vand.u32 $0x7F, v11;
	v9 =	vor.u32 s8, v0;
	s8 =	smov.u32 s10;
	s10 =	smov.u32 s29;
	v18 =	vld [tilespmem:s2+$0x0];
	_, v25, vm3 =	vpop (xrf1);
	s2 =	smov.u32 s26  }
0x1c8: {  	v16 =	vand.u32 $0x180, v16;
	v10 =	vand.u32 $0x7F, v10;
	v17 =	vshra.s32 v19, $0x1F;
	_, v23, vm1 =	vpop (xrf1)  }
.Ltmp8:
0x1c9: {  	v20 =	vor.u32 v10, v16;
	v10 =	vand.u32 $0x280, v14;
	v17 =	vor.u32 $0x80000000, v17;
	_, v24, vm2 =	vpop (xrf1);
	(pc) =	sbr.rel @p0 .LBB2_19-.Ltmp8, $4  }
0x1ca: {  	v21 =	vor.u32 v11, v10;
	v14 =	vxor.u32 v19, v17;
	v19 =	vand.u32 $0x7F, v27;
	_, v22, vm0 =	vpop (xrf1)  }
0x1cb: {  	v10 =	vshrl.u32 v14, $0x8;
	v11 =	vshrl.u32 v14, $0x10;
	v26 =	vshrl.u32 v14, $0x18;
	[tilespmem:s24+$0x0] =	vst v7;
	v7 =	vmovc v14;
	s24 =	smov.u32 s7  }
0x1cc: {  	v17 =	vand.u32 $0xFF, v14;
	v14 =	vand.u32 $0xFF, v10;
	v27 =	vand.u32 $0xFF, v11;
	[tilespmem:s6+$0x0] =	vst v9;
	s6 =	smov.u32 s0  }
0x1cd: {  	s1 =	sadd.s32 $0x10, s1;
	s26 =	sadd.s32 $0x10, s26;
	v16 =	vor.u32 $0x100, v14;
	v14 =	vor.u32 $0x200, v27;
	(xrf1) =	vunique.msk.u32 $0xffff, v17;
	[tilespmem:v28+s13+$0x0] =	vst.idx.add.s32.msk vm3, v25;
	_, v25, vm3 =	vpop (xrf1)  }
0x1ce: {  	(xrf1) =	vunique.msk.u32 $0xffff, v16;
	v27 =	vshra.s32 v18, $0x1F  }
0x1cf: {  	v26 =	vor.u32 $0x300, v26;
	(xrf1) =	vunique.msk.u32 $0xffff, v14;
	v27 =	vor.u32 $0x80000000, v27  }
0x1d0: {  	(xrf1) =	vunique.msk.u32 $0xffff, v26;
	v62 =	vxor.u32 v18, v27  }
0x1d1: {  	v27 =	vand.u32 $0xFF, v62;
	v28 =	vshrl.u32 v62, $0x8  }
0x1d2: {  	v29 =	vshrl.u32 v62, $0x10;
	v27 =	vor.u32 $0x400, v27;
	v30 =	vand.u32 $0xFF, v28  }
0x1d3: {  	v31 =	vand.u32 $0xFF, v29;
	v30 =	vor.u32 $0x500, v30;
	(xrf1) =	vunique.msk.u32 $0xffff, v27  }
0x1d4: {  	[tilespmem:v20+s13+$0x0] =	vst.idx.add.s32.msk vm1, v23;
	_, v20, vm1 =	vpop (xrf1);
	v33 =	vshrl.u32 v62, $0x18;
	v63 =	vor.u32 $0x600, v31;
	(xrf1) =	vunique.msk.u32 $0xffff, v30  }
0x1d5: {  	v13 =	vor.u32 v15, v13;
	[tilespmem:v21+s13+$0x0] =	vst.idx.add.s32.msk vm2, v24;
	_, v34, vm7 =	vpop (xrf1);
	v35 =	vor.u32 $0x700, v33;
	(xrf1) =	vunique.msk.u32 $0xffff, v63  }
0x1d6: {  	[tilespmem:v5+s13+$0x0] =	vst.idx.add.s32.msk vm0, v22;
	v5 =	vor.u32 v19, v12;
	_, v36, vm8 =	vpop (xrf1);
	(xrf1) =	vunique.msk.u32 $0xffff, v35  }
0x1d7: {  	[tilespmem:s5+$0x0] =	vst v4  }
0x1d8: {  	[tilespmem:s25+$0x0] =	vst v9  }
0x1d9: {  	[tilespmem:v8+s13+$0x0] =	vst.idx.add.s32.msk vm3, v25  }
0x1da: {  	[tilespmem:v13+s13+$0x0] =	vst.idx.add.s32.msk vm1, v20  }
0x1db: {  	[tilespmem:v5+s13+$0x0] =	vst.idx.add.s32.msk vm7, v34;
	_, v4, vm9 =	vpop (xrf1)  }
0x1dc: {  	v5 =	vand.u32 $0x180, v16;
	[tilespmem:v6+s13+$0x0] =	vst.idx.add.s32.msk vm8, v36;
	v6 =	vand.u32 $0x7F, v10;
	_, v37, vm10 =	vpop (xrf1)  }
0x1dd: {  	v38 =	vand.u32 $0x7F, v11;
	v5 =	vor.u32 v6, v5;
	v6 =	vand.u32 $0x280, v14;
	_, v39, vm11 =	vpop (xrf1)  }
0x1de: {  	v9 =	vld [tilespmem:s2+$0xFFFFF3C0];
	v6 =	vor.u32 v38, v6;
	_, v40, vm12 =	vpop (xrf1)  }
0x1df: {  	v41 =	vor.u32 s8, v0;
	v12 =	vld [tilespmem:s2+$0x0];
	[tilespmem:s24+$0x0] =	vst v7  }
0x1e0: {  	[tilespmem:s6+$0x0] =	vst v41  }
0x1e1: {  	v42 =	vand.u32 $0x7F, v62;
	v44 =	vand.u32 $0x7F, v28;
	v7 =	vand.u32 $0x480, v27;
	[tilespmem:v17+s13+$0x0] =	vst.idx.add.s32.msk vm9, v4;
	_, v4, vm1 =	vpop (xrf1)  }
0x1e2: {  	v47 =	vand.u32 $0x7F, v29;
	v43 =	vand.u32 $0x580, v30;
	v7 =	vor.u32 v42, v7;
	[tilespmem:v5+s13+$0x0] =	vst.idx.add.s32.msk vm10, v37;
	_, v5, vm0 =	vpop (xrf1)  }
0x1e3: {  	v45 =	vand.u32 $0x680, v63;
	v46 =	vshra.s32 v9, $0x1F;
	[tilespmem:v6+s13+$0x0] =	vst.idx.add.s32.msk vm11, v39;
	v6 =	vor.u32 v44, v43;
	_, v11, vm2 =	vpop (xrf1)  }
0x1e4: {  	v48 =	vor.u32 v47, v45;
	v8 =	vor.u32 $0x80000000, v46;
	[tilespmem:v26+s13+$0x0] =	vst.idx.add.s32.msk vm12, v40;
	_, v49, vm13 =	vpop (xrf1)  }
0x1e5: {  	v8 =	vxor.u32 v9, v8;
	[tilespmem:s9+$0x0] =	vst v62  }
0x1e6: {  	v9 =	vshrl.u32 v8, $0x8;
	[tilespmem:s4+$0x0] =	vst v41  }
0x1e7: {  	v50 =	vand.u32 $0xFF, v8;
	v51 =	vand.u32 $0xFF, v9;
	[tilespmem:v7+s13+$0x0] =	vst.idx.add.s32.msk vm1, v4  }
0x1e8: {  	(xrf1) =	vunique.msk.u32 $0xffff, v50;
	v4 =	vshrl.u32 v8, $0x10;
	v7 =	vor.u32 $0x100, v51;
	[tilespmem:v6+s13+$0x0] =	vst.idx.add.s32.msk vm0, v5  }
0x1e9: {  	v5 =	vand.u32 $0xFF, v4;
	(xrf1) =	vunique.msk.u32 $0xffff, v7;
	[tilespmem:v48+s13+$0x0] =	vst.idx.add.s32.msk vm2, v11  }
0x1ea: {  	v52 =	vshra.s32 v12, $0x1F;
	v6 =	vshrl.u32 v8, $0x18;
	v5 =	vor.u32 $0x200, v5;
	[tilespmem:v35+s13+$0x0] =	vst.idx.add.s32.msk vm13, v49  }
0x1eb: {  	v10 =	vor.u32 $0x80000000, v52;
	v6 =	vor.u32 $0x300, v6;
	(xrf1) =	vunique.msk.u32 $0xffff, v5;
	v11 =	vld [tilespmem:s26+$0xFFFFF3C0]  }
0x1ec: {  	v10 =	vxor.u32 v12, v10;
	(xrf1) =	vunique.msk.u32 $0xffff, v6  }
0x1ed: {  	v12 =	vand.u32 $0xFF, v10;
	v53 =	vshrl.u32 v10, $0x8  }
0x1ee: {  	v54 =	vshrl.u32 v10, $0x10;
	v12 =	vor.u32 $0x400, v12;
	v55 =	vand.u32 $0xFF, v53  }
0x1ef: {  	v56 =	vand.u32 $0xFF, v54;
	v16 =	vor.u32 $0x500, v55;
	(xrf1) =	vunique.msk.u32 $0xffff, v12  }
0x1f0: {  	v57 =	vshrl.u32 v10, $0x18;
	v17 =	vor.u32 $0x600, v56;
	(xrf1) =	vunique.msk.u32 $0xffff, v16;
	v58 =	vshra.s32 v11, $0x1F  }
0x1f1: {  	v18 =	vor.u32 $0x700, v57;
	v20 =	vld [tilespmem:s26+$0x0];
	(xrf1) =	vunique.msk.u32 $0xffff, v17;
	v19 =	vor.u32 $0x80000000, v58  }
0x1f2: {  	v59 =	vor.u32 s10, v0;
	(xrf1) =	vunique.msk.u32 $0xffff, v18;
	v11 =	vxor.u32 v11, v19  }
0x1f3: {  	v9 =	vand.u32 $0x7F, v9;
	v4 =	vand.u32 $0x7F, v4;
	v60 =	vshrl.u32 v11, $0x8  }
0x1f4: {  	v61 =	vand.u32 $0xFF, v11;
	v63 =	vshrl.u32 v11, $0x10;
	v62 =	vand.u32 $0xFF, v60  }
0x1f5: {  	v7 =	vand.u32 $0x180, v7;
	(xrf1) =	vunique.msk.u32 $0xffff, v61;
	v34 =	vand.u32 $0xFF, v63;
	v23 =	vor.u32 $0x100, v62  }
0x1f6: {  	v35 =	vshra.s32 v20, $0x1F;
	_, v33, vm14 =	vpop (xrf1);
	v36 =	vshrl.u32 v11, $0x18;
	v26 =	vor.u32 $0x200, v34;
	(xrf1) =	vunique.msk.u32 $0xffff, v23  }
0x1f7: {  	v5 =	vand.u32 $0x280, v5;
	v27 =	vor.u32 $0x80000000, v35;
	v28 =	vor.u32 $0x300, v36;
	_, v37, vm15 =	vpop (xrf1);
	(xrf1) =	vunique.msk.u32 $0xffff, v26  }
0x1f8: {  	v7 =	vor.u32 v9, v7;
	v4 =	vor.u32 v4, v5;
	v38 =	vxor.u32 v20, v27;
	(xrf1) =	vunique.msk.u32 $0xffff, v28  }
0x1f9: {  	s26 =	sadd.s32 $0x10, s7;
	v12 =	vand.u32 $0x480, v12;
	v5 =	vand.u32 $0xFF, v38;
	v40 =	vshrl.u32 v38, $0x8;
	_, v39, vm6 =	vpop (xrf1)  }
0x1fa: {  	s0 =	sadd.s32 $0x10, s0;
	[tilespmem:s26+$0x0] =	vst v8;
	v43 =	vshrl.u32 v38, $0x10;
	v5 =	vor.u32 $0x400, v5;
	v42 =	vand.u32 $0xFF, v40;
	_, v41, vm7 =	vpop (xrf1)  }
0x1fb: {  	[tilespmem:s0+$0x0] =	vst v59;
	v45 =	vand.u32 $0xFF, v43;
	v44 =	vor.u32 $0x500, v42;
	(xrf1) =	vunique.msk.u32 $0xffff, v5  }
0x1fc: {  	v46 =	vshrl.u32 v38, $0x18;
	v25 =	vor.u32 $0x600, v45;
	[tilespmem:v50+s13+$0x0] =	vst.idx.add.s32.msk vm14, v33;
	(xrf1) =	vunique.msk.u32 $0xffff, v44  }
0x1fd: {  	v30 =	vor.u32 $0x700, v46;
	_, v47, vm8 =	vpop (xrf1);
	(xrf1) =	vunique.msk.u32 $0xffff, v25;
	[tilespmem:v7+s13+$0x0] =	vst.idx.add.s32.msk vm15, v37;
	v7 =	vand.u32 $0x7F, v10  }
0x1fe: {  	v13 =	vand.u32 $0x7F, v53;
	v48 =	vand.u32 $0x580, v16;
	_, v49, vm9 =	vpop (xrf1);
	(xrf1) =	vunique.msk.u32 $0xffff, v30;
	v7 =	vor.u32 v7, v12  }
0x1ff: {  	v14 =	vand.u32 $0x7F, v54;
	v50 =	vand.u32 $0x680, v17;
	v12 =	vor.u32 v13, v48;
	[tilespmem:v4+s13+$0x0] =	vst.idx.add.s32.msk vm6, v39;
	_, v4, vm2 =	vpop (xrf1)  }
0x200: {  	s29 =	sadd.s32 $0x10, s31;
	v13 =	vor.u32 v14, v50;
	[tilespmem:v6+s13+$0x0] =	vst.idx.add.s32.msk vm7, v41;
	_, v6, vm3 =	vpop (xrf1)  }
0x201: {  	[tilespmem:s29+$0x0] =	vst v10  }
0x202: {  	[tilespmem:s1+$0x0] =	vst v59  }
0x203: {  	[tilespmem:v7+s13+$0x0] =	vst.idx.add.s32.msk vm8, v47;
	_, v7, vm0 =	vpop (xrf1)  }
0x204: {  	v53 =	vand.u32 $0x7F, v60;
	v52 =	vand.u32 $0x180, v23;
	[tilespmem:v12+s13+$0x0] =	vst.idx.add.s32.msk vm9, v49;
	_, v51, vm10 =	vpop (xrf1)  }
0x205: {  	v56 =	vand.u32 $0x7F, v63;
	v55 =	vand.u32 $0x280, v26;
	[tilespmem:v13+s13+$0x0] =	vst.idx.add.s32.msk vm2, v4;
	v4 =	vor.u32 v53, v52;
	_, v54, vm11 =	vpop (xrf1)  }
0x206: {  	v5 =	vand.u32 $0x480, v5;
	[tilespmem:v18+s13+$0x0] =	vst.idx.add.s32.msk vm3, v6;
	v6 =	vor.u32 v56, v55;
	_, v57, vm12 =	vpop (xrf1)  }
0x207: {  	[tilespmem:$0x55B0] =	vst v11  }
0x208: {  	s31 =	simm.s32 $0xC600;
	[tilespmem:$0x6230] =	vst v2  }
0x209: {  	v58 =	vand.u32 $0x7F, v38;
	[tilespmem:v61+s31+$0x0] =	vst.idx.add.s32.msk vm0, v7;
	_, v7, vm0 =	vpop (xrf1)  }
0x20a: {  	v8 =	vand.u32 $0x7F, v40;
	v59 =	vand.u32 $0x580, v44;
	[tilespmem:v4+s31+$0x0] =	vst.idx.add.s32.msk vm10, v51;
	v4 =	vor.u32 v58, v5;
	_, v5, vm13 =	vpop (xrf1)  }
0x20b: {  	v62 =	vand.u32 $0x7F, v43;
	v61 =	vand.u32 $0x680, v25;
	[tilespmem:v6+s31+$0x0] =	vst.idx.add.s32.msk vm11, v54;
	v6 =	vor.u32 v8, v59;
	_, v60, vm14 =	vpop (xrf1)  }
0x20c: {  	v10 =	vor.u32 v62, v61;
	[tilespmem:v28+s31+$0x0] =	vst.idx.add.s32.msk vm12, v57;
	_, v63, vm15 =	vpop (xrf1)  }
0x20d: {  	[tilespmem:$0x87B0] =	vst v38  }
0x20e: {  	[tilespmem:$0x9430] =	vst v2  }
0x20f: {  	[tilespmem:v4+s31+$0x0] =	vst.idx.add.s32.msk vm0, v7  }
0x210: {  	[tilespmem:v6+s31+$0x0] =	vst.idx.add.s32.msk vm13, v5  }
0x211: {  	[tilespmem:v10+s31+$0x0] =	vst.idx.add.s32.msk vm14, v60  }
0x212: {  	[tilespmem:v30+s31+$0x0] =	vst.idx.add.s32.msk vm15, v63  }
0x213: {  	v4 =	vld [tilespmem:s31+$0x0];
	_ =	sdelay $0x4  }
0x214: {  	(xrf0) =	vadd.scan.msk.s32 $0xffff, v4;
	_ =	sdelay $0x5  }
0x215: {  	v5, _, _ =	vpop (xrf0)  }
0x216: {  	(v2sf) =	vpush v5, $0xF  }
0x217: {  	s1 =	simm.s32 $0x0  }
0x218: {  	v4 =	vsub.s32 s1, v4  }
0x219: {  	v4 =	vadd.s32 v5, v4  }
0x21a: {  	s0 =	simm.s32 $0xC610;
	[tilespmem:s31+$0x0] =	vst v4  }
0x21b: {  	s5 =	simm.s32 $0x2;
	s2 =	simm.s32 $0x1;
	s4 =	simm.s32 $0x3;
	v4 =	vld [tilespmem:s0+$0x0]  }
.LBB2_21:
0x21c: {  	p0 =	sne.s32 s4, $0x80;
	_ =	sdelay $0x3  }
0x21d: {  	(xrf0) =	vadd.scan.msk.s32 $0xffff, v4;
	_ =	sdelay $0x4  }
0x21e: {  	s6 =	sand.u32 $0xF, s2;
	s2 =	smov.u32 s5;
	s7 =	spop (v2sf)  }
0x21f: {  	s5 =	smov.u32 s4;
	p1 =	seq.s32 s6, $0x0;
	v5, _, _ =	vpop (xrf0);
	s1 =	sadd.s32 s1, s7  }
0x220: {  	(v2sf) =	vpush v5, $0xF;
	s1 =	simm.s32 @p1 $0x0  }
.Ltmp9:
0x221: {  	v4 =	vsub.s32 s1, v4;
	(pc) =	sbr.rel @p0 .LBB2_21-.Ltmp9, $4  }
0x222: {  	v4 =	vadd.s32 v5, v4  }
0x223: {  	[tilespmem:s0+$0x0] =	vst v4  }
0x224: {  	s0 =	sadd.s32 $0x10, s0  }
0x225: {  	s4 =	sadd.s32 $0x1, s4;
	v4 =	vld [tilespmem:s0+$0x0]  }
0x226: {  	_ =	sdelay $0x5  }
0x227: {  	(xrf0) =	vadd.scan.msk.s32 $0xffff, v4;
	_ =	sdelay $0x2  }
0x228: {  	s2 =	sand.u32 $0xF, s2;
	s4 =	spop (v2sf)  }
0x229: {  	p0 =	seq.s32 s2, $0x0;
	s1 =	sadd.s32 s1, s4  }
0x22a: {  	s1 =	simm.s32 @p0 $0x0  }
0x22b: {  	v5, _, _ =	vpop (xrf0);
	v4 =	vsub.s32 s1, v4  }
0x22c: {  	v4 =	vadd.s32 v5, v4  }
0x22d: {  	[tilespmem:s0+$0x0] =	vst v4  }
0x22e: {  	v6 =	vld [tilespmem:$0x4980]  }
0x22f: {  	v4 =	vld [tilespmem:$0x7B80];
	_ =	sdelay $0x4  }
0x230: {  	v10 =	vand.u32 $0xFF, v6;
	v7 =	vand.u32 $0xFF, v4  }
0x231: {  	(v2sf) =	vpush v5, $0xF;
	(xrf1) =	vunique.msk.u32 $0xffff, v10;
	v5 =	vor.u32 $0x400, v7  }
0x232: {  	(xrf1) =	vunique.msk.u32 $0xffff, v5;
	_ =	sdelay $0xc  }
0x233: {  	v8 =	vld [tilespmem:$0x5600];
	_, v11, vm1 =	vpop (xrf1)  }
0x234: {  	s0 =	simm.s32 $0x40;
	v7 =	vld [tilespmem:$0x8800];
	s31 =	spop (v2sf);
	_, v9, vm0 =	vpop (xrf1)  }
.LBB2_23:
0x235: {  	v12 =	vmov v10;
	v10 =	vld.idx.msk [tilespmem:v10+s13+$0x0], $0xffff;
	_ =	sdelay $0x3  }
0x236: {  	s1 =	sshra.s32 s0, $0x2  }
0x237: {  	v13 =	vmov v6;
	v6 =	vld [tilespmem:s1+$0x4980];
	v10 =	vadd.s32 v10, v11  }
0x238: {  	v14 =	vmov v4;
	v4 =	vld [tilespmem:s1+$0x7B80];
	v15 =	vadd.s32 $0xFFFFFFFF, v10;
	_ =	sdelay $0x2  }
0x239: {  	v18 =	vmov v5  }
0x23a: {  	v16 =	vmov v8;
	v8 =	vld [tilespmem:s1+$0x5600]  }
0x23b: {  	v17 =	vmov v7;
	v7 =	vld [tilespmem:s1+$0x8800];
	v10 =	vand.u32 $0xFF, v6;
	v5 =	vand.u32 $0xFF, v4;
	[tilespmem:v15+s14+$0x0] =	vst.idx.msk $0xffff, v13  }
0x23c: {  	(xrf1) =	vunique.msk.u32 $0xffff, v10;
	v5 =	vor.u32 $0x400, v5;
	[tilespmem:v15+s15+$0x0] =	vst.idx.msk $0xffff, v16  }
0x23d: {  	(xrf1) =	vunique.msk.u32 $0xffff, v5;
	[tilespmem:v12+s13+$0x0] =	vst.idx.add.s32.msk vm1, v11  }
0x23e: {  	v11 =	vld.idx.msk [tilespmem:v18+s13+$0x0], $0xffff;
	_ =	sdelay $0x4  }
0x23f: {  	v63 =	vmov v9;
	v9 =	vadd.s32 v11, v9  }
0x240: {  	v9 =	vadd.s32 $0xFFFFFFFF, v9  }
0x241: {  	vm2 =	vmmov vm0  }
0x242: {  	p0 =	sne.s32 s0, $0x30C0  }
.Ltmp10:
0x243: {  	_ = 	snop;
	(pc) =	sbr.rel @p0 .LBB2_23-.Ltmp10, $4  }
0x244: {  	_ = 	snop  }
0x245: {  	[tilespmem:v9+s16+$0x0] =	vst.idx.msk $0xffff, v14  }
0x246: {  	_, v11, vm1 =	vpop (xrf1);
	[tilespmem:v9+s17+$0x0] =	vst.idx.msk $0xffff, v17  }
0x247: {  	s0 =	sadd.s32 $0x40, s0;
	_, v9, vm0 =	vpop (xrf1);
	[tilespmem:v18+s13+$0x0] =	vst.idx.add.s32.msk vm2, v63  }
0x248: {  	_ =	sdelay $0x3  }
0x249: {  	v12 =	vld.idx.msk [tilespmem:v10+s13+$0x0], $0xffff;
	_ =	sdelay $0x4  }
0x24a: {  	v12 =	vadd.s32 v12, v11  }
0x24b: {  	v12 =	vadd.s32 $0xFFFFFFFF, v12;
	_ =	sdelay $0x4  }
0x24c: {  	[tilespmem:v12+s14+$0x0] =	vst.idx.msk $0xffff, v6  }
0x24d: {  	[tilespmem:v12+s15+$0x0] =	vst.idx.msk $0xffff, v8  }
0x24e: {  	[tilespmem:v10+s13+$0x0] =	vst.idx.add.s32.msk vm1, v11  }
0x24f: {  	v6 =	vld.idx.msk [tilespmem:v5+s13+$0x0], $0xffff;
	_ =	sdelay $0x4  }
0x250: {  	v6 =	vadd.s32 v6, v9  }
0x251: {  	v6 =	vadd.s32 $0xFFFFFFFF, v6;
	_ =	sdelay $0x4  }
0x252: {  	[tilespmem:v6+s16+$0x0] =	vst.idx.msk $0xffff, v4  }
0x253: {  	[tilespmem:v6+s17+$0x0] =	vst.idx.msk $0xffff, v7  }
0x254: {  	[tilespmem:v5+s13+$0x0] =	vst.idx.add.s32.msk vm0, v9  }
0x255: {  	v7 =	vld [tilespmem:$0x6280];
	_ =	sdelay $0x4  }
0x256: {  	v4 =	vshrl.u32 v7, $0x8  }
0x257: {  	v4 =	vand.u32 $0xFF, v4  }
0x258: {  	v10 =	vor.u32 $0x100, v4  }
0x259: {  	(xrf1) =	vunique.msk.u32 $0xffff, v10;
	_ =	sdelay $0x3  }
0x25a: {  	v4 =	vld [tilespmem:$0x9480];
	_ =	sdelay $0x4  }
0x25b: {  	v5 =	vshrl.u32 v4, $0x8  }
0x25c: {  	v6 =	vld.idx.msk [tilespmem:v10+s13+$0x0], $0xffff;
	v5 =	vand.u32 $0xFF, v5  }
0x25d: {  	v5 =	vor.u32 $0x500, v5  }
0x25e: {  	(xrf1) =	vunique.msk.u32 $0xffff, v5;
	_ =	sdelay $0x1  }
0x25f: {  	_, v11, vm0 =	vpop (xrf1)  }
0x260: {  	v8 =	vadd.s32 v6, v11  }
0x261: {  	s0 =	simm.s32 $0x10;
	v14 =	vld [tilespmem:$0x6F00];
	v15 =	vadd.s32 $0xFFFFFFFF, v8  }
0x262: {  	v9 =	vld [tilespmem:s0+$0x9480]  }
0x263: {  	v12 =	vld [tilespmem:s0+$0x6280]  }
0x264: {  	v13 =	vld [tilespmem:s0+$0x6F00]  }
0x265: {  	v6 =	vld [tilespmem:$0xA100]  }
0x266: {  	v8 =	vld [tilespmem:s0+$0xA100];
	[tilespmem:v15+s18+$0x0] =	vst.idx.msk $0xffff, v7  }
0x267: {  	v7 =	vshrl.u32 v9, $0x8;
	[tilespmem:v15+s19+$0x0] =	vst.idx.msk $0xffff, v14  }
0x268: {  	v7 =	vand.u32 $0xFF, v7;
	[tilespmem:v10+s13+$0x0] =	vst.idx.add.s32.msk vm0, v11;
	v10 =	vshrl.u32 v12, $0x8  }
0x269: {  	v7 =	vor.u32 $0x500, v7;
	v14 =	vld.idx.msk [tilespmem:v5+s13+$0x0], $0xffff;
	v10 =	vand.u32 $0xFF, v10  }
0x26a: {  	(xrf1) =	vunique.msk.u32 $0xffff, v7;
	v10 =	vor.u32 $0x100, v10  }
0x26b: {  	_, v11, vm0 =	vpop (xrf1);
	(xrf1) =	vunique.msk.u32 $0xffff, v10;
	_ =	sdelay $0x2  }
0x26c: {  	v14 =	vadd.s32 v14, v11  }
0x26d: {  	s0 =	simm.s32 $0x80;
	v14 =	vadd.s32 $0xFFFFFFFF, v14  }
.LBB2_25:
0x26e: {  	_ =	sdelay $0x2  }
0x26f: {  	p0 =	sne.s32 s0, $0x30C0;
	v15 =	vmov v12;
	v16 =	vmov v13;
	s1 =	smov.u32 s0;
	s0 =	sadd.s32 $0x40, s0  }
0x270: {  	[tilespmem:v14+s20+$0x0] =	vst.idx.msk $0xffff, v4;
	v4 =	vmov v9  }
0x271: {  	[tilespmem:v14+s21+$0x0] =	vst.idx.msk $0xffff, v6;
	v6 =	vmov v8  }
0x272: {  	[tilespmem:v5+s13+$0x0] =	vst.idx.add.s32.msk vm0, v11;
	v5 =	vmov v7  }
0x273: {  	v8 =	vld.idx.msk [tilespmem:v10+s13+$0x0], $0xffff  }
0x274: {  	_, v11, vm0 =	vpop (xrf1)  }
0x275: {  	_, v14, vm1 =	vpop (xrf1);
	_ =	sdelay $0x3  }
0x276: {  	v8 =	vadd.s32 v8, v14  }
0x277: {  	s1 =	sshra.s32 s1, $0x2;
	v17 =	vadd.s32 $0xFFFFFFFF, v8  }
0x278: {  	v8 =	vld [tilespmem:s1+$0xA100]  }
0x279: {  	v9 =	vld [tilespmem:s1+$0x9480]  }
0x27a: {  	v12 =	vld [tilespmem:s1+$0x6280]  }
0x27b: {  	v13 =	vld [tilespmem:s1+$0x6F00]  }
0x27c: {  	[tilespmem:v17+s18+$0x0] =	vst.idx.msk $0xffff, v15  }
0x27d: {  	[tilespmem:v17+s19+$0x0] =	vst.idx.msk $0xffff, v16  }
0x27e: {  	v15 =	vshrl.u32 v9, $0x8;
	[tilespmem:v10+s13+$0x0] =	vst.idx.add.s32.msk vm1, v14  }
0x27f: {  	v10 =	vshrl.u32 v12, $0x8;
	v14 =	vand.u32 $0xFF, v15;
	v15 =	vld.idx.msk [tilespmem:v7+s13+$0x0], $0xffff  }
0x280: {  	v10 =	vand.u32 $0xFF, v10;
	v7 =	vor.u32 $0x500, v14  }
0x281: {  	v10 =	vor.u32 $0x100, v10;
	(xrf1) =	vunique.msk.u32 $0xffff, v7  }
.Ltmp11:
0x282: {  	(xrf1) =	vunique.msk.u32 $0xffff, v10;
	(pc) =	sbr.rel @p0 .LBB2_25-.Ltmp11, $3  }
0x283: {  	_ =	sdelay $0x1  }
0x284: {  	v14 =	vadd.s32 v15, v11  }
0x285: {  	v14 =	vadd.s32 $0xFFFFFFFF, v14  }
0x286: {  	_ =	sdelay $0x3  }
0x287: {  	[tilespmem:v14+s20+$0x0] =	vst.idx.msk $0xffff, v4  }
0x288: {  	[tilespmem:v14+s21+$0x0] =	vst.idx.msk $0xffff, v6  }
0x289: {  	[tilespmem:v5+s13+$0x0] =	vst.idx.add.s32.msk vm0, v11  }
0x28a: {  	v4 =	vld.idx.msk [tilespmem:v10+s13+$0x0], $0xffff;
	_ =	sdelay $0x2  }
0x28b: {  	_, v5, vm0 =	vpop (xrf1)  }
0x28c: {  	_, v6, vm1 =	vpop (xrf1)  }
0x28d: {  	v4 =	vadd.s32 v4, v6  }
0x28e: {  	v4 =	vadd.s32 $0xFFFFFFFF, v4;
	_ =	sdelay $0x4  }
0x28f: {  	[tilespmem:v4+s18+$0x0] =	vst.idx.msk $0xffff, v12  }
0x290: {  	[tilespmem:v4+s19+$0x0] =	vst.idx.msk $0xffff, v13  }
0x291: {  	[tilespmem:v10+s13+$0x0] =	vst.idx.add.s32.msk vm1, v6  }
0x292: {  	v4 =	vld.idx.msk [tilespmem:v7+s13+$0x0], $0xffff;
	_ =	sdelay $0x4  }
0x293: {  	v4 =	vadd.s32 v4, v5  }
0x294: {  	v4 =	vadd.s32 $0xFFFFFFFF, v4;
	_ =	sdelay $0x4  }
0x295: {  	[tilespmem:v4+s20+$0x0] =	vst.idx.msk $0xffff, v9  }
0x296: {  	[tilespmem:v4+s21+$0x0] =	vst.idx.msk $0xffff, v8  }
0x297: {  	[tilespmem:v7+s13+$0x0] =	vst.idx.add.s32.msk vm0, v5  }
0x298: {  	v7 =	vld [tilespmem:$0x4980];
	_ =	sdelay $0x4  }
0x299: {  	v4 =	vshrl.u32 v7, $0x10  }
0x29a: {  	v4 =	vand.u32 $0xFF, v4  }
0x29b: {  	v10 =	vor.u32 $0x200, v4  }
0x29c: {  	(xrf1) =	vunique.msk.u32 $0xffff, v10;
	_ =	sdelay $0x5  }
0x29d: {  	v4 =	vld [tilespmem:$0x7B80];
	_ =	sdelay $0x4  }
0x29e: {  	v5 =	vshrl.u32 v4, $0x10  }
0x29f: {  	v6 =	vld.idx.msk [tilespmem:v10+s13+$0x0], $0xffff;
	v5 =	vand.u32 $0xFF, v5  }
0x2a0: {  	v5 =	vor.u32 $0x600, v5  }
0x2a1: {  	_, v11, vm0 =	vpop (xrf1);
	(xrf1) =	vunique.msk.u32 $0xffff, v5;
	_ =	sdelay $0x2  }
0x2a2: {  	v8 =	vadd.s32 v6, v11  }
0x2a3: {  	s0 =	simm.s32 $0x10;
	v14 =	vld [tilespmem:$0x5600];
	v15 =	vadd.s32 $0xFFFFFFFF, v8  }
0x2a4: {  	v9 =	vld [tilespmem:s0+$0x7B80]  }
0x2a5: {  	v12 =	vld [tilespmem:s0+$0x4980]  }
0x2a6: {  	v13 =	vld [tilespmem:s0+$0x5600]  }
0x2a7: {  	v6 =	vld [tilespmem:$0x8800]  }
0x2a8: {  	v8 =	vld [tilespmem:s0+$0x8800];
	[tilespmem:v15+s14+$0x0] =	vst.idx.msk $0xffff, v7  }
0x2a9: {  	v7 =	vshrl.u32 v9, $0x10;
	[tilespmem:v15+s15+$0x0] =	vst.idx.msk $0xffff, v14  }
0x2aa: {  	v7 =	vand.u32 $0xFF, v7;
	[tilespmem:v10+s13+$0x0] =	vst.idx.add.s32.msk vm0, v11;
	v10 =	vshrl.u32 v12, $0x10  }
0x2ab: {  	v7 =	vor.u32 $0x600, v7;
	v14 =	vld.idx.msk [tilespmem:v5+s13+$0x0], $0xffff;
	v10 =	vand.u32 $0xFF, v10  }
0x2ac: {  	(xrf1) =	vunique.msk.u32 $0xffff, v7;
	v10 =	vor.u32 $0x200, v10  }
0x2ad: {  	_, v11, vm0 =	vpop (xrf1);
	(xrf1) =	vunique.msk.u32 $0xffff, v10;
	_ =	sdelay $0x2  }
0x2ae: {  	v14 =	vadd.s32 v14, v11  }
0x2af: {  	s0 =	simm.s32 $0x80;
	v14 =	vadd.s32 $0xFFFFFFFF, v14  }
.LBB2_27:
0x2b0: {  	_ =	sdelay $0x2  }
0x2b1: {  	p0 =	sne.s32 s0, $0x30C0;
	v15 =	vmov v12;
	v16 =	vmov v13;
	s1 =	smov.u32 s0;
	s0 =	sadd.s32 $0x40, s0  }
0x2b2: {  	[tilespmem:v14+s16+$0x0] =	vst.idx.msk $0xffff, v4;
	v4 =	vmov v9  }
0x2b3: {  	[tilespmem:v14+s17+$0x0] =	vst.idx.msk $0xffff, v6;
	v6 =	vmov v8  }
0x2b4: {  	[tilespmem:v5+s13+$0x0] =	vst.idx.add.s32.msk vm0, v11;
	v5 =	vmov v7  }
0x2b5: {  	v8 =	vld.idx.msk [tilespmem:v10+s13+$0x0], $0xffff  }
0x2b6: {  	_, v11, vm0 =	vpop (xrf1)  }
0x2b7: {  	_, v14, vm1 =	vpop (xrf1);
	_ =	sdelay $0x3  }
0x2b8: {  	v8 =	vadd.s32 v8, v14  }
0x2b9: {  	s1 =	sshra.s32 s1, $0x2;
	v17 =	vadd.s32 $0xFFFFFFFF, v8  }
0x2ba: {  	v8 =	vld [tilespmem:s1+$0x8800]  }
0x2bb: {  	v9 =	vld [tilespmem:s1+$0x7B80]  }
0x2bc: {  	v12 =	vld [tilespmem:s1+$0x4980]  }
0x2bd: {  	v13 =	vld [tilespmem:s1+$0x5600]  }
0x2be: {  	[tilespmem:v17+s14+$0x0] =	vst.idx.msk $0xffff, v15  }
0x2bf: {  	[tilespmem:v17+s15+$0x0] =	vst.idx.msk $0xffff, v16  }
0x2c0: {  	v15 =	vshrl.u32 v9, $0x10;
	[tilespmem:v10+s13+$0x0] =	vst.idx.add.s32.msk vm1, v14  }
0x2c1: {  	v10 =	vshrl.u32 v12, $0x10;
	v14 =	vand.u32 $0xFF, v15;
	v15 =	vld.idx.msk [tilespmem:v7+s13+$0x0], $0xffff  }
0x2c2: {  	v10 =	vand.u32 $0xFF, v10;
	v7 =	vor.u32 $0x600, v14  }
0x2c3: {  	v10 =	vor.u32 $0x200, v10;
	(xrf1) =	vunique.msk.u32 $0xffff, v7  }
.Ltmp12:
0x2c4: {  	(xrf1) =	vunique.msk.u32 $0xffff, v10;
	(pc) =	sbr.rel @p0 .LBB2_27-.Ltmp12, $3  }
0x2c5: {  	_ =	sdelay $0x1  }
0x2c6: {  	v14 =	vadd.s32 v15, v11  }
0x2c7: {  	v14 =	vadd.s32 $0xFFFFFFFF, v14  }
0x2c8: {  	_ =	sdelay $0x3  }
0x2c9: {  	[tilespmem:v14+s16+$0x0] =	vst.idx.msk $0xffff, v4  }
0x2ca: {  	[tilespmem:v14+s17+$0x0] =	vst.idx.msk $0xffff, v6  }
0x2cb: {  	[tilespmem:v5+s13+$0x0] =	vst.idx.add.s32.msk vm0, v11  }
0x2cc: {  	v4 =	vld.idx.msk [tilespmem:v10+s13+$0x0], $0xffff;
	_ =	sdelay $0x2  }
0x2cd: {  	_, v5, vm0 =	vpop (xrf1)  }
0x2ce: {  	_, v6, vm1 =	vpop (xrf1)  }
0x2cf: {  	v4 =	vadd.s32 v4, v6  }
0x2d0: {  	v4 =	vadd.s32 $0xFFFFFFFF, v4;
	_ =	sdelay $0x4  }
0x2d1: {  	[tilespmem:v4+s14+$0x0] =	vst.idx.msk $0xffff, v12  }
0x2d2: {  	[tilespmem:v4+s15+$0x0] =	vst.idx.msk $0xffff, v13  }
0x2d3: {  	[tilespmem:v10+s13+$0x0] =	vst.idx.add.s32.msk vm1, v6  }
0x2d4: {  	v4 =	vld.idx.msk [tilespmem:v7+s13+$0x0], $0xffff;
	_ =	sdelay $0x4  }
0x2d5: {  	v4 =	vadd.s32 v4, v5  }
0x2d6: {  	v4 =	vadd.s32 $0xFFFFFFFF, v4;
	_ =	sdelay $0x4  }
0x2d7: {  	[tilespmem:v4+s16+$0x0] =	vst.idx.msk $0xffff, v9  }
0x2d8: {  	[tilespmem:v4+s17+$0x0] =	vst.idx.msk $0xffff, v8  }
0x2d9: {  	s0 =	simm.s32 $0x3;
	[tilespmem:v7+s13+$0x0] =	vst.idx.add.s32.msk vm0, v5  }
0x2da: {  	_ =	swait.ge [sflag:s0], $0x1880  }
0x2db: {  	[sflag:s0] =	ssyncset.done $0x0  }
0x2dc: {  	[sflag:s0] =	ssyncadd.s32 $0xFFFFE780  }
0x2dd: {  	v7 =	vld [tilespmem:$0x6280]  }
0x2de: {  	v4 =	vld [tilespmem:$0x9480];
	_ =	sdelay $0x3  }
0x2df: {  	v5 =	vshrl.u32 v7, $0x18  }
0x2e0: {  	v10 =	vor.u32 $0x300, v5;
	v5 =	vshrl.u32 v4, $0x18  }
0x2e1: {  	(xrf1) =	vunique.msk.u32 $0xffff, v10;
	v5 =	vor.u32 $0x700, v5  }
0x2e2: {  	(xrf1) =	vunique.msk.u32 $0xffff, v5;
	_ =	sdelay $0xc  }
0x2e3: {  	v9 =	vld [tilespmem:$0x6F00];
	_, v11, vm1 =	vpop (xrf1)  }
0x2e4: {  	s0 =	simm.s32 $0x40;
	v6 =	vld [tilespmem:$0xA100];
	_, v8, vm0 =	vpop (xrf1)  }
.LBB2_29:
0x2e5: {  	v12 =	vmov v10;
	v10 =	vld.idx.msk [tilespmem:v10+s13+$0x0], $0xffff;
	_ =	sdelay $0x3  }
0x2e6: {  	s1 =	sshra.s32 s0, $0x2  }
0x2e7: {  	v13 =	vmov v7;
	v7 =	vld [tilespmem:s1+$0x6280];
	v10 =	vadd.s32 v10, v11  }
0x2e8: {  	v14 =	vmov v4;
	v4 =	vld [tilespmem:s1+$0x9480];
	v15 =	vadd.s32 $0xFFFFFFFF, v10;
	_ =	sdelay $0x1  }
0x2e9: {  	vm2 =	vgt.s32 v13, $0xFFFFFFFF  }
0x2ea: {  	v18 =	vmov v5;
	v10 =	vsel vm2, $0xFFFFFFFF, v3  }
0x2eb: {  	v16 =	vmov v9;
	v9 =	vld [tilespmem:s1+$0x6F00];
	v5 =	vshrl.u32 v7, $0x18;
	v13 =	vxor.u32 v13, v10  }
0x2ec: {  	v17 =	vmov v6;
	v6 =	vld [tilespmem:s1+$0xA100];
	v10 =	vor.u32 $0x300, v5;
	v5 =	vshrl.u32 v4, $0x18;
	[tilespmem:v15+s12+$0x0] =	vst.idx.msk $0xffff, v13  }
0x2ed: {  	(xrf1) =	vunique.msk.u32 $0xffff, v10;
	v5 =	vor.u32 $0x700, v5;
	[tilespmem:v15+s22+$0x0] =	vst.idx.msk $0xffff, v16  }
0x2ee: {  	(xrf1) =	vunique.msk.u32 $0xffff, v5;
	[tilespmem:v12+s13+$0x0] =	vst.idx.add.s32.msk vm1, v11  }
0x2ef: {  	v11 =	vld.idx.msk [tilespmem:v18+s13+$0x0], $0xffff;
	_ =	sdelay $0x4  }
0x2f0: {  	v63 =	vmov v8;
	v8 =	vadd.s32 v11, v8  }
0x2f1: {  	vm2 =	vmmov vm0;
	vm0 =	vgt.s32 v14, $0xFFFFFFFF;
	v8 =	vadd.s32 $0xC3F, v8  }
0x2f2: {  	v11 =	vsel vm0, $0xFFFFFFFF, v3  }
0x2f3: {  	p0 =	sne.s32 s0, $0x30C0;
	v11 =	vxor.u32 v14, v11  }
.Ltmp13:
0x2f4: {  	_ = 	snop;
	(pc) =	sbr.rel @p0 .LBB2_29-.Ltmp13, $4  }
0x2f5: {  	_ = 	snop  }
0x2f6: {  	[tilespmem:v8+s12+$0x0] =	vst.idx.msk $0xffff, v11  }
0x2f7: {  	_, v11, vm1 =	vpop (xrf1);
	[tilespmem:v8+s22+$0x0] =	vst.idx.msk $0xffff, v17  }
0x2f8: {  	s0 =	sadd.s32 $0x40, s0;
	_, v8, vm0 =	vpop (xrf1);
	[tilespmem:v18+s13+$0x0] =	vst.idx.add.s32.msk vm2, v63  }
0x2f9: {  	_ =	sdelay $0x3  }
0x2fa: {  	v12 =	vld.idx.msk [tilespmem:v10+s13+$0x0], $0xffff;
	_ =	sdelay $0x4  }
0x2fb: {  	v12 =	vadd.s32 v12, v11  }
0x2fc: {  	v12 =	vadd.s32 $0xFFFFFFFF, v12;
	_ =	sdelay $0x1  }
0x2fd: {  	vm2 =	vgt.s32 v7, $0xFFFFFFFF  }
0x2fe: {  	v13 =	vsel vm2, $0xFFFFFFFF, v3  }
0x2ff: {  	v62 =	vxor.u32 v7, v13  }
0x300: {  	[tilespmem:v12+s12+$0x0] =	vst.idx.msk $0xffff, v62  }
0x301: {  	[tilespmem:v12+s22+$0x0] =	vst.idx.msk $0xffff, v9  }
0x302: {  	[tilespmem:v10+s13+$0x0] =	vst.idx.add.s32.msk vm1, v11  }
0x303: {  	v7 =	vld.idx.msk [tilespmem:v5+s13+$0x0], $0xffff;
	_ =	sdelay $0x4  }
0x304: {  	v7 =	vadd.s32 v7, v8  }
0x305: {  	v7 =	vadd.s32 $0xC3F, v7;
	_ =	sdelay $0x1  }
0x306: {  	vm15 =	vgt.s32 v4, $0xFFFFFFFF  }
0x307: {  	v63 =	vsel vm15, $0xFFFFFFFF, v3  }
0x308: {  	v4 =	vxor.u32 v4, v63  }
0x309: {  	[tilespmem:v7+s12+$0x0] =	vst.idx.msk $0xffff, v4  }
0x30a: {  	s0 =	rddreg [dreg:$0x4];
	[tilespmem:v7+s22+$0x0] =	vst.idx.msk $0xffff, v6  }
0x30b: {  	s26 =	rddreg [dreg:$0x5];
	s0 =	sadd.s32 s0, s30;
	[tilespmem:v5+s13+$0x0] =	vst.idx.add.s32.msk vm0, v8  }
0x30c: {  	[hbm4b:s0+s3] =	stream.linear.scatter [tilespmem:s12], [sflag:$0x2], $0x1880, $0x38;
	[tilespmem:$0xCE00] =	vst v63  }
0x30d: {  	s1 =	simm.s32 $0x1;
	s0 =	sadd.s32 s26, s30  }
0x30e: {  	[hbm4b:s0+s3] =	stream.linear.scatter [tilespmem:s22], [sflag:$0x3], $0x1880, $0x38;
	[tilespmem:$0xCE00] =	vst v63  }
0x30f: {  	_ =	swait.ge [sflag:s1], $0x1880  }
0x310: {  	[sflag:s1] =	ssyncset.done $0x0  }
0x311: {  	s31 =	simm.s32 $0x2;
	s30 =	rddreg [dreg:$0x8];
	[sflag:s1] =	ssyncadd.s32 $0xFFFFE780  }
0x312: {  	s2 =	rddreg [dreg:$0xb];
	_ =	swait.ge [sflag:s31], $0x1880  }
0x313: {  	p0 =	seq.s32 s28, $0xF;
	s29 =	sadd.s32 s2, s30;
	[sflag:s31] =	ssyncset.done $0x0  }
0x314: {  	s0 =	sshrl.u32 @!p0 s29, $0x3;
	s1 =	rddreg [dreg:$0x0]  }
0x315: {  	s0 =	sadd.s32 @!p0 s1, s0  }
0x316: {  	[sflag:s31] =	ssyncadd.s32 $0xFFFFE780;
	s1 =	simm.s32 @!p0 $0x0;
	s0 =	sadd.s32 @!p0 $0x310, s0  }
0x317: {  	[tilespmem:s1], [sflag:$0x1] =	stream.linear.gather @!p0 [hbm4b:s0+s1], $0x1880, $0x38;
	[tilespmem:$0xCE00] =	vst v63  }
0x318: {  	s0 =	simm.s32 $0x40;
	s1 =	simm.s32 $0x0  }
.LBB2_31:
0x319: {  	p0 =	sne.s32 s0, $0x1FC0;
	[tilespmem:s1+$0xC600] =	vst v1;
	s1 =	smov.u32 s0;
	s0 =	sadd.s32 $0x40, s0  }
.Ltmp14:
0x31a: {  	(pc) =	sbr.rel @p0 .LBB2_31-.Ltmp14, $2  }
0x31b: {  	_ =	sdelay $0x2  }
0x31c: {  	s1 =	sshra.s32 s1, $0x2  }
0x31d: {  	[tilespmem:s1+$0xC600] =	vst v1  }
0x31e: {  	v4 =	vld [tilespmem:$0x3100];
	_ =	sdelay $0x4  }
0x31f: {  	v5 =	vshra.s32 v4, $0x1F  }
0x320: {  	v5 =	vor.u32 $0x80000000, v5  }
0x321: {  	v14 =	vxor.u32 v4, v5  }
0x322: {  	v25 =	vand.u32 $0xFF, v14  }
0x323: {  	(xrf1) =	vunique.msk.u32 $0xffff, v25  }
0x324: {  	v6 =	vld [tilespmem:$0x3D40];
	_ =	sdelay $0x1  }
0x325: {  	v7 =	vshrl.u32 v14, $0x8  }
0x326: {  	v10 =	vshrl.u32 v14, $0x10;
	v5 =	vand.u32 $0xFF, v7  }
0x327: {  	v8 =	vand.u32 $0xFF, v10;
	v11 =	vor.u32 $0x100, v5  }
0x328: {  	v4 =	vshra.s32 v6, $0x1F;
	v5 =	vshrl.u32 v14, $0x18;
	v16 =	vor.u32 $0x200, v8;
	(xrf1) =	vunique.msk.u32 $0xffff, v11  }
0x329: {  	v4 =	vor.u32 $0x80000000, v4;
	v5 =	vor.u32 $0x300, v5;
	(xrf1) =	vunique.msk.u32 $0xffff, v16  }
0x32a: {  	v4 =	vxor.u32 v6, v4;
	(xrf1) =	vunique.msk.u32 $0xffff, v5  }
0x32b: {  	v6 =	vand.u32 $0xFF, v4;
	v9 =	vshrl.u32 v4, $0x8  }
0x32c: {  	v17 =	vshrl.u32 v4, $0x10;
	v6 =	vor.u32 $0x400, v6;
	v8 =	vand.u32 $0xFF, v9  }
0x32d: {  	v12 =	vand.u32 $0xFF, v17;
	v18 =	vor.u32 $0x500, v8;
	(xrf1) =	vunique.msk.u32 $0xffff, v6  }
0x32e: {  	v20 =	vor.u32 $0x600, v12;
	v8 =	vshrl.u32 v4, $0x18;
	(xrf1) =	vunique.msk.u32 $0xffff, v18  }
0x32f: {  	v12 =	vand.u32 $0x480, v6;
	v6 =	vor.u32 $0x700, v8;
	(xrf1) =	vunique.msk.u32 $0xffff, v20  }
0x330: {  	s0 =	simm.s32 $0x3D50;
	_, v27, vm3 =	vpop (xrf1);
	(xrf1) =	vunique.msk.u32 $0xffff, v6  }
0x331: {  	v19 =	vld [tilespmem:s0+$0xFFFFF3C0];
	_ =	sdelay $0x1  }
0x332: {  	v10 =	vand.u32 $0x7F, v10  }
0x333: {  	s26 =	simm.s32 $0x0;
	v7 =	vand.u32 $0x7F, v7;
	v13 =	vand.u32 $0x7F, v4;
	v15 =	vand.u32 $0x7F, v9  }
0x334: {  	v9 =	vor.u32 s26, v0;
	v11 =	vand.u32 $0x180, v11;
	v8 =	vor.u32 v13, v12  }
0x335: {  	s31 =	simm.s32 $0x4980;
	s6 =	simm.s32 $0x5600;
	v13 =	vand.u32 $0x580, v18;
	v12 =	vand.u32 $0x680, v20;
	v18 =	vshra.s32 v19, $0x1F;
	_, v23, vm1 =	vpop (xrf1)  }
0x336: {  	s5 =	simm.s32 $0x7B80;
	s25 =	simm.s32 $0x8800;
	s8 =	simm.s32 $0x10;
	v21 =	vor.u32 $0x80000000, v18;
	v20 =	vor.u32 v7, v11;
	v11 =	vand.u32 $0x280, v16;
	v18 =	vld [tilespmem:s0+$0x0];
	_, v24, vm2 =	vpop (xrf1)  }
0x337: {  	s10 =	simm.s32 $0x20;
	s4 =	simm.s32 $0x8810;
	s2 =	simm.s32 $0x3D60;
	v7 =	vxor.u32 v19, v21;
	v21 =	vor.u32 v10, v11;
	v19 =	vand.u32 $0x7F, v17;
	_, v22, vm0 =	vpop (xrf1)  }
0x338: {  	s7 =	simm.s32 $0x4990;
	s30 =	simm.s32 $0x7B90;
	s11 =	simm.s32 $0x30;
	[tilespmem:s31+$0x0] =	vst v14;
	v10 =	vshrl.u32 v7, $0x8;
	v11 =	vshrl.u32 v7, $0x10;
	v26 =	vshrl.u32 v7, $0x18  }
0x339: {  	s1 =	simm.s32 $0x8820;
	s9 =	simm.s32 $0x7B90;
	s24 =	simm.s32 $0x4990;
	[tilespmem:s6+$0x0] =	vst v9;
	v17 =	vand.u32 $0xFF, v7;
	v14 =	vand.u32 $0xFF, v10;
	v28 =	vand.u32 $0xFF, v11  }
0x33a: {  	s26 =	simm.s32 $0x3D70;
	s0 =	simm.s32 $0x5610;
	s6 =	simm.s32 $0x5610;
	v16 =	vor.u32 $0x100, v14;
	v14 =	vor.u32 $0x200, v28;
	(xrf1) =	vunique.msk.u32 $0xffff, v17;
	[tilespmem:v25+s13+$0x0] =	vst.idx.add.s32.msk vm3, v27;
	_, v25, vm3 =	vpop (xrf1)  }
.LBB2_33:
0x33b: {  	v26 =	vor.u32 $0x300, v26;
	s7 =	sadd.s32 $0x10, s7;
	s0 =	sadd.s32 $0x10, s0;
	s30 =	sadd.s32 $0x10, s30;
	(xrf1) =	vunique.msk.u32 $0xffff, v16;
	v27 =	vshra.s32 v18, $0x1F;
	[tilespmem:v20+s13+$0x0] =	vst.idx.add.s32.msk vm1, v23;
	_, v20, vm1 =	vpop (xrf1)  }
0x33c: {  	p0 =	sne.s32 s11, $0xC20;
	v13 =	vor.u32 v15, v13;
	s31 =	smov.u32 s11;
	s11 =	sadd.s32 $0x10, s11;
	(xrf1) =	vunique.msk.u32 $0xffff, v14;
	v23 =	vor.u32 $0x80000000, v27;
	[tilespmem:v21+s13+$0x0] =	vst.idx.add.s32.msk vm2, v24;
	_, v15, vm2 =	vpop (xrf1)  }
0x33d: {  	v12 =	vor.u32 v19, v12;
	(xrf1) =	vunique.msk.u32 $0xffff, v26;
	v18 =	vxor.u32 v18, v23;
	[tilespmem:v5+s13+$0x0] =	vst.idx.add.s32.msk vm0, v22;
	_, v19, vm0 =	vpop (xrf1)  }
0x33e: {  	v5 =	vmovc v26;
	v21 =	vand.u32 $0xFF, v18;
	v22 =	vshrl.u32 v18, $0x8;
	v27 =	vshrl.u32 v18, $0x10;
	[tilespmem:s5+$0x0] =	vst v4;
	v4 =	vmovc v18;
	s5 =	smov.u32 s9;
	s9 =	smov.u32 s30  }
0x33f: {  	v28 =	vmovc v17;
	v21 =	vor.u32 $0x400, v21;
	v23 =	vand.u32 $0xFF, v22;
	v24 =	vand.u32 $0xFF, v27;
	[tilespmem:s25+$0x0] =	vst v9;
	s25 =	smov.u32 s4;
	s4 =	smov.u32 s1  }
0x340: {  	v9 =	vor.u32 $0x500, v23;
	v17 =	vor.u32 $0x600, v24;
	(xrf1) =	vunique.msk.u32 $0xffff, v21;
	[tilespmem:v8+s13+$0x0] =	vst.idx.add.s32.msk vm3, v25  }
0x341: {  	v8 =	vand.u32 $0x480, v21;
	v21 =	vshrl.u32 v18, $0x18;
	(xrf1) =	vunique.msk.u32 $0xffff, v9;
	[tilespmem:v13+s13+$0x0] =	vst.idx.add.s32.msk vm1, v20  }
0x342: {  	v13 =	vand.u32 $0x7F, v18;
	v18 =	vor.u32 $0x700, v21;
	(xrf1) =	vunique.msk.u32 $0xffff, v17;
	[tilespmem:v12+s13+$0x0] =	vst.idx.add.s32.msk vm2, v15  }
0x343: {  	v8 =	vor.u32 v13, v8;
	v13 =	vand.u32 $0x580, v9;
	(xrf1) =	vunique.msk.u32 $0xffff, v18;
	[tilespmem:v6+s13+$0x0] =	vst.idx.add.s32.msk vm0, v19;
	v6 =	vmovc v18  }
0x344: {  	v15 =	vand.u32 $0x7F, v22;
	v12 =	vand.u32 $0x680, v17;
	v19 =	vld [tilespmem:s2+$0xFFFFF3C0];
	_ =	sdelay $0x3  }
0x345: {  	v11 =	vand.u32 $0x7F, v11;
	v9 =	vor.u32 s8, v0;
	s8 =	smov.u32 s10;
	s10 =	smov.u32 s31;
	v18 =	vld [tilespmem:s2+$0x0];
	_, v25, vm3 =	vpop (xrf1);
	s2 =	smov.u32 s26  }
0x346: {  	v16 =	vand.u32 $0x180, v16;
	v10 =	vand.u32 $0x7F, v10;
	v17 =	vshra.s32 v19, $0x1F;
	_, v23, vm1 =	vpop (xrf1)  }
.Ltmp15:
0x347: {  	v20 =	vor.u32 v10, v16;
	v10 =	vand.u32 $0x280, v14;
	v17 =	vor.u32 $0x80000000, v17;
	_, v24, vm2 =	vpop (xrf1);
	(pc) =	sbr.rel @p0 .LBB2_33-.Ltmp15, $4  }
0x348: {  	v21 =	vor.u32 v11, v10;
	v14 =	vxor.u32 v19, v17;
	v19 =	vand.u32 $0x7F, v27;
	_, v22, vm0 =	vpop (xrf1)  }
0x349: {  	v10 =	vshrl.u32 v14, $0x8;
	v11 =	vshrl.u32 v14, $0x10;
	v26 =	vshrl.u32 v14, $0x18;
	[tilespmem:s24+$0x0] =	vst v7;
	v7 =	vmovc v14;
	s24 =	smov.u32 s7  }
0x34a: {  	v17 =	vand.u32 $0xFF, v14;
	v14 =	vand.u32 $0xFF, v10;
	v27 =	vand.u32 $0xFF, v11;
	[tilespmem:s6+$0x0] =	vst v9;
	s6 =	smov.u32 s0  }
0x34b: {  	s1 =	sadd.s32 $0x10, s1;
	s26 =	sadd.s32 $0x10, s26;
	v16 =	vor.u32 $0x100, v14;
	v14 =	vor.u32 $0x200, v27;
	(xrf1) =	vunique.msk.u32 $0xffff, v17;
	[tilespmem:v28+s13+$0x0] =	vst.idx.add.s32.msk vm3, v25;
	_, v25, vm3 =	vpop (xrf1)  }
0x34c: {  	(xrf1) =	vunique.msk.u32 $0xffff, v16;
	v27 =	vshra.s32 v18, $0x1F  }
0x34d: {  	v26 =	vor.u32 $0x300, v26;
	(xrf1) =	vunique.msk.u32 $0xffff, v14;
	v27 =	vor.u32 $0x80000000, v27  }
0x34e: {  	(xrf1) =	vunique.msk.u32 $0xffff, v26;
	v62 =	vxor.u32 v18, v27  }
0x34f: {  	v27 =	vand.u32 $0xFF, v62;
	v28 =	vshrl.u32 v62, $0x8  }
0x350: {  	v29 =	vshrl.u32 v62, $0x10;
	v27 =	vor.u32 $0x400, v27;
	v30 =	vand.u32 $0xFF, v28  }
0x351: {  	v31 =	vand.u32 $0xFF, v29;
	v30 =	vor.u32 $0x500, v30;
	(xrf1) =	vunique.msk.u32 $0xffff, v27  }
0x352: {  	[tilespmem:v20+s13+$0x0] =	vst.idx.add.s32.msk vm1, v23;
	_, v20, vm1 =	vpop (xrf1);
	v33 =	vshrl.u32 v62, $0x18;
	v63 =	vor.u32 $0x600, v31;
	(xrf1) =	vunique.msk.u32 $0xffff, v30  }
0x353: {  	v13 =	vor.u32 v15, v13;
	[tilespmem:v21+s13+$0x0] =	vst.idx.add.s32.msk vm2, v24;
	_, v34, vm7 =	vpop (xrf1);
	v35 =	vor.u32 $0x700, v33;
	(xrf1) =	vunique.msk.u32 $0xffff, v63  }
0x354: {  	[tilespmem:v5+s13+$0x0] =	vst.idx.add.s32.msk vm0, v22;
	v5 =	vor.u32 v19, v12;
	_, v36, vm8 =	vpop (xrf1);
	(xrf1) =	vunique.msk.u32 $0xffff, v35  }
0x355: {  	[tilespmem:s5+$0x0] =	vst v4  }
0x356: {  	[tilespmem:s25+$0x0] =	vst v9  }
0x357: {  	[tilespmem:v8+s13+$0x0] =	vst.idx.add.s32.msk vm3, v25  }
0x358: {  	[tilespmem:v13+s13+$0x0] =	vst.idx.add.s32.msk vm1, v20  }
0x359: {  	[tilespmem:v5+s13+$0x0] =	vst.idx.add.s32.msk vm7, v34;
	_, v4, vm9 =	vpop (xrf1)  }
0x35a: {  	v5 =	vand.u32 $0x180, v16;
	[tilespmem:v6+s13+$0x0] =	vst.idx.add.s32.msk vm8, v36;
	v6 =	vand.u32 $0x7F, v10;
	_, v37, vm10 =	vpop (xrf1)  }
0x35b: {  	v38 =	vand.u32 $0x7F, v11;
	v5 =	vor.u32 v6, v5;
	v6 =	vand.u32 $0x280, v14;
	_, v39, vm11 =	vpop (xrf1)  }
0x35c: {  	v9 =	vld [tilespmem:s2+$0xFFFFF3C0];
	v6 =	vor.u32 v38, v6;
	_, v40, vm12 =	vpop (xrf1)  }
0x35d: {  	v41 =	vor.u32 s8, v0;
	v12 =	vld [tilespmem:s2+$0x0];
	[tilespmem:s24+$0x0] =	vst v7  }
0x35e: {  	[tilespmem:s6+$0x0] =	vst v41  }
0x35f: {  	v42 =	vand.u32 $0x7F, v62;
	v44 =	vand.u32 $0x7F, v28;
	v7 =	vand.u32 $0x480, v27;
	[tilespmem:v17+s13+$0x0] =	vst.idx.add.s32.msk vm9, v4;
	_, v4, vm1 =	vpop (xrf1)  }
0x360: {  	v47 =	vand.u32 $0x7F, v29;
	v43 =	vand.u32 $0x580, v30;
	v7 =	vor.u32 v42, v7;
	[tilespmem:v5+s13+$0x0] =	vst.idx.add.s32.msk vm10, v37;
	_, v5, vm0 =	vpop (xrf1)  }
0x361: {  	v45 =	vand.u32 $0x680, v63;
	v46 =	vshra.s32 v9, $0x1F;
	[tilespmem:v6+s13+$0x0] =	vst.idx.add.s32.msk vm11, v39;
	v6 =	vor.u32 v44, v43;
	_, v11, vm2 =	vpop (xrf1)  }
0x362: {  	v48 =	vor.u32 v47, v45;
	v8 =	vor.u32 $0x80000000, v46;
	[tilespmem:v26+s13+$0x0] =	vst.idx.add.s32.msk vm12, v40;
	_, v49, vm13 =	vpop (xrf1)  }
0x363: {  	v8 =	vxor.u32 v9, v8;
	[tilespmem:s9+$0x0] =	vst v62  }
0x364: {  	v9 =	vshrl.u32 v8, $0x8;
	[tilespmem:s4+$0x0] =	vst v41  }
0x365: {  	v50 =	vand.u32 $0xFF, v8;
	v51 =	vand.u32 $0xFF, v9;
	[tilespmem:v7+s13+$0x0] =	vst.idx.add.s32.msk vm1, v4  }
0x366: {  	(xrf1) =	vunique.msk.u32 $0xffff, v50;
	v4 =	vshrl.u32 v8, $0x10;
	v7 =	vor.u32 $0x100, v51;
	[tilespmem:v6+s13+$0x0] =	vst.idx.add.s32.msk vm0, v5  }
0x367: {  	v5 =	vand.u32 $0xFF, v4;
	(xrf1) =	vunique.msk.u32 $0xffff, v7;
	[tilespmem:v48+s13+$0x0] =	vst.idx.add.s32.msk vm2, v11  }
0x368: {  	v52 =	vshra.s32 v12, $0x1F;
	v6 =	vshrl.u32 v8, $0x18;
	v5 =	vor.u32 $0x200, v5;
	[tilespmem:v35+s13+$0x0] =	vst.idx.add.s32.msk vm13, v49  }
0x369: {  	v10 =	vor.u32 $0x80000000, v52;
	v6 =	vor.u32 $0x300, v6;
	(xrf1) =	vunique.msk.u32 $0xffff, v5;
	v11 =	vld [tilespmem:s26+$0xFFFFF3C0]  }
0x36a: {  	v10 =	vxor.u32 v12, v10;
	(xrf1) =	vunique.msk.u32 $0xffff, v6  }
0x36b: {  	v12 =	vand.u32 $0xFF, v10;
	v53 =	vshrl.u32 v10, $0x8  }
0x36c: {  	v54 =	vshrl.u32 v10, $0x10;
	v12 =	vor.u32 $0x400, v12;
	v55 =	vand.u32 $0xFF, v53  }
0x36d: {  	v56 =	vand.u32 $0xFF, v54;
	v16 =	vor.u32 $0x500, v55;
	(xrf1) =	vunique.msk.u32 $0xffff, v12  }
0x36e: {  	v57 =	vshrl.u32 v10, $0x18;
	v17 =	vor.u32 $0x600, v56;
	(xrf1) =	vunique.msk.u32 $0xffff, v16;
	v58 =	vshra.s32 v11, $0x1F  }
0x36f: {  	v18 =	vor.u32 $0x700, v57;
	v20 =	vld [tilespmem:s26+$0x0];
	(xrf1) =	vunique.msk.u32 $0xffff, v17;
	v19 =	vor.u32 $0x80000000, v58  }
0x370: {  	v59 =	vor.u32 s10, v0;
	(xrf1) =	vunique.msk.u32 $0xffff, v18;
	v11 =	vxor.u32 v11, v19  }
0x371: {  	v9 =	vand.u32 $0x7F, v9;
	v4 =	vand.u32 $0x7F, v4;
	v60 =	vshrl.u32 v11, $0x8  }
0x372: {  	v61 =	vand.u32 $0xFF, v11;
	v63 =	vshrl.u32 v11, $0x10;
	v62 =	vand.u32 $0xFF, v60  }
0x373: {  	v7 =	vand.u32 $0x180, v7;
	(xrf1) =	vunique.msk.u32 $0xffff, v61;
	v34 =	vand.u32 $0xFF, v63;
	v23 =	vor.u32 $0x100, v62  }
0x374: {  	v35 =	vshra.s32 v20, $0x1F;
	_, v33, vm14 =	vpop (xrf1);
	v36 =	vshrl.u32 v11, $0x18;
	v26 =	vor.u32 $0x200, v34;
	(xrf1) =	vunique.msk.u32 $0xffff, v23  }
0x375: {  	v5 =	vand.u32 $0x280, v5;
	v27 =	vor.u32 $0x80000000, v35;
	v28 =	vor.u32 $0x300, v36;
	_, v37, vm15 =	vpop (xrf1);
	(xrf1) =	vunique.msk.u32 $0xffff, v26  }
0x376: {  	v7 =	vor.u32 v9, v7;
	v4 =	vor.u32 v4, v5;
	v38 =	vxor.u32 v20, v27;
	(xrf1) =	vunique.msk.u32 $0xffff, v28  }
0x377: {  	s26 =	sadd.s32 $0x10, s7;
	v12 =	vand.u32 $0x480, v12;
	v5 =	vand.u32 $0xFF, v38;
	v40 =	vshrl.u32 v38, $0x8;
	_, v39, vm6 =	vpop (xrf1)  }
0x378: {  	s0 =	sadd.s32 $0x10, s0;
	[tilespmem:s26+$0x0] =	vst v8;
	v43 =	vshrl.u32 v38, $0x10;
	v5 =	vor.u32 $0x400, v5;
	v42 =	vand.u32 $0xFF, v40;
	_, v41, vm7 =	vpop (xrf1)  }
0x379: {  	[tilespmem:s0+$0x0] =	vst v59;
	v45 =	vand.u32 $0xFF, v43;
	v44 =	vor.u32 $0x500, v42;
	(xrf1) =	vunique.msk.u32 $0xffff, v5  }
0x37a: {  	v46 =	vshrl.u32 v38, $0x18;
	v25 =	vor.u32 $0x600, v45;
	[tilespmem:v50+s13+$0x0] =	vst.idx.add.s32.msk vm14, v33;
	(xrf1) =	vunique.msk.u32 $0xffff, v44  }
0x37b: {  	v30 =	vor.u32 $0x700, v46;
	_, v47, vm8 =	vpop (xrf1);
	(xrf1) =	vunique.msk.u32 $0xffff, v25;
	[tilespmem:v7+s13+$0x0] =	vst.idx.add.s32.msk vm15, v37;
	v7 =	vand.u32 $0x7F, v10  }
0x37c: {  	v13 =	vand.u32 $0x7F, v53;
	v48 =	vand.u32 $0x580, v16;
	_, v49, vm9 =	vpop (xrf1);
	(xrf1) =	vunique.msk.u32 $0xffff, v30;
	v7 =	vor.u32 v7, v12  }
0x37d: {  	v14 =	vand.u32 $0x7F, v54;
	v50 =	vand.u32 $0x680, v17;
	v12 =	vor.u32 v13, v48;
	[tilespmem:v4+s13+$0x0] =	vst.idx.add.s32.msk vm6, v39;
	_, v4, vm2 =	vpop (xrf1)  }
0x37e: {  	s30 =	sadd.s32 $0x10, s30;
	v13 =	vor.u32 v14, v50;
	[tilespmem:v6+s13+$0x0] =	vst.idx.add.s32.msk vm7, v41;
	_, v6, vm3 =	vpop (xrf1)  }
0x37f: {  	[tilespmem:s30+$0x0] =	vst v10  }
0x380: {  	[tilespmem:s1+$0x0] =	vst v59  }
0x381: {  	[tilespmem:v7+s13+$0x0] =	vst.idx.add.s32.msk vm8, v47;
	_, v7, vm0 =	vpop (xrf1)  }
0x382: {  	v53 =	vand.u32 $0x7F, v60;
	v52 =	vand.u32 $0x180, v23;
	[tilespmem:v12+s13+$0x0] =	vst.idx.add.s32.msk vm9, v49;
	_, v51, vm10 =	vpop (xrf1)  }
0x383: {  	v56 =	vand.u32 $0x7F, v63;
	v55 =	vand.u32 $0x280, v26;
	[tilespmem:v13+s13+$0x0] =	vst.idx.add.s32.msk vm2, v4;
	v4 =	vor.u32 v53, v52;
	_, v54, vm11 =	vpop (xrf1)  }
0x384: {  	v5 =	vand.u32 $0x480, v5;
	[tilespmem:v18+s13+$0x0] =	vst.idx.add.s32.msk vm3, v6;
	v6 =	vor.u32 v56, v55;
	_, v57, vm12 =	vpop (xrf1)  }
0x385: {  	[tilespmem:$0x55B0] =	vst v11  }
0x386: {  	s31 =	simm.s32 $0xC600;
	[tilespmem:$0x6230] =	vst v2  }
0x387: {  	v58 =	vand.u32 $0x7F, v38;
	[tilespmem:v61+s31+$0x0] =	vst.idx.add.s32.msk vm0, v7;
	_, v7, vm0 =	vpop (xrf1)  }
0x388: {  	v8 =	vand.u32 $0x7F, v40;
	v59 =	vand.u32 $0x580, v44;
	[tilespmem:v4+s31+$0x0] =	vst.idx.add.s32.msk vm10, v51;
	v4 =	vor.u32 v58, v5;
	_, v5, vm13 =	vpop (xrf1)  }
0x389: {  	v62 =	vand.u32 $0x7F, v43;
	v61 =	vand.u32 $0x680, v25;
	[tilespmem:v6+s31+$0x0] =	vst.idx.add.s32.msk vm11, v54;
	v6 =	vor.u32 v8, v59;
	_, v60, vm14 =	vpop (xrf1)  }
0x38a: {  	v10 =	vor.u32 v62, v61;
	[tilespmem:v28+s31+$0x0] =	vst.idx.add.s32.msk vm12, v57;
	_, v63, vm15 =	vpop (xrf1)  }
0x38b: {  	[tilespmem:$0x87B0] =	vst v38  }
0x38c: {  	[tilespmem:$0x9430] =	vst v2  }
0x38d: {  	[tilespmem:v4+s31+$0x0] =	vst.idx.add.s32.msk vm0, v7  }
0x38e: {  	[tilespmem:v6+s31+$0x0] =	vst.idx.add.s32.msk vm13, v5  }
0x38f: {  	[tilespmem:v10+s31+$0x0] =	vst.idx.add.s32.msk vm14, v60  }
0x390: {  	[tilespmem:v30+s31+$0x0] =	vst.idx.add.s32.msk vm15, v63  }
0x391: {  	v4 =	vld [tilespmem:s31+$0x0];
	_ =	sdelay $0x4  }
0x392: {  	(xrf0) =	vadd.scan.msk.s32 $0xffff, v4;
	_ =	sdelay $0x5  }
0x393: {  	v5, _, _ =	vpop (xrf0)  }
0x394: {  	(v2sf) =	vpush v5, $0xF  }
0x395: {  	s1 =	simm.s32 $0x0  }
0x396: {  	v4 =	vsub.s32 s1, v4  }
0x397: {  	v4 =	vadd.s32 v5, v4  }
0x398: {  	s0 =	simm.s32 $0xC610;
	[tilespmem:s31+$0x0] =	vst v4  }
0x399: {  	s5 =	simm.s32 $0x2;
	s2 =	simm.s32 $0x1;
	s4 =	simm.s32 $0x3;
	v4 =	vld [tilespmem:s0+$0x0]  }
.LBB2_35:
0x39a: {  	p0 =	sne.s32 s4, $0x80;
	_ =	sdelay $0x3  }
0x39b: {  	(xrf0) =	vadd.scan.msk.s32 $0xffff, v4;
	_ =	sdelay $0x4  }
0x39c: {  	s6 =	sand.u32 $0xF, s2;
	s2 =	smov.u32 s5;
	s7 =	spop (v2sf)  }
0x39d: {  	s5 =	smov.u32 s4;
	p1 =	seq.s32 s6, $0x0;
	v5, _, _ =	vpop (xrf0);
	s1 =	sadd.s32 s1, s7  }
0x39e: {  	(v2sf) =	vpush v5, $0xF;
	s1 =	simm.s32 @p1 $0x0  }
.Ltmp16:
0x39f: {  	v4 =	vsub.s32 s1, v4;
	(pc) =	sbr.rel @p0 .LBB2_35-.Ltmp16, $4  }
0x3a0: {  	v4 =	vadd.s32 v5, v4  }
0x3a1: {  	[tilespmem:s0+$0x0] =	vst v4  }
0x3a2: {  	s0 =	sadd.s32 $0x10, s0  }
0x3a3: {  	s4 =	sadd.s32 $0x1, s4;
	v4 =	vld [tilespmem:s0+$0x0]  }
0x3a4: {  	_ =	sdelay $0x5  }
0x3a5: {  	(xrf0) =	vadd.scan.msk.s32 $0xffff, v4;
	_ =	sdelay $0x2  }
0x3a6: {  	s2 =	sand.u32 $0xF, s2;
	s4 =	spop (v2sf)  }
0x3a7: {  	p0 =	seq.s32 s2, $0x0;
	s1 =	sadd.s32 s1, s4  }
0x3a8: {  	s1 =	simm.s32 @p0 $0x0  }
0x3a9: {  	v5, _, _ =	vpop (xrf0);
	v4 =	vsub.s32 s1, v4  }
0x3aa: {  	v4 =	vadd.s32 v5, v4  }
0x3ab: {  	[tilespmem:s0+$0x0] =	vst v4  }
0x3ac: {  	v6 =	vld [tilespmem:$0x4980]  }
0x3ad: {  	v4 =	vld [tilespmem:$0x7B80];
	_ =	sdelay $0x4  }
0x3ae: {  	v10 =	vand.u32 $0xFF, v6;
	v7 =	vand.u32 $0xFF, v4  }
0x3af: {  	(v2sf) =	vpush v5, $0xF;
	(xrf1) =	vunique.msk.u32 $0xffff, v10;
	v5 =	vor.u32 $0x400, v7  }
0x3b0: {  	(xrf1) =	vunique.msk.u32 $0xffff, v5;
	_ =	sdelay $0xc  }
0x3b1: {  	v8 =	vld [tilespmem:$0x5600];
	_, v11, vm1 =	vpop (xrf1)  }
0x3b2: {  	s0 =	simm.s32 $0x40;
	v7 =	vld [tilespmem:$0x8800];
	s31 =	spop (v2sf);
	_, v9, vm0 =	vpop (xrf1)  }
.LBB2_37:
0x3b3: {  	v12 =	vmov v10;
	v10 =	vld.idx.msk [tilespmem:v10+s13+$0x0], $0xffff;
	_ =	sdelay $0x3  }
0x3b4: {  	s1 =	sshra.s32 s0, $0x2  }
0x3b5: {  	v13 =	vmov v6;
	v6 =	vld [tilespmem:s1+$0x4980];
	v10 =	vadd.s32 v10, v11  }
0x3b6: {  	v14 =	vmov v4;
	v4 =	vld [tilespmem:s1+$0x7B80];
	v15 =	vadd.s32 $0xFFFFFFFF, v10;
	_ =	sdelay $0x2  }
0x3b7: {  	v18 =	vmov v5  }
0x3b8: {  	v16 =	vmov v8;
	v8 =	vld [tilespmem:s1+$0x5600]  }
0x3b9: {  	v17 =	vmov v7;
	v7 =	vld [tilespmem:s1+$0x8800];
	v10 =	vand.u32 $0xFF, v6;
	v5 =	vand.u32 $0xFF, v4;
	[tilespmem:v15+s14+$0x0] =	vst.idx.msk $0xffff, v13  }
0x3ba: {  	(xrf1) =	vunique.msk.u32 $0xffff, v10;
	v5 =	vor.u32 $0x400, v5;
	[tilespmem:v15+s15+$0x0] =	vst.idx.msk $0xffff, v16  }
0x3bb: {  	(xrf1) =	vunique.msk.u32 $0xffff, v5;
	[tilespmem:v12+s13+$0x0] =	vst.idx.add.s32.msk vm1, v11  }
0x3bc: {  	v11 =	vld.idx.msk [tilespmem:v18+s13+$0x0], $0xffff;
	_ =	sdelay $0x4  }
0x3bd: {  	v63 =	vmov v9;
	v9 =	vadd.s32 v11, v9  }
0x3be: {  	v9 =	vadd.s32 $0xFFFFFFFF, v9  }
0x3bf: {  	vm2 =	vmmov vm0  }
0x3c0: {  	p0 =	sne.s32 s0, $0x30C0  }
.Ltmp17:
0x3c1: {  	_ = 	snop;
	(pc) =	sbr.rel @p0 .LBB2_37-.Ltmp17, $4  }
0x3c2: {  	_ = 	snop  }
0x3c3: {  	[tilespmem:v9+s16+$0x0] =	vst.idx.msk $0xffff, v14  }
0x3c4: {  	_, v11, vm1 =	vpop (xrf1);
	[tilespmem:v9+s17+$0x0] =	vst.idx.msk $0xffff, v17  }
0x3c5: {  	s0 =	sadd.s32 $0x40, s0;
	_, v9, vm0 =	vpop (xrf1);
	[tilespmem:v18+s13+$0x0] =	vst.idx.add.s32.msk vm2, v63  }
0x3c6: {  	_ =	sdelay $0x3  }
0x3c7: {  	v12 =	vld.idx.msk [tilespmem:v10+s13+$0x0], $0xffff;
	_ =	sdelay $0x4  }
0x3c8: {  	v12 =	vadd.s32 v12, v11  }
0x3c9: {  	v12 =	vadd.s32 $0xFFFFFFFF, v12;
	_ =	sdelay $0x4  }
0x3ca: {  	[tilespmem:v12+s14+$0x0] =	vst.idx.msk $0xffff, v6  }
0x3cb: {  	[tilespmem:v12+s15+$0x0] =	vst.idx.msk $0xffff, v8  }
0x3cc: {  	[tilespmem:v10+s13+$0x0] =	vst.idx.add.s32.msk vm1, v11  }
0x3cd: {  	v6 =	vld.idx.msk [tilespmem:v5+s13+$0x0], $0xffff;
	_ =	sdelay $0x4  }
0x3ce: {  	v6 =	vadd.s32 v6, v9  }
0x3cf: {  	v6 =	vadd.s32 $0xFFFFFFFF, v6;
	_ =	sdelay $0x4  }
0x3d0: {  	[tilespmem:v6+s16+$0x0] =	vst.idx.msk $0xffff, v4  }
0x3d1: {  	[tilespmem:v6+s17+$0x0] =	vst.idx.msk $0xffff, v7  }
0x3d2: {  	[tilespmem:v5+s13+$0x0] =	vst.idx.add.s32.msk vm0, v9  }
0x3d3: {  	v7 =	vld [tilespmem:$0x6280];
	_ =	sdelay $0x4  }
0x3d4: {  	v4 =	vshrl.u32 v7, $0x8  }
0x3d5: {  	v4 =	vand.u32 $0xFF, v4  }
0x3d6: {  	v10 =	vor.u32 $0x100, v4  }
0x3d7: {  	(xrf1) =	vunique.msk.u32 $0xffff, v10;
	_ =	sdelay $0x3  }
0x3d8: {  	v4 =	vld [tilespmem:$0x9480];
	_ =	sdelay $0x4  }
0x3d9: {  	v5 =	vshrl.u32 v4, $0x8  }
0x3da: {  	v6 =	vld.idx.msk [tilespmem:v10+s13+$0x0], $0xffff;
	v5 =	vand.u32 $0xFF, v5  }
0x3db: {  	v5 =	vor.u32 $0x500, v5  }
0x3dc: {  	(xrf1) =	vunique.msk.u32 $0xffff, v5;
	_ =	sdelay $0x1  }
0x3dd: {  	_, v11, vm0 =	vpop (xrf1)  }
0x3de: {  	v8 =	vadd.s32 v6, v11  }
0x3df: {  	s0 =	simm.s32 $0x10;
	v14 =	vld [tilespmem:$0x6F00];
	v15 =	vadd.s32 $0xFFFFFFFF, v8  }
0x3e0: {  	v9 =	vld [tilespmem:s0+$0x9480]  }
0x3e1: {  	v12 =	vld [tilespmem:s0+$0x6280]  }
0x3e2: {  	v13 =	vld [tilespmem:s0+$0x6F00]  }
0x3e3: {  	v6 =	vld [tilespmem:$0xA100]  }
0x3e4: {  	v8 =	vld [tilespmem:s0+$0xA100];
	[tilespmem:v15+s18+$0x0] =	vst.idx.msk $0xffff, v7  }
0x3e5: {  	v7 =	vshrl.u32 v9, $0x8;
	[tilespmem:v15+s19+$0x0] =	vst.idx.msk $0xffff, v14  }
0x3e6: {  	v7 =	vand.u32 $0xFF, v7;
	[tilespmem:v10+s13+$0x0] =	vst.idx.add.s32.msk vm0, v11;
	v10 =	vshrl.u32 v12, $0x8  }
0x3e7: {  	v7 =	vor.u32 $0x500, v7;
	v14 =	vld.idx.msk [tilespmem:v5+s13+$0x0], $0xffff;
	v10 =	vand.u32 $0xFF, v10  }
0x3e8: {  	(xrf1) =	vunique.msk.u32 $0xffff, v7;
	v10 =	vor.u32 $0x100, v10  }
0x3e9: {  	_, v11, vm0 =	vpop (xrf1);
	(xrf1) =	vunique.msk.u32 $0xffff, v10;
	_ =	sdelay $0x2  }
0x3ea: {  	v14 =	vadd.s32 v14, v11  }
0x3eb: {  	s0 =	simm.s32 $0x80;
	v14 =	vadd.s32 $0xFFFFFFFF, v14  }
.LBB2_39:
0x3ec: {  	_ =	sdelay $0x2  }
0x3ed: {  	p0 =	sne.s32 s0, $0x30C0;
	v15 =	vmov v12;
	v16 =	vmov v13;
	s1 =	smov.u32 s0;
	s0 =	sadd.s32 $0x40, s0  }
0x3ee: {  	[tilespmem:v14+s20+$0x0] =	vst.idx.msk $0xffff, v4;
	v4 =	vmov v9  }
0x3ef: {  	[tilespmem:v14+s21+$0x0] =	vst.idx.msk $0xffff, v6;
	v6 =	vmov v8  }
0x3f0: {  	[tilespmem:v5+s13+$0x0] =	vst.idx.add.s32.msk vm0, v11;
	v5 =	vmov v7  }
0x3f1: {  	v8 =	vld.idx.msk [tilespmem:v10+s13+$0x0], $0xffff  }
0x3f2: {  	_, v11, vm0 =	vpop (xrf1)  }
0x3f3: {  	_, v14, vm1 =	vpop (xrf1);
	_ =	sdelay $0x3  }
0x3f4: {  	v8 =	vadd.s32 v8, v14  }
0x3f5: {  	s1 =	sshra.s32 s1, $0x2;
	v17 =	vadd.s32 $0xFFFFFFFF, v8  }
0x3f6: {  	v8 =	vld [tilespmem:s1+$0xA100]  }
0x3f7: {  	v9 =	vld [tilespmem:s1+$0x9480]  }
0x3f8: {  	v12 =	vld [tilespmem:s1+$0x6280]  }
0x3f9: {  	v13 =	vld [tilespmem:s1+$0x6F00]  }
0x3fa: {  	[tilespmem:v17+s18+$0x0] =	vst.idx.msk $0xffff, v15  }
0x3fb: {  	[tilespmem:v17+s19+$0x0] =	vst.idx.msk $0xffff, v16  }
0x3fc: {  	v15 =	vshrl.u32 v9, $0x8;
	[tilespmem:v10+s13+$0x0] =	vst.idx.add.s32.msk vm1, v14  }
0x3fd: {  	v10 =	vshrl.u32 v12, $0x8;
	v14 =	vand.u32 $0xFF, v15;
	v15 =	vld.idx.msk [tilespmem:v7+s13+$0x0], $0xffff  }
0x3fe: {  	v10 =	vand.u32 $0xFF, v10;
	v7 =	vor.u32 $0x500, v14  }
0x3ff: {  	v10 =	vor.u32 $0x100, v10;
	(xrf1) =	vunique.msk.u32 $0xffff, v7  }
.Ltmp18:
0x400: {  	(xrf1) =	vunique.msk.u32 $0xffff, v10;
	(pc) =	sbr.rel @p0 .LBB2_39-.Ltmp18, $3  }
0x401: {  	_ =	sdelay $0x1  }
0x402: {  	v14 =	vadd.s32 v15, v11  }
0x403: {  	v14 =	vadd.s32 $0xFFFFFFFF, v14  }
0x404: {  	_ =	sdelay $0x3  }
0x405: {  	[tilespmem:v14+s20+$0x0] =	vst.idx.msk $0xffff, v4  }
0x406: {  	[tilespmem:v14+s21+$0x0] =	vst.idx.msk $0xffff, v6  }
0x407: {  	[tilespmem:v5+s13+$0x0] =	vst.idx.add.s32.msk vm0, v11  }
0x408: {  	v4 =	vld.idx.msk [tilespmem:v10+s13+$0x0], $0xffff;
	_ =	sdelay $0x2  }
0x409: {  	_, v5, vm0 =	vpop (xrf1)  }
0x40a: {  	_, v6, vm1 =	vpop (xrf1)  }
0x40b: {  	v4 =	vadd.s32 v4, v6  }
0x40c: {  	v4 =	vadd.s32 $0xFFFFFFFF, v4;
	_ =	sdelay $0x4  }
0x40d: {  	[tilespmem:v4+s18+$0x0] =	vst.idx.msk $0xffff, v12  }
0x40e: {  	[tilespmem:v4+s19+$0x0] =	vst.idx.msk $0xffff, v13  }
0x40f: {  	[tilespmem:v10+s13+$0x0] =	vst.idx.add.s32.msk vm1, v6  }
0x410: {  	v4 =	vld.idx.msk [tilespmem:v7+s13+$0x0], $0xffff;
	_ =	sdelay $0x4  }
0x411: {  	v4 =	vadd.s32 v4, v5  }
0x412: {  	v4 =	vadd.s32 $0xFFFFFFFF, v4;
	_ =	sdelay $0x4  }
0x413: {  	[tilespmem:v4+s20+$0x0] =	vst.idx.msk $0xffff, v9  }
0x414: {  	[tilespmem:v4+s21+$0x0] =	vst.idx.msk $0xffff, v8  }
0x415: {  	[tilespmem:v7+s13+$0x0] =	vst.idx.add.s32.msk vm0, v5  }
0x416: {  	v7 =	vld [tilespmem:$0x4980];
	_ =	sdelay $0x4  }
0x417: {  	v4 =	vshrl.u32 v7, $0x10  }
0x418: {  	v4 =	vand.u32 $0xFF, v4  }
0x419: {  	v10 =	vor.u32 $0x200, v4  }
0x41a: {  	(xrf1) =	vunique.msk.u32 $0xffff, v10;
	_ =	sdelay $0x5  }
0x41b: {  	v4 =	vld [tilespmem:$0x7B80];
	_ =	sdelay $0x4  }
0x41c: {  	v5 =	vshrl.u32 v4, $0x10  }
0x41d: {  	v6 =	vld.idx.msk [tilespmem:v10+s13+$0x0], $0xffff;
	v5 =	vand.u32 $0xFF, v5  }
0x41e: {  	v5 =	vor.u32 $0x600, v5  }
0x41f: {  	_, v11, vm0 =	vpop (xrf1);
	(xrf1) =	vunique.msk.u32 $0xffff, v5;
	_ =	sdelay $0x2  }
0x420: {  	v8 =	vadd.s32 v6, v11  }
0x421: {  	s0 =	simm.s32 $0x10;
	v14 =	vld [tilespmem:$0x5600];
	v15 =	vadd.s32 $0xFFFFFFFF, v8  }
0x422: {  	v9 =	vld [tilespmem:s0+$0x7B80]  }
0x423: {  	v12 =	vld [tilespmem:s0+$0x4980]  }
0x424: {  	v13 =	vld [tilespmem:s0+$0x5600]  }
0x425: {  	v6 =	vld [tilespmem:$0x8800]  }
0x426: {  	v8 =	vld [tilespmem:s0+$0x8800];
	[tilespmem:v15+s14+$0x0] =	vst.idx.msk $0xffff, v7  }
0x427: {  	v7 =	vshrl.u32 v9, $0x10;
	[tilespmem:v15+s15+$0x0] =	vst.idx.msk $0xffff, v14  }
0x428: {  	v7 =	vand.u32 $0xFF, v7;
	[tilespmem:v10+s13+$0x0] =	vst.idx.add.s32.msk vm0, v11;
	v10 =	vshrl.u32 v12, $0x10  }
0x429: {  	v7 =	vor.u32 $0x600, v7;
	v14 =	vld.idx.msk [tilespmem:v5+s13+$0x0], $0xffff;
	v10 =	vand.u32 $0xFF, v10  }
0x42a: {  	(xrf1) =	vunique.msk.u32 $0xffff, v7;
	v10 =	vor.u32 $0x200, v10  }
0x42b: {  	_, v11, vm0 =	vpop (xrf1);
	(xrf1) =	vunique.msk.u32 $0xffff, v10;
	_ =	sdelay $0x2  }
0x42c: {  	v14 =	vadd.s32 v14, v11  }
0x42d: {  	s0 =	simm.s32 $0x80;
	v14 =	vadd.s32 $0xFFFFFFFF, v14  }
.LBB2_41:
0x42e: {  	_ =	sdelay $0x2  }
0x42f: {  	p0 =	sne.s32 s0, $0x30C0;
	v15 =	vmov v12;
	v16 =	vmov v13;
	s1 =	smov.u32 s0;
	s0 =	sadd.s32 $0x40, s0  }
0x430: {  	[tilespmem:v14+s16+$0x0] =	vst.idx.msk $0xffff, v4;
	v4 =	vmov v9  }
0x431: {  	[tilespmem:v14+s17+$0x0] =	vst.idx.msk $0xffff, v6;
	v6 =	vmov v8  }
0x432: {  	[tilespmem:v5+s13+$0x0] =	vst.idx.add.s32.msk vm0, v11;
	v5 =	vmov v7  }
0x433: {  	v8 =	vld.idx.msk [tilespmem:v10+s13+$0x0], $0xffff  }
0x434: {  	_, v11, vm0 =	vpop (xrf1)  }
0x435: {  	_, v14, vm1 =	vpop (xrf1);
	_ =	sdelay $0x3  }
0x436: {  	v8 =	vadd.s32 v8, v14  }
0x437: {  	s1 =	sshra.s32 s1, $0x2;
	v17 =	vadd.s32 $0xFFFFFFFF, v8  }
0x438: {  	v8 =	vld [tilespmem:s1+$0x8800]  }
0x439: {  	v9 =	vld [tilespmem:s1+$0x7B80]  }
0x43a: {  	v12 =	vld [tilespmem:s1+$0x4980]  }
0x43b: {  	v13 =	vld [tilespmem:s1+$0x5600]  }
0x43c: {  	[tilespmem:v17+s14+$0x0] =	vst.idx.msk $0xffff, v15  }
0x43d: {  	[tilespmem:v17+s15+$0x0] =	vst.idx.msk $0xffff, v16  }
0x43e: {  	v15 =	vshrl.u32 v9, $0x10;
	[tilespmem:v10+s13+$0x0] =	vst.idx.add.s32.msk vm1, v14  }
0x43f: {  	v10 =	vshrl.u32 v12, $0x10;
	v14 =	vand.u32 $0xFF, v15;
	v15 =	vld.idx.msk [tilespmem:v7+s13+$0x0], $0xffff  }
0x440: {  	v10 =	vand.u32 $0xFF, v10;
	v7 =	vor.u32 $0x600, v14  }
0x441: {  	v10 =	vor.u32 $0x200, v10;
	(xrf1) =	vunique.msk.u32 $0xffff, v7  }
.Ltmp19:
0x442: {  	(xrf1) =	vunique.msk.u32 $0xffff, v10;
	(pc) =	sbr.rel @p0 .LBB2_41-.Ltmp19, $3  }
0x443: {  	_ =	sdelay $0x1  }
0x444: {  	v14 =	vadd.s32 v15, v11  }
0x445: {  	v14 =	vadd.s32 $0xFFFFFFFF, v14  }
0x446: {  	_ =	sdelay $0x3  }
0x447: {  	[tilespmem:v14+s16+$0x0] =	vst.idx.msk $0xffff, v4  }
0x448: {  	[tilespmem:v14+s17+$0x0] =	vst.idx.msk $0xffff, v6  }
0x449: {  	[tilespmem:v5+s13+$0x0] =	vst.idx.add.s32.msk vm0, v11  }
0x44a: {  	v4 =	vld.idx.msk [tilespmem:v10+s13+$0x0], $0xffff;
	_ =	sdelay $0x2  }
0x44b: {  	_, v5, vm0 =	vpop (xrf1)  }
0x44c: {  	_, v6, vm1 =	vpop (xrf1)  }
0x44d: {  	v4 =	vadd.s32 v4, v6  }
0x44e: {  	v4 =	vadd.s32 $0xFFFFFFFF, v4;
	_ =	sdelay $0x4  }
0x44f: {  	[tilespmem:v4+s14+$0x0] =	vst.idx.msk $0xffff, v12  }
0x450: {  	[tilespmem:v4+s15+$0x0] =	vst.idx.msk $0xffff, v13  }
0x451: {  	[tilespmem:v10+s13+$0x0] =	vst.idx.add.s32.msk vm1, v6  }
0x452: {  	v4 =	vld.idx.msk [tilespmem:v7+s13+$0x0], $0xffff;
	_ =	sdelay $0x4  }
0x453: {  	v4 =	vadd.s32 v4, v5  }
0x454: {  	v4 =	vadd.s32 $0xFFFFFFFF, v4;
	_ =	sdelay $0x4  }
0x455: {  	[tilespmem:v4+s16+$0x0] =	vst.idx.msk $0xffff, v9  }
0x456: {  	[tilespmem:v4+s17+$0x0] =	vst.idx.msk $0xffff, v8  }
0x457: {  	s0 =	simm.s32 $0x3;
	[tilespmem:v7+s13+$0x0] =	vst.idx.add.s32.msk vm0, v5  }
0x458: {  	_ =	swait.ge [sflag:s0], $0x1880  }
0x459: {  	[sflag:s0] =	ssyncset.done $0x0  }
0x45a: {  	[sflag:s0] =	ssyncadd.s32 $0xFFFFE780  }
0x45b: {  	v7 =	vld [tilespmem:$0x6280]  }
0x45c: {  	v4 =	vld [tilespmem:$0x9480];
	_ =	sdelay $0x3  }
0x45d: {  	v5 =	vshrl.u32 v7, $0x18  }
0x45e: {  	v10 =	vor.u32 $0x300, v5;
	v5 =	vshrl.u32 v4, $0x18  }
0x45f: {  	(xrf1) =	vunique.msk.u32 $0xffff, v10;
	v5 =	vor.u32 $0x700, v5  }
0x460: {  	(xrf1) =	vunique.msk.u32 $0xffff, v5;
	_ =	sdelay $0xc  }
0x461: {  	v9 =	vld [tilespmem:$0x6F00];
	_, v11, vm1 =	vpop (xrf1)  }
0x462: {  	s0 =	simm.s32 $0x40;
	v6 =	vld [tilespmem:$0xA100];
	_, v8, vm0 =	vpop (xrf1)  }
.LBB2_43:
0x463: {  	v12 =	vmov v10;
	v10 =	vld.idx.msk [tilespmem:v10+s13+$0x0], $0xffff;
	_ =	sdelay $0x3  }
0x464: {  	s1 =	sshra.s32 s0, $0x2  }
0x465: {  	v13 =	vmov v7;
	v7 =	vld [tilespmem:s1+$0x6280];
	v10 =	vadd.s32 v10, v11  }
0x466: {  	v14 =	vmov v4;
	v4 =	vld [tilespmem:s1+$0x9480];
	v15 =	vadd.s32 $0xFFFFFFFF, v10;
	_ =	sdelay $0x1  }
0x467: {  	vm2 =	vgt.s32 v13, $0xFFFFFFFF  }
0x468: {  	v18 =	vmov v5;
	v10 =	vsel vm2, $0xFFFFFFFF, v3  }
0x469: {  	v16 =	vmov v9;
	v9 =	vld [tilespmem:s1+$0x6F00];
	v5 =	vshrl.u32 v7, $0x18;
	v13 =	vxor.u32 v13, v10  }
0x46a: {  	v17 =	vmov v6;
	v6 =	vld [tilespmem:s1+$0xA100];
	v10 =	vor.u32 $0x300, v5;
	v5 =	vshrl.u32 v4, $0x18;
	[tilespmem:v15+s23+$0x0] =	vst.idx.msk $0xffff, v13  }
0x46b: {  	(xrf1) =	vunique.msk.u32 $0xffff, v10;
	v5 =	vor.u32 $0x700, v5;
	[tilespmem:v15+s22+$0x0] =	vst.idx.msk $0xffff, v16  }
0x46c: {  	(xrf1) =	vunique.msk.u32 $0xffff, v5;
	[tilespmem:v12+s13+$0x0] =	vst.idx.add.s32.msk vm1, v11  }
0x46d: {  	v11 =	vld.idx.msk [tilespmem:v18+s13+$0x0], $0xffff;
	_ =	sdelay $0x4  }
0x46e: {  	v63 =	vmov v8;
	v8 =	vadd.s32 v11, v8  }
0x46f: {  	vm2 =	vmmov vm0;
	vm0 =	vgt.s32 v14, $0xFFFFFFFF;
	v8 =	vadd.s32 $0xC3F, v8  }
0x470: {  	v11 =	vsel vm0, $0xFFFFFFFF, v3  }
0x471: {  	p0 =	sne.s32 s0, $0x30C0;
	v11 =	vxor.u32 v14, v11  }
.Ltmp20:
0x472: {  	_ = 	snop;
	(pc) =	sbr.rel @p0 .LBB2_43-.Ltmp20, $4  }
0x473: {  	_ = 	snop  }
0x474: {  	[tilespmem:v8+s23+$0x0] =	vst.idx.msk $0xffff, v11  }
0x475: {  	_, v11, vm1 =	vpop (xrf1);
	[tilespmem:v8+s22+$0x0] =	vst.idx.msk $0xffff, v17  }
0x476: {  	s0 =	sadd.s32 $0x40, s0;
	_, v8, vm0 =	vpop (xrf1);
	[tilespmem:v18+s13+$0x0] =	vst.idx.add.s32.msk vm2, v63  }
0x477: {  	_ =	sdelay $0x3  }
0x478: {  	v12 =	vld.idx.msk [tilespmem:v10+s13+$0x0], $0xffff;
	_ =	sdelay $0x4  }
0x479: {  	v12 =	vadd.s32 v12, v11  }
0x47a: {  	v12 =	vadd.s32 $0xFFFFFFFF, v12;
	_ =	sdelay $0x1  }
0x47b: {  	vm2 =	vgt.s32 v7, $0xFFFFFFFF  }
0x47c: {  	v13 =	vsel vm2, $0xFFFFFFFF, v3  }
0x47d: {  	v62 =	vxor.u32 v7, v13  }
0x47e: {  	[tilespmem:v12+s23+$0x0] =	vst.idx.msk $0xffff, v62  }
0x47f: {  	[tilespmem:v12+s22+$0x0] =	vst.idx.msk $0xffff, v9  }
0x480: {  	[tilespmem:v10+s13+$0x0] =	vst.idx.add.s32.msk vm1, v11  }
0x481: {  	v7 =	vld.idx.msk [tilespmem:v5+s13+$0x0], $0xffff;
	_ =	sdelay $0x4  }
0x482: {  	v7 =	vadd.s32 v7, v8  }
0x483: {  	v7 =	vadd.s32 $0xC3F, v7;
	_ =	sdelay $0x1  }
0x484: {  	vm15 =	vgt.s32 v4, $0xFFFFFFFF  }
0x485: {  	v63 =	vsel vm15, $0xFFFFFFFF, v3  }
0x486: {  	s28 =	sadd.s32 $0x1, s28;
	v4 =	vxor.u32 v4, v63  }
0x487: {  	p0 =	sne.s32 s28, $0x10;
	[tilespmem:v7+s23+$0x0] =	vst.idx.msk $0xffff, v4  }
.Ltmp21:
0x488: {  	s0 =	sshrl.u32 s29, $0x3;
	s1 =	rddreg [dreg:$0x4];
	[tilespmem:v7+s22+$0x0] =	vst.idx.msk $0xffff, v6;
	(pc) =	sbr.rel @p0 .LBB2_2-.Ltmp21, $4  }
0x489: {  	s31 =	rddreg [dreg:$0x5];
	s1 =	sadd.s32 s1, s0;
	[tilespmem:v5+s13+$0x0] =	vst.idx.add.s32.msk vm0, v8  }
0x48a: {  	[hbm4b:s1+s3] =	stream.linear.scatter [tilespmem:s23], [sflag:$0x2], $0x1880, $0x38;
	[tilespmem:$0xCE00] =	vst v63  }
0x48b: {  	s0 =	sadd.s32 s31, s0  }
0x48c: {  	[hbm4b:s0+s3] =	stream.linear.scatter [tilespmem:s22], [sflag:$0x3], $0x1880, $0x38;
	[tilespmem:$0xCE00] =	vst v63  }
0x48d: {  	s0 =	simm.s32 $0x2  }
0x48e: {  	_ =	swait.ge [sflag:s0], $0x1880  }
0x48f: {  	[sflag:s0] =	ssyncset.done $0x0  }
0x490: {  	[sflag:s0] =	ssyncadd.s32 $0xFFFFE780  }
0x491: {  	_ =	swait.ge [sflag:s0], $0x1880  }
0x492: {  	[sflag:s0] =	ssyncset.done $0x0  }
0x493: {  	s1 =	simm.s32 $0x3;
	[sflag:s0] =	ssyncadd.s32 $0xFFFFE780  }
0x494: {  	_ =	swait.ge [sflag:s1], $0x1880  }
0x495: {  	s2 =	rddreg [dreg:$0xa]  }
0x496: {  	s31 =	rddreg [dreg:$0x9];
	s2 =	sadd.s32 $0x1, s2  }
0x497: {  	p0 =	sne.s32 s2, s31  }
.Ltmp22:
0x498: {  	_ = 	snop;
	(pc) =	sbr.rel @p0 .LBB2_1-.Ltmp22, $3  }
0x499: {  	_ =	sdelay $0x1  }
0x49a: {  	[sflag:s1] =	ssyncset.done $0x0  }
0x49b: {  	[sflag:s1] =	ssyncadd.s32 $0xFFFFE780  }
0x49c: {  	_ =	sfence.sel $0x180000  }
0x49d: {  	[bflag:$0x0] =	sbarrier.arrive $0xFFFF  }
0x49e: {  	_ =	strace $0x90000047  }
0x49f: {  	s0 =	stileid.u32;
	[bflag:$0x2] =	sbarrier.arrive $0xFFFF  }
0x4a0: {  	p0 =	sne.s32 s0, $0x0;
	s0 =	rddreg [dreg:$0x2]  }
0x4a1: {  	s0 =	sadd.s32 @!p0 $0x100000, s0  }
0x4a2: {  	[sflag:s0] =	ssyncadd.tile.s32 @!p0 $0x1;
	_ =	shalt  }
.Lfunc_end2:
_tile_overlayer_lowered:
.L_overlay_start_2:
0x4a3: {  	(tag) =	ssettag $0x2  }
0x4a4: {  	s0 =	rddreg [dreg:$0x0];
	s2 =	stileid.u32  }
0x4a5: {  	s1 =	rddreg [dreg:$0x1];
	p0 =	sne.s32 s2, $0x0  }
0x4a6: {  	s3 =	rddreg [dreg:$0x2];
	[bflag:$0x3] =	sbarrier.arrive $0xFFFF;
	s2 =	simm.s32 @!p0 $0x1C04  }
0x4a7: {  	[timem:s3], [sflag:s2] =	dma.local @!p0 [hbm:s0], s1  }
0x4a8: {  	s0 =	simm.s32 @!p0 $0x4  }
0x4a9: {  	_ =	swait.ge @!p0 [sflag:s0], s1  }
0x4aa: {  	s1 =	ssub.s32 @!p0 $0x0, s1;
	[sflag:s0] =	ssyncset.done @!p0 $0x0  }
0x4ab: {  	[sflag:s0] =	ssyncadd.s32 @!p0 s1  }
0x4ac: {  	[bflag:$0x3] =	sbarrier.arrive $0xFFFF  }
0x4ad: {  	_ =	shalt  }

// kernel: kernel.7.cloned.1.call-start
scs
__scs_entry_jumppad:
0x0: {  	(pc) =	sbr.rel $0x88, $3  }
0x1: {  	(tag) =	ssettag $0x0;
	lr =	simm.s32 $0x1  }
0x2: {  	[smem:$0x3F9E] =	sst lr;
	_ =	strace $0xD0000000  }
0x3: {  	_ = 	snop  }
0x4: {  	_ = 	snop  }
0x5: {  	_ = 	snop  }
0x6: {  	_ = 	snop  }
0x7: {  	_ = 	snop  }
__scs_overlays_trampoline_lowered:
0x8: {  	[smem:$0x3FAD] =	sst s0  }
0x9: {  	[smem:$0x3FAE] =	sst s1  }
0xa: {  	[smem:$0x3FAF] =	sst s2  }
0xb: {  	[smem:$0x3FB0] =	sst s3  }
0xc: {  	[smem:$0x3FB1] =	sst s4  }
0xd: {  	[smem:$0x3FB2] =	sst s5  }
0xe: {  	[smem:$0x3FB3] =	sst s6  }
0xf: {  	[smem:$0x3FB4] =	sst s7  }
0x10: {  	[smem:$0x3FB5] =	sst s8  }
0x11: {  	[smem:$0x3FB6] =	sst s9;
	s0 =	simm.s32 @!p0 $0x0  }
0x12: {  	s1 =	sld [smem:$0x3F9C];
	s0 =	simm.s32 @p0 $0x1  }
0x13: {  	[smem:$0x3FB7] =	sst s0;
	s0 =	simm.s32 @!p1 $0x0  }
0x14: {  	s2 =	sld [smem:$0x3F9B];
	s0 =	simm.s32 @p1 $0x1  }
0x15: {  	[smem:$0x3FB8] =	sst s0;
	s0 =	simm.s32 @!p2 $0x0  }
0x16: {  	s3 =	sld [smem:$0x3FDB];
	s0 =	simm.s32 @p2 $0x1  }
0x17: {  	s4 =	simm.s32 $0x1BF5;
	[smem:$0x3FBA] =	sst s0  }
0x18: {  	s0 =	sld [smem:$0x3F9D];
	_ =	swait.ge [sflag:s4], $0x0  }
0x19: {  	s7 =	sld [smem:$0x3F9E]  }
0x1a: {  	s8 =	sadd.s32 $0xFFFFE003, lr  }
0x1b: {  	s9 =	sadd.s32 $0xFFFFFEF7, lr;
	s5 =	simm.s32 $0xFFFFFFFF;
	p2 =	slt.u32 s8, $0xFFFFF086  }
0x1c: {  	p1 =	slt.u32 s9, $0xF7A;
	s5 =	simm.s32 @!p2 $0x0  }
0x1d: {  	s5 =	simm.s32 @p1 $0x1;
	p0 =	seq.s32 s7, s2  }
0x1e: {  	s7 =	smul.u32 @!p0 $0xF7A, s2;
	p2 =	seq.s32 @!p0 s5, $0x0  }
0x1f: {  	s9 =	smul.u32 $0xF7A, s1;
	s8 =	simm.s32 @!p0 $0x1BF5;
	p2 =	por !p2, p0  }
0x20: {  	[sflag:s8] =	ssyncset.s32 @!p0 $0xFFFFF086;
	s6 =	sadd.s32 @!p0 s3, s7;
	s7 =	simm.s32 @!p0 $0x108  }
0x21: {  	s3 =	sadd.s32 s3, s9;
	s6 =	sadd.s32 @!p0 $0x88, s6;
	s7 =	simm.s32 @p2 $0x1082  }
0x22: {  	[simem:s7], [sflag:s8] =	dma.local @!p0 [hbm:s6], $0xF7A  }
0x23: {  	s9 =	sor.u32 $0xD0000000, s2;
	s6 =	simm.s32 $0x108;
	_ =	swait.ge @!p0 [sflag:s8], $0x0  }
0x24: {  	s3 =	sadd.s32 $0x88, s3;
	s6 =	simm.s32 @!p1 $0x1082;
	[sflag:s4] =	ssyncset.s32 $0xFFFFF086  }
0x25: {  	[simem:s6], [sflag:s4] =	dma.local [hbm:s3], $0xF7A  }
0x26: {  	[smem:$0x3F9E] =	sst s1;
	(tag) =	ssettag s2;
	_ =	strace s9  }
0x27: {  	s1 =	sld [smem:$0x3FAE]  }
0x28: {  	s2 =	sld [smem:$0x3FAF]  }
0x29: {  	s4 =	sld [smem:$0x3FB1]  }
0x2a: {  	p0 =	seq.s32 s5, $0x0;
	s5 =	sld [smem:$0x3FB2]  }
0x2b: {  	s6 =	sld [smem:$0x3FB3]  }
0x2c: {  	s7 =	sld [smem:$0x3FB4]  }
0x2d: {  	s3 =	simm.s32 $0x108;
	s8 =	sld [smem:$0x3FB5]  }
0x2e: {  	s3 =	simm.s32 @!p0 $0x1082;
	s9 =	sld [smem:$0x3FB6]  }
0x2f: {  	lr =	sadd.s32 s0, s3;
	s0 =	sld [smem:$0x3FAD]  }
0x30: {  	s3 =	sld [smem:$0x3FB0]  }
0x31: {  	[smem:$0x3FB9] =	sst s10  }
0x32: {  	s10 =	sld [smem:$0x3FB7];
	_ =	sdelay $0x3  }
0x33: {  	p0 =	seq.s32 s10, $0x1;
	s10 =	sld [smem:$0x3FB9];
	_ =	sdelay $0x3  }
0x34: {  	[smem:$0x3FB9] =	sst s10  }
0x35: {  	s10 =	sld [smem:$0x3FB8];
	_ =	sdelay $0x3  }
0x36: {  	p1 =	seq.s32 s10, $0x1;
	s10 =	sld [smem:$0x3FB9];
	_ =	sdelay $0x3  }
0x37: {  	[smem:$0x3FB9] =	sst s10  }
0x38: {  	s10 =	sld [smem:$0x3FBA]  }
0x39: {  	_ = 	snop;
	(pc) =	sbr.ind lr, $3  }
0x3a: {  	_ = 	snop  }
0x3b: {  	_ = 	snop  }
0x3c: {  	p2 =	seq.s32 s10, $0x1;
	s10 =	sld [smem:$0x3FB9]  }
0x3d: {  	_ =	shalt  }
0x3e: {  	_ =	shalt  }
0x3f: {  	_ =	shalt  }
0x40: {  	_ =	shalt  }
0x41: {  	_ =	shalt  }
0x42: {  	_ =	shalt  }
0x43: {  	_ =	shalt  }
0x44: {  	_ =	shalt  }
0x45: {  	_ =	shalt  }
0x46: {  	_ =	shalt  }
0x47: {  	_ =	shalt  }
0x48: {  	_ =	shalt  }
0x49: {  	_ =	shalt  }
0x4a: {  	_ =	shalt  }
0x4b: {  	_ =	shalt  }
0x4c: {  	_ =	shalt  }
0x4d: {  	_ =	shalt  }
0x4e: {  	_ =	shalt  }
0x4f: {  	_ =	shalt  }
0x50: {  	_ =	shalt  }
0x51: {  	_ =	shalt  }
0x52: {  	_ =	shalt  }
0x53: {  	_ =	shalt  }
0x54: {  	_ =	shalt  }
0x55: {  	_ =	shalt  }
0x56: {  	_ =	shalt  }
0x57: {  	_ =	shalt  }
0x58: {  	_ =	shalt  }
0x59: {  	_ =	shalt  }
0x5a: {  	_ =	shalt  }
0x5b: {  	_ =	shalt  }
0x5c: {  	_ =	shalt  }
0x5d: {  	_ =	shalt  }
0x5e: {  	_ =	shalt  }
0x5f: {  	_ =	shalt  }
0x60: {  	_ =	shalt  }
0x61: {  	_ =	shalt  }
0x62: {  	_ =	shalt  }
0x63: {  	_ =	shalt  }
0x64: {  	_ =	shalt  }
0x65: {  	_ =	shalt  }
0x66: {  	_ =	shalt  }
0x67: {  	_ =	shalt  }
0x68: {  	_ =	shalt  }
0x69: {  	_ =	shalt  }
0x6a: {  	_ =	shalt  }
0x6b: {  	_ =	shalt  }
0x6c: {  	_ =	shalt  }
0x6d: {  	_ =	shalt  }
0x6e: {  	_ =	shalt  }
0x6f: {  	_ =	shalt  }
0x70: {  	_ =	shalt  }
0x71: {  	_ =	shalt  }
0x72: {  	_ =	shalt  }
0x73: {  	_ =	shalt  }
0x74: {  	_ =	shalt  }
0x75: {  	_ =	shalt  }
0x76: {  	_ =	shalt  }
0x77: {  	_ =	shalt  }
0x78: {  	_ =	shalt  }
0x79: {  	_ =	shalt  }
0x7a: {  	_ =	shalt  }
0x7b: {  	_ =	shalt  }
0x7c: {  	_ =	shalt  }
0x7d: {  	_ =	shalt  }
0x7e: {  	_ =	shalt  }
0x7f: {  	_ =	shalt  }
0x80: {  	_ =	shalt  }
0x81: {  	_ =	shalt  }
0x82: {  	_ =	shalt  }
0x83: {  	_ =	shalt  }
0x84: {  	_ =	shalt  }
0x85: {  	_ =	shalt  }
0x86: {  	_ =	shalt  }
0x87: {  	_ =	shalt  }
.Lfunc_end0:
.L_simem_size_0:
called_computation.2_lowered:
.L_overlay_start_0:
0x88: {  	s2 =	sld [smem:$0x3FD9]  }
0x89: {  	s3 =	sld [smem:$0x3FFE];
	_ =	sdelay $0x1  }
0x8a: {  	s1 =	srdreg.scid  }
0x8b: {  	s0 =	sand.u32 $0x1, s1  }
0x8c: {  	s17 =	sshll.u32 s0, $0xA;
	s2 =	sadd.s32 s3, s2  }
0x8d: {  	s2 =	sadd.s32 s2, s17  }
0x8e: {  	[smem:$0x3FC5] =	sst s2  }
0x8f: {  	_ = 	snop  }
0x90: {  	s2 =	sld [smem:$0x3FC8]  }
0x91: {  	s18 =	sld [smem:$0x3FC7]  }
0x92: {  	s4 =	sld [smem:$0x3FD0];
	(tm) =	ssettm $0x1  }
0x93: {  	s5 =	sld [smem:$0x3FFB];
	_ =	sdelay $0x3  }
0x94: {  	_ =	strace s5  }
0x95: {  	s5 =	sld [smem:$0x3FFC];
	_ =	sdelay $0x3  }
0x96: {  	_ =	strace s5  }
0x97: {  	s5 =	sld [smem:$0x3FFD];
	_ =	sdelay $0x3  }
0x98: {  	_ =	strace s5  }
0x99: {  	_ =	strace $0x8FFFFFFF  }
0x9a: {  	s19 =	sld [smem:$0x3FDB];
	_ =	sdelay $0x1  }
0x9b: {  	s6 =	simm.s32 $_scs_section_size  }
0x9c: {  	s7 =	simm.s32 $_size__tile_overlayer_lowered;
	s8 =	simm.s32 $_tile_overlayer_lowered  }
0x9d: {  	s22 =	simm.s32 $0x1BFF;
	s21 =	sshll.u32 s8, $0x1;
	s5 =	sadd.s32 s6, s19  }
0x9e: {  	s9 =	simm.s32 $0x0;
	s20 =	sshll.u32 s7, $0x1;
	s7 =	sadd.s32 s21, s5  }
0x9f: {  	[timem:s9], [sflag:s22] =	dma.local [hbm:s7], s20  }
0xa0: {  	_ =	swait.ge [sflag:s22], s20  }
0xa1: {  	s6 =	ssub.s32 $0x0, s20;
	[sflag:s22] =	ssyncset.done $0x0  }
0xa2: {  	[sflag:s22] =	ssyncadd.s32 s6;
	_ =	sdelay $0x1  }
0xa3: {  	s23 =	simm.s32 $0x1B8B  }
0xa4: {  	_ =	swait.ge [sflag:s23], $0x1  }
0xa5: {  	[sflag:s23] =	ssyncset.done $0x0  }
0xa6: {  	s25 =	simm.s32 $0x1B8E;
	s24 =	sld [smem:$0x3FFE];
	[sflag:s23] =	ssyncadd.s32 $0xFFFFFFFF  }
0xa7: {  	s26 =	simm.s32 $execute0_lowered;
	[smem:$0x3FD2] =	sst s25  }
0xa8: {  	s7 =	sshll.u32 s26, $0x1;
	_ =	strace $0x80000049;
	[dreg:$0x1] =	wrdreg $0xFFFFFFFF  }
0xa9: {  	s28 =	simm.s32 $_size_execute0_lowered;
	s5 =	sadd.s32 s5, s7;
	[dreg:$0x0] =	wrdreg $0x0  }
0xaa: {  	s7 =	sshll.u32 s28, $0x1;
	[dreg:$0x2] =	wrdreg s5  }
0xab: {  	[dreg:$0x3] =	wrdreg s7  }
0xac: {  	[dreg:$0x4] =	wrdreg $0xC0  }
0xad: {  	_ =	task [dreg:s9], $0x5FFFF  }
0xae: {  	[dreg:$0x1] =	wrdreg $0xFFFFFFFF  }
0xaf: {  	[dreg:$0x0] =	wrdreg $0x60  }
0xb0: {  	[dreg:$0x2] =	wrdreg s2  }
0xb1: {  	[dreg:$0x3] =	wrdreg s18  }
0xb2: {  	[dreg:$0x4] =	wrdreg s24  }
0xb3: {  	[dreg:$0x5] =	wrdreg s4  }
0xb4: {  	[dreg:$0x6] =	wrdreg $0x9  }
0xb5: {  	_ =	task.clear_ibuf [dreg:s9], $0x7FFFF;
	_ =	strace $0x90000049  }
0xb6: {  	s29 =	simm.s32 $0x9;
	_ =	strace $0x8000004B  }
0xb7: {  	_ =	swait.ge [sflag:s29], $0x1  }
0xb8: {  	[sflag:s29] =	ssyncadd.s32 $0xFFFFFFFF  }
0xb9: {  	_ =	strace $0x9000004B  }
0xba: {  	_ =	sfence  }
0xbb: {  	s30 =	sld [smem:$0x0];
	_ =	sdelay $0x2  }
0xbc: {  	s31 =	sshll.u32 s1, $0xD;
	s1 =	sshrl.u32 s1, $0x2  }
0xbd: {  	s3 =	sand.u32 $0x4000, s31;
	s1 =	sadd.s32 s1, s30  }
0xbe: {  	s0 =	sor.u32 s3, s0;
	s1 =	sshll.u32 s1, $0x11  }
0xbf: {  	s0 =	sor.u32 s1, s0  }
0xc0: {  	s0 =	sadd.s32 $0x8F2B, s0  }
0xc1: {  	[sflag:s0] =	ssyncadd.remote.s32 $0x1  }
0xc2: {  	_ =	sfence.sel $0xFFFF  }
0xc3: {  	[dreg:$0x0] =	wrdreg $0xFFFFFFFF;
	(pc) =	sbr.abs _section_cstart, $3  }
0xc4: {  	[dreg:$0x1] =	wrdreg $0xFFFFFFFF  }
0xc5: {  	_ =	task.clear_ibuf [dreg:s9], $0x2FFFF;
	_ =	strace $0x9FFFFFFF  }
0xc6: {  	(tm) =	ssettm $0x7FFFFFFF  }
0xc7: {  	_ =	shalt  }
tec
execute0_lowered:
.L_overlay_start_1:
0x0: {  	(tag) =	ssettag $0x1  }
0x1: {  	s2 =	rddreg [dreg:$0x1]  }
0x2: {  	s0 =	rddreg [dreg:$0x2]  }
0x3: {  	s3 =	rddreg [dreg:$0x3];
	s5 =	simm.s32 $0x0  }
0x4: {  	s4 =	srdreg.scid;
	s1 =	stileid.u32;
	s14 =	simm.s32 $0x3  }
0x5: {  	s15 =	simm.s32 $0x80;
	s16 =	simm.s32 $0x100;
	s17 =	simm.s32 $0x1A00  }
0x6: {  	s18 =	simm.s32 $0x3300;
	s19 =	simm.s32 $0xD80;
	s20 =	simm.s32 $0x2680  }
0x7: {  	s21 =	simm.s32 $0x3F80;
	s22 =	simm.s32 $0x4C00;
	s23 =	simm.s32 $0x5880  }
0x8: {  	s24 =	simm.s32 $0x2;
	s4 =	sand.u32 $0x1, s4;
	s7 =	sshll.u32 s1, $0x1  }
0x9: {  	s25 =	simm.s32 $0x0;
	[smem:$0x7FF] =	sst s5;
	s10 =	sor.u32 s4, s7  }
0xa: {  	s6 =	sadd.s32 $0x1000, s0;
	p1 =	seq.s32 s4, $0x1;
	p0 =	seq.s32 s10, $0x0  }
0xb: {  	_ =	strace $0x8000004A;
	s8 =	ssub.s32 $0x2, s4;
	p0 =	por !p0, !p1  }
0xc: {  	s7 =	sadd.s32 $0x127000, s0;
	s4 =	simm.s32 $0x1;
	p0 =	por !p0, !p0  }
0xd: {  	s9 =	sshrl.u32 s8, $0x1;
	s12 =	smul.u32 $0x9300, s10;
	s4 =	simm.s32 @!p0 $0x0  }
0xe: {  	s31 =	ssub.s32 s8, s9;
	s9 =	simm.s32 $0x60;
	s4 =	ssub.s32 s1, s4  }
0xf: {  	v1 =	vlaneseq.u32;
	s10 =	smul.u32 $0x60, s10;
	s8 =	simm.s32 $0x1;
	s9 =	simm.s32 @!p1 $0x0;
	v0 =	vmov s4  }
0x10: {  	s11 =	sadd.s32 s6, s12;
	s12 =	sadd.s32 s7, s12;
	s13 =	smax.u32 s31, $0x1;
	vm0 =	veq.s32 v0, v1  }
.LBB2_1:
0x11: {  	s0 =	rddreg [dreg:$0x0]  }
0x12: {  	[tilespmem:s5], [sflag:$0x3] =	stream.linear.gather [hbm4b:s0+s5], $0x80, $0x38;
	[tilespmem:$0x6500] =	vst v63  }
0x13: {  	_ =	swait.ge [sflag:s14], $0x80  }
0x14: {  	[sflag:s14] =	ssyncset.done $0x0  }
0x15: {  	[sflag:s14] =	ssyncadd.s32 $0xFFFFFF80  }
0x16: {  	[tilespmem:s15], [sflag:$0x3] =	stream.linear.gather [hbm4b:s2+s5], $0x80, $0x38;
	[tilespmem:$0x6500] =	vst v63  }
0x17: {  	_ =	swait.ge [sflag:s14], $0x80  }
0x18: {  	[sflag:s14] =	ssyncset.done $0x0  }
0x19: {  	[sflag:s14] =	ssyncadd.s32 $0xFFFFFF80  }
0x1a: {  	v0 =	vld [tilespmem:$0x80];
	_ =	sdelay $0x4  }
0x1b: {  	v0 =	vnsel vm0, $0x0, v0  }
0x1c: {  	(xrf0) =	vadd.scan.msk.s32 $0xffff, v0;
	_ =	sdelay $0x5  }
0x1d: {  	v0, _, _ =	vpop (xrf0)  }
0x1e: {  	(v2sf) =	vpush v0, $0xF;
	_ =	sdelay $0x5  }
0x1f: {  	v0 =	vld [tilespmem:$0x0];
	_ =	sdelay $0x4  }
0x20: {  	v0 =	vnsel vm0, $0x0, v0  }
0x21: {  	(xrf2) =	vadd.scan.msk.f32 $0xffff, v0;
	_ =	sdelay $0x2  }
0x22: {  	s31 =	spop (v2sf)  }
0x23: {  	s0 =	smul.u32 $0xC0, s31;
	_ =	sdelay $0x1  }
0x24: {  	s26 =	sadd.s32 s9, s0  }
0x25: {  	s0 =	smul.u32 $0xC40, s26  }
0x26: {  	[tilespmem:s16], [sflag:$0x1] =	stream.linear.gather [hbm4b:s11+s5], $0xC40, $0x38;
	[tilespmem:$0x6500] =	vst v63  }
0x27: {  	s0 =	sshrl.u32 s0, $0x3  }
0x28: {  	v0, _, _ =	vpop (xrf2);
	s0 =	sadd.s32 s6, s0  }
0x29: {  	v0 =	vbroadcast v0, $0xF;
	[tilespmem:s17], [sflag:$0x1] =	stream.linear.gather [hbm4b:s0+s5], $0xC40, $0x38;
	[tilespmem:$0x6500] =	vst v63  }
0x2a: {  	s28 =	simm.s32 $0x0  }
0x2b: {  	v1 =	vsub.f32 $1.000000000e+00, v0;
	[tilespmem:s18], [sflag:$0x1] =	stream.linear.gather [hbm4b:s12+s5], $0xC40, $0x38;
	[tilespmem:$0x6500] =	vst v63  }
.LBB2_2:
0x2c: {  	_ =	swait.ge [sflag:s8], $0xC40  }
0x2d: {  	[sflag:s8] =	ssyncset.done $0x0  }
0x2e: {  	[sflag:s8] =	ssyncadd.s32 $0xFFFFF3C0  }
0x2f: {  	s0 =	sshllo.u32 s28, $0x1;
	_ =	swait.ge [sflag:s8], $0xC40  }
0x30: {  	s4 =	sadd.s32 s10, s0;
	[sflag:s8] =	ssyncset.done $0x0  }
0x31: {  	s0 =	sadd.s32 s26, s0;
	s29 =	smul.u32 $0x188, s4;
	[sflag:s8] =	ssyncadd.s32 $0xFFFFF3C0  }
0x32: {  	s0 =	smul.u32 $0xC40, s0;
	_ =	swait.ge [sflag:s8], $0xC40  }
0x33: {  	[sflag:s8] =	ssyncset.done $0x0  }
0x34: {  	s4 =	sadd.s32 s6, s29;
	s0 =	sshrl.u32 s0, $0x3;
	[sflag:s8] =	ssyncadd.s32 $0xFFFFF3C0  }
0x35: {  	[tilespmem:s19], [sflag:$0x1] =	stream.linear.gather [hbm4b:s4+s5], $0xC40, $0x38;
	[tilespmem:$0x6500] =	vst v63  }
0x36: {  	p0 =	seq.s32 s28, $0x0;
	s0 =	sadd.s32 s6, s0  }
0x37: {  	[tilespmem:s20], [sflag:$0x1] =	stream.linear.gather [hbm4b:s0+s5], $0xC40, $0x38;
	[tilespmem:$0x6500] =	vst v63  }
0x38: {  	s4 =	sadd.s32 s7, s29;
	s0 =	simm.s32 @!p0 $0x2  }
0x39: {  	[tilespmem:s21], [sflag:$0x1] =	stream.linear.gather [hbm4b:s4+s5], $0xC40, $0x38;
	[tilespmem:$0x6500] =	vst v63  }
0x3a: {  	_ =	swait.ge @!p0 [sflag:s0], $0xC40  }
0x3b: {  	[sflag:s0] =	ssyncset.done @!p0 $0x0  }
0x3c: {  	[sflag:s0] =	ssyncadd.s32 @!p0 $0xFFFFF3C0  }
0x3d: {  	v3 =	vld [tilespmem:$0x100]  }
0x3e: {  	v4 =	vld [tilespmem:$0x1A00]  }
0x3f: {  	v2 =	vld [tilespmem:$0x3300];
	_ =	sdelay $0x2  }
0x40: {  	s30 =	sshll.u32 s28, $0x1  }
0x41: {  	s31 =	sadd.s32 s10, s30;
	s4 =	simm.s32 $0x80;
	s0 =	simm.s32 $0x40;
	v3 =	vmul.f32 v3, v0;
	v4 =	vmul.f32 v4, v1  }
.LBB2_3:
0x42: {  	p0 =	sne.s32 s4, $0x30C0;
	s1 =	sshra.s32 s0, $0x2;
	s0 =	smov.u32 s4  }
0x43: {  	v5 =	vld [tilespmem:s1+$0x100];
	v3 =	vadd.f32 v4, v3  }
0x44: {  	v4 =	vld [tilespmem:s1+$0x1A00]  }
.Ltmp0:
0x45: {  	[tilespmem:v2+s22+$0x0] =	vst.idx.msk $0xffff, v3;
	v2 =	vld [tilespmem:s1+$0x3300];
	(pc) =	sbr.rel @p0 .LBB2_3-.Ltmp0, $2  }
0x46: {  	_ =	sdelay $0x2  }
0x47: {  	s4 =	sadd.s32 $0x40, s4;
	v3 =	vmul.f32 v5, v0;
	v4 =	vmul.f32 v4, v1  }
0x48: {  	s0 =	sshra.s32 s0, $0x2  }
0x49: {  	v5 =	vld [tilespmem:s0+$0x100]  }
0x4a: {  	v6 =	vld [tilespmem:s0+$0x1A00]  }
0x4b: {  	v7 =	vld [tilespmem:s0+$0x3300];
	_ =	sdelay $0x3  }
0x4c: {  	v5 =	vmul.f32 v5, v0;
	v6 =	vmul.f32 v6, v1  }
0x4d: {  	v3 =	vadd.f32 v4, v3  }
0x4e: {  	s31 =	smul.u32 $0x188, s31;
	v4 =	vadd.f32 v6, v5  }
0x4f: {  	[tilespmem:v2+s22+$0x0] =	vst.idx.msk $0xffff, v3  }
0x50: {  	s0 =	sadd.s32 s3, s31;
	[tilespmem:v7+s22+$0x0] =	vst.idx.msk $0xffff, v4  }
0x51: {  	[hbm4b:s0+s5] =	stream.linear.scatter [tilespmem:s22], [sflag:$0x2], $0xC40, $0x38;
	[tilespmem:$0x6500] =	vst v63  }
0x52: {  	_ =	swait.ge [sflag:s8], $0xC40  }
0x53: {  	[sflag:s8] =	ssyncset.done $0x0  }
0x54: {  	p0 =	seq.s32 s28, $0x2F;
	[sflag:s8] =	ssyncadd.s32 $0xFFFFF3C0  }
0x55: {  	s0 =	sadd.s32 @!p0 $0x2, s30;
	_ =	swait.ge [sflag:s8], $0xC40  }
0x56: {  	s1 =	sadd.s32 @!p0 s10, s0;
	[sflag:s8] =	ssyncset.done $0x0  }
0x57: {  	s0 =	sadd.s32 @!p0 s26, s0;
	s1 =	smul.u32 @!p0 $0x188, s1;
	[sflag:s8] =	ssyncadd.s32 $0xFFFFF3C0  }
0x58: {  	s0 =	smul.u32 @!p0 $0xC40, s0;
	_ =	swait.ge [sflag:s8], $0xC40  }
0x59: {  	s31 =	simm.s32 @!p0 $0x100;
	s30 =	simm.s32 @!p0 $0x0;
	[sflag:s8] =	ssyncset.done $0x0  }
0x5a: {  	s4 =	sadd.s32 @!p0 s6, s1;
	s0 =	sshrl.u32 @!p0 s0, $0x3;
	[sflag:s8] =	ssyncadd.s32 $0xFFFFF3C0  }
0x5b: {  	[tilespmem:s31], [sflag:$0x1] =	stream.linear.gather @!p0 [hbm4b:s4+s30], $0xC40, $0x38;
	[tilespmem:$0x6500] =	vst v63  }
0x5c: {  	s0 =	sadd.s32 @!p0 s6, s0;
	s4 =	simm.s32 @!p0 $0x1A00  }
0x5d: {  	[tilespmem:s4], [sflag:$0x1] =	stream.linear.gather @!p0 [hbm4b:s0+s30], $0xC40, $0x38;
	[tilespmem:$0x6500] =	vst v63  }
0x5e: {  	p1 =	seq.s32 @!p0 s28, $0x0;
	s0 =	sadd.s32 @!p0 s7, s1;
	s1 =	simm.s32 @!p0 $0x3300  }
0x5f: {  	[tilespmem:s1], [sflag:$0x1] =	stream.linear.gather @!p0 [hbm4b:s0+s30], $0xC40, $0x38;
	[tilespmem:$0x6500] =	vst v63  }
0x60: {  	p0 =	por p0, !p1  }
0x61: {  	_ =	swait.ge @p0 [sflag:s24], $0xC40  }
0x62: {  	[sflag:s24] =	ssyncset.done @p0 $0x0  }
0x63: {  	[sflag:s24] =	ssyncadd.s32 @p0 $0xFFFFF3C0  }
0x64: {  	v3 =	vld [tilespmem:$0xD80]  }
0x65: {  	v4 =	vld [tilespmem:$0x2680]  }
0x66: {  	v2 =	vld [tilespmem:$0x3F80];
	_ =	sdelay $0x3  }
0x67: {  	s4 =	simm.s32 $0x80;
	s0 =	simm.s32 $0x40;
	v3 =	vmul.f32 v3, v0;
	v4 =	vmul.f32 v4, v1  }
.LBB2_5:
0x68: {  	p0 =	sne.s32 s4, $0x30C0;
	s1 =	sshra.s32 s0, $0x2;
	s0 =	smov.u32 s4  }
0x69: {  	v5 =	vld [tilespmem:s1+$0xD80];
	v3 =	vadd.f32 v4, v3  }
0x6a: {  	v4 =	vld [tilespmem:s1+$0x2680]  }
.Ltmp1:
0x6b: {  	[tilespmem:v2+s23+$0x0] =	vst.idx.msk $0xffff, v3;
	v2 =	vld [tilespmem:s1+$0x3F80];
	(pc) =	sbr.rel @p0 .LBB2_5-.Ltmp1, $2  }
0x6c: {  	_ =	sdelay $0x2  }
0x6d: {  	s4 =	sadd.s32 $0x40, s4;
	v3 =	vmul.f32 v5, v0;
	v4 =	vmul.f32 v4, v1  }
0x6e: {  	s0 =	sshra.s32 s0, $0x2  }
0x6f: {  	v5 =	vld [tilespmem:s0+$0xD80]  }
0x70: {  	v6 =	vld [tilespmem:s0+$0x2680]  }
0x71: {  	v7 =	vld [tilespmem:s0+$0x3F80];
	_ =	sdelay $0x2  }
0x72: {  	s28 =	sadd.s32 $0x1, s28  }
0x73: {  	p0 =	sne.s32 s28, $0x30;
	v5 =	vmul.f32 v5, v0;
	v6 =	vmul.f32 v6, v1  }
.Ltmp2:
0x74: {  	v3 =	vadd.f32 v4, v3;
	(pc) =	sbr.rel @p0 .LBB2_2-.Ltmp2, $4  }
0x75: {  	v63 =	vadd.f32 v6, v5  }
0x76: {  	[tilespmem:v2+s23+$0x0] =	vst.idx.msk $0xffff, v3  }
0x77: {  	s31 =	sadd.s32 s3, s29;
	[tilespmem:v7+s23+$0x0] =	vst.idx.msk $0xffff, v63  }
0x78: {  	[hbm4b:s31+s5] =	stream.linear.scatter [tilespmem:s23], [sflag:$0x2], $0xC40, $0x38;
	[tilespmem:$0x6500] =	vst v63  }
0x79: {  	s25 =	sadd.s32 $0x1, s25  }
0x7a: {  	_ =	swait.ge [sflag:s24], $0xC40;
	p0 =	sne.s32 s25, s13  }
.Ltmp3:
0x7b: {  	[sflag:s24] =	ssyncset.done $0x0;
	(pc) =	sbr.rel @p0 .LBB2_1-.Ltmp3, $4  }
0x7c: {  	[sflag:s24] =	ssyncadd.s32 $0xFFFFF3C0  }
0x7d: {  	_ =	swait.ge [sflag:s24], $0xC40  }
0x7e: {  	[sflag:s24] =	ssyncset.done $0x0  }
0x7f: {  	[sflag:s24] =	ssyncadd.s32 $0xFFFFF3C0  }
0x80: {  	_ =	sfence.sel $0x180000  }
0x81: {  	[bflag:$0x0] =	sbarrier.arrive $0xFFFF  }
0x82: {  	_ =	strace $0x9000004A  }
0x83: {  	s0 =	stileid.u32;
	[bflag:$0x2] =	sbarrier.arrive $0xFFFF  }
0x84: {  	p0 =	sne.s32 s0, $0x0;
	s0 =	rddreg [dreg:$0x4]  }
0x85: {  	s0 =	sadd.s32 @!p0 $0x100000, s0  }
0x86: {  	[sflag:s0] =	ssyncadd.tile.s32 @!p0 $0x1;
	_ =	shalt  }
.Lfunc_end2:
_tile_overlayer_lowered:
.L_overlay_start_2:
0x87: {  	(tag) =	ssettag $0x2  }
0x88: {  	s0 =	rddreg [dreg:$0x0];
	s2 =	stileid.u32  }
0x89: {  	s1 =	rddreg [dreg:$0x1];
	p0 =	sne.s32 s2, $0x0  }
0x8a: {  	s3 =	rddreg [dreg:$0x2];
	[bflag:$0x3] =	sbarrier.arrive $0xFFFF;
	s2 =	simm.s32 @!p0 $0x1C03  }
0x8b: {  	[timem:s3], [sflag:s2] =	dma.local @!p0 [hbm:s0], s1  }
0x8c: {  	s0 =	simm.s32 @!p0 $0x3  }
0x8d: {  	_ =	swait.ge @!p0 [sflag:s0], s1  }
0x8e: {  	s1 =	ssub.s32 @!p0 $0x0, s1;
	[sflag:s0] =	ssyncset.done @!p0 $0x0  }
0x8f: {  	[sflag:s0] =	ssyncadd.s32 @!p0 s1  }
0x90: {  	[bflag:$0x3] =	sbarrier.arrive $0xFFFF  }
0x91: {  	_ =	shalt  }

// kernel: sparse-core-data-format-call.cloned.1.call-start
scs
called_computation_lowered:
.L_overlay_start_0:
0x0: {  	s2 =	sld [smem:$0x3FD9]  }
0x1: {  	s3 =	sld [smem:$0x3FFE];
	_ =	sdelay $0x1  }
0x2: {  	s1 =	srdreg.scid  }
0x3: {  	s0 =	sand.u32 $0x1, s1  }
0x4: {  	s18 =	sshll.u32 s0, $0xA;
	s2 =	sadd.s32 s3, s2  }
0x5: {  	s2 =	sadd.s32 s2, s18  }
0x6: {  	[smem:$0x3FC5] =	sst s2  }
0x7: {  	_ = 	snop  }
0x8: {  	s2 =	sld [smem:$0x3FD0];
	(tm) =	ssettm $0x1  }
0x9: {  	s19 =	sld [smem:$0x3FFB];
	_ =	sdelay $0x3  }
0xa: {  	_ =	strace s19  }
0xb: {  	s3 =	sld [smem:$0x3FFC];
	_ =	sdelay $0x3  }
0xc: {  	_ =	strace s3  }
0xd: {  	s3 =	sld [smem:$0x3FFD];
	_ =	sdelay $0x3  }
0xe: {  	_ =	strace s3  }
0xf: {  	_ =	strace $0x8FFFFFFF  }
0x10: {  	s20 =	sld [smem:$0x3FDB];
	_ =	sdelay $0x1  }
0x11: {  	s4 =	simm.s32 $_scs_section_size  }
0x12: {  	s5 =	simm.s32 $_size__tile_overlayer_lowered;
	s6 =	simm.s32 $_tile_overlayer_lowered  }
0x13: {  	s23 =	simm.s32 $0x1BFF;
	s22 =	sshll.u32 s6, $0x1;
	s3 =	sadd.s32 s4, s20  }
0x14: {  	s7 =	simm.s32 $0x0;
	s21 =	sshll.u32 s5, $0x1;
	s5 =	sadd.s32 s22, s3  }
0x15: {  	[timem:s7], [sflag:s23] =	dma.local [hbm:s5], s21  }
0x16: {  	_ =	swait.ge [sflag:s23], s21  }
0x17: {  	s4 =	ssub.s32 $0x0, s21;
	[sflag:s23] =	ssyncset.done $0x0  }
0x18: {  	[sflag:s23] =	ssyncadd.s32 s4;
	_ =	sdelay $0x1  }
0x19: {  	s24 =	simm.s32 $0x1B8B  }
0x1a: {  	_ =	swait.ge [sflag:s24], $0x1  }
0x1b: {  	[sflag:s24] =	ssyncset.done $0x0  }
0x1c: {  	s26 =	simm.s32 $0x1B8E;
	s25 =	sld [smem:$0x3FFE];
	[sflag:s24] =	ssyncadd.s32 $0xFFFFFFFF  }
0x1d: {  	s27 =	simm.s32 $execute0_lowered;
	[smem:$0x3FD2] =	sst s26  }
0x1e: {  	s5 =	sshll.u32 s27, $0x1;
	_ =	strace $0x8000004C;
	[dreg:$0x1] =	wrdreg $0xFFFFFFFF  }
0x1f: {  	s28 =	simm.s32 $_size_execute0_lowered;
	s3 =	sadd.s32 s3, s5;
	[dreg:$0x0] =	wrdreg $0x0  }
0x20: {  	s5 =	sshll.u32 s28, $0x1;
	[dreg:$0x2] =	wrdreg s3  }
0x21: {  	[dreg:$0x3] =	wrdreg s5  }
0x22: {  	[dreg:$0x4] =	wrdreg $0xC0  }
0x23: {  	_ =	task [dreg:s7], $0x5FFFF  }
0x24: {  	[dreg:$0x1] =	wrdreg $0xFFFFFFFF  }
0x25: {  	[dreg:$0x0] =	wrdreg $0x60  }
0x26: {  	[dreg:$0x2] =	wrdreg s25  }
0x27: {  	[dreg:$0x3] =	wrdreg s2  }
0x28: {  	[dreg:$0x4] =	wrdreg $0x9  }
0x29: {  	_ =	task.clear_ibuf [dreg:s7], $0x5FFFF;
	_ =	strace $0x9000004C  }
0x2a: {  	s29 =	simm.s32 $0x9;
	_ =	strace $0x8000004E  }
0x2b: {  	_ =	swait.ge [sflag:s29], $0x1  }
0x2c: {  	[sflag:s29] =	ssyncadd.s32 $0xFFFFFFFF  }
0x2d: {  	_ =	strace $0x9000004E  }
0x2e: {  	_ =	sfence  }
0x2f: {  	s30 =	sld [smem:$0x0];
	_ =	sdelay $0x2  }
0x30: {  	s31 =	sshll.u32 s1, $0xD;
	s1 =	sshrl.u32 s1, $0x2  }
0x31: {  	s3 =	sand.u32 $0x4000, s31;
	s1 =	sadd.s32 s1, s30  }
0x32: {  	s0 =	sor.u32 s3, s0;
	s1 =	sshll.u32 s1, $0x11  }
0x33: {  	s0 =	sor.u32 s1, s0  }
0x34: {  	s0 =	sadd.s32 $0x8F2B, s0  }
0x35: {  	[sflag:s0] =	ssyncadd.remote.s32 $0x1  }
0x36: {  	_ =	sfence.sel $0xFFFF  }
0x37: {  	[dreg:$0x0] =	wrdreg $0xFFFFFFFF;
	(pc) =	sbr.abs _section_cstart, $3  }
0x38: {  	[dreg:$0x1] =	wrdreg $0xFFFFFFFF  }
0x39: {  	_ =	task.clear_ibuf [dreg:s7], $0x2FFFF;
	_ =	strace $0x9FFFFFFF  }
0x3a: {  	(tm) =	ssettm $0x7FFFFFFF  }
0x3b: {  	_ =	shalt  }
tec
execute0_lowered:
.L_overlay_start_1:
0x0: {  	(tag) =	ssettag $0x1  }
0x1: {  	s0 =	rddreg [dreg:$0x0]  }
0x2: {  	_ =	strace $0x8000004D;
	s30 =	srdreg.scid;
	s6 =	stileid.u32  }
0x3: {  	s1 =	simm.s32 $0x1;
	s31 =	simm.s32 $0x2;
	s18 =	simm.s32 $0x0  }
0x4: {  	p0 =	por $0x0, $0x0;
	s15 =	simm.s32 $0x0;
	s16 =	simm.s32 $0x0  }
.Ltmp0:
0x5: {  	s17 =	simm.s32 $0x0;
	s9 =	simm.s32 $0x0;
	(pc) =	sbr.rel .LBB1_1-.Ltmp0, $4  }
0x6: {  	s10 =	simm.s32 $0x0;
	s11 =	simm.s32 $0x0;
	s13 =	stileid.u32  }
0x7: {  	s8 =	simm.s32 $0x0;
	s7 =	sadd.s32 $0x1000, s0;
	s0 =	sshll.u32 s30, $0x7  }
0x8: {  	[sflag:s1] =	ssyncpa.u1 $0x0;
	s14 =	sand.u32 $0x80, s0;
	[dreg:$0x3] =	wrdreg s7  }
0x9: {  	[sflag:s31] =	ssyncpa.u1 $0x0;
	s12 =	smov.u32 s14;
	[dreg:$0x4] =	wrdreg s14  }
.LBB1_13:
0xa: {  	s1 =	rddreg [dreg:$0x9]  }
0xb: {  	p1 =	sgt.s32 s9, $0x80;
	s25 =	rddreg [dreg:$0xa]  }
0xc: {  	s0 =	smov.u32 s9;
	s2 =	sshrl.u32 s9, $0x5;
	s3 =	rddreg [dreg:$0x7]  }
0xd: {  	s4 =	rddreg [dreg:$0x8];
	s27 =	smul.u32 $0x18800, s10;
	s0 =	simm.s32 @!p1 $0x80  }
0xe: {  	s17 =	rddreg [dreg:$0x5];
	s5 =	sshrl.u32 s9, $0x3;
	s0 =	sadd.s32 s1, s0  }
0xf: {  	s2 =	sand.u32 $0xFFFFFC, s2;
	s28 =	smul.u32 $0x700, s17;
	s1 =	sadd.s32 $0xFFFFFF80, s0  }
0x10: {  	s26 =	smulhi.u32 $0x4924925, s2;
	s0 =	ssub.s32 $0x100, s0;
	p1 =	sgt.s32 s1, $0x7F  }
0x11: {  	s6 =	rddreg [dreg:$0x1];
	s1 =	smul.u32 $0x2040, s25;
	s0 =	simm.s32 @p1 $0x0  }
0x12: {  	s29 =	sand.u32 $0x7, s9;
	s7 =	rddreg [dreg:$0x3];
	s0 =	smul.u32 s0, s3  }
0x13: {  	s31 =	simm.s32 $0x800;
	s14 =	rddreg [dreg:$0x4];
	s3 =	smul.u32 $0x38, s26  }
0x14: {  	s18 =	rddreg [dreg:$0x6];
	s5 =	sand.u32 $0xF, s5;
	s0 =	smul.u32 s4, s0  }
0x15: {  	s1 =	sor.u32 $0x4000, s1;
	s2 =	ssub.s32 s2, s3;
	s4 =	sadd.s32 s6, s27  }
0x16: {  	s6 =	stileid.u32;
	s3 =	sadd.s32 s28, s4;
	s0 =	smul.u32 $0x38, s0  }
0x17: {  	s2 =	sshll.u32 s2, $0x5;
	s4 =	sshll.u32 s29, $0x12;
	s3 =	sadd.s32 s5, s3  }
0x18: {  	s30 =	sor.u32 $0x400, s4;
	s2 =	sadd.s32 s2, s3;
	s0 =	sand.u32 $0x3FFFFFF8, s0  }
0x19: {  	[hbm4b:s2+s30] =	stream.strided.scatter [tilespmem:s1], [sflag:$0x2], s0, s31, s30, $0x20;
	[tilespmem:$0x8080] =	vst v63  }
.LBB1_14:
0x1a: {  	p1 =	slt.u32 s8, $0x2  }
0x1b: {  	p2 =	sgt.s32 @!p1 s16, $0xF  }
0x1c: {  	s0 =	smov.u32 s16;
	s1 =	sshra.s32 @!p1 s16, $0x1F;
	p2 =	por !p2, p1  }
0x1d: {  	s1 =	sand.u32 @!p1 s1, s16;
	s0 =	simm.s32 @p2 $0xF  }
0x1e: {  	s0 =	ssub.s32 @!p1 s0, s1  }
0x1f: {  	s3 =	smov.u32 s18;
	p3 =	sgt.s32 @!p1 s15, $0x80;
	s1 =	sadd.s32 @!p1 $0xFFFFFFF1, s0  }
0x20: {  	p3 =	por !p3, p1;
	p2 =	sgt.s32 @!p1 s1, $0x0;
	s1 =	smov.u32 s15  }
0x21: {  	s2 =	sshra.s32 @!p1 s15, $0x1F;
	s1 =	simm.s32 @p3 $0x80;
	p3 =	sgt.s32 @!p1 s18, $0x37  }
0x22: {  	s4 =	sshra.s32 @!p1 s18, $0x1F;
	s2 =	sand.u32 @!p1 s2, s15;
	p3 =	por !p3, p1  }
0x23: {  	s4 =	sand.u32 @!p1 s4, s18;
	s1 =	ssub.s32 @!p1 s1, s2;
	s3 =	simm.s32 @p3 $0x37  }
0x24: {  	s0 =	ssub.s32 @!p1 $0x10, s0;
	s2 =	ssub.s32 @!p1 s3, s4;
	s3 =	sadd.s32 @!p1 $0xFFFFFF80, s1  }
0x25: {  	s0 =	smul.u32 @!p1 $0x38, s0;
	p2 =	por !p2, p1;
	p3 =	sgt.s32 @!p1 s3, $0x7F  }
0x26: {  	s1 =	ssub.s32 @!p1 $0x100, s1;
	s4 =	sadd.s32 @!p1 $0xFFFFFFC9, s2;
	p3 =	por !p3, p1  }
0x27: {  	s0 =	simm.s32 @!p2 $0x0;
	s1 =	simm.s32 @!p3 $0x0;
	p3 =	sgt.s32 @!p1 s4, $0x0  }
0x28: {  	s2 =	ssub.s32 @!p1 $0x38, s2;
	p2 =	por !p3, p1;
	s0 =	smul.u32 @!p1 s1, s0  }
0x29: {  	s3 =	smov.u32 s12;
	s1 =	sadd.s32 $0x1, s11;
	s2 =	simm.s32 @!p2 $0x0  }
0x2a: {  	p2 =	sgt.s32 s1, $0x37;
	s0 =	smul.u32 @!p1 s2, s0;
	s2 =	sadd.s32 $0x100, s12  }
0x2b: {  	s3 =	smov.u32 @p2 s2  }
0x2c: {  	s5 =	smov.u32 s13;
	s2 =	sadd.s32 $0x10, s13;
	p3 =	sgt.s32 s3, $0xBF  }
0x2d: {  	s8 =	sadd.s32 $0x1, s8;
	p0 =	por !p0, !p0;
	s5 =	smov.u32 @p3 s2  }
0x2e: {  	s16 =	smov.u32 s10;
	s1 =	simm.s32 @p2 $0x0;
	p2 =	sgt.s32 s5, $0xF  }
0x2f: {  	s10 =	smov.u32 s13;
	s5 =	smov.u32 @p2 s6;
	p2 =	sne.s32 s8, $0x3A  }
.Ltmp1:
0x30: {  	s15 =	smov.u32 s9;
	s9 =	smov.u32 s12;
	(pc) =	sbr.rel @!p2 .LBB1_15-.Ltmp1, $4  }
0x31: {  	s18 =	smov.u32 s17;
	s4 =	simm.s32 @!p1 $0x2;
	s0 =	sand.u32 @!p1 $0x3FFFFFF8, s0  }
0x32: {  	s17 =	smov.u32 s11;
	s11 =	smov.u32 s1;
	_ =	swait.ge @!p1 [sflag:s4], s0  }
0x33: {  	s0 =	ssub.s32 @!p1 $0x0, s0;
	s3 =	smov.u32 @p3 s14;
	[sflag:s4] =	ssyncset.done @!p1 $0x0  }
0x34: {  	s12 =	smov.u32 s3;
	[sflag:s4] =	ssyncadd.s32 @!p1 s0;
	s13 =	smov.u32 s5  }
.LBB1_1:
0x35: {  	p1 =	sgt.u32 s8, $0x37  }
0x36: {  	s1 =	smov.u32 s13;
	s4 =	smov.u32 s12;
	p2 =	sgt.s32 @!p1 s13, $0xF  }
0x37: {  	s0 =	sand.u32 @!p1 $0x1FFFFFF, s11;
	s3 =	sshra.s32 @!p1 s13, $0x1F;
	p2 =	por !p2, p1  }
0x38: {  	s5 =	sshra.s32 @!p1 s12, $0x1F;
	s1 =	simm.s32 @p2 $0xF;
	p2 =	sgt.s32 @!p1 s12, $0x40  }
0x39: {  	s2 =	smulhi.u32 @!p1 $0x4924925, s0;
	s3 =	sand.u32 @!p1 s3, s13;
	p2 =	por !p2, p1  }
0x3a: {  	s5 =	sand.u32 @!p1 s5, s12;
	s1 =	ssub.s32 @!p1 s1, s3;
	s4 =	simm.s32 @p2 $0x40  }
0x3b: {  	p2 =	sgt.s32 @!p1 s11, $0x37;
	s1 =	sadd.s32 @!p1 $0xFFFFFFF1, s1;
	s3 =	ssub.s32 @!p1 s4, s5  }
0x3c: {  	p2 =	por !p2, p1;
	s5 =	smov.u32 s11;
	s4 =	sadd.s32 @!p1 $0xFFFFFFC0, s3  }
0x3d: {  	s5 =	simm.s32 @p2 $0x37;
	p3 =	sgt.s32 @!p1 s4, $0x7F;
	s4 =	sshra.s32 @!p1 s11, $0x1F  }
0x3e: {  	p2 =	sgt.s32 @!p1 s1, $0x0;
	s1 =	sshll.u32 @!p1 s1, $0x6;
	s4 =	sand.u32 @!p1 s4, s11  }
0x3f: {  	s3 =	ssub.s32 @!p1 $0xC0, s3;
	s1 =	ssub.s32 @!p1 $0x40, s1;
	s4 =	ssub.s32 @!p1 s5, s4  }
0x40: {  	p2 =	por !p2, p1;
	p3 =	por !p3, p1;
	s5 =	sadd.s32 @!p1 $0xFFFFFFC9, s4  }
0x41: {  	s1 =	simm.s32 @!p2 $0x0;
	s3 =	simm.s32 @!p3 $0x0;
	p3 =	sgt.s32 @!p1 s5, $0x0  }
0x42: {  	s4 =	ssub.s32 @!p1 $0x38, s4;
	s1 =	smul.u32 @!p1 s3, s1;
	p2 =	por !p3, p1  }
0x43: {  	s2 =	smul.u32 @!p1 $0x38, s2;
	s4 =	simm.s32 @!p2 $0x0  }
0x44: {  	s1 =	smul.u32 @!p1 s4, s1  }
0x45: {  	s4 =	smul.u32 @!p1 $0x2A000, s13  }
0x46: {  	s0 =	ssub.s32 @!p1 s0, s2;
	s3 =	sxor.u32 @!p1 $0xFFFFFFFF, s8;
	s5 =	smul.u32 @!p1 $0x380, s12  }
0x47: {  	s0 =	sshll.u32 @!p1 s0, $0x4;
	s3 =	sshll.u32 @!p1 s3, $0xD;
	s2 =	sadd.s32 @!p1 s7, s4  }
0x48: {  	s3 =	sand.u32 @!p1 $0x2000, s3;
	s1 =	sand.u32 @!p1 $0x3FFFFFC0, s1;
	s2 =	sadd.s32 @!p1 s5, s2  }
0x49: {  	s4 =	simm.s32 @!p1 $0x1C00;
	s0 =	sadd.s32 @!p1 s0, s2;
	s2 =	simm.s32 @!p1 $0x40  }
0x4a: {  	[tilespmem:s3], [sflag:$0x1] =	stream.strided.gather @!p1 [hbm4b:s0+s2], s1, s4, s2, $0x38;
	[tilespmem:$0x8080] =	vst v63  }
0x4b: {  	p1 =	seq.s32 s8, $0x0  }
0x4c: {  	p2 =	seq.s32 @!p1 s8, $0x39  }
0x4d: {  	p1 =	por p1, p2  }
.Ltmp2:
0x4e: {  	_ = 	snop;
	(pc) =	sbr.rel @p1 .LBB1_14-.Ltmp2, $1  }
0x4f: {  	_ =	sdelay $0x3  }
0x50: {  	p1 =	sgt.s32 s10, $0xF  }
0x51: {  	s0 =	smov.u32 s10;
	s1 =	sshra.s32 s10, $0x1F;
	s25 =	ssub.s32 $0x0, s9  }
0x52: {  	s2 =	sshra.s32 s9, $0x1F;
	p2 =	sgt.s32 s17, $0x37;
	s3 =	smov.u32 s17  }
0x53: {  	s4 =	sshra.s32 s17, $0x1F;
	p3 =	sgt.s32 s9, $0x40;
	s5 =	smov.u32 s9  }
0x54: {  	s0 =	simm.s32 @!p1 $0xF;
	s1 =	sand.u32 s1, s10;
	s3 =	simm.s32 @!p2 $0x37  }
0x55: {  	s4 =	sand.u32 s4, s17;
	s2 =	sand.u32 s25, s2;
	s5 =	simm.s32 @!p3 $0x40  }
0x56: {  	s0 =	ssub.s32 s0, s1;
	s26 =	ssub.s32 s3, s4;
	[dreg:$0x9] =	wrdreg s2  }
0x57: {  	s27 =	sadd.s32 s2, s5;
	s2 =	sadd.s32 $0x1, s10;
	s1 =	sadd.s32 $0xFFFFFFF1, s0  }
0x58: {  	s4 =	ssub.s32 $0x10, s0;
	s28 =	sadd.s32 $0xFFFFFFC9, s26;
	s29 =	sadd.s32 $0xFFFFFFC0, s27  }
0x59: {  	p1 =	sgt.s32 s1, $0x0;
	p2 =	sgt.s32 s28, $0x0;
	s1 =	ssub.s32 $0x38, s26  }
0x5a: {  	s0 =	ssub.s32 $0xC0, s27;
	s4 =	simm.s32 @p1 $0x0;
	s1 =	simm.s32 @p2 $0x0  }
0x5b: {  	p1 =	sgt.s32 s29, $0x7F;
	[dreg:$0x8] =	wrdreg s1;
	s1 =	smul.u32 s4, s1  }
0x5c: {  	s3 =	sadd.s32 $0x80, s9;
	s0 =	simm.s32 @p1 $0x0;
	p1 =	slt.s32 s2, $0x10  }
0x5d: {  	s2 =	simm.s32 @!p1 $0x10;
	p1 =	slt.s32 s3, $0xC0;
	s0 =	smul.u32 s0, s1  }
0x5e: {  	s20 =	ssub.s32 s2, s10;
	s3 =	simm.s32 @!p1 $0xC0;
	s1 =	sadd.s32 $0x1, s17  }
0x5f: {  	s21 =	ssub.s32 s3, s9;
	p2 =	slt.s32 s1, $0x38;
	p1 =	slt.s32 s20, $0x1  }
0x60: {  	s1 =	simm.s32 @!p2 $0x38;
	p2 =	slt.s32 @!p1 s21, $0x1  }
0x61: {  	s23 =	ssub.s32 s1, s17;
	p2 =	por p1, p2  }
0x62: {  	p3 =	slt.s32 @!p2 s23, $0x1  }
0x63: {  	[dreg:$0x6] =	wrdreg s18;
	p2 =	por p2, p3  }
.Ltmp3:
0x64: {  	[dreg:$0x5] =	wrdreg s17;
	s0 =	sshll.u32 s0, $0x6;
	(pc) =	sbr.rel @p2 .LBB1_13-.Ltmp3, $4  }
0x65: {  	s30 =	simm.s32 $0x1;
	[dreg:$0x7] =	wrdreg s4;
	s0 =	sand.u32 $0x3FFFFFC0, s0  }
0x66: {  	_ =	swait.ge [sflag:s30], s0  }
0x67: {  	s31 =	sand.u32 $0x1, s8;
	s0 =	ssub.s32 $0x0, s0;
	[sflag:s30] =	ssyncset.done $0x0  }
0x68: {  	[dreg:$0xa] =	wrdreg s31;
	[sflag:s30] =	ssyncadd.s32 s0  }
0x69: {  	s0 =	simm.s32 $0x1  }
0x6a: {  	s0 =	simm.s32 @!p0 $0x0  }
0x6b: {  	s0 =	smul.u32 $0x8100, s0  }
.Ltmp4:
0x6c: {  	_ = 	snop;
	(pc) =	sbr.rel .LBB1_4-.Ltmp4, $4  }
0x6d: {  	_ = 	snop  }
0x6e: {  	s0 =	sshrl.u32 s0, $0x2  }
0x6f: {  	s24 =	sor.u32 $0x4000, s0;
	s0 =	rddreg [dreg:$0xa]  }
0x70: {  	s26 =	simm.s32 $0x0;
	s25 =	sshll.u32 @!p1 s0, $0xD  }
.LBB1_12:
0x71: {  	s26 =	sadd.s32 $0x1, s26  }
0x72: {  	p1 =	sne.s32 s26, s20  }
.Ltmp5:
0x73: {  	_ = 	snop;
	(pc) =	sbr.rel @!p1 .LBB1_13-.Ltmp5, $2  }
0x74: {  	_ =	sdelay $0x2  }
0x75: {  	s24 =	sadd.s32 $0x2040, s24  }
.LBB1_4:
0x76: {  	s0 =	sshll.u32 s26, $0xF;
	s28 =	simm.s32 $0x800  }
0x77: {  	s29 =	simm.s32 $0x1800;
	s30 =	simm.s32 $0x0;
	s0 =	sshra.s32 s0, $0x2  }
0x78: {  	s31 =	simm.s32 $0x0;
	s27 =	sadd.s32 s0, s25;
	s0 =	simm.s32 $0x0  }
.LBB1_5:
0x79: {  	s1 =	sshrl.u32 s30, $0xA;
	s2 =	sshll.u32 s0, $0x8  }
0x7a: {  	s3 =	sshrl.u32 s28, $0xA;
	s4 =	sshrl.u32 s29, $0xA;
	s2 =	sshra.s32 s2, $0x2  }
0x7b: {  	s5 =	sshrl.u32 s0, $0x4;
	s1 =	sand.u32 $0x7, s1;
	s2 =	sadd.s32 s2, s27  }
0x7c: {  	s7 =	sand.u32 $0x7F, s31;
	s3 =	sand.u32 $0x7, s3;
	s1 =	smul.u32 $0x1020, s1;
	v0 =	vmov s2  }
0x7d: {  	s4 =	sand.u32 $0x7, s4;
	s6 =	sand.u32 $0x38, s5;
	s22 =	smul.u32 $0x1020, s3  }
0x7e: {  	s17 =	simm.s32 $0x0;
	s3 =	smul.u32 $0x1020, s4;
	s4 =	sxor.u32 $0x20, s6  }
0x7f: {  	p2 =	sne.s32 s23, $0x1;
	p1 =	por $0x0, $0x0;
	s4 =	smul.u32 $0x204, s4  }
.Ltmp6:
0x80: {  	s18 =	sshll.u32 s7, $0x2;
	s17 =	sand.u32 $0x1C0, s17;
	(pc) =	sbr.rel @!p2 .LBB1_6-.Ltmp6, $4  }
0x81: {  	s1 =	sshrl.u32 s1, $0x2;
	s14 =	sshrl.u32 s22, $0x2;
	s19 =	sshrl.u32 s3, $0x2;
	v7 =	vld.idx.msk [tilespmem:v0+s17+$0x30 ss:$0x1], $0xffff  }
0x82: {  	s6 =	sadd.s32 s1, s24;
	s22 =	sshrl.u32 s4, $0x2;
	s5 =	sadd.s32 s14, s24;
	v8 =	vld.idx.msk [tilespmem:v0+s17+$0x0 ss:$0x1], $0xffff  }
0x83: {  	s2 =	sadd.s32 s19, s24;
	s1 =	sshrl.u32 s18, $0x2;
	s4 =	sadd.s32 $0xFFFFFFFF, s23;
	v6 =	vld.idx.msk [tilespmem:v0+s17+$0x10 ss:$0x1], $0xffff  }
0x84: {  	s19 =	sadd.s32 s22, s24;
	s3 =	sadd.s32 s1, s2;
	v5 =	vld.idx.msk [tilespmem:v0+s17+$0x20 ss:$0x1], $0xffff;
	s17 =	simm.s32 $0x40  }
0x85: {  	_ =	sdelay $0x1  }
0x86: {  	p2 =	sne.s32 s4, $0x1  }
.Ltmp7:
0x87: {  	s18 =	sand.u32 $0x1C0, s17;
	(pc) =	sbr.rel @!p2 .LBB1_8-.Ltmp7, $4  }
0x88: {  	s22 =	sadd.s32 s1, s6;
	s7 =	sadd.s32 s1, s5;
	v1 =	vld.idx.msk [tilespmem:v0+s18+$0x30 ss:$0x1], $0xffff;
	[tilespmem:s3+$0x0 ss:$0x81] =	vst.msk $0xffff, v7  }
0x89: {  	s17 =	sadd.s32 $0xFFFFFFFF, s4;
	s14 =	sadd.s32 s1, s19;
	s6 =	sadd.s32 $0x2040, s6;
	v2 =	vld.idx.msk [tilespmem:v0+s18+$0x0 ss:$0x1], $0xffff;
	[tilespmem:s22+$0x0 ss:$0x81] =	vst.msk $0xffff, v8  }
0x8a: {  	p1 =	por $0x1, $0x1;
	s4 =	smov.u32 s5;
	v3 =	vld.idx.msk [tilespmem:v0+s18+$0x10 ss:$0x1], $0xffff;
	s22 =	sadd.s32 $0x2040, s2;
	[tilespmem:s7+$0x0 ss:$0x81] =	vst.msk $0xffff, v6  }
0x8b: {  	v4 =	vld.idx.msk [tilespmem:v0+s18+$0x20 ss:$0x1], $0xffff;
	s18 =	simm.s32 $0x80;
	s2 =	smov.u32 s19;
	s3 =	sadd.s32 s1, s22;
	[tilespmem:s14+$0x0 ss:$0x81] =	vst.msk $0xffff, v5  }
.LBB1_9:
0x8c: {  	s14 =	sand.u32 $0x1C0, s18;
	p2 =	sne.s32 s17, $0x1;
	s17 =	sadd.s32 $0xFFFFFFFF, s17  }
.Ltmp8:
0x8d: {  	s7 =	sadd.s32 s1, s6;
	s4 =	sadd.s32 $0x2040, s4;
	[tilespmem:s3+$0x0 ss:$0x81] =	vst.msk $0xffff, v1;
	v1 =	vld.idx.msk [tilespmem:v0+s14+$0x30 ss:$0x1], $0xffff;
	(pc) =	sbr.rel @p2 .LBB1_9-.Ltmp8, $4  }
0x8e: {  	s2 =	sadd.s32 $0x2040, s2;
	s3 =	sadd.s32 s1, s4;
	[tilespmem:s7+$0x0 ss:$0x81] =	vst.msk $0xffff, v2;
	v2 =	vld.idx.msk [tilespmem:v0+s14+$0x0 ss:$0x1], $0xffff  }
0x8f: {  	[tilespmem:s3+$0x0 ss:$0x81] =	vst.msk $0xffff, v3;
	v3 =	vld.idx.msk [tilespmem:v0+s14+$0x10 ss:$0x1], $0xffff;
	s3 =	sadd.s32 s1, s2  }
0x90: {  	s22 =	sadd.s32 $0x2040, s22;
	[tilespmem:s3+$0x0 ss:$0x81] =	vst.msk $0xffff, v4;
	v4 =	vld.idx.msk [tilespmem:v0+s14+$0x20 ss:$0x1], $0xffff  }
0x91: {  	s18 =	sadd.s32 $0x40, s18;
	s6 =	sadd.s32 $0x2040, s6;
	s3 =	sadd.s32 s1, s22  }
0x92: {  	_ =	sdelay $0x2  }
0x93: {  	v7 =	vmovc v1;
	v8 =	vmov v2;
	v6 =	vmov v3;
	v5 =	vmov v4  }
.LBB1_11:
0x94: {  	s4 =	sadd.s32 @p1 $0x2040, s4;
	s2 =	sadd.s32 @p1 $0x2040, s2;
	s0 =	sadd.s32 $0x1, s0  }
0x95: {  	s5 =	smov.u32 @p1 s4;
	s19 =	smov.u32 @p1 s2;
	p1 =	sne.s32 s0, s21  }
.Ltmp9:
0x96: {  	_ = 	snop;
	(pc) =	sbr.rel @p1 .LBB1_5-.Ltmp9, $4  }
.Ltmp10:
0x97: {  	s6 =	sadd.s32 s1, s6;
	[tilespmem:s3+$0x0 ss:$0x81] =	vst.msk $0xffff, v7;
	(pc) =	sbr.rel @!p1 .LBB1_12-.Ltmp10, $4  }
0x98: {  	[tilespmem:s6+$0x0 ss:$0x81] =	vst.msk $0xffff, v8;
	s18 =	sadd.s32 s1, s5  }
0x99: {  	s31 =	sadd.s32 $0x1, s31;
	s22 =	sadd.s32 s1, s19;
	[tilespmem:s18+$0x0 ss:$0x81] =	vst.msk $0xffff, v6  }
0x9a: {  	s30 =	sadd.s32 $0x8, s30;
	s28 =	sadd.s32 $0x8, s28;
	s29 =	sadd.s32 $0x8, s29;
	[tilespmem:s22+$0x0 ss:$0x81] =	vst.msk $0xffff, v5  }
0x9b: {  	_ = 	snop  }
.LBB1_6:
.Ltmp11:
0x9c: {  	(pc) =	sbr.rel .LBB1_11-.Ltmp11, $2  }
0x9d: {  	_ =	sdelay $0x2  }
0x9e: {  	s4 =	smov.u32 s5;
	s2 =	smov.u32 s19  }
.LBB1_8:
.Ltmp12:
0x9f: {  	_ = 	snop;
	(pc) =	sbr.rel .LBB1_11-.Ltmp12, $2  }
0xa0: {  	_ =	sdelay $0x2  }
0xa1: {  	s4 =	smov.u32 s5;
	s2 =	smov.u32 s19;
	v7 =	vmovc v1;
	v8 =	vmov v2;
	v6 =	vmov v3;
	v5 =	vmov v4  }
.LBB1_15:
0xa2: {  	_ =	sfence.sel $0x180000  }
0xa3: {  	s0 =	simm.s32 $0x1;
	[bflag:$0x0] =	sbarrier.arrive $0xFFFF  }
0xa4: {  	s31 =	simm.s32 $0x2;
	[sflag:s0] =	ssyncpa.u1 $0x1  }
0xa5: {  	[sflag:s31] =	ssyncpa.u1 $0x1  }
0xa6: {  	_ =	strace $0x9000004D  }
0xa7: {  	[bflag:$0x2] =	sbarrier.arrive $0xFFFF  }
0xa8: {  	p0 =	sne.s32 s6, $0x0;
	s0 =	rddreg [dreg:$0x2]  }
0xa9: {  	s0 =	sadd.s32 @!p0 $0x100000, s0  }
0xaa: {  	[sflag:s0] =	ssyncadd.tile.s32 @!p0 $0x1;
	_ =	shalt  }
.Lfunc_end1:
_tile_overlayer_lowered:
.L_overlay_start_2:
0xab: {  	(tag) =	ssettag $0x2  }
0xac: {  	s0 =	rddreg [dreg:$0x0];
	s2 =	stileid.u32  }
0xad: {  	s1 =	rddreg [dreg:$0x1];
	p0 =	sne.s32 s2, $0x0  }
0xae: {  	s3 =	rddreg [dreg:$0x2];
	[bflag:$0x3] =	sbarrier.arrive $0xFFFF;
	s2 =	simm.s32 @!p0 $0x1C01  }
0xaf: {  	[timem:s3], [sflag:s2] =	dma.local @!p0 [hbm:s0], s1  }
0xb0: {  	s0 =	simm.s32 @!p0 $0x1  }
0xb1: {  	_ =	swait.ge @!p0 [sflag:s0], s1  }
0xb2: {  	s1 =	ssub.s32 @!p0 $0x0, s1;
	[sflag:s0] =	ssyncset.done @!p0 $0x0  }
0xb3: {  	[sflag:s0] =	ssyncadd.s32 @!p0 s1  }
0xb4: {  	[bflag:$0x3] =	sbarrier.arrive $0xFFFF  }
0xb5: {  	_ =	shalt  }

</sc_bundles>
